<compile_context>
chip_gen: v7x
topology: tpu7x:2x2x1
jax: 0.10.2.dev20260603
libtpu: 0.0.44.dev20260713+nightly
codegen_flags: <defaults>
</compile_context>

<pallas_src>
import functools
import jax
import jax.numpy as jnp
from jax import lax
from jax.experimental import pallas as pl
from jax.experimental.pallas import tpu as pltpu
from jax.experimental.pallas import tpu_sc as plsc

_C = 128
_S = 8192
_RT = 6144
_NW = 32
_RPW = (_S - _RT) // _NW


def _xchg_axis0(A, m, k, ig, ig0):
    n0 = A.shape[0]
    up = jnp.concatenate([A[m:], A[:m]], axis=0)
    dn = jnp.concatenate([A[n0 - m:], A[:n0 - m]], axis=0)
    pbit = (ig0 & m) == 0
    P = jnp.where(pbit, up, dn)
    mn = jnp.minimum(A, P)
    mx = jnp.maximum(A, P)
    dirn = (ig & k) == 0
    take_min = dirn == pbit
    return jnp.where(take_min, mn, mx)


def _tc_body(f_ref, obs_ref, w_ref, R_ref, d_ref, y_ref, *, S, B):
    t = pl.program_id(0)
    _R = S // _C
    NP = S.bit_length() - 1

    w_blk = w_ref[0]
    ones = jnp.ones((S,), jnp.float32)
    R_blk = jax.lax.dot_general(
        w_blk, ones, (((1,), (0,)), ((), ())),
        preferred_element_type=jnp.float32)
    rows = B // _C
    R_ref[pl.ds(t * rows, rows), :] = R_blk.reshape(rows, _C)

    ig_x = (jax.lax.broadcasted_iota(jnp.int32, (_R, _C), 0) * _C
            + jax.lax.broadcasted_iota(jnp.int32, (_R, _C), 1))
    ig_y = (jax.lax.broadcasted_iota(jnp.int32, (_C, _R), 0)
            + jax.lax.broadcasted_iota(jnp.int32, (_C, _R), 1) * _C)
    ig0_x = jax.lax.broadcasted_iota(jnp.int32, (_R, _C), 0)
    ig0_y = jax.lax.broadcasted_iota(jnp.int32, (_C, _R), 0)

    @pl.when(t == 0)
    def _():
        y_ref[...] = f_ref[...].T

    for p in range(NP):
        k = 1 << (p + 1)

        @pl.when(t == p)
        def _(k=k):
            jj = k // 2
            if jj >= _C:
                x = y_ref[...].T
                while jj >= _C:
                    x = _xchg_axis0(x, jj // _C, k, ig_x, ig0_x)
                    jj //= 2
                y_ref[...] = x.T
            y = y_ref[...]
            while jj >= 1:
                y = _xchg_axis0(y, jj, k, ig_y, ig0_y)
                jj //= 2
            y_ref[...] = y

    @pl.when(t == NP)
    def _():
        sf = y_ref[...].T
        a_le_b = (jax.lax.broadcasted_iota(jnp.int32, (_C, _C), 0)
                  <= jax.lax.broadcasted_iota(jnp.int32, (_C, _C), 1))
        L = jnp.where(a_le_b, 1.0, 0.0)
        cs_in = jax.lax.dot_general(
            sf, L, (((1,), (0,)), ((), ())),
            preferred_element_type=jnp.float32)
        rowsum = jax.lax.dot_general(
            sf, jnp.ones((_C,), jnp.float32), (((1,), (0,)), ((), ())),
            preferred_element_type=jnp.float32)
        a_lt_b = (jax.lax.broadcasted_iota(jnp.int32, (_R, _R), 0)
                  < jax.lax.broadcasted_iota(jnp.int32, (_R, _R), 1))
        U = jnp.where(a_lt_b, 1.0, 0.0)
        rp = jax.lax.dot_general(
            rowsum, U, (((0,), (0,)), ((), ())),
            preferred_element_type=jnp.float32)
        cs = cs_in + rp[:, None]
        ind = (sf > obs_ref[...]).astype(jnp.float32)
        d_ref[...] = (cs * (1.0 / S) - ind) ** 2


def _tc_call(f2d, obs2d, w_tc, *, S, B):
    nsteps = _RT // B
    return pl.pallas_call(
        functools.partial(_tc_body, S=S, B=B),
        grid=(nsteps,),
        in_specs=[
            pl.BlockSpec((S // _C, _C), lambda t: (0, 0)),
            pl.BlockSpec((S // _C, _C), lambda t: (0, 0)),
            pl.BlockSpec((1, B, S), lambda t: (0, t, 0)),
        ],
        out_specs=[
            pl.BlockSpec((_RT // _C, _C), lambda t: (0, 0)),
            pl.BlockSpec((S // _C, _C), lambda t: (0, 0)),
        ],
        out_shape=[
            jax.ShapeDtypeStruct((_RT // _C, _C), jnp.float32),
            jax.ShapeDtypeStruct((S // _C, _C), jnp.float32),
        ],
        scratch_shapes=[pltpu.VMEM((_C, S // _C), jnp.float32)],
    )(f2d, obs2d, w_tc)


def _sc_rowsum(w2d):
    mesh = plsc.VectorSubcoreMesh(core_axis_name="c", subcore_axis_name="s")
    info = plsc.get_sparse_core_info()
    nc = info.num_cores
    S = _S
    nchunk = S // 64

    @functools.partial(
        pl.kernel, mesh=mesh,
        out_type=jax.ShapeDtypeStruct(((_S - _RT) * 16,), jnp.float32),
        scratch_types=[
            pltpu.VMEM((8, S), jnp.float32),
            pltpu.VMEM((_RPW * 16,), jnp.float32),
            pltpu.SemaphoreType.DMA,
            pltpu.SemaphoreType.DMA,
        ],
    )
    def k(w_hbm, out_hbm, rowbuf, outbuf, sem0, sem1):
        wid = lax.axis_index("s") * nc + lax.axis_index("c")
        gbase = _RT + wid * _RPW
        ngroups = _RPW // 4
        sems = (sem0, sem1)

        def copy_group(g, buf_idx):
            for b in (0, 1):
                @pl.when(buf_idx == b)
                def _(b=b):
                    pltpu.make_async_copy(
                        w_hbm.at[pl.ds(gbase + g * 4, 4), :],
                        rowbuf.at[pl.ds(b * 4, 4), :],
                        sems[b]).start()

        def wait_group(buf_idx):
            for b in (0, 1):
                @pl.when(buf_idx == b)
                def _(b=b):
                    pltpu.make_async_copy(
                        w_hbm.at[pl.ds(gbase, 4), :],
                        rowbuf.at[pl.ds(b * 4, 4), :],
                        sems[b]).wait()

        copy_group(jnp.int32(0), jnp.int32(0))

        def group_body(g, _):
            gb = lax.rem(g, 2)
            wait_group(gb)

            @pl.when(g + 1 < ngroups)
            def _():
                copy_group(g + 1, 1 - gb)

            for row in range(4):
                brow = gb * 4 + row

                def inner(i, accs):
                    off = i * 256
                    new = []
                    for u in range(16):
                        a = new[u % 8] if u >= 8 else accs[u % 8]
                        a = a + rowbuf[brow, pl.ds(off + u * 16, 16)]
                        if u < 8:
                            new.append(a)
                        else:
                            new[u % 8] = a
                    return tuple(new)

                z = jnp.zeros((16,), jnp.float32)
                accs = lax.fori_loop(0, S // 256, inner, (z,) * 8)
                tot = accs[0]
                for u in range(1, 8):
                    tot = tot + accs[u]
                outbuf[pl.ds((g * 4 + row) * 16, 16)] = tot
            return 0

        lax.fori_loop(0, ngroups, group_body, 0)
        pltpu.sync_copy(outbuf, out_hbm.at[pl.ds(wid * _RPW * 16, _RPW * 16)])

    return k(w2d)


def _combine_body(Rtc_ref, Rsc_ref, d_ref, out_ref, *, S):
    rt_rows = _RT // _C
    d_tc = d_ref[:rt_rows, :]
    d_sc = d_ref[rt_rows:, :]
    Rsc = jnp.sum(Rsc_ref[...], axis=-1)
    tot = jnp.sum(Rtc_ref[...] * d_tc) + jnp.sum(Rsc * d_sc)
    out_ref[...] = jnp.reshape(tot / (S * S), (1, 1))


def _combine_call(R_tc, Rsc3d, d2d, *, S):
    return pl.pallas_call(
        functools.partial(_combine_body, S=S),
        out_shape=jax.ShapeDtypeStruct((1, 1), jnp.float32),
    )(R_tc, Rsc3d, d2d)


def kernel(forecast, observations, weights):
    S = _S
    f2d = forecast.reshape(S // _C, _C)
    obs2d = observations.reshape(S // _C, _C)
    w2d = weights.reshape(S, S)
    Rsc_flat = _sc_rowsum(w2d)
    R_tc, d2d = _tc_call(f2d, obs2d, weights, S=S, B=256)
    Rsc3d = Rsc_flat.reshape((S - _RT) // _C, _C, 16)
    out = _combine_call(R_tc, Rsc3d, d2d, S=S)
    return out[0, 0]

# --- scband reference (transcript-rebuilt; emitter-appended) ---
"""Pipeline reference for scband-crps-41360535060489 (READ-ONLY COPY).

The authoritative reference and input builder live on the scoring server;
editing this copy changes nothing except your own understanding.
"""

import jax, jax.numpy as jnp
import numpy as np

SEQ = 8192

def setup_inputs(seed: int = 0) -> dict:
    key = jax.random.key(seed)
    k1, k2, k3 = jax.random.split(key, 3)
    forecast = jax.random.normal(k1, (1, SEQ), dtype=jnp.float32)
    observations = jax.random.normal(k2, (SEQ,), dtype=jnp.float32)
    weights = jax.random.uniform(k3, (1, SEQ, SEQ), dtype=jnp.float32)
    return {"forecast": forecast, "observations": observations, "weights": weights}

def reference(forecast, observations, weights):
    # forecast: [1, S] -> [S]
    f = jnp.squeeze(forecast, axis=0)
    # weights: [1, S, S] -> mean over last dim -> [1, S] -> [S]
    w = jnp.squeeze(jnp.mean(weights, axis=-1), axis=0)
    sorted_forecast = jnp.sort(f, axis=0)
    obs = observations[None, :]  # [1, S]
    cumsum_forecast = jnp.cumsum(sorted_forecast, axis=0) / f.shape[0]
    indicator = (sorted_forecast > obs).astype(jnp.float32)  # [1, S]
    differences = (cumsum_forecast - indicator) ** 2  # broadcast -> [1, S]
    weighted_differences = differences * w  # [1, S]
    crps = jnp.mean(weighted_differences)
    return crps

if __name__ == "__main__":
    import jax
    _d = setup_inputs()
    print(jax.jit(kernel)(*tuple(_d.values())))

</pallas_src>

<mosaic_0001>
#map = affine_map<(d0, d1) -> (0, 0)>
#map1 = affine_map<(d0, d1) -> (0)>
module attributes {stable_mosaic.version = 14 : i64} {
  func.func @k(%arg0: i32, %arg1: i32, %arg2: memref<8192x8192xf32, #tpu.memory_space<hbm>>, %arg3: memref<32768xf32, #tpu.memory_space<hbm>>, %arg4: memref<8x8192xf32, #tpu.memory_space<vmem>>, %arg5: memref<1024xf32, #tpu.memory_space<vmem>>, %arg6: memref<!tpu.dma_semaphore, #tpu.memory_space<semaphore_mem>>, %arg7: memref<!tpu.dma_semaphore, #tpu.memory_space<semaphore_mem>>) attributes {dimension_semantics = [#tpu.dimension_semantics<core_parallel>, #tpu.dimension_semantics<subcore_parallel>], iteration_bounds = array<i64: 2, 16>, scalar_prefetch = 0 : i64, scratch_operands = 4 : i64, tpu.core_type = #tpu.core_type<sc_vector_subcore>, window_params = [{transform_indices = #map}, {transform_indices = #map1}]} {
    %mul3A = arith.constant 2 : i32
    %mul3A_0 = arith.muli %arg1, %mul3A : i32
    %add3A = arith.addi %mul3A_0, %arg0 : i32
    %mul3A_1 = arith.constant 64 : i32
    %mul3A_2 = arith.muli %add3A, %mul3A_1 : i32
    %add3A_3 = arith.constant 6144 : i32
    %add3A_4 = arith.addi %add3A_3, %mul3A_2 : i32
    %eq3A = arith.constant 0 : i32
    %eq3A_5 = arith.constant 0 : i32
    %eq3A_6 = arith.cmpi eq, %eq3A, %eq3A_5 : i32
    %convert_element_type3A = arith.extui %eq3A_6 : i1 to i32
    %cond3A = arith.constant 0 : i32
    %cond3A_7 = arith.constant 0 : i32
    %cond3A_8 = arith.cmpi ne, %convert_element_type3A, %cond3A_7 : i32
    scf.if %cond3A_8 {
      %mul3A_26 = arith.constant 4 : i32
      %mul3A_27 = arith.muli %cond3A, %mul3A_26 : i32
      %add3A_28 = arith.addi %add3A_4, %mul3A_27 : i32
      %dma_start3A = arith.constant 0 : i32
      %dma_start3A_29 = arith.constant 0 : i32
      %dma_start3A_30 = tpu.memref_slice %arg4[%dma_start3A, %dma_start3A_29] : memref<8x8192xf32, #tpu.memory_space<vmem>> -> memref<4x8192xf32, #tpu.memory_space<vmem>>
      %dma_start3A_31 = arith.constant 0 : i32
      %dma_start3A_32 = tpu.memref_slice %arg2[%add3A_28, %dma_start3A_31] : memref<8192x8192xf32, #tpu.memory_space<hbm>> -> memref<4x8192xf32, #tpu.memory_space<hbm>>
      %dma_start3A_33 = arith.constant 0 : i32
      %dma_start3A_34 = arith.constant 0 : i32
      %dma_start3A_35 = tpu.memref_slice %arg4[%dma_start3A_33, %dma_start3A_34] : memref<8x8192xf32, #tpu.memory_space<vmem>> -> memref<4x8192xf32, #tpu.memory_space<vmem>>
      %dma_start3A_36 = arith.constant 0 : i32
      %dma_start3A_37 = tpu.memref_slice %arg2[%add3A_28, %dma_start3A_36] : memref<8192x8192xf32, #tpu.memory_space<hbm>> -> memref<4x8192xf32, #tpu.memory_space<hbm>>
      tpu.enqueue_dma source(%dma_start3A_37 : memref<4x8192xf32, #tpu.memory_space<hbm>>) target(%dma_start3A_35 : memref<4x8192xf32, #tpu.memory_space<vmem>>) target_semaphore(%arg6 : memref<!tpu.dma_semaphore, #tpu.memory_space<semaphore_mem>>)
    } else {
    }
    %eq3A_9 = arith.constant 0 : i32
    %eq3A_10 = arith.constant 1 : i32
    %eq3A_11 = arith.cmpi eq, %eq3A_9, %eq3A_10 : i32
    %convert_element_type3A_12 = arith.extui %eq3A_11 : i1 to i32
    %cond3A_13 = arith.constant 0 : i32
    %cond3A_14 = arith.constant 0 : i32
    %cond3A_15 = arith.cmpi ne, %convert_element_type3A_12, %cond3A_14 : i32
    scf.if %cond3A_15 {
      %mul3A_26 = arith.constant 4 : i32
      %mul3A_27 = arith.muli %cond3A_13, %mul3A_26 : i32
      %add3A_28 = arith.addi %add3A_4, %mul3A_27 : i32
      %dma_start3A = arith.constant 4 : i32
      %dma_start3A_29 = arith.constant 0 : i32
      %dma_start3A_30 = tpu.memref_slice %arg4[%dma_start3A, %dma_start3A_29] : memref<8x8192xf32, #tpu.memory_space<vmem>> -> memref<4x8192xf32, #tpu.memory_space<vmem>>
      %dma_start3A_31 = arith.constant 0 : i32
      %dma_start3A_32 = tpu.memref_slice %arg2[%add3A_28, %dma_start3A_31] : memref<8192x8192xf32, #tpu.memory_space<hbm>> -> memref<4x8192xf32, #tpu.memory_space<hbm>>
      %dma_start3A_33 = arith.constant 4 : i32
      %dma_start3A_34 = arith.constant 0 : i32
      %dma_start3A_35 = tpu.memref_slice %arg4[%dma_start3A_33, %dma_start3A_34] : memref<8x8192xf32, #tpu.memory_space<vmem>> -> memref<4x8192xf32, #tpu.memory_space<vmem>>
      %dma_start3A_36 = arith.constant 0 : i32
      %dma_start3A_37 = tpu.memref_slice %arg2[%add3A_28, %dma_start3A_36] : memref<8192x8192xf32, #tpu.memory_space<hbm>> -> memref<4x8192xf32, #tpu.memory_space<hbm>>
      tpu.enqueue_dma source(%dma_start3A_37 : memref<4x8192xf32, #tpu.memory_space<hbm>>) target(%dma_start3A_35 : memref<4x8192xf32, #tpu.memory_space<vmem>>) target_semaphore(%arg7 : memref<!tpu.dma_semaphore, #tpu.memory_space<semaphore_mem>>)
    } else {
    }
    %scan3A = arith.constant 0 : i32
    %scan3A_16 = arith.constant 0 : i32
    %scan3A_17 = arith.constant 16 : i32
    %scan3A_18 = arith.addi %scan3A_16, %scan3A_17 : i32
    %scan3A_19 = arith.constant 1 : i32
    %scan3A_20 = scf.for %scan3A_26 = %scan3A_16 to %scan3A_18 step %scan3A_19 iter_args(%scan3A_27 = %scan3A) -> (i32)  : i32 {
      %rem3A = arith.constant 2 : i32
      %rem3A_28 = arith.remsi %scan3A_26, %rem3A : i32
      %eq3A_29 = arith.constant 0 : i32
      %eq3A_30 = arith.cmpi eq, %rem3A_28, %eq3A_29 : i32
      %convert_element_type3A_31 = arith.extui %eq3A_30 : i1 to i32
      %cond3A_32 = arith.constant 0 : i32
      %cond3A_33 = arith.cmpi ne, %convert_element_type3A_31, %cond3A_32 : i32
      scf.if %cond3A_33 {
        %dma_wait3A = arith.constant 0 : i32
        %dma_wait3A_160 = arith.constant 0 : i32
        %dma_wait3A_161 = tpu.memref_slice %arg4[%dma_wait3A, %dma_wait3A_160] : memref<8x8192xf32, #tpu.memory_space<vmem>> -> memref<4x8192xf32, #tpu.memory_space<vmem>>
        %dma_wait3A_162 = arith.constant 0 : i32
        %dma_wait3A_163 = tpu.memref_slice %arg2[%add3A_4, %dma_wait3A_162] : memref<8192x8192xf32, #tpu.memory_space<hbm>> -> memref<4x8192xf32, #tpu.memory_space<hbm>>
        %dma_wait3A_164 = arith.constant 0 : i32
        %dma_wait3A_165 = arith.constant 0 : i32
        %dma_wait3A_166 = tpu.memref_slice %arg4[%dma_wait3A_164, %dma_wait3A_165] : memref<8x8192xf32, #tpu.memory_space<vmem>> -> memref<4x8192xf32, #tpu.memory_space<vmem>>
        %dma_wait3A_167 = arith.constant 0 : i32
        %dma_wait3A_168 = tpu.memref_slice %arg2[%add3A_4, %dma_wait3A_167] : memref<8192x8192xf32, #tpu.memory_space<hbm>> -> memref<4x8192xf32, #tpu.memory_space<hbm>>
        tpu.wait_dma2 semaphore(%arg6 : memref<!tpu.dma_semaphore, #tpu.memory_space<semaphore_mem>>) src(%dma_wait3A_168 : memref<4x8192xf32, #tpu.memory_space<hbm>>) dst(%dma_wait3A_166 : memref<4x8192xf32, #tpu.memory_space<vmem>>)
      } else {
      }
      %eq3A_34 = arith.constant 1 : i32
      %eq3A_35 = arith.cmpi eq, %rem3A_28, %eq3A_34 : i32
      %convert_element_type3A_36 = arith.extui %eq3A_35 : i1 to i32
      %cond3A_37 = arith.constant 0 : i32
      %cond3A_38 = arith.cmpi ne, %convert_element_type3A_36, %cond3A_37 : i32
      scf.if %cond3A_38 {
        %dma_wait3A = arith.constant 4 : i32
        %dma_wait3A_160 = arith.constant 0 : i32
        %dma_wait3A_161 = tpu.memref_slice %arg4[%dma_wait3A, %dma_wait3A_160] : memref<8x8192xf32, #tpu.memory_space<vmem>> -> memref<4x8192xf32, #tpu.memory_space<vmem>>
        %dma_wait3A_162 = arith.constant 0 : i32
        %dma_wait3A_163 = tpu.memref_slice %arg2[%add3A_4, %dma_wait3A_162] : memref<8192x8192xf32, #tpu.memory_space<hbm>> -> memref<4x8192xf32, #tpu.memory_space<hbm>>
        %dma_wait3A_164 = arith.constant 4 : i32
        %dma_wait3A_165 = arith.constant 0 : i32
        %dma_wait3A_166 = tpu.memref_slice %arg4[%dma_wait3A_164, %dma_wait3A_165] : memref<8x8192xf32, #tpu.memory_space<vmem>> -> memref<4x8192xf32, #tpu.memory_space<vmem>>
        %dma_wait3A_167 = arith.constant 0 : i32
        %dma_wait3A_168 = tpu.memref_slice %arg2[%add3A_4, %dma_wait3A_167] : memref<8192x8192xf32, #tpu.memory_space<hbm>> -> memref<4x8192xf32, #tpu.memory_space<hbm>>
        tpu.wait_dma2 semaphore(%arg7 : memref<!tpu.dma_semaphore, #tpu.memory_space<semaphore_mem>>) src(%dma_wait3A_168 : memref<4x8192xf32, #tpu.memory_space<hbm>>) dst(%dma_wait3A_166 : memref<4x8192xf32, #tpu.memory_space<vmem>>)
      } else {
      }
      %add3A_39 = arith.constant 1 : i32
      %add3A_40 = arith.addi %scan3A_26, %add3A_39 : i32
      %lt3A = arith.constant 16 : i32
      %lt3A_41 = arith.cmpi slt, %add3A_40, %lt3A : i32
      %convert_element_type3A_42 = arith.extui %lt3A_41 : i1 to i32
      %cond3A_43 = arith.constant 0 : i32
      %cond3A_44 = arith.cmpi ne, %convert_element_type3A_42, %cond3A_43 : i32
      scf.if %cond3A_44 {
        %add3A_160 = arith.constant 1 : i32
        %add3A_161 = arith.addi %scan3A_26, %add3A_160 : i32
        %sub3A = arith.constant 1 : i32
        %sub3A_162 = arith.subi %sub3A, %rem3A_28 : i32
        %eq3A_163 = arith.constant 0 : i32
        %eq3A_164 = arith.cmpi eq, %sub3A_162, %eq3A_163 : i32
        %convert_element_type3A_165 = arith.extui %eq3A_164 : i1 to i32
        %cond3A_166 = arith.constant 0 : i32
        %cond3A_167 = arith.cmpi ne, %convert_element_type3A_165, %cond3A_166 : i32
        scf.if %cond3A_167 {
          %mul3A_173 = arith.constant 4 : i32
          %mul3A_174 = arith.muli %add3A_161, %mul3A_173 : i32
          %add3A_175 = arith.addi %add3A_4, %mul3A_174 : i32
          %dma_start3A = arith.constant 0 : i32
          %dma_start3A_176 = arith.constant 0 : i32
          %dma_start3A_177 = tpu.memref_slice %arg4[%dma_start3A, %dma_start3A_176] : memref<8x8192xf32, #tpu.memory_space<vmem>> -> memref<4x8192xf32, #tpu.memory_space<vmem>>
          %dma_start3A_178 = arith.constant 0 : i32
          %dma_start3A_179 = tpu.memref_slice %arg2[%add3A_175, %dma_start3A_178] : memref<8192x8192xf32, #tpu.memory_space<hbm>> -> memref<4x8192xf32, #tpu.memory_space<hbm>>
          %dma_start3A_180 = arith.constant 0 : i32
          %dma_start3A_181 = arith.constant 0 : i32
          %dma_start3A_182 = tpu.memref_slice %arg4[%dma_start3A_180, %dma_start3A_181] : memref<8x8192xf32, #tpu.memory_space<vmem>> -> memref<4x8192xf32, #tpu.memory_space<vmem>>
          %dma_start3A_183 = arith.constant 0 : i32
          %dma_start3A_184 = tpu.memref_slice %arg2[%add3A_175, %dma_start3A_183] : memref<8192x8192xf32, #tpu.memory_space<hbm>> -> memref<4x8192xf32, #tpu.memory_space<hbm>>
          tpu.enqueue_dma source(%dma_start3A_184 : memref<4x8192xf32, #tpu.memory_space<hbm>>) target(%dma_start3A_182 : memref<4x8192xf32, #tpu.memory_space<vmem>>) target_semaphore(%arg6 : memref<!tpu.dma_semaphore, #tpu.memory_space<semaphore_mem>>)
        } else {
        }
        %eq3A_168 = arith.constant 1 : i32
        %eq3A_169 = arith.cmpi eq, %sub3A_162, %eq3A_168 : i32
        %convert_element_type3A_170 = arith.extui %eq3A_169 : i1 to i32
        %cond3A_171 = arith.constant 0 : i32
        %cond3A_172 = arith.cmpi ne, %convert_element_type3A_170, %cond3A_171 : i32
        scf.if %cond3A_172 {
          %mul3A_173 = arith.constant 4 : i32
          %mul3A_174 = arith.muli %add3A_161, %mul3A_173 : i32
          %add3A_175 = arith.addi %add3A_4, %mul3A_174 : i32
          %dma_start3A = arith.constant 4 : i32
          %dma_start3A_176 = arith.constant 0 : i32
          %dma_start3A_177 = tpu.memref_slice %arg4[%dma_start3A, %dma_start3A_176] : memref<8x8192xf32, #tpu.memory_space<vmem>> -> memref<4x8192xf32, #tpu.memory_space<vmem>>
          %dma_start3A_178 = arith.constant 0 : i32
          %dma_start3A_179 = tpu.memref_slice %arg2[%add3A_175, %dma_start3A_178] : memref<8192x8192xf32, #tpu.memory_space<hbm>> -> memref<4x8192xf32, #tpu.memory_space<hbm>>
          %dma_start3A_180 = arith.constant 4 : i32
          %dma_start3A_181 = arith.constant 0 : i32
          %dma_start3A_182 = tpu.memref_slice %arg4[%dma_start3A_180, %dma_start3A_181] : memref<8x8192xf32, #tpu.memory_space<vmem>> -> memref<4x8192xf32, #tpu.memory_space<vmem>>
          %dma_start3A_183 = arith.constant 0 : i32
          %dma_start3A_184 = tpu.memref_slice %arg2[%add3A_175, %dma_start3A_183] : memref<8192x8192xf32, #tpu.memory_space<hbm>> -> memref<4x8192xf32, #tpu.memory_space<hbm>>
          tpu.enqueue_dma source(%dma_start3A_184 : memref<4x8192xf32, #tpu.memory_space<hbm>>) target(%dma_start3A_182 : memref<4x8192xf32, #tpu.memory_space<vmem>>) target_semaphore(%arg7 : memref<!tpu.dma_semaphore, #tpu.memory_space<semaphore_mem>>)
        } else {
        }
      } else {
      }
      %mul3A_45 = arith.constant 4 : i32
      %mul3A_46 = arith.muli %rem3A_28, %mul3A_45 : i32
      %add3A_47 = arith.constant 0 : i32
      %add3A_48 = arith.addi %mul3A_46, %add3A_47 : i32
      %broadcast_in_dim3A = arith.constant 0.000000e+00 : f32
      %broadcast_in_dim3A_49 = vector.broadcast %broadcast_in_dim3A : f32 to vector<16xf32>
      %scan3A_50 = arith.constant 0 : i32
      %scan3A_51 = arith.constant 32 : i32
      %scan3A_52 = arith.addi %scan3A_50, %scan3A_51 : i32
      %scan3A_53 = arith.constant 1 : i32
      %scan3A_54:8 = scf.for %scan3A_160 = %scan3A_50 to %scan3A_52 step %scan3A_53 iter_args(%scan3A_161 = %broadcast_in_dim3A_49, %scan3A_162 = %broadcast_in_dim3A_49, %scan3A_163 = %broadcast_in_dim3A_49, %scan3A_164 = %broadcast_in_dim3A_49, %scan3A_165 = %broadcast_in_dim3A_49, %scan3A_166 = %broadcast_in_dim3A_49, %scan3A_167 = %broadcast_in_dim3A_49, %scan3A_168 = %broadcast_in_dim3A_49) -> (vector<16xf32>, vector<16xf32>, vector<16xf32>, vector<16xf32>, vector<16xf32>, vector<16xf32>, vector<16xf32>, vector<16xf32>)  : i32 {
        %mul3A_169 = arith.constant 256 : i32
        %mul3A_170 = arith.muli %scan3A_160, %mul3A_169 : i32
        %add3A_171 = arith.constant 0 : i32
        %add3A_172 = arith.addi %mul3A_170, %add3A_171 : i32
        %get3A = arith.index_cast %add3A_48 : i32 to index
        %get3A_173 = arith.index_cast %add3A_172 : i32 to index
        %get3A_174 = tpu.vector_load %arg4[%get3A, %get3A_173] {strides = array<i32>} : memref<8x8192xf32, #tpu.memory_space<vmem>>, vector<1x16xf32>,
        %get3A_175 = vector.shape_cast %get3A_174 : vector<1x16xf32> to vector<16xf32>
        %add3A_176 = arith.addf %scan3A_161, %get3A_175 : vector<16xf32>
        %add3A_177 = arith.constant 16 : i32
        %add3A_178 = arith.addi %mul3A_170, %add3A_177 : i32
        %get3A_179 = arith.index_cast %add3A_48 : i32 to index
        %get3A_180 = arith.index_cast %add3A_178 : i32 to index
        %get3A_181 = tpu.vector_load %arg4[%get3A_179, %get3A_180] {strides = array<i32>} : memref<8x8192xf32, #tpu.memory_space<vmem>>, vector<1x16xf32>,
        %get3A_182 = vector.shape_cast %get3A_181 : vector<1x16xf32> to vector<16xf32>
        %add3A_183 = arith.addf %scan3A_162, %get3A_182 : vector<16xf32>
        %add3A_184 = arith.constant 32 : i32
        %add3A_185 = arith.addi %mul3A_170, %add3A_184 : i32
        %get3A_186 = arith.index_cast %add3A_48 : i32 to index
        %get3A_187 = arith.index_cast %add3A_185 : i32 to index
        %get3A_188 = tpu.vector_load %arg4[%get3A_186, %get3A_187] {strides = array<i32>} : memref<8x8192xf32, #tpu.memory_space<vmem>>, vector<1x16xf32>,
        %get3A_189 = vector.shape_cast %get3A_188 : vector<1x16xf32> to vector<16xf32>
        %add3A_190 = arith.addf %scan3A_163, %get3A_189 : vector<16xf32>
        %add3A_191 = arith.constant 48 : i32
        %add3A_192 = arith.addi %mul3A_170, %add3A_191 : i32
        %get3A_193 = arith.index_cast %add3A_48 : i32 to index
        %get3A_194 = arith.index_cast %add3A_192 : i32 to index
        %get3A_195 = tpu.vector_load %arg4[%get3A_193, %get3A_194] {strides = array<i32>} : memref<8x8192xf32, #tpu.memory_space<vmem>>, vector<1x16xf32>,
        %get3A_196 = vector.shape_cast %get3A_195 : vector<1x16xf32> to vector<16xf32>
        %add3A_197 = arith.addf %scan3A_164, %get3A_196 : vector<16xf32>
        %add3A_198 = arith.constant 64 : i32
        %add3A_199 = arith.addi %mul3A_170, %add3A_198 : i32
        %get3A_200 = arith.index_cast %add3A_48 : i32 to index
        %get3A_201 = arith.index_cast %add3A_199 : i32 to index
        %get3A_202 = tpu.vector_load %arg4[%get3A_200, %get3A_201] {strides = array<i32>} : memref<8x8192xf32, #tpu.memory_space<vmem>>, vector<1x16xf32>,
        %get3A_203 = vector.shape_cast %get3A_202 : vector<1x16xf32> to vector<16xf32>
        %add3A_204 = arith.addf %scan3A_165, %get3A_203 : vector<16xf32>
        %add3A_205 = arith.constant 80 : i32
        %add3A_206 = arith.addi %mul3A_170, %add3A_205 : i32
        %get3A_207 = arith.index_cast %add3A_48 : i32 to index
        %get3A_208 = arith.index_cast %add3A_206 : i32 to index
        %get3A_209 = tpu.vector_load %arg4[%get3A_207, %get3A_208] {strides = array<i32>} : memref<8x8192xf32, #tpu.memory_space<vmem>>, vector<1x16xf32>,
        %get3A_210 = vector.shape_cast %get3A_209 : vector<1x16xf32> to vector<16xf32>
        %add3A_211 = arith.addf %scan3A_166, %get3A_210 : vector<16xf32>
        %add3A_212 = arith.constant 96 : i32
        %add3A_213 = arith.addi %mul3A_170, %add3A_212 : i32
        %get3A_214 = arith.index_cast %add3A_48 : i32 to index
        %get3A_215 = arith.index_cast %add3A_213 : i32 to index
        %get3A_216 = tpu.vector_load %arg4[%get3A_214, %get3A_215] {strides = array<i32>} : memref<8x8192xf32, #tpu.memory_space<vmem>>, vector<1x16xf32>,
        %get3A_217 = vector.shape_cast %get3A_216 : vector<1x16xf32> to vector<16xf32>
        %add3A_218 = arith.addf %scan3A_167, %get3A_217 : vector<16xf32>
        %add3A_219 = arith.constant 112 : i32
        %add3A_220 = arith.addi %mul3A_170, %add3A_219 : i32
        %get3A_221 = arith.index_cast %add3A_48 : i32 to index
        %get3A_222 = arith.index_cast %add3A_220 : i32 to index
        %get3A_223 = tpu.vector_load %arg4[%get3A_221, %get3A_222] {strides = array<i32>} : memref<8x8192xf32, #tpu.memory_space<vmem>>, vector<1x16xf32>,
        %get3A_224 = vector.shape_cast %get3A_223 : vector<1x16xf32> to vector<16xf32>
        %add3A_225 = arith.addf %scan3A_168, %get3A_224 : vector<16xf32>
        %add3A_226 = arith.constant 128 : i32
        %add3A_227 = arith.addi %mul3A_170, %add3A_226 : i32
        %get3A_228 = arith.index_cast %add3A_48 : i32 to index
        %get3A_229 = arith.index_cast %add3A_227 : i32 to index
        %get3A_230 = tpu.vector_load %arg4[%get3A_228, %get3A_229] {strides = array<i32>} : memref<8x8192xf32, #tpu.memory_space<vmem>>, vector<1x16xf32>,
        %get3A_231 = vector.shape_cast %get3A_230 : vector<1x16xf32> to vector<16xf32>
        %add3A_232 = arith.addf %add3A_176, %get3A_231 : vector<16xf32>
        %add3A_233 = arith.constant 144 : i32
        %add3A_234 = arith.addi %mul3A_170, %add3A_233 : i32
        %get3A_235 = arith.index_cast %add3A_48 : i32 to index
        %get3A_236 = arith.index_cast %add3A_234 : i32 to index
        %get3A_237 = tpu.vector_load %arg4[%get3A_235, %get3A_236] {strides = array<i32>} : memref<8x8192xf32, #tpu.memory_space<vmem>>, vector<1x16xf32>,
        %get3A_238 = vector.shape_cast %get3A_237 : vector<1x16xf32> to vector<16xf32>
        %add3A_239 = arith.addf %add3A_183, %get3A_238 : vector<16xf32>
        %add3A_240 = arith.constant 160 : i32
        %add3A_241 = arith.addi %mul3A_170, %add3A_240 : i32
        %get3A_242 = arith.index_cast %add3A_48 : i32 to index
        %get3A_243 = arith.index_cast %add3A_241 : i32 to index
        %get3A_244 = tpu.vector_load %arg4[%get3A_242, %get3A_243] {strides = array<i32>} : memref<8x8192xf32, #tpu.memory_space<vmem>>, vector<1x16xf32>,
        %get3A_245 = vector.shape_cast %get3A_244 : vector<1x16xf32> to vector<16xf32>
        %add3A_246 = arith.addf %add3A_190, %get3A_245 : vector<16xf32>
        %add3A_247 = arith.constant 176 : i32
        %add3A_248 = arith.addi %mul3A_170, %add3A_247 : i32
        %get3A_249 = arith.index_cast %add3A_48 : i32 to index
        %get3A_250 = arith.index_cast %add3A_248 : i32 to index
        %get3A_251 = tpu.vector_load %arg4[%get3A_249, %get3A_250] {strides = array<i32>} : memref<8x8192xf32, #tpu.memory_space<vmem>>, vector<1x16xf32>,
        %get3A_252 = vector.shape_cast %get3A_251 : vector<1x16xf32> to vector<16xf32>
        %add3A_253 = arith.addf %add3A_197, %get3A_252 : vector<16xf32>
        %add3A_254 = arith.constant 192 : i32
        %add3A_255 = arith.addi %mul3A_170, %add3A_254 : i32
        %get3A_256 = arith.index_cast %add3A_48 : i32 to index
        %get3A_257 = arith.index_cast %add3A_255 : i32 to index
        %get3A_258 = tpu.vector_load %arg4[%get3A_256, %get3A_257] {strides = array<i32>} : memref<8x8192xf32, #tpu.memory_space<vmem>>, vector<1x16xf32>,
        %get3A_259 = vector.shape_cast %get3A_258 : vector<1x16xf32> to vector<16xf32>
        %add3A_260 = arith.addf %add3A_204, %get3A_259 : vector<16xf32>
        %add3A_261 = arith.constant 208 : i32
        %add3A_262 = arith.addi %mul3A_170, %add3A_261 : i32
        %get3A_263 = arith.index_cast %add3A_48 : i32 to index
        %get3A_264 = arith.index_cast %add3A_262 : i32 to index
        %get3A_265 = tpu.vector_load %arg4[%get3A_263, %get3A_264] {strides = array<i32>} : memref<8x8192xf32, #tpu.memory_space<vmem>>, vector<1x16xf32>,
        %get3A_266 = vector.shape_cast %get3A_265 : vector<1x16xf32> to vector<16xf32>
        %add3A_267 = arith.addf %add3A_211, %get3A_266 : vector<16xf32>
        %add3A_268 = arith.constant 224 : i32
        %add3A_269 = arith.addi %mul3A_170, %add3A_268 : i32
        %get3A_270 = arith.index_cast %add3A_48 : i32 to index
        %get3A_271 = arith.index_cast %add3A_269 : i32 to index
        %get3A_272 = tpu.vector_load %arg4[%get3A_270, %get3A_271] {strides = array<i32>} : memref<8x8192xf32, #tpu.memory_space<vmem>>, vector<1x16xf32>,
        %get3A_273 = vector.shape_cast %get3A_272 : vector<1x16xf32> to vector<16xf32>
        %add3A_274 = arith.addf %add3A_218, %get3A_273 : vector<16xf32>
        %add3A_275 = arith.constant 240 : i32
        %add3A_276 = arith.addi %mul3A_170, %add3A_275 : i32
        %get3A_277 = arith.index_cast %add3A_48 : i32 to index
        %get3A_278 = arith.index_cast %add3A_276 : i32 to index
        %get3A_279 = tpu.vector_load %arg4[%get3A_277, %get3A_278] {strides = array<i32>} : memref<8x8192xf32, #tpu.memory_space<vmem>>, vector<1x16xf32>,
        %get3A_280 = vector.shape_cast %get3A_279 : vector<1x16xf32> to vector<16xf32>
        %add3A_281 = arith.addf %add3A_225, %get3A_280 : vector<16xf32>
        scf.yield %add3A_232, %add3A_239, %add3A_246, %add3A_253, %add3A_260, %add3A_267, %add3A_274, %add3A_281 : vector<16xf32>, vector<16xf32>, vector<16xf32>, vector<16xf32>, vector<16xf32>, vector<16xf32>, vector<16xf32>, vector<16xf32>
      }
      %scan3A_55 = arith.constant 32 : i32
      %add3A_56 = arith.addf %scan3A_54#0, %scan3A_54#1 : vector<16xf32>
      %add3A_57 = arith.addf %add3A_56, %scan3A_54#2 : vector<16xf32>
      %add3A_58 = arith.addf %add3A_57, %scan3A_54#3 : vector<16xf32>
      %add3A_59 = arith.addf %add3A_58, %scan3A_54#4 : vector<16xf32>
      %add3A_60 = arith.addf %add3A_59, %scan3A_54#5 : vector<16xf32>
      %add3A_61 = arith.addf %add3A_60, %scan3A_54#6 : vector<16xf32>
      %add3A_62 = arith.addf %add3A_61, %scan3A_54#7 : vector<16xf32>
      %mul3A_63 = arith.constant 4 : i32
      %mul3A_64 = arith.muli %scan3A_26, %mul3A_63 : i32
      %add3A_65 = arith.constant 0 : i32
      %add3A_66 = arith.addi %mul3A_64, %add3A_65 : i32
      %mul3A_67 = arith.constant 16 : i32
      %mul3A_68 = arith.muli %add3A_66, %mul3A_67 : i32
      %swap3A = arith.index_cast %mul3A_68 : i32 to index
      %swap3A_69 = tpu.vector_load %arg5[%swap3A] {strides = array<i32>} : memref<1024xf32, #tpu.memory_space<vmem>>, vector<16xf32>,
      %swap3A_70 = vector.shape_cast %swap3A_69 : vector<16xf32> to vector<16xf32>
      %swap3A_71 = vector.shape_cast %add3A_62 : vector<16xf32> to vector<16xf32>
      tpu.vector_store %arg5[%swap3A], %swap3A_71 {strides = array<i32>} : memref<1024xf32, #tpu.memory_space<vmem>>, vector<16xf32>,
      %mul3A_72 = arith.constant 4 : i32
      %mul3A_73 = arith.muli %rem3A_28, %mul3A_72 : i32
      %add3A_74 = arith.constant 1 : i32
      %add3A_75 = arith.addi %mul3A_73, %add3A_74 : i32
      %broadcast_in_dim3A_76 = arith.constant 0.000000e+00 : f32
      %broadcast_in_dim3A_77 = vector.broadcast %broadcast_in_dim3A_76 : f32 to vector<16xf32>
      %scan3A_78 = arith.constant 0 : i32
      %scan3A_79 = arith.constant 32 : i32
      %scan3A_80 = arith.addi %scan3A_78, %scan3A_79 : i32
      %scan3A_81 = arith.constant 1 : i32
      %scan3A_82:8 = scf.for %scan3A_160 = %scan3A_78 to %scan3A_80 step %scan3A_81 iter_args(%scan3A_161 = %broadcast_in_dim3A_77, %scan3A_162 = %broadcast_in_dim3A_77, %scan3A_163 = %broadcast_in_dim3A_77, %scan3A_164 = %broadcast_in_dim3A_77, %scan3A_165 = %broadcast_in_dim3A_77, %scan3A_166 = %broadcast_in_dim3A_77, %scan3A_167 = %broadcast_in_dim3A_77, %scan3A_168 = %broadcast_in_dim3A_77) -> (vector<16xf32>, vector<16xf32>, vector<16xf32>, vector<16xf32>, vector<16xf32>, vector<16xf32>, vector<16xf32>, vector<16xf32>)  : i32 {
        %mul3A_169 = arith.constant 256 : i32
        %mul3A_170 = arith.muli %scan3A_160, %mul3A_169 : i32
        %add3A_171 = arith.constant 0 : i32
        %add3A_172 = arith.addi %mul3A_170, %add3A_171 : i32
        %get3A = arith.index_cast %add3A_75 : i32 to index
        %get3A_173 = arith.index_cast %add3A_172 : i32 to index
        %get3A_174 = tpu.vector_load %arg4[%get3A, %get3A_173] {strides = array<i32>} : memref<8x8192xf32, #tpu.memory_space<vmem>>, vector<1x16xf32>,
        %get3A_175 = vector.shape_cast %get3A_174 : vector<1x16xf32> to vector<16xf32>
        %add3A_176 = arith.addf %scan3A_161, %get3A_175 : vector<16xf32>
        %add3A_177 = arith.constant 16 : i32
        %add3A_178 = arith.addi %mul3A_170, %add3A_177 : i32
        %get3A_179 = arith.index_cast %add3A_75 : i32 to index
        %get3A_180 = arith.index_cast %add3A_178 : i32 to index
        %get3A_181 = tpu.vector_load %arg4[%get3A_179, %get3A_180] {strides = array<i32>} : memref<8x8192xf32, #tpu.memory_space<vmem>>, vector<1x16xf32>,
        %get3A_182 = vector.shape_cast %get3A_181 : vector<1x16xf32> to vector<16xf32>
        %add3A_183 = arith.addf %scan3A_162, %get3A_182 : vector<16xf32>
        %add3A_184 = arith.constant 32 : i32
        %add3A_185 = arith.addi %mul3A_170, %add3A_184 : i32
        %get3A_186 = arith.index_cast %add3A_75 : i32 to index
        %get3A_187 = arith.index_cast %add3A_185 : i32 to index
        %get3A_188 = tpu.vector_load %arg4[%get3A_186, %get3A_187] {strides = array<i32>} : memref<8x8192xf32, #tpu.memory_space<vmem>>, vector<1x16xf32>,
        %get3A_189 = vector.shape_cast %get3A_188 : vector<1x16xf32> to vector<16xf32>
        %add3A_190 = arith.addf %scan3A_163, %get3A_189 : vector<16xf32>
        %add3A_191 = arith.constant 48 : i32
        %add3A_192 = arith.addi %mul3A_170, %add3A_191 : i32
        %get3A_193 = arith.index_cast %add3A_75 : i32 to index
        %get3A_194 = arith.index_cast %add3A_192 : i32 to index
        %get3A_195 = tpu.vector_load %arg4[%get3A_193, %get3A_194] {strides = array<i32>} : memref<8x8192xf32, #tpu.memory_space<vmem>>, vector<1x16xf32>,
        %get3A_196 = vector.shape_cast %get3A_195 : vector<1x16xf32> to vector<16xf32>
        %add3A_197 = arith.addf %scan3A_164, %get3A_196 : vector<16xf32>
        %add3A_198 = arith.constant 64 : i32
        %add3A_199 = arith.addi %mul3A_170, %add3A_198 : i32
        %get3A_200 = arith.index_cast %add3A_75 : i32 to index
        %get3A_201 = arith.index_cast %add3A_199 : i32 to index
        %get3A_202 = tpu.vector_load %arg4[%get3A_200, %get3A_201] {strides = array<i32>} : memref<8x8192xf32, #tpu.memory_space<vmem>>, vector<1x16xf32>,
        %get3A_203 = vector.shape_cast %get3A_202 : vector<1x16xf32> to vector<16xf32>
        %add3A_204 = arith.addf %scan3A_165, %get3A_203 : vector<16xf32>
        %add3A_205 = arith.constant 80 : i32
        %add3A_206 = arith.addi %mul3A_170, %add3A_205 : i32
        %get3A_207 = arith.index_cast %add3A_75 : i32 to index
        %get3A_208 = arith.index_cast %add3A_206 : i32 to index
        %get3A_209 = tpu.vector_load %arg4[%get3A_207, %get3A_208] {strides = array<i32>} : memref<8x8192xf32, #tpu.memory_space<vmem>>, vector<1x16xf32>,
        %get3A_210 = vector.shape_cast %get3A_209 : vector<1x16xf32> to vector<16xf32>
        %add3A_211 = arith.addf %scan3A_166, %get3A_210 : vector<16xf32>
        %add3A_212 = arith.constant 96 : i32
        %add3A_213 = arith.addi %mul3A_170, %add3A_212 : i32
        %get3A_214 = arith.index_cast %add3A_75 : i32 to index
        %get3A_215 = arith.index_cast %add3A_213 : i32 to index
        %get3A_216 = tpu.vector_load %arg4[%get3A_214, %get3A_215] {strides = array<i32>} : memref<8x8192xf32, #tpu.memory_space<vmem>>, vector<1x16xf32>,
        %get3A_217 = vector.shape_cast %get3A_216 : vector<1x16xf32> to vector<16xf32>
        %add3A_218 = arith.addf %scan3A_167, %get3A_217 : vector<16xf32>
        %add3A_219 = arith.constant 112 : i32
        %add3A_220 = arith.addi %mul3A_170, %add3A_219 : i32
        %get3A_221 = arith.index_cast %add3A_75 : i32 to index
        %get3A_222 = arith.index_cast %add3A_220 : i32 to index
        %get3A_223 = tpu.vector_load %arg4[%get3A_221, %get3A_222] {strides = array<i32>} : memref<8x8192xf32, #tpu.memory_space<vmem>>, vector<1x16xf32>,
        %get3A_224 = vector.shape_cast %get3A_223 : vector<1x16xf32> to vector<16xf32>
        %add3A_225 = arith.addf %scan3A_168, %get3A_224 : vector<16xf32>
        %add3A_226 = arith.constant 128 : i32
        %add3A_227 = arith.addi %mul3A_170, %add3A_226 : i32
        %get3A_228 = arith.index_cast %add3A_75 : i32 to index
        %get3A_229 = arith.index_cast %add3A_227 : i32 to index
        %get3A_230 = tpu.vector_load %arg4[%get3A_228, %get3A_229] {strides = array<i32>} : memref<8x8192xf32, #tpu.memory_space<vmem>>, vector<1x16xf32>,
        %get3A_231 = vector.shape_cast %get3A_230 : vector<1x16xf32> to vector<16xf32>
        %add3A_232 = arith.addf %add3A_176, %get3A_231 : vector<16xf32>
        %add3A_233 = arith.constant 144 : i32
        %add3A_234 = arith.addi %mul3A_170, %add3A_233 : i32
        %get3A_235 = arith.index_cast %add3A_75 : i32 to index
        %get3A_236 = arith.index_cast %add3A_234 : i32 to index
        %get3A_237 = tpu.vector_load %arg4[%get3A_235, %get3A_236] {strides = array<i32>} : memref<8x8192xf32, #tpu.memory_space<vmem>>, vector<1x16xf32>,
        %get3A_238 = vector.shape_cast %get3A_237 : vector<1x16xf32> to vector<16xf32>
        %add3A_239 = arith.addf %add3A_183, %get3A_238 : vector<16xf32>
        %add3A_240 = arith.constant 160 : i32
        %add3A_241 = arith.addi %mul3A_170, %add3A_240 : i32
        %get3A_242 = arith.index_cast %add3A_75 : i32 to index
        %get3A_243 = arith.index_cast %add3A_241 : i32 to index
        %get3A_244 = tpu.vector_load %arg4[%get3A_242, %get3A_243] {strides = array<i32>} : memref<8x8192xf32, #tpu.memory_space<vmem>>, vector<1x16xf32>,
        %get3A_245 = vector.shape_cast %get3A_244 : vector<1x16xf32> to vector<16xf32>
        %add3A_246 = arith.addf %add3A_190, %get3A_245 : vector<16xf32>
        %add3A_247 = arith.constant 176 : i32
        %add3A_248 = arith.addi %mul3A_170, %add3A_247 : i32
        %get3A_249 = arith.index_cast %add3A_75 : i32 to index
        %get3A_250 = arith.index_cast %add3A_248 : i32 to index
        %get3A_251 = tpu.vector_load %arg4[%get3A_249, %get3A_250] {strides = array<i32>} : memref<8x8192xf32, #tpu.memory_space<vmem>>, vector<1x16xf32>,
        %get3A_252 = vector.shape_cast %get3A_251 : vector<1x16xf32> to vector<16xf32>
        %add3A_253 = arith.addf %add3A_197, %get3A_252 : vector<16xf32>
        %add3A_254 = arith.constant 192 : i32
        %add3A_255 = arith.addi %mul3A_170, %add3A_254 : i32
        %get3A_256 = arith.index_cast %add3A_75 : i32 to index
        %get3A_257 = arith.index_cast %add3A_255 : i32 to index
        %get3A_258 = tpu.vector_load %arg4[%get3A_256, %get3A_257] {strides = array<i32>} : memref<8x8192xf32, #tpu.memory_space<vmem>>, vector<1x16xf32>,
        %get3A_259 = vector.shape_cast %get3A_258 : vector<1x16xf32> to vector<16xf32>
        %add3A_260 = arith.addf %add3A_204, %get3A_259 : vector<16xf32>
        %add3A_261 = arith.constant 208 : i32
        %add3A_262 = arith.addi %mul3A_170, %add3A_261 : i32
        %get3A_263 = arith.index_cast %add3A_75 : i32 to index
        %get3A_264 = arith.index_cast %add3A_262 : i32 to index
        %get3A_265 = tpu.vector_load %arg4[%get3A_263, %get3A_264] {strides = array<i32>} : memref<8x8192xf32, #tpu.memory_space<vmem>>, vector<1x16xf32>,
        %get3A_266 = vector.shape_cast %get3A_265 : vector<1x16xf32> to vector<16xf32>
        %add3A_267 = arith.addf %add3A_211, %get3A_266 : vector<16xf32>
        %add3A_268 = arith.constant 224 : i32
        %add3A_269 = arith.addi %mul3A_170, %add3A_268 : i32
        %get3A_270 = arith.index_cast %add3A_75 : i32 to index
        %get3A_271 = arith.index_cast %add3A_269 : i32 to index
        %get3A_272 = tpu.vector_load %arg4[%get3A_270, %get3A_271] {strides = array<i32>} : memref<8x8192xf32, #tpu.memory_space<vmem>>, vector<1x16xf32>,
        %get3A_273 = vector.shape_cast %get3A_272 : vector<1x16xf32> to vector<16xf32>
        %add3A_274 = arith.addf %add3A_218, %get3A_273 : vector<16xf32>
        %add3A_275 = arith.constant 240 : i32
        %add3A_276 = arith.addi %mul3A_170, %add3A_275 : i32
        %get3A_277 = arith.index_cast %add3A_75 : i32 to index
        %get3A_278 = arith.index_cast %add3A_276 : i32 to index
        %get3A_279 = tpu.vector_load %arg4[%get3A_277, %get3A_278] {strides = array<i32>} : memref<8x8192xf32, #tpu.memory_space<vmem>>, vector<1x16xf32>,
        %get3A_280 = vector.shape_cast %get3A_279 : vector<1x16xf32> to vector<16xf32>
        %add3A_281 = arith.addf %add3A_225, %get3A_280 : vector<16xf32>
        scf.yield %add3A_232, %add3A_239, %add3A_246, %add3A_253, %add3A_260, %add3A_267, %add3A_274, %add3A_281 : vector<16xf32>, vector<16xf32>, vector<16xf32>, vector<16xf32>, vector<16xf32>, vector<16xf32>, vector<16xf32>, vector<16xf32>
      }
      %scan3A_83 = arith.constant 32 : i32
      %add3A_84 = arith.addf %scan3A_82#0, %scan3A_82#1 : vector<16xf32>
      %add3A_85 = arith.addf %add3A_84, %scan3A_82#2 : vector<16xf32>
      %add3A_86 = arith.addf %add3A_85, %scan3A_82#3 : vector<16xf32>
      %add3A_87 = arith.addf %add3A_86, %scan3A_82#4 : vector<16xf32>
      %add3A_88 = arith.addf %add3A_87, %scan3A_82#5 : vector<16xf32>
      %add3A_89 = arith.addf %add3A_88, %scan3A_82#6 : vector<16xf32>
      %add3A_90 = arith.addf %add3A_89, %scan3A_82#7 : vector<16xf32>
      %mul3A_91 = arith.constant 4 : i32
      %mul3A_92 = arith.muli %scan3A_26, %mul3A_91 : i32
      %add3A_93 = arith.constant 1 : i32
      %add3A_94 = arith.addi %mul3A_92, %add3A_93 : i32
      %mul3A_95 = arith.constant 16 : i32
      %mul3A_96 = arith.muli %add3A_94, %mul3A_95 : i32
      %swap3A_97 = arith.index_cast %mul3A_96 : i32 to index
      %swap3A_98 = tpu.vector_load %arg5[%swap3A_97] {strides = array<i32>} : memref<1024xf32, #tpu.memory_space<vmem>>, vector<16xf32>,
      %swap3A_99 = vector.shape_cast %swap3A_98 : vector<16xf32> to vector<16xf32>
      %swap3A_100 = vector.shape_cast %add3A_90 : vector<16xf32> to vector<16xf32>
      tpu.vector_store %arg5[%swap3A_97], %swap3A_100 {strides = array<i32>} : memref<1024xf32, #tpu.memory_space<vmem>>, vector<16xf32>,
      %mul3A_101 = arith.constant 4 : i32
      %mul3A_102 = arith.muli %rem3A_28, %mul3A_101 : i32
      %add3A_103 = arith.constant 2 : i32
      %add3A_104 = arith.addi %mul3A_102, %add3A_103 : i32
      %broadcast_in_dim3A_105 = arith.constant 0.000000e+00 : f32
      %broadcast_in_dim3A_106 = vector.broadcast %broadcast_in_dim3A_105 : f32 to vector<16xf32>
      %scan3A_107 = arith.constant 0 : i32
      %scan3A_108 = arith.constant 32 : i32
      %scan3A_109 = arith.addi %scan3A_107, %scan3A_108 : i32
      %scan3A_110 = arith.constant 1 : i32
      %scan3A_111:8 = scf.for %scan3A_160 = %scan3A_107 to %scan3A_109 step %scan3A_110 iter_args(%scan3A_161 = %broadcast_in_dim3A_106, %scan3A_162 = %broadcast_in_dim3A_106, %scan3A_163 = %broadcast_in_dim3A_106, %scan3A_164 = %broadcast_in_dim3A_106, %scan3A_165 = %broadcast_in_dim3A_106, %scan3A_166 = %broadcast_in_dim3A_106, %scan3A_167 = %broadcast_in_dim3A_106, %scan3A_168 = %broadcast_in_dim3A_106) -> (vector<16xf32>, vector<16xf32>, vector<16xf32>, vector<16xf32>, vector<16xf32>, vector<16xf32>, vector<16xf32>, vector<16xf32>)  : i32 {
        %mul3A_169 = arith.constant 256 : i32
        %mul3A_170 = arith.muli %scan3A_160, %mul3A_169 : i32
        %add3A_171 = arith.constant 0 : i32
        %add3A_172 = arith.addi %mul3A_170, %add3A_171 : i32
        %get3A = arith.index_cast %add3A_104 : i32 to index
        %get3A_173 = arith.index_cast %add3A_172 : i32 to index
        %get3A_174 = tpu.vector_load %arg4[%get3A, %get3A_173] {strides = array<i32>} : memref<8x8192xf32, #tpu.memory_space<vmem>>, vector<1x16xf32>,
        %get3A_175 = vector.shape_cast %get3A_174 : vector<1x16xf32> to vector<16xf32>
        %add3A_176 = arith.addf %scan3A_161, %get3A_175 : vector<16xf32>
        %add3A_177 = arith.constant 16 : i32
        %add3A_178 = arith.addi %mul3A_170, %add3A_177 : i32
        %get3A_179 = arith.index_cast %add3A_104 : i32 to index
        %get3A_180 = arith.index_cast %add3A_178 : i32 to index
        %get3A_181 = tpu.vector_load %arg4[%get3A_179, %get3A_180] {strides = array<i32>} : memref<8x8192xf32, #tpu.memory_space<vmem>>, vector<1x16xf32>,
        %get3A_182 = vector.shape_cast %get3A_181 : vector<1x16xf32> to vector<16xf32>
        %add3A_183 = arith.addf %scan3A_162, %get3A_182 : vector<16xf32>
        %add3A_184 = arith.constant 32 : i32
        %add3A_185 = arith.addi %mul3A_170, %add3A_184 : i32
        %get3A_186 = arith.index_cast %add3A_104 : i32 to index
        %get3A_187 = arith.index_cast %add3A_185 : i32 to index
        %get3A_188 = tpu.vector_load %arg4[%get3A_186, %get3A_187] {strides = array<i32>} : memref<8x8192xf32, #tpu.memory_space<vmem>>, vector<1x16xf32>,
        %get3A_189 = vector.shape_cast %get3A_188 : vector<1x16xf32> to vector<16xf32>
        %add3A_190 = arith.addf %scan3A_163, %get3A_189 : vector<16xf32>
        %add3A_191 = arith.constant 48 : i32
        %add3A_192 = arith.addi %mul3A_170, %add3A_191 : i32
        %get3A_193 = arith.index_cast %add3A_104 : i32 to index
        %get3A_194 = arith.index_cast %add3A_192 : i32 to index
        %get3A_195 = tpu.vector_load %arg4[%get3A_193, %get3A_194] {strides = array<i32>} : memref<8x8192xf32, #tpu.memory_space<vmem>>, vector<1x16xf32>,
        %get3A_196 = vector.shape_cast %get3A_195 : vector<1x16xf32> to vector<16xf32>
        %add3A_197 = arith.addf %scan3A_164, %get3A_196 : vector<16xf32>
        %add3A_198 = arith.constant 64 : i32
        %add3A_199 = arith.addi %mul3A_170, %add3A_198 : i32
        %get3A_200 = arith.index_cast %add3A_104 : i32 to index
        %get3A_201 = arith.index_cast %add3A_199 : i32 to index
        %get3A_202 = tpu.vector_load %arg4[%get3A_200, %get3A_201] {strides = array<i32>} : memref<8x8192xf32, #tpu.memory_space<vmem>>, vector<1x16xf32>,
        %get3A_203 = vector.shape_cast %get3A_202 : vector<1x16xf32> to vector<16xf32>
        %add3A_204 = arith.addf %scan3A_165, %get3A_203 : vector<16xf32>
        %add3A_205 = arith.constant 80 : i32
        %add3A_206 = arith.addi %mul3A_170, %add3A_205 : i32
        %get3A_207 = arith.index_cast %add3A_104 : i32 to index
        %get3A_208 = arith.index_cast %add3A_206 : i32 to index
        %get3A_209 = tpu.vector_load %arg4[%get3A_207, %get3A_208] {strides = array<i32>} : memref<8x8192xf32, #tpu.memory_space<vmem>>, vector<1x16xf32>,
        %get3A_210 = vector.shape_cast %get3A_209 : vector<1x16xf32> to vector<16xf32>
        %add3A_211 = arith.addf %scan3A_166, %get3A_210 : vector<16xf32>
        %add3A_212 = arith.constant 96 : i32
        %add3A_213 = arith.addi %mul3A_170, %add3A_212 : i32
        %get3A_214 = arith.index_cast %add3A_104 : i32 to index
        %get3A_215 = arith.index_cast %add3A_213 : i32 to index
        %get3A_216 = tpu.vector_load %arg4[%get3A_214, %get3A_215] {strides = array<i32>} : memref<8x8192xf32, #tpu.memory_space<vmem>>, vector<1x16xf32>,
        %get3A_217 = vector.shape_cast %get3A_216 : vector<1x16xf32> to vector<16xf32>
        %add3A_218 = arith.addf %scan3A_167, %get3A_217 : vector<16xf32>
        %add3A_219 = arith.constant 112 : i32
        %add3A_220 = arith.addi %mul3A_170, %add3A_219 : i32
        %get3A_221 = arith.index_cast %add3A_104 : i32 to index
        %get3A_222 = arith.index_cast %add3A_220 : i32 to index
        %get3A_223 = tpu.vector_load %arg4[%get3A_221, %get3A_222] {strides = array<i32>} : memref<8x8192xf32, #tpu.memory_space<vmem>>, vector<1x16xf32>,
        %get3A_224 = vector.shape_cast %get3A_223 : vector<1x16xf32> to vector<16xf32>
        %add3A_225 = arith.addf %scan3A_168, %get3A_224 : vector<16xf32>
        %add3A_226 = arith.constant 128 : i32
        %add3A_227 = arith.addi %mul3A_170, %add3A_226 : i32
        %get3A_228 = arith.index_cast %add3A_104 : i32 to index
        %get3A_229 = arith.index_cast %add3A_227 : i32 to index
        %get3A_230 = tpu.vector_load %arg4[%get3A_228, %get3A_229] {strides = array<i32>} : memref<8x8192xf32, #tpu.memory_space<vmem>>, vector<1x16xf32>,
        %get3A_231 = vector.shape_cast %get3A_230 : vector<1x16xf32> to vector<16xf32>
        %add3A_232 = arith.addf %add3A_176, %get3A_231 : vector<16xf32>
        %add3A_233 = arith.constant 144 : i32
        %add3A_234 = arith.addi %mul3A_170, %add3A_233 : i32
        %get3A_235 = arith.index_cast %add3A_104 : i32 to index
        %get3A_236 = arith.index_cast %add3A_234 : i32 to index
        %get3A_237 = tpu.vector_load %arg4[%get3A_235, %get3A_236] {strides = array<i32>} : memref<8x8192xf32, #tpu.memory_space<vmem>>, vector<1x16xf32>,
        %get3A_238 = vector.shape_cast %get3A_237 : vector<1x16xf32> to vector<16xf32>
        %add3A_239 = arith.addf %add3A_183, %get3A_238 : vector<16xf32>
        %add3A_240 = arith.constant 160 : i32
        %add3A_241 = arith.addi %mul3A_170, %add3A_240 : i32
        %get3A_242 = arith.index_cast %add3A_104 : i32 to index
        %get3A_243 = arith.index_cast %add3A_241 : i32 to index
        %get3A_244 = tpu.vector_load %arg4[%get3A_242, %get3A_243] {strides = array<i32>} : memref<8x8192xf32, #tpu.memory_space<vmem>>, vector<1x16xf32>,
        %get3A_245 = vector.shape_cast %get3A_244 : vector<1x16xf32> to vector<16xf32>
        %add3A_246 = arith.addf %add3A_190, %get3A_245 : vector<16xf32>
        %add3A_247 = arith.constant 176 : i32
        %add3A_248 = arith.addi %mul3A_170, %add3A_247 : i32
        %get3A_249 = arith.index_cast %add3A_104 : i32 to index
        %get3A_250 = arith.index_cast %add3A_248 : i32 to index
        %get3A_251 = tpu.vector_load %arg4[%get3A_249, %get3A_250] {strides = array<i32>} : memref<8x8192xf32, #tpu.memory_space<vmem>>, vector<1x16xf32>,
        %get3A_252 = vector.shape_cast %get3A_251 : vector<1x16xf32> to vector<16xf32>
        %add3A_253 = arith.addf %add3A_197, %get3A_252 : vector<16xf32>
        %add3A_254 = arith.constant 192 : i32
        %add3A_255 = arith.addi %mul3A_170, %add3A_254 : i32
        %get3A_256 = arith.index_cast %add3A_104 : i32 to index
        %get3A_257 = arith.index_cast %add3A_255 : i32 to index
        %get3A_258 = tpu.vector_load %arg4[%get3A_256, %get3A_257] {strides = array<i32>} : memref<8x8192xf32, #tpu.memory_space<vmem>>, vector<1x16xf32>,
        %get3A_259 = vector.shape_cast %get3A_258 : vector<1x16xf32> to vector<16xf32>
        %add3A_260 = arith.addf %add3A_204, %get3A_259 : vector<16xf32>
        %add3A_261 = arith.constant 208 : i32
        %add3A_262 = arith.addi %mul3A_170, %add3A_261 : i32
        %get3A_263 = arith.index_cast %add3A_104 : i32 to index
        %get3A_264 = arith.index_cast %add3A_262 : i32 to index
        %get3A_265 = tpu.vector_load %arg4[%get3A_263, %get3A_264] {strides = array<i32>} : memref<8x8192xf32, #tpu.memory_space<vmem>>, vector<1x16xf32>,
        %get3A_266 = vector.shape_cast %get3A_265 : vector<1x16xf32> to vector<16xf32>
        %add3A_267 = arith.addf %add3A_211, %get3A_266 : vector<16xf32>
        %add3A_268 = arith.constant 224 : i32
        %add3A_269 = arith.addi %mul3A_170, %add3A_268 : i32
        %get3A_270 = arith.index_cast %add3A_104 : i32 to index
        %get3A_271 = arith.index_cast %add3A_269 : i32 to index
        %get3A_272 = tpu.vector_load %arg4[%get3A_270, %get3A_271] {strides = array<i32>} : memref<8x8192xf32, #tpu.memory_space<vmem>>, vector<1x16xf32>,
        %get3A_273 = vector.shape_cast %get3A_272 : vector<1x16xf32> to vector<16xf32>
        %add3A_274 = arith.addf %add3A_218, %get3A_273 : vector<16xf32>
        %add3A_275 = arith.constant 240 : i32
        %add3A_276 = arith.addi %mul3A_170, %add3A_275 : i32
        %get3A_277 = arith.index_cast %add3A_104 : i32 to index
        %get3A_278 = arith.index_cast %add3A_276 : i32 to index
        %get3A_279 = tpu.vector_load %arg4[%get3A_277, %get3A_278] {strides = array<i32>} : memref<8x8192xf32, #tpu.memory_space<vmem>>, vector<1x16xf32>,
        %get3A_280 = vector.shape_cast %get3A_279 : vector<1x16xf32> to vector<16xf32>
        %add3A_281 = arith.addf %add3A_225, %get3A_280 : vector<16xf32>
        scf.yield %add3A_232, %add3A_239, %add3A_246, %add3A_253, %add3A_260, %add3A_267, %add3A_274, %add3A_281 : vector<16xf32>, vector<16xf32>, vector<16xf32>, vector<16xf32>, vector<16xf32>, vector<16xf32>, vector<16xf32>, vector<16xf32>
      }
      %scan3A_112 = arith.constant 32 : i32
      %add3A_113 = arith.addf %scan3A_111#0, %scan3A_111#1 : vector<16xf32>
      %add3A_114 = arith.addf %add3A_113, %scan3A_111#2 : vector<16xf32>
      %add3A_115 = arith.addf %add3A_114, %scan3A_111#3 : vector<16xf32>
      %add3A_116 = arith.addf %add3A_115, %scan3A_111#4 : vector<16xf32>
      %add3A_117 = arith.addf %add3A_116, %scan3A_111#5 : vector<16xf32>
      %add3A_118 = arith.addf %add3A_117, %scan3A_111#6 : vector<16xf32>
      %add3A_119 = arith.addf %add3A_118, %scan3A_111#7 : vector<16xf32>
      %mul3A_120 = arith.constant 4 : i32
      %mul3A_121 = arith.muli %scan3A_26, %mul3A_120 : i32
      %add3A_122 = arith.constant 2 : i32
      %add3A_123 = arith.addi %mul3A_121, %add3A_122 : i32
      %mul3A_124 = arith.constant 16 : i32
      %mul3A_125 = arith.muli %add3A_123, %mul3A_124 : i32
      %swap3A_126 = arith.index_cast %mul3A_125 : i32 to index
      %swap3A_127 = tpu.vector_load %arg5[%swap3A_126] {strides = array<i32>} : memref<1024xf32, #tpu.memory_space<vmem>>, vector<16xf32>,
      %swap3A_128 = vector.shape_cast %swap3A_127 : vector<16xf32> to vector<16xf32>
      %swap3A_129 = vector.shape_cast %add3A_119 : vector<16xf32> to vector<16xf32>
      tpu.vector_store %arg5[%swap3A_126], %swap3A_129 {strides = array<i32>} : memref<1024xf32, #tpu.memory_space<vmem>>, vector<16xf32>,
      %mul3A_130 = arith.constant 4 : i32
      %mul3A_131 = arith.muli %rem3A_28, %mul3A_130 : i32
      %add3A_132 = arith.constant 3 : i32
      %add3A_133 = arith.addi %mul3A_131, %add3A_132 : i32
      %broadcast_in_dim3A_134 = arith.constant 0.000000e+00 : f32
      %broadcast_in_dim3A_135 = vector.broadcast %broadcast_in_dim3A_134 : f32 to vector<16xf32>
      %scan3A_136 = arith.constant 0 : i32
      %scan3A_137 = arith.constant 32 : i32
      %scan3A_138 = arith.addi %scan3A_136, %scan3A_137 : i32
      %scan3A_139 = arith.constant 1 : i32
      %scan3A_140:8 = scf.for %scan3A_160 = %scan3A_136 to %scan3A_138 step %scan3A_139 iter_args(%scan3A_161 = %broadcast_in_dim3A_135, %scan3A_162 = %broadcast_in_dim3A_135, %scan3A_163 = %broadcast_in_dim3A_135, %scan3A_164 = %broadcast_in_dim3A_135, %scan3A_165 = %broadcast_in_dim3A_135, %scan3A_166 = %broadcast_in_dim3A_135, %scan3A_167 = %broadcast_in_dim3A_135, %scan3A_168 = %broadcast_in_dim3A_135) -> (vector<16xf32>, vector<16xf32>, vector<16xf32>, vector<16xf32>, vector<16xf32>, vector<16xf32>, vector<16xf32>, vector<16xf32>)  : i32 {
        %mul3A_169 = arith.constant 256 : i32
        %mul3A_170 = arith.muli %scan3A_160, %mul3A_169 : i32
        %add3A_171 = arith.constant 0 : i32
        %add3A_172 = arith.addi %mul3A_170, %add3A_171 : i32
        %get3A = arith.index_cast %add3A_133 : i32 to index
        %get3A_173 = arith.index_cast %add3A_172 : i32 to index
        %get3A_174 = tpu.vector_load %arg4[%get3A, %get3A_173] {strides = array<i32>} : memref<8x8192xf32, #tpu.memory_space<vmem>>, vector<1x16xf32>,
        %get3A_175 = vector.shape_cast %get3A_174 : vector<1x16xf32> to vector<16xf32>
        %add3A_176 = arith.addf %scan3A_161, %get3A_175 : vector<16xf32>
        %add3A_177 = arith.constant 16 : i32
        %add3A_178 = arith.addi %mul3A_170, %add3A_177 : i32
        %get3A_179 = arith.index_cast %add3A_133 : i32 to index
        %get3A_180 = arith.index_cast %add3A_178 : i32 to index
        %get3A_181 = tpu.vector_load %arg4[%get3A_179, %get3A_180] {strides = array<i32>} : memref<8x8192xf32, #tpu.memory_space<vmem>>, vector<1x16xf32>,
        %get3A_182 = vector.shape_cast %get3A_181 : vector<1x16xf32> to vector<16xf32>
        %add3A_183 = arith.addf %scan3A_162, %get3A_182 : vector<16xf32>
        %add3A_184 = arith.constant 32 : i32
        %add3A_185 = arith.addi %mul3A_170, %add3A_184 : i32
        %get3A_186 = arith.index_cast %add3A_133 : i32 to index
        %get3A_187 = arith.index_cast %add3A_185 : i32 to index
        %get3A_188 = tpu.vector_load %arg4[%get3A_186, %get3A_187] {strides = array<i32>} : memref<8x8192xf32, #tpu.memory_space<vmem>>, vector<1x16xf32>,
        %get3A_189 = vector.shape_cast %get3A_188 : vector<1x16xf32> to vector<16xf32>
        %add3A_190 = arith.addf %scan3A_163, %get3A_189 : vector<16xf32>
        %add3A_191 = arith.constant 48 : i32
        %add3A_192 = arith.addi %mul3A_170, %add3A_191 : i32
        %get3A_193 = arith.index_cast %add3A_133 : i32 to index
        %get3A_194 = arith.index_cast %add3A_192 : i32 to index
        %get3A_195 = tpu.vector_load %arg4[%get3A_193, %get3A_194] {strides = array<i32>} : memref<8x8192xf32, #tpu.memory_space<vmem>>, vector<1x16xf32>,
        %get3A_196 = vector.shape_cast %get3A_195 : vector<1x16xf32> to vector<16xf32>
        %add3A_197 = arith.addf %scan3A_164, %get3A_196 : vector<16xf32>
        %add3A_198 = arith.constant 64 : i32
        %add3A_199 = arith.addi %mul3A_170, %add3A_198 : i32
        %get3A_200 = arith.index_cast %add3A_133 : i32 to index
        %get3A_201 = arith.index_cast %add3A_199 : i32 to index
        %get3A_202 = tpu.vector_load %arg4[%get3A_200, %get3A_201] {strides = array<i32>} : memref<8x8192xf32, #tpu.memory_space<vmem>>, vector<1x16xf32>,
        %get3A_203 = vector.shape_cast %get3A_202 : vector<1x16xf32> to vector<16xf32>
        %add3A_204 = arith.addf %scan3A_165, %get3A_203 : vector<16xf32>
        %add3A_205 = arith.constant 80 : i32
        %add3A_206 = arith.addi %mul3A_170, %add3A_205 : i32
        %get3A_207 = arith.index_cast %add3A_133 : i32 to index
        %get3A_208 = arith.index_cast %add3A_206 : i32 to index
        %get3A_209 = tpu.vector_load %arg4[%get3A_207, %get3A_208] {strides = array<i32>} : memref<8x8192xf32, #tpu.memory_space<vmem>>, vector<1x16xf32>,
        %get3A_210 = vector.shape_cast %get3A_209 : vector<1x16xf32> to vector<16xf32>
        %add3A_211 = arith.addf %scan3A_166, %get3A_210 : vector<16xf32>
        %add3A_212 = arith.constant 96 : i32
        %add3A_213 = arith.addi %mul3A_170, %add3A_212 : i32
        %get3A_214 = arith.index_cast %add3A_133 : i32 to index
        %get3A_215 = arith.index_cast %add3A_213 : i32 to index
        %get3A_216 = tpu.vector_load %arg4[%get3A_214, %get3A_215] {strides = array<i32>} : memref<8x8192xf32, #tpu.memory_space<vmem>>, vector<1x16xf32>,
        %get3A_217 = vector.shape_cast %get3A_216 : vector<1x16xf32> to vector<16xf32>
        %add3A_218 = arith.addf %scan3A_167, %get3A_217 : vector<16xf32>
        %add3A_219 = arith.constant 112 : i32
        %add3A_220 = arith.addi %mul3A_170, %add3A_219 : i32
        %get3A_221 = arith.index_cast %add3A_133 : i32 to index
        %get3A_222 = arith.index_cast %add3A_220 : i32 to index
        %get3A_223 = tpu.vector_load %arg4[%get3A_221, %get3A_222] {strides = array<i32>} : memref<8x8192xf32, #tpu.memory_space<vmem>>, vector<1x16xf32>,
        %get3A_224 = vector.shape_cast %get3A_223 : vector<1x16xf32> to vector<16xf32>
        %add3A_225 = arith.addf %scan3A_168, %get3A_224 : vector<16xf32>
        %add3A_226 = arith.constant 128 : i32
        %add3A_227 = arith.addi %mul3A_170, %add3A_226 : i32
        %get3A_228 = arith.index_cast %add3A_133 : i32 to index
        %get3A_229 = arith.index_cast %add3A_227 : i32 to index
        %get3A_230 = tpu.vector_load %arg4[%get3A_228, %get3A_229] {strides = array<i32>} : memref<8x8192xf32, #tpu.memory_space<vmem>>, vector<1x16xf32>,
        %get3A_231 = vector.shape_cast %get3A_230 : vector<1x16xf32> to vector<16xf32>
        %add3A_232 = arith.addf %add3A_176, %get3A_231 : vector<16xf32>
        %add3A_233 = arith.constant 144 : i32
        %add3A_234 = arith.addi %mul3A_170, %add3A_233 : i32
        %get3A_235 = arith.index_cast %add3A_133 : i32 to index
        %get3A_236 = arith.index_cast %add3A_234 : i32 to index
        %get3A_237 = tpu.vector_load %arg4[%get3A_235, %get3A_236] {strides = array<i32>} : memref<8x8192xf32, #tpu.memory_space<vmem>>, vector<1x16xf32>,
        %get3A_238 = vector.shape_cast %get3A_237 : vector<1x16xf32> to vector<16xf32>
        %add3A_239 = arith.addf %add3A_183, %get3A_238 : vector<16xf32>
        %add3A_240 = arith.constant 160 : i32
        %add3A_241 = arith.addi %mul3A_170, %add3A_240 : i32
        %get3A_242 = arith.index_cast %add3A_133 : i32 to index
        %get3A_243 = arith.index_cast %add3A_241 : i32 to index
        %get3A_244 = tpu.vector_load %arg4[%get3A_242, %get3A_243] {strides = array<i32>} : memref<8x8192xf32, #tpu.memory_space<vmem>>, vector<1x16xf32>,
        %get3A_245 = vector.shape_cast %get3A_244 : vector<1x16xf32> to vector<16xf32>
        %add3A_246 = arith.addf %add3A_190, %get3A_245 : vector<16xf32>
        %add3A_247 = arith.constant 176 : i32
        %add3A_248 = arith.addi %mul3A_170, %add3A_247 : i32
        %get3A_249 = arith.index_cast %add3A_133 : i32 to index
        %get3A_250 = arith.index_cast %add3A_248 : i32 to index
        %get3A_251 = tpu.vector_load %arg4[%get3A_249, %get3A_250] {strides = array<i32>} : memref<8x8192xf32, #tpu.memory_space<vmem>>, vector<1x16xf32>,
        %get3A_252 = vector.shape_cast %get3A_251 : vector<1x16xf32> to vector<16xf32>
        %add3A_253 = arith.addf %add3A_197, %get3A_252 : vector<16xf32>
        %add3A_254 = arith.constant 192 : i32
        %add3A_255 = arith.addi %mul3A_170, %add3A_254 : i32
        %get3A_256 = arith.index_cast %add3A_133 : i32 to index
        %get3A_257 = arith.index_cast %add3A_255 : i32 to index
        %get3A_258 = tpu.vector_load %arg4[%get3A_256, %get3A_257] {strides = array<i32>} : memref<8x8192xf32, #tpu.memory_space<vmem>>, vector<1x16xf32>,
        %get3A_259 = vector.shape_cast %get3A_258 : vector<1x16xf32> to vector<16xf32>
        %add3A_260 = arith.addf %add3A_204, %get3A_259 : vector<16xf32>
        %add3A_261 = arith.constant 208 : i32
        %add3A_262 = arith.addi %mul3A_170, %add3A_261 : i32
        %get3A_263 = arith.index_cast %add3A_133 : i32 to index
        %get3A_264 = arith.index_cast %add3A_262 : i32 to index
        %get3A_265 = tpu.vector_load %arg4[%get3A_263, %get3A_264] {strides = array<i32>} : memref<8x8192xf32, #tpu.memory_space<vmem>>, vector<1x16xf32>,
        %get3A_266 = vector.shape_cast %get3A_265 : vector<1x16xf32> to vector<16xf32>
        %add3A_267 = arith.addf %add3A_211, %get3A_266 : vector<16xf32>
        %add3A_268 = arith.constant 224 : i32
        %add3A_269 = arith.addi %mul3A_170, %add3A_268 : i32
        %get3A_270 = arith.index_cast %add3A_133 : i32 to index
        %get3A_271 = arith.index_cast %add3A_269 : i32 to index
        %get3A_272 = tpu.vector_load %arg4[%get3A_270, %get3A_271] {strides = array<i32>} : memref<8x8192xf32, #tpu.memory_space<vmem>>, vector<1x16xf32>,
        %get3A_273 = vector.shape_cast %get3A_272 : vector<1x16xf32> to vector<16xf32>
        %add3A_274 = arith.addf %add3A_218, %get3A_273 : vector<16xf32>
        %add3A_275 = arith.constant 240 : i32
        %add3A_276 = arith.addi %mul3A_170, %add3A_275 : i32
        %get3A_277 = arith.index_cast %add3A_133 : i32 to index
        %get3A_278 = arith.index_cast %add3A_276 : i32 to index
        %get3A_279 = tpu.vector_load %arg4[%get3A_277, %get3A_278] {strides = array<i32>} : memref<8x8192xf32, #tpu.memory_space<vmem>>, vector<1x16xf32>,
        %get3A_280 = vector.shape_cast %get3A_279 : vector<1x16xf32> to vector<16xf32>
        %add3A_281 = arith.addf %add3A_225, %get3A_280 : vector<16xf32>
        scf.yield %add3A_232, %add3A_239, %add3A_246, %add3A_253, %add3A_260, %add3A_267, %add3A_274, %add3A_281 : vector<16xf32>, vector<16xf32>, vector<16xf32>, vector<16xf32>, vector<16xf32>, vector<16xf32>, vector<16xf32>, vector<16xf32>
      }
      %scan3A_141 = arith.constant 32 : i32
      %add3A_142 = arith.addf %scan3A_140#0, %scan3A_140#1 : vector<16xf32>
      %add3A_143 = arith.addf %add3A_142, %scan3A_140#2 : vector<16xf32>
      %add3A_144 = arith.addf %add3A_143, %scan3A_140#3 : vector<16xf32>
      %add3A_145 = arith.addf %add3A_144, %scan3A_140#4 : vector<16xf32>
      %add3A_146 = arith.addf %add3A_145, %scan3A_140#5 : vector<16xf32>
      %add3A_147 = arith.addf %add3A_146, %scan3A_140#6 : vector<16xf32>
      %add3A_148 = arith.addf %add3A_147, %scan3A_140#7 : vector<16xf32>
      %mul3A_149 = arith.constant 4 : i32
      %mul3A_150 = arith.muli %scan3A_26, %mul3A_149 : i32
      %add3A_151 = arith.constant 3 : i32
      %add3A_152 = arith.addi %mul3A_150, %add3A_151 : i32
      %mul3A_153 = arith.constant 16 : i32
      %mul3A_154 = arith.muli %add3A_152, %mul3A_153 : i32
      %swap3A_155 = arith.index_cast %mul3A_154 : i32 to index
      %swap3A_156 = tpu.vector_load %arg5[%swap3A_155] {strides = array<i32>} : memref<1024xf32, #tpu.memory_space<vmem>>, vector<16xf32>,
      %swap3A_157 = vector.shape_cast %swap3A_156 : vector<16xf32> to vector<16xf32>
      %swap3A_158 = vector.shape_cast %add3A_148 : vector<16xf32> to vector<16xf32>
      tpu.vector_store %arg5[%swap3A_155], %swap3A_158 {strides = array<i32>} : memref<1024xf32, #tpu.memory_space<vmem>>, vector<16xf32>,
      %scan3A_159 = arith.constant 0 : i32
      scf.yield %scan3A_159 : i32
    }
    %scan3A_21 = arith.constant 16 : i32
    %mul3A_22 = arith.constant 64 : i32
    %mul3A_23 = arith.muli %add3A, %mul3A_22 : i32
    %mul3A_24 = arith.constant 16 : i32
    %mul3A_25 = arith.muli %mul3A_23, %mul3A_24 : i32
    "tpu.region"() ({
      %run_scoped3A = tpu.sem_alloc : memref<!tpu.dma_semaphore, #tpu.memory_space<semaphore_mem>>
      %dma_start3A = tpu.memref_slice %arg3[%mul3A_25] : memref<32768xf32, #tpu.memory_space<hbm>> -> memref<1024xf32, #tpu.memory_space<hbm>>
      %dma_start3A_26 = tpu.memref_slice %arg3[%mul3A_25] : memref<32768xf32, #tpu.memory_space<hbm>> -> memref<1024xf32, #tpu.memory_space<hbm>>
      tpu.enqueue_dma source(%arg5 : memref<1024xf32, #tpu.memory_space<vmem>>) target(%dma_start3A_26 : memref<1024xf32, #tpu.memory_space<hbm>>) target_semaphore(%run_scoped3A : memref<!tpu.dma_semaphore, #tpu.memory_space<semaphore_mem>>)
      %dma_wait3A = tpu.memref_slice %arg3[%mul3A_25] : memref<32768xf32, #tpu.memory_space<hbm>> -> memref<1024xf32, #tpu.memory_space<hbm>>
      %dma_wait3A_27 = tpu.memref_slice %arg3[%mul3A_25] : memref<32768xf32, #tpu.memory_space<hbm>> -> memref<1024xf32, #tpu.memory_space<hbm>>
      tpu.wait_dma2 semaphore(%run_scoped3A : memref<!tpu.dma_semaphore, #tpu.memory_space<semaphore_mem>>) src(%arg5 : memref<1024xf32, #tpu.memory_space<vmem>>) dst(%dma_wait3A_27 : memref<1024xf32, #tpu.memory_space<hbm>>)
      tpu.yield
    }) : () -> ()
    return
  }
}

module attributes {stable_mosaic.version = 14 : i64} {
  func.func @_combine_body(%arg0: memref<48x128xf32, #tpu.memory_space<vmem>>, %arg1: memref<16x128x16xf32, #tpu.memory_space<vmem>>, %arg2: memref<64x128xf32, #tpu.memory_space<vmem>>, %arg3: memref<1x1xf32, #tpu.memory_space<vmem>>) attributes {dimension_semantics = [], scalar_prefetch = 0 : i64, scratch_operands = 0 : i64, tpu.core_type = #tpu.core_type<tc>} {
    %get3A = arith.constant 0 : index
    %get3A_0 = arith.constant 0 : index
    %get3A_1 = vector.load %arg2[%get3A, %get3A_0] : memref<64x128xf32, #tpu.memory_space<vmem>>, vector<48x128xf32>
    %get3A_2 = arith.constant 48 : index
    %get3A_3 = arith.constant 0 : index
    %get3A_4 = vector.load %arg2[%get3A_2, %get3A_3] : memref<64x128xf32, #tpu.memory_space<vmem>>, vector<16x128xf32>
    %get3A_5 = arith.constant 0 : index
    %get3A_6 = arith.constant 0 : index
    %get3A_7 = arith.constant 0 : index
    %get3A_8 = vector.load %arg1[%get3A_5, %get3A_6, %get3A_7] : memref<16x128x16xf32, #tpu.memory_space<vmem>>, vector<16x128x16xf32>
    %reduce_sum3A = arith.constant dense<0.000000e+00> : vector<16x128xf32>
    %reduce_sum3A_9 = vector.multi_reduction <add>, %get3A_8, %reduce_sum3A [2] : vector<16x128x16xf32> to vector<16x128xf32>
    %get3A_10 = arith.constant 0 : index
    %get3A_11 = arith.constant 0 : index
    %get3A_12 = vector.load %arg0[%get3A_10, %get3A_11] : memref<48x128xf32, #tpu.memory_space<vmem>>, vector<48x128xf32>
    %mul3A = arith.mulf %get3A_12, %get3A_1 : vector<48x128xf32>
    %reduce_sum3A_13 = vector.shape_cast %mul3A : vector<48x128xf32> to vector<1x48x128xf32>
    %reduce_sum3A_14 = arith.constant dense<0.000000e+00> : vector<1xf32>
    %reduce_sum3A_15 = vector.multi_reduction <add>, %reduce_sum3A_13, %reduce_sum3A_14 [1, 2] : vector<1x48x128xf32> to vector<1xf32>
    %reduce_sum3A_16 = vector.shape_cast %reduce_sum3A_15 : vector<1xf32> to vector<1x1x1xf32>
    %reduce_sum3A_17 = vector.extract %reduce_sum3A_16[0, 0, 0] : f32 from vector<1x1x1xf32>
    %mul3A_18 = arith.mulf %reduce_sum3A_9, %get3A_4 : vector<16x128xf32>
    %reduce_sum3A_19 = vector.shape_cast %mul3A_18 : vector<16x128xf32> to vector<1x16x128xf32>
    %reduce_sum3A_20 = arith.constant dense<0.000000e+00> : vector<1xf32>
    %reduce_sum3A_21 = vector.multi_reduction <add>, %reduce_sum3A_19, %reduce_sum3A_20 [1, 2] : vector<1x16x128xf32> to vector<1xf32>
    %reduce_sum3A_22 = vector.shape_cast %reduce_sum3A_21 : vector<1xf32> to vector<1x1x1xf32>
    %reduce_sum3A_23 = vector.extract %reduce_sum3A_22[0, 0, 0] : f32 from vector<1x1x1xf32>
    %add3A = arith.addf %reduce_sum3A_17, %reduce_sum3A_23 : f32
    %div3A = arith.constant 0x4C800000 : f32
    %div3A_24 = arith.divf %add3A, %div3A : f32
    %reshape3A = vector.broadcast %div3A_24 : f32 to vector<1x1xf32>
    %swap3A = arith.constant 0 : index
    %swap3A_25 = arith.constant 0 : index
    %swap3A_26 = vector.load %arg3[%swap3A, %swap3A_25] : memref<1x1xf32, #tpu.memory_space<vmem>>, vector<1x1xf32>
    tpu.vector_store %arg3[%swap3A, %swap3A_25], %reshape3A {strides = array<i32>} : memref<1x1xf32, #tpu.memory_space<vmem>>, vector<1x1xf32>,
    return
  }
}

module attributes {stable_mosaic.version = 14 : i64} {
  func.func @_tc_body(%arg0: i32, %arg1: memref<64x128xf32, #tpu.memory_space<vmem>>, %arg2: memref<64x128xf32, #tpu.memory_space<vmem>>, %arg3: memref<1x256x8192xf32, #tpu.memory_space<vmem>>, %arg4: memref<48x128xf32, #tpu.memory_space<vmem>>, %arg5: memref<64x128xf32, #tpu.memory_space<vmem>>, %arg6: memref<128x64xf32, #tpu.memory_space<vmem>>) attributes {dimension_semantics = [#tpu.dimension_semantics<arbitrary>], iteration_bounds = array<i64: 24>, scalar_prefetch = 0 : i64, scratch_operands = 1 : i64, tpu.core_type = #tpu.core_type<tc>, window_params = [{pipeline_mode = #tpu.pipeline_mode<synchronous>, transform_indices = @transform_0, window_bounds = array<i64: 64, 128>}, {pipeline_mode = #tpu.pipeline_mode<synchronous>, transform_indices = @transform_1, window_bounds = array<i64: 64, 128>}, {transform_indices = @transform_2, window_bounds = array<i64: 1, 256, 8192>}, {pipeline_mode = #tpu.pipeline_mode<synchronous>, transform_indices = @transform_3, window_bounds = array<i64: 48, 128>}, {pipeline_mode = #tpu.pipeline_mode<synchronous>, transform_indices = @transform_4, window_bounds = array<i64: 64, 128>}]} {
    %get3A = arith.constant 0 : index
    %get3A_0 = arith.constant 0 : index
    %get3A_1 = arith.constant 0 : index
    %get3A_2 = vector.load %arg3[%get3A, %get3A_0, %get3A_1] : memref<1x256x8192xf32, #tpu.memory_space<vmem>>, vector<1x256x8192xf32>
    %get3A_3 = vector.shape_cast %get3A_2 : vector<1x256x8192xf32> to vector<256x8192xf32>
    %broadcast_in_dim3A = arith.constant 1.000000e+00 : f32
    %broadcast_in_dim3A_4 = vector.broadcast %broadcast_in_dim3A : f32 to vector<8192xf32>
    %dot_general3A = arith.constant dense<0.000000e+00> : vector<256xf32>
    %dot_general3A_5 = tpu.matmul %get3A_3, %broadcast_in_dim3A_4, %dot_general3A {dimension_numbers = #tpu.dot_dimension_numbers<[1], [0], [0], [], [0, 0], [], []>, transpose_lhs_hint = false} : vector<256x8192xf32>, vector<8192xf32>, vector<256xf32> -> vector<256xf32>
    %reshape3A = vector.shape_cast %dot_general3A_5 : vector<256xf32> to vector<2x128xf32>
    %mul3A = arith.constant 2 : i32
    %mul3A_6 = arith.muli %arg0, %mul3A : i32
    %swap3A = arith.index_cast %mul3A_6 : i32 to index
    %swap3A_7 = arith.constant 0 : index
    %swap3A_8 = vector.load %arg4[%swap3A, %swap3A_7] : memref<48x128xf32, #tpu.memory_space<vmem>>, vector<2x128xf32>
    tpu.vector_store %arg4[%swap3A, %swap3A_7], %reshape3A {strides = array<i32>} : memref<48x128xf32, #tpu.memory_space<vmem>>, vector<2x128xf32>,
    %iota3A = tpu.iota {dimensions = array<i32: 0>} : vector<64x128xi32>
    %mul3A_9 = arith.constant 128 : i32
    %mul3A_10 = vector.broadcast %mul3A_9 : i32 to vector<64x128xi32>
    %mul3A_11 = arith.muli %iota3A, %mul3A_10 : vector<64x128xi32>
    %iota3A_12 = tpu.iota {dimensions = array<i32: 1>} : vector<64x128xi32>
    %add3A = arith.addi %mul3A_11, %iota3A_12 : vector<64x128xi32>
    %iota3A_13 = tpu.iota {dimensions = array<i32: 0>} : vector<128x64xi32>
    %iota3A_14 = tpu.iota {dimensions = array<i32: 1>} : vector<128x64xi32>
    %mul3A_15 = arith.constant 128 : i32
    %mul3A_16 = vector.broadcast %mul3A_15 : i32 to vector<128x64xi32>
    %mul3A_17 = arith.muli %iota3A_14, %mul3A_16 : vector<128x64xi32>
    %add3A_18 = arith.addi %iota3A_13, %mul3A_17 : vector<128x64xi32>
    %iota3A_19 = tpu.iota {dimensions = array<i32: 0>} : vector<64x128xi32>
    %iota3A_20 = tpu.iota {dimensions = array<i32: 0>} : vector<128x64xi32>
    %eq3A = arith.constant 0 : i32
    %eq3A_21 = arith.cmpi eq, %arg0, %eq3A : i32
    %convert_element_type3A = arith.extui %eq3A_21 : i1 to i32
    %cond3A = arith.constant 0 : i32
    %cond3A_22 = arith.cmpi ne, %convert_element_type3A, %cond3A : i32
    scf.if %cond3A_22 {
      %get3A_93 = arith.constant 0 : index
      %get3A_94 = arith.constant 0 : index
      %get3A_95 = vector.load %arg1[%get3A_93, %get3A_94] : memref<64x128xf32, #tpu.memory_space<vmem>>, vector<64x128xf32>
      %transpose3A = tpu.transpose %get3A_95, [1, 0] : vector<64x128xf32> -> vector<128x64xf32>
      %swap3A_96 = arith.constant 0 : index
      %swap3A_97 = arith.constant 0 : index
      %swap3A_98 = vector.load %arg6[%swap3A_96, %swap3A_97] : memref<128x64xf32, #tpu.memory_space<vmem>>, vector<128x64xf32>
      tpu.vector_store %arg6[%swap3A_96, %swap3A_97], %transpose3A {strides = array<i32>} : memref<128x64xf32, #tpu.memory_space<vmem>>, vector<128x64xf32>,
    } else {
    }
    %eq3A_23 = arith.constant 0 : i32
    %eq3A_24 = arith.cmpi eq, %arg0, %eq3A_23 : i32
    %convert_element_type3A_25 = arith.extui %eq3A_24 : i1 to i32
    %cond3A_26 = arith.constant 0 : i32
    %cond3A_27 = arith.cmpi ne, %convert_element_type3A_25, %cond3A_26 : i32
    scf.if %cond3A_27 {
      %get3A_93 = arith.constant 0 : index
      %get3A_94 = arith.constant 0 : index
      %get3A_95 = vector.load %arg6[%get3A_93, %get3A_94] : memref<128x64xf32, #tpu.memory_space<vmem>>, vector<128x64xf32>
      %slice3A = vector.extract_strided_slice %get3A_95 {offsets = [1, 0], sizes = [127, 64], strides = [1, 1]} : vector<128x64xf32> to vector<127x64xf32>
      %slice3A_96 = vector.extract_strided_slice %get3A_95 {offsets = [0, 0], sizes = [1, 64], strides = [1, 1]} : vector<128x64xf32> to vector<1x64xf32>
      %concatenate3A = tpu.concatenate %slice3A, %slice3A_96 in 0 : vector<127x64xf32>, vector<1x64xf32> -> vector<128x64xf32>
      %slice3A_97 = vector.extract_strided_slice %get3A_95 {offsets = [127, 0], sizes = [1, 64], strides = [1, 1]} : vector<128x64xf32> to vector<1x64xf32>
      %slice3A_98 = vector.extract_strided_slice %get3A_95 {offsets = [0, 0], sizes = [127, 64], strides = [1, 1]} : vector<128x64xf32> to vector<127x64xf32>
      %concatenate3A_99 = tpu.concatenate %slice3A_97, %slice3A_98 in 0 : vector<1x64xf32>, vector<127x64xf32> -> vector<128x64xf32>
      %and3A = arith.constant 1 : i32
      %and3A_100 = vector.broadcast %and3A : i32 to vector<128x64xi32>
      %and3A_101 = arith.andi %iota3A_20, %and3A_100 : vector<128x64xi32>
      %eq3A_102 = arith.constant 0 : i32
      %eq3A_103 = vector.broadcast %eq3A_102 : i32 to vector<128x64xi32>
      %eq3A_104 = arith.cmpi eq, %and3A_101, %eq3A_103 : vector<128x64xi32>
      %select_n3A = arith.select %eq3A_104, %concatenate3A, %concatenate3A_99 : vector<128x64xi1>, vector<128x64xf32>
      %min3A = arith.minimumf %get3A_95, %select_n3A : vector<128x64xf32>
      %max3A = arith.maximumf %get3A_95, %select_n3A : vector<128x64xf32>
      %and3A_105 = arith.constant 2 : i32
      %and3A_106 = vector.broadcast %and3A_105 : i32 to vector<128x64xi32>
      %and3A_107 = arith.andi %add3A_18, %and3A_106 : vector<128x64xi32>
      %eq3A_108 = arith.constant 0 : i32
      %eq3A_109 = vector.broadcast %eq3A_108 : i32 to vector<128x64xi32>
      %eq3A_110 = arith.cmpi eq, %and3A_107, %eq3A_109 : vector<128x64xi32>
      %eq3A_111 = arith.xori %eq3A_110, %eq3A_104 : vector<128x64xi1>
      %eq3A_112 = arith.constant dense<true> : vector<128x64xi1>
      %eq3A_113 = arith.xori %eq3A_111, %eq3A_112 : vector<128x64xi1>
      %select_n3A_114 = arith.select %eq3A_113, %min3A, %max3A : vector<128x64xi1>, vector<128x64xf32>
      %swap3A_115 = arith.constant 0 : index
      %swap3A_116 = arith.constant 0 : index
      %swap3A_117 = vector.load %arg6[%swap3A_115, %swap3A_116] : memref<128x64xf32, #tpu.memory_space<vmem>>, vector<128x64xf32>
      tpu.vector_store %arg6[%swap3A_115, %swap3A_116], %select_n3A_114 {strides = array<i32>} : memref<128x64xf32, #tpu.memory_space<vmem>>, vector<128x64xf32>,
    } else {
    }
    %eq3A_28 = arith.constant 1 : i32
    %eq3A_29 = arith.cmpi eq, %arg0, %eq3A_28 : i32
    %convert_element_type3A_30 = arith.extui %eq3A_29 : i1 to i32
    %cond3A_31 = arith.constant 0 : i32
    %cond3A_32 = arith.cmpi ne, %convert_element_type3A_30, %cond3A_31 : i32
    scf.if %cond3A_32 {
      %get3A_93 = arith.constant 0 : index
      %get3A_94 = arith.constant 0 : index
      %get3A_95 = vector.load %arg6[%get3A_93, %get3A_94] : memref<128x64xf32, #tpu.memory_space<vmem>>, vector<128x64xf32>
      %slice3A = vector.extract_strided_slice %get3A_95 {offsets = [2, 0], sizes = [126, 64], strides = [1, 1]} : vector<128x64xf32> to vector<126x64xf32>
      %slice3A_96 = vector.extract_strided_slice %get3A_95 {offsets = [0, 0], sizes = [2, 64], strides = [1, 1]} : vector<128x64xf32> to vector<2x64xf32>
      %concatenate3A = tpu.concatenate %slice3A, %slice3A_96 in 0 : vector<126x64xf32>, vector<2x64xf32> -> vector<128x64xf32>
      %slice3A_97 = vector.extract_strided_slice %get3A_95 {offsets = [126, 0], sizes = [2, 64], strides = [1, 1]} : vector<128x64xf32> to vector<2x64xf32>
      %slice3A_98 = vector.extract_strided_slice %get3A_95 {offsets = [0, 0], sizes = [126, 64], strides = [1, 1]} : vector<128x64xf32> to vector<126x64xf32>
      %concatenate3A_99 = tpu.concatenate %slice3A_97, %slice3A_98 in 0 : vector<2x64xf32>, vector<126x64xf32> -> vector<128x64xf32>
      %and3A = arith.constant 2 : i32
      %and3A_100 = vector.broadcast %and3A : i32 to vector<128x64xi32>
      %and3A_101 = arith.andi %iota3A_20, %and3A_100 : vector<128x64xi32>
      %eq3A_102 = arith.constant 0 : i32
      %eq3A_103 = vector.broadcast %eq3A_102 : i32 to vector<128x64xi32>
      %eq3A_104 = arith.cmpi eq, %and3A_101, %eq3A_103 : vector<128x64xi32>
      %select_n3A = arith.select %eq3A_104, %concatenate3A, %concatenate3A_99 : vector<128x64xi1>, vector<128x64xf32>
      %min3A = arith.minimumf %get3A_95, %select_n3A : vector<128x64xf32>
      %max3A = arith.maximumf %get3A_95, %select_n3A : vector<128x64xf32>
      %and3A_105 = arith.constant 4 : i32
      %and3A_106 = vector.broadcast %and3A_105 : i32 to vector<128x64xi32>
      %and3A_107 = arith.andi %add3A_18, %and3A_106 : vector<128x64xi32>
      %eq3A_108 = arith.constant 0 : i32
      %eq3A_109 = vector.broadcast %eq3A_108 : i32 to vector<128x64xi32>
      %eq3A_110 = arith.cmpi eq, %and3A_107, %eq3A_109 : vector<128x64xi32>
      %eq3A_111 = arith.xori %eq3A_110, %eq3A_104 : vector<128x64xi1>
      %eq3A_112 = arith.constant dense<true> : vector<128x64xi1>
      %eq3A_113 = arith.xori %eq3A_111, %eq3A_112 : vector<128x64xi1>
      %select_n3A_114 = arith.select %eq3A_113, %min3A, %max3A : vector<128x64xi1>, vector<128x64xf32>
      %slice3A_115 = vector.extract_strided_slice %select_n3A_114 {offsets = [1, 0], sizes = [127, 64], strides = [1, 1]} : vector<128x64xf32> to vector<127x64xf32>
      %slice3A_116 = vector.extract_strided_slice %select_n3A_114 {offsets = [0, 0], sizes = [1, 64], strides = [1, 1]} : vector<128x64xf32> to vector<1x64xf32>
      %concatenate3A_117 = tpu.concatenate %slice3A_115, %slice3A_116 in 0 : vector<127x64xf32>, vector<1x64xf32> -> vector<128x64xf32>
      %slice3A_118 = vector.extract_strided_slice %select_n3A_114 {offsets = [127, 0], sizes = [1, 64], strides = [1, 1]} : vector<128x64xf32> to vector<1x64xf32>
      %slice3A_119 = vector.extract_strided_slice %select_n3A_114 {offsets = [0, 0], sizes = [127, 64], strides = [1, 1]} : vector<128x64xf32> to vector<127x64xf32>
      %concatenate3A_120 = tpu.concatenate %slice3A_118, %slice3A_119 in 0 : vector<1x64xf32>, vector<127x64xf32> -> vector<128x64xf32>
      %and3A_121 = arith.constant 1 : i32
      %and3A_122 = vector.broadcast %and3A_121 : i32 to vector<128x64xi32>
      %and3A_123 = arith.andi %iota3A_20, %and3A_122 : vector<128x64xi32>
      %eq3A_124 = arith.constant 0 : i32
      %eq3A_125 = vector.broadcast %eq3A_124 : i32 to vector<128x64xi32>
      %eq3A_126 = arith.cmpi eq, %and3A_123, %eq3A_125 : vector<128x64xi32>
      %select_n3A_127 = arith.select %eq3A_126, %concatenate3A_117, %concatenate3A_120 : vector<128x64xi1>, vector<128x64xf32>
      %min3A_128 = arith.minimumf %select_n3A_114, %select_n3A_127 : vector<128x64xf32>
      %max3A_129 = arith.maximumf %select_n3A_114, %select_n3A_127 : vector<128x64xf32>
      %and3A_130 = arith.constant 4 : i32
      %and3A_131 = vector.broadcast %and3A_130 : i32 to vector<128x64xi32>
      %and3A_132 = arith.andi %add3A_18, %and3A_131 : vector<128x64xi32>
      %eq3A_133 = arith.constant 0 : i32
      %eq3A_134 = vector.broadcast %eq3A_133 : i32 to vector<128x64xi32>
      %eq3A_135 = arith.cmpi eq, %and3A_132, %eq3A_134 : vector<128x64xi32>
      %eq3A_136 = arith.xori %eq3A_135, %eq3A_126 : vector<128x64xi1>
      %eq3A_137 = arith.constant dense<true> : vector<128x64xi1>
      %eq3A_138 = arith.xori %eq3A_136, %eq3A_137 : vector<128x64xi1>
      %select_n3A_139 = arith.select %eq3A_138, %min3A_128, %max3A_129 : vector<128x64xi1>, vector<128x64xf32>
      %swap3A_140 = arith.constant 0 : index
      %swap3A_141 = arith.constant 0 : index
      %swap3A_142 = vector.load %arg6[%swap3A_140, %swap3A_141] : memref<128x64xf32, #tpu.memory_space<vmem>>, vector<128x64xf32>
      tpu.vector_store %arg6[%swap3A_140, %swap3A_141], %select_n3A_139 {strides = array<i32>} : memref<128x64xf32, #tpu.memory_space<vmem>>, vector<128x64xf32>,
    } else {
    }
    %eq3A_33 = arith.constant 2 : i32
    %eq3A_34 = arith.cmpi eq, %arg0, %eq3A_33 : i32
    %convert_element_type3A_35 = arith.extui %eq3A_34 : i1 to i32
    %cond3A_36 = arith.constant 0 : i32
    %cond3A_37 = arith.cmpi ne, %convert_element_type3A_35, %cond3A_36 : i32
    scf.if %cond3A_37 {
      %get3A_93 = arith.constant 0 : index
      %get3A_94 = arith.constant 0 : index
      %get3A_95 = vector.load %arg6[%get3A_93, %get3A_94] : memref<128x64xf32, #tpu.memory_space<vmem>>, vector<128x64xf32>
      %slice3A = vector.extract_strided_slice %get3A_95 {offsets = [4, 0], sizes = [124, 64], strides = [1, 1]} : vector<128x64xf32> to vector<124x64xf32>
      %slice3A_96 = vector.extract_strided_slice %get3A_95 {offsets = [0, 0], sizes = [4, 64], strides = [1, 1]} : vector<128x64xf32> to vector<4x64xf32>
      %concatenate3A = tpu.concatenate %slice3A, %slice3A_96 in 0 : vector<124x64xf32>, vector<4x64xf32> -> vector<128x64xf32>
      %slice3A_97 = vector.extract_strided_slice %get3A_95 {offsets = [124, 0], sizes = [4, 64], strides = [1, 1]} : vector<128x64xf32> to vector<4x64xf32>
      %slice3A_98 = vector.extract_strided_slice %get3A_95 {offsets = [0, 0], sizes = [124, 64], strides = [1, 1]} : vector<128x64xf32> to vector<124x64xf32>
      %concatenate3A_99 = tpu.concatenate %slice3A_97, %slice3A_98 in 0 : vector<4x64xf32>, vector<124x64xf32> -> vector<128x64xf32>
      %and3A = arith.constant 4 : i32
      %and3A_100 = vector.broadcast %and3A : i32 to vector<128x64xi32>
      %and3A_101 = arith.andi %iota3A_20, %and3A_100 : vector<128x64xi32>
      %eq3A_102 = arith.constant 0 : i32
      %eq3A_103 = vector.broadcast %eq3A_102 : i32 to vector<128x64xi32>
      %eq3A_104 = arith.cmpi eq, %and3A_101, %eq3A_103 : vector<128x64xi32>
      %select_n3A = arith.select %eq3A_104, %concatenate3A, %concatenate3A_99 : vector<128x64xi1>, vector<128x64xf32>
      %min3A = arith.minimumf %get3A_95, %select_n3A : vector<128x64xf32>
      %max3A = arith.maximumf %get3A_95, %select_n3A : vector<128x64xf32>
      %and3A_105 = arith.constant 8 : i32
      %and3A_106 = vector.broadcast %and3A_105 : i32 to vector<128x64xi32>
      %and3A_107 = arith.andi %add3A_18, %and3A_106 : vector<128x64xi32>
      %eq3A_108 = arith.constant 0 : i32
      %eq3A_109 = vector.broadcast %eq3A_108 : i32 to vector<128x64xi32>
      %eq3A_110 = arith.cmpi eq, %and3A_107, %eq3A_109 : vector<128x64xi32>
      %eq3A_111 = arith.xori %eq3A_110, %eq3A_104 : vector<128x64xi1>
      %eq3A_112 = arith.constant dense<true> : vector<128x64xi1>
      %eq3A_113 = arith.xori %eq3A_111, %eq3A_112 : vector<128x64xi1>
      %select_n3A_114 = arith.select %eq3A_113, %min3A, %max3A : vector<128x64xi1>, vector<128x64xf32>
      %slice3A_115 = vector.extract_strided_slice %select_n3A_114 {offsets = [2, 0], sizes = [126, 64], strides = [1, 1]} : vector<128x64xf32> to vector<126x64xf32>
      %slice3A_116 = vector.extract_strided_slice %select_n3A_114 {offsets = [0, 0], sizes = [2, 64], strides = [1, 1]} : vector<128x64xf32> to vector<2x64xf32>
      %concatenate3A_117 = tpu.concatenate %slice3A_115, %slice3A_116 in 0 : vector<126x64xf32>, vector<2x64xf32> -> vector<128x64xf32>
      %slice3A_118 = vector.extract_strided_slice %select_n3A_114 {offsets = [126, 0], sizes = [2, 64], strides = [1, 1]} : vector<128x64xf32> to vector<2x64xf32>
      %slice3A_119 = vector.extract_strided_slice %select_n3A_114 {offsets = [0, 0], sizes = [126, 64], strides = [1, 1]} : vector<128x64xf32> to vector<126x64xf32>
      %concatenate3A_120 = tpu.concatenate %slice3A_118, %slice3A_119 in 0 : vector<2x64xf32>, vector<126x64xf32> -> vector<128x64xf32>
      %and3A_121 = arith.constant 2 : i32
      %and3A_122 = vector.broadcast %and3A_121 : i32 to vector<128x64xi32>
      %and3A_123 = arith.andi %iota3A_20, %and3A_122 : vector<128x64xi32>
      %eq3A_124 = arith.constant 0 : i32
      %eq3A_125 = vector.broadcast %eq3A_124 : i32 to vector<128x64xi32>
      %eq3A_126 = arith.cmpi eq, %and3A_123, %eq3A_125 : vector<128x64xi32>
      %select_n3A_127 = arith.select %eq3A_126, %concatenate3A_117, %concatenate3A_120 : vector<128x64xi1>, vector<128x64xf32>
      %min3A_128 = arith.minimumf %select_n3A_114, %select_n3A_127 : vector<128x64xf32>
      %max3A_129 = arith.maximumf %select_n3A_114, %select_n3A_127 : vector<128x64xf32>
      %and3A_130 = arith.constant 8 : i32
      %and3A_131 = vector.broadcast %and3A_130 : i32 to vector<128x64xi32>
      %and3A_132 = arith.andi %add3A_18, %and3A_131 : vector<128x64xi32>
      %eq3A_133 = arith.constant 0 : i32
      %eq3A_134 = vector.broadcast %eq3A_133 : i32 to vector<128x64xi32>
      %eq3A_135 = arith.cmpi eq, %and3A_132, %eq3A_134 : vector<128x64xi32>
      %eq3A_136 = arith.xori %eq3A_135, %eq3A_126 : vector<128x64xi1>
      %eq3A_137 = arith.constant dense<true> : vector<128x64xi1>
      %eq3A_138 = arith.xori %eq3A_136, %eq3A_137 : vector<128x64xi1>
      %select_n3A_139 = arith.select %eq3A_138, %min3A_128, %max3A_129 : vector<128x64xi1>, vector<128x64xf32>
      %slice3A_140 = vector.extract_strided_slice %select_n3A_139 {offsets = [1, 0], sizes = [127, 64], strides = [1, 1]} : vector<128x64xf32> to vector<127x64xf32>
      %slice3A_141 = vector.extract_strided_slice %select_n3A_139 {offsets = [0, 0], sizes = [1, 64], strides = [1, 1]} : vector<128x64xf32> to vector<1x64xf32>
      %concatenate3A_142 = tpu.concatenate %slice3A_140, %slice3A_141 in 0 : vector<127x64xf32>, vector<1x64xf32> -> vector<128x64xf32>
      %slice3A_143 = vector.extract_strided_slice %select_n3A_139 {offsets = [127, 0], sizes = [1, 64], strides = [1, 1]} : vector<128x64xf32> to vector<1x64xf32>
      %slice3A_144 = vector.extract_strided_slice %select_n3A_139 {offsets = [0, 0], sizes = [127, 64], strides = [1, 1]} : vector<128x64xf32> to vector<127x64xf32>
      %concatenate3A_145 = tpu.concatenate %slice3A_143, %slice3A_144 in 0 : vector<1x64xf32>, vector<127x64xf32> -> vector<128x64xf32>
      %and3A_146 = arith.constant 1 : i32
      %and3A_147 = vector.broadcast %and3A_146 : i32 to vector<128x64xi32>
      %and3A_148 = arith.andi %iota3A_20, %and3A_147 : vector<128x64xi32>
      %eq3A_149 = arith.constant 0 : i32
      %eq3A_150 = vector.broadcast %eq3A_149 : i32 to vector<128x64xi32>
      %eq3A_151 = arith.cmpi eq, %and3A_148, %eq3A_150 : vector<128x64xi32>
      %select_n3A_152 = arith.select %eq3A_151, %concatenate3A_142, %concatenate3A_145 : vector<128x64xi1>, vector<128x64xf32>
      %min3A_153 = arith.minimumf %select_n3A_139, %select_n3A_152 : vector<128x64xf32>
      %max3A_154 = arith.maximumf %select_n3A_139, %select_n3A_152 : vector<128x64xf32>
      %and3A_155 = arith.constant 8 : i32
      %and3A_156 = vector.broadcast %and3A_155 : i32 to vector<128x64xi32>
      %and3A_157 = arith.andi %add3A_18, %and3A_156 : vector<128x64xi32>
      %eq3A_158 = arith.constant 0 : i32
      %eq3A_159 = vector.broadcast %eq3A_158 : i32 to vector<128x64xi32>
      %eq3A_160 = arith.cmpi eq, %and3A_157, %eq3A_159 : vector<128x64xi32>
      %eq3A_161 = arith.xori %eq3A_160, %eq3A_151 : vector<128x64xi1>
      %eq3A_162 = arith.constant dense<true> : vector<128x64xi1>
      %eq3A_163 = arith.xori %eq3A_161, %eq3A_162 : vector<128x64xi1>
      %select_n3A_164 = arith.select %eq3A_163, %min3A_153, %max3A_154 : vector<128x64xi1>, vector<128x64xf32>
      %swap3A_165 = arith.constant 0 : index
      %swap3A_166 = arith.constant 0 : index
      %swap3A_167 = vector.load %arg6[%swap3A_165, %swap3A_166] : memref<128x64xf32, #tpu.memory_space<vmem>>, vector<128x64xf32>
      tpu.vector_store %arg6[%swap3A_165, %swap3A_166], %select_n3A_164 {strides = array<i32>} : memref<128x64xf32, #tpu.memory_space<vmem>>, vector<128x64xf32>,
    } else {
    }
    %eq3A_38 = arith.constant 3 : i32
    %eq3A_39 = arith.cmpi eq, %arg0, %eq3A_38 : i32
    %convert_element_type3A_40 = arith.extui %eq3A_39 : i1 to i32
    %cond3A_41 = arith.constant 0 : i32
    %cond3A_42 = arith.cmpi ne, %convert_element_type3A_40, %cond3A_41 : i32
    scf.if %cond3A_42 {
      %get3A_93 = arith.constant 0 : index
      %get3A_94 = arith.constant 0 : index
      %get3A_95 = vector.load %arg6[%get3A_93, %get3A_94] : memref<128x64xf32, #tpu.memory_space<vmem>>, vector<128x64xf32>
      %slice3A = vector.extract_strided_slice %get3A_95 {offsets = [8, 0], sizes = [120, 64], strides = [1, 1]} : vector<128x64xf32> to vector<120x64xf32>
      %slice3A_96 = vector.extract_strided_slice %get3A_95 {offsets = [0, 0], sizes = [8, 64], strides = [1, 1]} : vector<128x64xf32> to vector<8x64xf32>
      %concatenate3A = tpu.concatenate %slice3A, %slice3A_96 in 0 : vector<120x64xf32>, vector<8x64xf32> -> vector<128x64xf32>
      %slice3A_97 = vector.extract_strided_slice %get3A_95 {offsets = [120, 0], sizes = [8, 64], strides = [1, 1]} : vector<128x64xf32> to vector<8x64xf32>
      %slice3A_98 = vector.extract_strided_slice %get3A_95 {offsets = [0, 0], sizes = [120, 64], strides = [1, 1]} : vector<128x64xf32> to vector<120x64xf32>
      %concatenate3A_99 = tpu.concatenate %slice3A_97, %slice3A_98 in 0 : vector<8x64xf32>, vector<120x64xf32> -> vector<128x64xf32>
      %and3A = arith.constant 8 : i32
      %and3A_100 = vector.broadcast %and3A : i32 to vector<128x64xi32>
      %and3A_101 = arith.andi %iota3A_20, %and3A_100 : vector<128x64xi32>
      %eq3A_102 = arith.constant 0 : i32
      %eq3A_103 = vector.broadcast %eq3A_102 : i32 to vector<128x64xi32>
      %eq3A_104 = arith.cmpi eq, %and3A_101, %eq3A_103 : vector<128x64xi32>
      %select_n3A = arith.select %eq3A_104, %concatenate3A, %concatenate3A_99 : vector<128x64xi1>, vector<128x64xf32>
      %min3A = arith.minimumf %get3A_95, %select_n3A : vector<128x64xf32>
      %max3A = arith.maximumf %get3A_95, %select_n3A : vector<128x64xf32>
      %and3A_105 = arith.constant 16 : i32
      %and3A_106 = vector.broadcast %and3A_105 : i32 to vector<128x64xi32>
      %and3A_107 = arith.andi %add3A_18, %and3A_106 : vector<128x64xi32>
      %eq3A_108 = arith.constant 0 : i32
      %eq3A_109 = vector.broadcast %eq3A_108 : i32 to vector<128x64xi32>
      %eq3A_110 = arith.cmpi eq, %and3A_107, %eq3A_109 : vector<128x64xi32>
      %eq3A_111 = arith.xori %eq3A_110, %eq3A_104 : vector<128x64xi1>
      %eq3A_112 = arith.constant dense<true> : vector<128x64xi1>
      %eq3A_113 = arith.xori %eq3A_111, %eq3A_112 : vector<128x64xi1>
      %select_n3A_114 = arith.select %eq3A_113, %min3A, %max3A : vector<128x64xi1>, vector<128x64xf32>
      %slice3A_115 = vector.extract_strided_slice %select_n3A_114 {offsets = [4, 0], sizes = [124, 64], strides = [1, 1]} : vector<128x64xf32> to vector<124x64xf32>
      %slice3A_116 = vector.extract_strided_slice %select_n3A_114 {offsets = [0, 0], sizes = [4, 64], strides = [1, 1]} : vector<128x64xf32> to vector<4x64xf32>
      %concatenate3A_117 = tpu.concatenate %slice3A_115, %slice3A_116 in 0 : vector<124x64xf32>, vector<4x64xf32> -> vector<128x64xf32>
      %slice3A_118 = vector.extract_strided_slice %select_n3A_114 {offsets = [124, 0], sizes = [4, 64], strides = [1, 1]} : vector<128x64xf32> to vector<4x64xf32>
      %slice3A_119 = vector.extract_strided_slice %select_n3A_114 {offsets = [0, 0], sizes = [124, 64], strides = [1, 1]} : vector<128x64xf32> to vector<124x64xf32>
      %concatenate3A_120 = tpu.concatenate %slice3A_118, %slice3A_119 in 0 : vector<4x64xf32>, vector<124x64xf32> -> vector<128x64xf32>
      %and3A_121 = arith.constant 4 : i32
      %and3A_122 = vector.broadcast %and3A_121 : i32 to vector<128x64xi32>
      %and3A_123 = arith.andi %iota3A_20, %and3A_122 : vector<128x64xi32>
      %eq3A_124 = arith.constant 0 : i32
      %eq3A_125 = vector.broadcast %eq3A_124 : i32 to vector<128x64xi32>
      %eq3A_126 = arith.cmpi eq, %and3A_123, %eq3A_125 : vector<128x64xi32>
      %select_n3A_127 = arith.select %eq3A_126, %concatenate3A_117, %concatenate3A_120 : vector<128x64xi1>, vector<128x64xf32>
      %min3A_128 = arith.minimumf %select_n3A_114, %select_n3A_127 : vector<128x64xf32>
      %max3A_129 = arith.maximumf %select_n3A_114, %select_n3A_127 : vector<128x64xf32>
      %and3A_130 = arith.constant 16 : i32
      %and3A_131 = vector.broadcast %and3A_130 : i32 to vector<128x64xi32>
      %and3A_132 = arith.andi %add3A_18, %and3A_131 : vector<128x64xi32>
      %eq3A_133 = arith.constant 0 : i32
      %eq3A_134 = vector.broadcast %eq3A_133 : i32 to vector<128x64xi32>
      %eq3A_135 = arith.cmpi eq, %and3A_132, %eq3A_134 : vector<128x64xi32>
      %eq3A_136 = arith.xori %eq3A_135, %eq3A_126 : vector<128x64xi1>
      %eq3A_137 = arith.constant dense<true> : vector<128x64xi1>
      %eq3A_138 = arith.xori %eq3A_136, %eq3A_137 : vector<128x64xi1>
      %select_n3A_139 = arith.select %eq3A_138, %min3A_128, %max3A_129 : vector<128x64xi1>, vector<128x64xf32>
      %slice3A_140 = vector.extract_strided_slice %select_n3A_139 {offsets = [2, 0], sizes = [126, 64], strides = [1, 1]} : vector<128x64xf32> to vector<126x64xf32>
      %slice3A_141 = vector.extract_strided_slice %select_n3A_139 {offsets = [0, 0], sizes = [2, 64], strides = [1, 1]} : vector<128x64xf32> to vector<2x64xf32>
      %concatenate3A_142 = tpu.concatenate %slice3A_140, %slice3A_141 in 0 : vector<126x64xf32>, vector<2x64xf32> -> vector<128x64xf32>
      %slice3A_143 = vector.extract_strided_slice %select_n3A_139 {offsets = [126, 0], sizes = [2, 64], strides = [1, 1]} : vector<128x64xf32> to vector<2x64xf32>
      %slice3A_144 = vector.extract_strided_slice %select_n3A_139 {offsets = [0, 0], sizes = [126, 64], strides = [1, 1]} : vector<128x64xf32> to vector<126x64xf32>
      %concatenate3A_145 = tpu.concatenate %slice3A_143, %slice3A_144 in 0 : vector<2x64xf32>, vector<126x64xf32> -> vector<128x64xf32>
      %and3A_146 = arith.constant 2 : i32
      %and3A_147 = vector.broadcast %and3A_146 : i32 to vector<128x64xi32>
      %and3A_148 = arith.andi %iota3A_20, %and3A_147 : vector<128x64xi32>
      %eq3A_149 = arith.constant 0 : i32
      %eq3A_150 = vector.broadcast %eq3A_149 : i32 to vector<128x64xi32>
      %eq3A_151 = arith.cmpi eq, %and3A_148, %eq3A_150 : vector<128x64xi32>
      %select_n3A_152 = arith.select %eq3A_151, %concatenate3A_142, %concatenate3A_145 : vector<128x64xi1>, vector<128x64xf32>
      %min3A_153 = arith.minimumf %select_n3A_139, %select_n3A_152 : vector<128x64xf32>
      %max3A_154 = arith.maximumf %select_n3A_139, %select_n3A_152 : vector<128x64xf32>
      %and3A_155 = arith.constant 16 : i32
      %and3A_156 = vector.broadcast %and3A_155 : i32 to vector<128x64xi32>
      %and3A_157 = arith.andi %add3A_18, %and3A_156 : vector<128x64xi32>
      %eq3A_158 = arith.constant 0 : i32
      %eq3A_159 = vector.broadcast %eq3A_158 : i32 to vector<128x64xi32>
      %eq3A_160 = arith.cmpi eq, %and3A_157, %eq3A_159 : vector<128x64xi32>
      %eq3A_161 = arith.xori %eq3A_160, %eq3A_151 : vector<128x64xi1>
      %eq3A_162 = arith.constant dense<true> : vector<128x64xi1>
      %eq3A_163 = arith.xori %eq3A_161, %eq3A_162 : vector<128x64xi1>
      %select_n3A_164 = arith.select %eq3A_163, %min3A_153, %max3A_154 : vector<128x64xi1>, vector<128x64xf32>
      %slice3A_165 = vector.extract_strided_slice %select_n3A_164 {offsets = [1, 0], sizes = [127, 64], strides = [1, 1]} : vector<128x64xf32> to vector<127x64xf32>
      %slice3A_166 = vector.extract_strided_slice %select_n3A_164 {offsets = [0, 0], sizes = [1, 64], strides = [1, 1]} : vector<128x64xf32> to vector<1x64xf32>
      %concatenate3A_167 = tpu.concatenate %slice3A_165, %slice3A_166 in 0 : vector<127x64xf32>, vector<1x64xf32> -> vector<128x64xf32>
      %slice3A_168 = vector.extract_strided_slice %select_n3A_164 {offsets = [127, 0], sizes = [1, 64], strides = [1, 1]} : vector<128x64xf32> to vector<1x64xf32>
      %slice3A_169 = vector.extract_strided_slice %select_n3A_164 {offsets = [0, 0], sizes = [127, 64], strides = [1, 1]} : vector<128x64xf32> to vector<127x64xf32>
      %concatenate3A_170 = tpu.concatenate %slice3A_168, %slice3A_169 in 0 : vector<1x64xf32>, vector<127x64xf32> -> vector<128x64xf32>
      %and3A_171 = arith.constant 1 : i32
      %and3A_172 = vector.broadcast %and3A_171 : i32 to vector<128x64xi32>
      %and3A_173 = arith.andi %iota3A_20, %and3A_172 : vector<128x64xi32>
      %eq3A_174 = arith.constant 0 : i32
      %eq3A_175 = vector.broadcast %eq3A_174 : i32 to vector<128x64xi32>
      %eq3A_176 = arith.cmpi eq, %and3A_173, %eq3A_175 : vector<128x64xi32>
      %select_n3A_177 = arith.select %eq3A_176, %concatenate3A_167, %concatenate3A_170 : vector<128x64xi1>, vector<128x64xf32>
      %min3A_178 = arith.minimumf %select_n3A_164, %select_n3A_177 : vector<128x64xf32>
      %max3A_179 = arith.maximumf %select_n3A_164, %select_n3A_177 : vector<128x64xf32>
      %and3A_180 = arith.constant 16 : i32
      %and3A_181 = vector.broadcast %and3A_180 : i32 to vector<128x64xi32>
      %and3A_182 = arith.andi %add3A_18, %and3A_181 : vector<128x64xi32>
      %eq3A_183 = arith.constant 0 : i32
      %eq3A_184 = vector.broadcast %eq3A_183 : i32 to vector<128x64xi32>
      %eq3A_185 = arith.cmpi eq, %and3A_182, %eq3A_184 : vector<128x64xi32>
      %eq3A_186 = arith.xori %eq3A_185, %eq3A_176 : vector<128x64xi1>
      %eq3A_187 = arith.constant dense<true> : vector<128x64xi1>
      %eq3A_188 = arith.xori %eq3A_186, %eq3A_187 : vector<128x64xi1>
      %select_n3A_189 = arith.select %eq3A_188, %min3A_178, %max3A_179 : vector<128x64xi1>, vector<128x64xf32>
      %swap3A_190 = arith.constant 0 : index
      %swap3A_191 = arith.constant 0 : index
      %swap3A_192 = vector.load %arg6[%swap3A_190, %swap3A_191] : memref<128x64xf32, #tpu.memory_space<vmem>>, vector<128x64xf32>
      tpu.vector_store %arg6[%swap3A_190, %swap3A_191], %select_n3A_189 {strides = array<i32>} : memref<128x64xf32, #tpu.memory_space<vmem>>, vector<128x64xf32>,
    } else {
    }
    %eq3A_43 = arith.constant 4 : i32
    %eq3A_44 = arith.cmpi eq, %arg0, %eq3A_43 : i32
    %convert_element_type3A_45 = arith.extui %eq3A_44 : i1 to i32
    %cond3A_46 = arith.constant 0 : i32
    %cond3A_47 = arith.cmpi ne, %convert_element_type3A_45, %cond3A_46 : i32
    scf.if %cond3A_47 {
      %get3A_93 = arith.constant 0 : index
      %get3A_94 = arith.constant 0 : index
      %get3A_95 = vector.load %arg6[%get3A_93, %get3A_94] : memref<128x64xf32, #tpu.memory_space<vmem>>, vector<128x64xf32>
      %slice3A = vector.extract_strided_slice %get3A_95 {offsets = [16, 0], sizes = [112, 64], strides = [1, 1]} : vector<128x64xf32> to vector<112x64xf32>
      %slice3A_96 = vector.extract_strided_slice %get3A_95 {offsets = [0, 0], sizes = [16, 64], strides = [1, 1]} : vector<128x64xf32> to vector<16x64xf32>
      %concatenate3A = tpu.concatenate %slice3A, %slice3A_96 in 0 : vector<112x64xf32>, vector<16x64xf32> -> vector<128x64xf32>
      %slice3A_97 = vector.extract_strided_slice %get3A_95 {offsets = [112, 0], sizes = [16, 64], strides = [1, 1]} : vector<128x64xf32> to vector<16x64xf32>
      %slice3A_98 = vector.extract_strided_slice %get3A_95 {offsets = [0, 0], sizes = [112, 64], strides = [1, 1]} : vector<128x64xf32> to vector<112x64xf32>
      %concatenate3A_99 = tpu.concatenate %slice3A_97, %slice3A_98 in 0 : vector<16x64xf32>, vector<112x64xf32> -> vector<128x64xf32>
      %and3A = arith.constant 16 : i32
      %and3A_100 = vector.broadcast %and3A : i32 to vector<128x64xi32>
      %and3A_101 = arith.andi %iota3A_20, %and3A_100 : vector<128x64xi32>
      %eq3A_102 = arith.constant 0 : i32
      %eq3A_103 = vector.broadcast %eq3A_102 : i32 to vector<128x64xi32>
      %eq3A_104 = arith.cmpi eq, %and3A_101, %eq3A_103 : vector<128x64xi32>
      %select_n3A = arith.select %eq3A_104, %concatenate3A, %concatenate3A_99 : vector<128x64xi1>, vector<128x64xf32>
      %min3A = arith.minimumf %get3A_95, %select_n3A : vector<128x64xf32>
      %max3A = arith.maximumf %get3A_95, %select_n3A : vector<128x64xf32>
      %and3A_105 = arith.constant 32 : i32
      %and3A_106 = vector.broadcast %and3A_105 : i32 to vector<128x64xi32>
      %and3A_107 = arith.andi %add3A_18, %and3A_106 : vector<128x64xi32>
      %eq3A_108 = arith.constant 0 : i32
      %eq3A_109 = vector.broadcast %eq3A_108 : i32 to vector<128x64xi32>
      %eq3A_110 = arith.cmpi eq, %and3A_107, %eq3A_109 : vector<128x64xi32>
      %eq3A_111 = arith.xori %eq3A_110, %eq3A_104 : vector<128x64xi1>
      %eq3A_112 = arith.constant dense<true> : vector<128x64xi1>
      %eq3A_113 = arith.xori %eq3A_111, %eq3A_112 : vector<128x64xi1>
      %select_n3A_114 = arith.select %eq3A_113, %min3A, %max3A : vector<128x64xi1>, vector<128x64xf32>
      %slice3A_115 = vector.extract_strided_slice %select_n3A_114 {offsets = [8, 0], sizes = [120, 64], strides = [1, 1]} : vector<128x64xf32> to vector<120x64xf32>
      %slice3A_116 = vector.extract_strided_slice %select_n3A_114 {offsets = [0, 0], sizes = [8, 64], strides = [1, 1]} : vector<128x64xf32> to vector<8x64xf32>
      %concatenate3A_117 = tpu.concatenate %slice3A_115, %slice3A_116 in 0 : vector<120x64xf32>, vector<8x64xf32> -> vector<128x64xf32>
      %slice3A_118 = vector.extract_strided_slice %select_n3A_114 {offsets = [120, 0], sizes = [8, 64], strides = [1, 1]} : vector<128x64xf32> to vector<8x64xf32>
      %slice3A_119 = vector.extract_strided_slice %select_n3A_114 {offsets = [0, 0], sizes = [120, 64], strides = [1, 1]} : vector<128x64xf32> to vector<120x64xf32>
      %concatenate3A_120 = tpu.concatenate %slice3A_118, %slice3A_119 in 0 : vector<8x64xf32>, vector<120x64xf32> -> vector<128x64xf32>
      %and3A_121 = arith.constant 8 : i32
      %and3A_122 = vector.broadcast %and3A_121 : i32 to vector<128x64xi32>
      %and3A_123 = arith.andi %iota3A_20, %and3A_122 : vector<128x64xi32>
      %eq3A_124 = arith.constant 0 : i32
      %eq3A_125 = vector.broadcast %eq3A_124 : i32 to vector<128x64xi32>
      %eq3A_126 = arith.cmpi eq, %and3A_123, %eq3A_125 : vector<128x64xi32>
      %select_n3A_127 = arith.select %eq3A_126, %concatenate3A_117, %concatenate3A_120 : vector<128x64xi1>, vector<128x64xf32>
      %min3A_128 = arith.minimumf %select_n3A_114, %select_n3A_127 : vector<128x64xf32>
      %max3A_129 = arith.maximumf %select_n3A_114, %select_n3A_127 : vector<128x64xf32>
      %and3A_130 = arith.constant 32 : i32
      %and3A_131 = vector.broadcast %and3A_130 : i32 to vector<128x64xi32>
      %and3A_132 = arith.andi %add3A_18, %and3A_131 : vector<128x64xi32>
      %eq3A_133 = arith.constant 0 : i32
      %eq3A_134 = vector.broadcast %eq3A_133 : i32 to vector<128x64xi32>
      %eq3A_135 = arith.cmpi eq, %and3A_132, %eq3A_134 : vector<128x64xi32>
      %eq3A_136 = arith.xori %eq3A_135, %eq3A_126 : vector<128x64xi1>
      %eq3A_137 = arith.constant dense<true> : vector<128x64xi1>
      %eq3A_138 = arith.xori %eq3A_136, %eq3A_137 : vector<128x64xi1>
      %select_n3A_139 = arith.select %eq3A_138, %min3A_128, %max3A_129 : vector<128x64xi1>, vector<128x64xf32>
      %slice3A_140 = vector.extract_strided_slice %select_n3A_139 {offsets = [4, 0], sizes = [124, 64], strides = [1, 1]} : vector<128x64xf32> to vector<124x64xf32>
      %slice3A_141 = vector.extract_strided_slice %select_n3A_139 {offsets = [0, 0], sizes = [4, 64], strides = [1, 1]} : vector<128x64xf32> to vector<4x64xf32>
      %concatenate3A_142 = tpu.concatenate %slice3A_140, %slice3A_141 in 0 : vector<124x64xf32>, vector<4x64xf32> -> vector<128x64xf32>
      %slice3A_143 = vector.extract_strided_slice %select_n3A_139 {offsets = [124, 0], sizes = [4, 64], strides = [1, 1]} : vector<128x64xf32> to vector<4x64xf32>
      %slice3A_144 = vector.extract_strided_slice %select_n3A_139 {offsets = [0, 0], sizes = [124, 64], strides = [1, 1]} : vector<128x64xf32> to vector<124x64xf32>
      %concatenate3A_145 = tpu.concatenate %slice3A_143, %slice3A_144 in 0 : vector<4x64xf32>, vector<124x64xf32> -> vector<128x64xf32>
      %and3A_146 = arith.constant 4 : i32
      %and3A_147 = vector.broadcast %and3A_146 : i32 to vector<128x64xi32>
      %and3A_148 = arith.andi %iota3A_20, %and3A_147 : vector<128x64xi32>
      %eq3A_149 = arith.constant 0 : i32
      %eq3A_150 = vector.broadcast %eq3A_149 : i32 to vector<128x64xi32>
      %eq3A_151 = arith.cmpi eq, %and3A_148, %eq3A_150 : vector<128x64xi32>
      %select_n3A_152 = arith.select %eq3A_151, %concatenate3A_142, %concatenate3A_145 : vector<128x64xi1>, vector<128x64xf32>
      %min3A_153 = arith.minimumf %select_n3A_139, %select_n3A_152 : vector<128x64xf32>
      %max3A_154 = arith.maximumf %select_n3A_139, %select_n3A_152 : vector<128x64xf32>
      %and3A_155 = arith.constant 32 : i32
      %and3A_156 = vector.broadcast %and3A_155 : i32 to vector<128x64xi32>
      %and3A_157 = arith.andi %add3A_18, %and3A_156 : vector<128x64xi32>
      %eq3A_158 = arith.constant 0 : i32
      %eq3A_159 = vector.broadcast %eq3A_158 : i32 to vector<128x64xi32>
      %eq3A_160 = arith.cmpi eq, %and3A_157, %eq3A_159 : vector<128x64xi32>
      %eq3A_161 = arith.xori %eq3A_160, %eq3A_151 : vector<128x64xi1>
      %eq3A_162 = arith.constant dense<true> : vector<128x64xi1>
      %eq3A_163 = arith.xori %eq3A_161, %eq3A_162 : vector<128x64xi1>
      %select_n3A_164 = arith.select %eq3A_163, %min3A_153, %max3A_154 : vector<128x64xi1>, vector<128x64xf32>
      %slice3A_165 = vector.extract_strided_slice %select_n3A_164 {offsets = [2, 0], sizes = [126, 64], strides = [1, 1]} : vector<128x64xf32> to vector<126x64xf32>
      %slice3A_166 = vector.extract_strided_slice %select_n3A_164 {offsets = [0, 0], sizes = [2, 64], strides = [1, 1]} : vector<128x64xf32> to vector<2x64xf32>
      %concatenate3A_167 = tpu.concatenate %slice3A_165, %slice3A_166 in 0 : vector<126x64xf32>, vector<2x64xf32> -> vector<128x64xf32>
      %slice3A_168 = vector.extract_strided_slice %select_n3A_164 {offsets = [126, 0], sizes = [2, 64], strides = [1, 1]} : vector<128x64xf32> to vector<2x64xf32>
      %slice3A_169 = vector.extract_strided_slice %select_n3A_164 {offsets = [0, 0], sizes = [126, 64], strides = [1, 1]} : vector<128x64xf32> to vector<126x64xf32>
      %concatenate3A_170 = tpu.concatenate %slice3A_168, %slice3A_169 in 0 : vector<2x64xf32>, vector<126x64xf32> -> vector<128x64xf32>
      %and3A_171 = arith.constant 2 : i32
      %and3A_172 = vector.broadcast %and3A_171 : i32 to vector<128x64xi32>
      %and3A_173 = arith.andi %iota3A_20, %and3A_172 : vector<128x64xi32>
      %eq3A_174 = arith.constant 0 : i32
      %eq3A_175 = vector.broadcast %eq3A_174 : i32 to vector<128x64xi32>
      %eq3A_176 = arith.cmpi eq, %and3A_173, %eq3A_175 : vector<128x64xi32>
      %select_n3A_177 = arith.select %eq3A_176, %concatenate3A_167, %concatenate3A_170 : vector<128x64xi1>, vector<128x64xf32>
      %min3A_178 = arith.minimumf %select_n3A_164, %select_n3A_177 : vector<128x64xf32>
      %max3A_179 = arith.maximumf %select_n3A_164, %select_n3A_177 : vector<128x64xf32>
      %and3A_180 = arith.constant 32 : i32
      %and3A_181 = vector.broadcast %and3A_180 : i32 to vector<128x64xi32>
      %and3A_182 = arith.andi %add3A_18, %and3A_181 : vector<128x64xi32>
      %eq3A_183 = arith.constant 0 : i32
      %eq3A_184 = vector.broadcast %eq3A_183 : i32 to vector<128x64xi32>
      %eq3A_185 = arith.cmpi eq, %and3A_182, %eq3A_184 : vector<128x64xi32>
      %eq3A_186 = arith.xori %eq3A_185, %eq3A_176 : vector<128x64xi1>
      %eq3A_187 = arith.constant dense<true> : vector<128x64xi1>
      %eq3A_188 = arith.xori %eq3A_186, %eq3A_187 : vector<128x64xi1>
      %select_n3A_189 = arith.select %eq3A_188, %min3A_178, %max3A_179 : vector<128x64xi1>, vector<128x64xf32>
      %slice3A_190 = vector.extract_strided_slice %select_n3A_189 {offsets = [1, 0], sizes = [127, 64], strides = [1, 1]} : vector<128x64xf32> to vector<127x64xf32>
      %slice3A_191 = vector.extract_strided_slice %select_n3A_189 {offsets = [0, 0], sizes = [1, 64], strides = [1, 1]} : vector<128x64xf32> to vector<1x64xf32>
      %concatenate3A_192 = tpu.concatenate %slice3A_190, %slice3A_191 in 0 : vector<127x64xf32>, vector<1x64xf32> -> vector<128x64xf32>
      %slice3A_193 = vector.extract_strided_slice %select_n3A_189 {offsets = [127, 0], sizes = [1, 64], strides = [1, 1]} : vector<128x64xf32> to vector<1x64xf32>
      %slice3A_194 = vector.extract_strided_slice %select_n3A_189 {offsets = [0, 0], sizes = [127, 64], strides = [1, 1]} : vector<128x64xf32> to vector<127x64xf32>
      %concatenate3A_195 = tpu.concatenate %slice3A_193, %slice3A_194 in 0 : vector<1x64xf32>, vector<127x64xf32> -> vector<128x64xf32>
      %and3A_196 = arith.constant 1 : i32
      %and3A_197 = vector.broadcast %and3A_196 : i32 to vector<128x64xi32>
      %and3A_198 = arith.andi %iota3A_20, %and3A_197 : vector<128x64xi32>
      %eq3A_199 = arith.constant 0 : i32
      %eq3A_200 = vector.broadcast %eq3A_199 : i32 to vector<128x64xi32>
      %eq3A_201 = arith.cmpi eq, %and3A_198, %eq3A_200 : vector<128x64xi32>
      %select_n3A_202 = arith.select %eq3A_201, %concatenate3A_192, %concatenate3A_195 : vector<128x64xi1>, vector<128x64xf32>
      %min3A_203 = arith.minimumf %select_n3A_189, %select_n3A_202 : vector<128x64xf32>
      %max3A_204 = arith.maximumf %select_n3A_189, %select_n3A_202 : vector<128x64xf32>
      %and3A_205 = arith.constant 32 : i32
      %and3A_206 = vector.broadcast %and3A_205 : i32 to vector<128x64xi32>
      %and3A_207 = arith.andi %add3A_18, %and3A_206 : vector<128x64xi32>
      %eq3A_208 = arith.constant 0 : i32
      %eq3A_209 = vector.broadcast %eq3A_208 : i32 to vector<128x64xi32>
      %eq3A_210 = arith.cmpi eq, %and3A_207, %eq3A_209 : vector<128x64xi32>
      %eq3A_211 = arith.xori %eq3A_210, %eq3A_201 : vector<128x64xi1>
      %eq3A_212 = arith.constant dense<true> : vector<128x64xi1>
      %eq3A_213 = arith.xori %eq3A_211, %eq3A_212 : vector<128x64xi1>
      %select_n3A_214 = arith.select %eq3A_213, %min3A_203, %max3A_204 : vector<128x64xi1>, vector<128x64xf32>
      %swap3A_215 = arith.constant 0 : index
      %swap3A_216 = arith.constant 0 : index
      %swap3A_217 = vector.load %arg6[%swap3A_215, %swap3A_216] : memref<128x64xf32, #tpu.memory_space<vmem>>, vector<128x64xf32>
      tpu.vector_store %arg6[%swap3A_215, %swap3A_216], %select_n3A_214 {strides = array<i32>} : memref<128x64xf32, #tpu.memory_space<vmem>>, vector<128x64xf32>,
    } else {
    }
    %eq3A_48 = arith.constant 5 : i32
    %eq3A_49 = arith.cmpi eq, %arg0, %eq3A_48 : i32
    %convert_element_type3A_50 = arith.extui %eq3A_49 : i1 to i32
    %cond3A_51 = arith.constant 0 : i32
    %cond3A_52 = arith.cmpi ne, %convert_element_type3A_50, %cond3A_51 : i32
    scf.if %cond3A_52 {
      %get3A_93 = arith.constant 0 : index
      %get3A_94 = arith.constant 0 : index
      %get3A_95 = vector.load %arg6[%get3A_93, %get3A_94] : memref<128x64xf32, #tpu.memory_space<vmem>>, vector<128x64xf32>
      %slice3A = vector.extract_strided_slice %get3A_95 {offsets = [32, 0], sizes = [96, 64], strides = [1, 1]} : vector<128x64xf32> to vector<96x64xf32>
      %slice3A_96 = vector.extract_strided_slice %get3A_95 {offsets = [0, 0], sizes = [32, 64], strides = [1, 1]} : vector<128x64xf32> to vector<32x64xf32>
      %concatenate3A = tpu.concatenate %slice3A, %slice3A_96 in 0 : vector<96x64xf32>, vector<32x64xf32> -> vector<128x64xf32>
      %slice3A_97 = vector.extract_strided_slice %get3A_95 {offsets = [96, 0], sizes = [32, 64], strides = [1, 1]} : vector<128x64xf32> to vector<32x64xf32>
      %slice3A_98 = vector.extract_strided_slice %get3A_95 {offsets = [0, 0], sizes = [96, 64], strides = [1, 1]} : vector<128x64xf32> to vector<96x64xf32>
      %concatenate3A_99 = tpu.concatenate %slice3A_97, %slice3A_98 in 0 : vector<32x64xf32>, vector<96x64xf32> -> vector<128x64xf32>
      %and3A = arith.constant 32 : i32
      %and3A_100 = vector.broadcast %and3A : i32 to vector<128x64xi32>
      %and3A_101 = arith.andi %iota3A_20, %and3A_100 : vector<128x64xi32>
      %eq3A_102 = arith.constant 0 : i32
      %eq3A_103 = vector.broadcast %eq3A_102 : i32 to vector<128x64xi32>
      %eq3A_104 = arith.cmpi eq, %and3A_101, %eq3A_103 : vector<128x64xi32>
      %select_n3A = arith.select %eq3A_104, %concatenate3A, %concatenate3A_99 : vector<128x64xi1>, vector<128x64xf32>
      %min3A = arith.minimumf %get3A_95, %select_n3A : vector<128x64xf32>
      %max3A = arith.maximumf %get3A_95, %select_n3A : vector<128x64xf32>
      %and3A_105 = arith.constant 64 : i32
      %and3A_106 = vector.broadcast %and3A_105 : i32 to vector<128x64xi32>
      %and3A_107 = arith.andi %add3A_18, %and3A_106 : vector<128x64xi32>
      %eq3A_108 = arith.constant 0 : i32
      %eq3A_109 = vector.broadcast %eq3A_108 : i32 to vector<128x64xi32>
      %eq3A_110 = arith.cmpi eq, %and3A_107, %eq3A_109 : vector<128x64xi32>
      %eq3A_111 = arith.xori %eq3A_110, %eq3A_104 : vector<128x64xi1>
      %eq3A_112 = arith.constant dense<true> : vector<128x64xi1>
      %eq3A_113 = arith.xori %eq3A_111, %eq3A_112 : vector<128x64xi1>
      %select_n3A_114 = arith.select %eq3A_113, %min3A, %max3A : vector<128x64xi1>, vector<128x64xf32>
      %slice3A_115 = vector.extract_strided_slice %select_n3A_114 {offsets = [16, 0], sizes = [112, 64], strides = [1, 1]} : vector<128x64xf32> to vector<112x64xf32>
      %slice3A_116 = vector.extract_strided_slice %select_n3A_114 {offsets = [0, 0], sizes = [16, 64], strides = [1, 1]} : vector<128x64xf32> to vector<16x64xf32>
      %concatenate3A_117 = tpu.concatenate %slice3A_115, %slice3A_116 in 0 : vector<112x64xf32>, vector<16x64xf32> -> vector<128x64xf32>
      %slice3A_118 = vector.extract_strided_slice %select_n3A_114 {offsets = [112, 0], sizes = [16, 64], strides = [1, 1]} : vector<128x64xf32> to vector<16x64xf32>
      %slice3A_119 = vector.extract_strided_slice %select_n3A_114 {offsets = [0, 0], sizes = [112, 64], strides = [1, 1]} : vector<128x64xf32> to vector<112x64xf32>
      %concatenate3A_120 = tpu.concatenate %slice3A_118, %slice3A_119 in 0 : vector<16x64xf32>, vector<112x64xf32> -> vector<128x64xf32>
      %and3A_121 = arith.constant 16 : i32
      %and3A_122 = vector.broadcast %and3A_121 : i32 to vector<128x64xi32>
      %and3A_123 = arith.andi %iota3A_20, %and3A_122 : vector<128x64xi32>
      %eq3A_124 = arith.constant 0 : i32
      %eq3A_125 = vector.broadcast %eq3A_124 : i32 to vector<128x64xi32>
      %eq3A_126 = arith.cmpi eq, %and3A_123, %eq3A_125 : vector<128x64xi32>
      %select_n3A_127 = arith.select %eq3A_126, %concatenate3A_117, %concatenate3A_120 : vector<128x64xi1>, vector<128x64xf32>
      %min3A_128 = arith.minimumf %select_n3A_114, %select_n3A_127 : vector<128x64xf32>
      %max3A_129 = arith.maximumf %select_n3A_114, %select_n3A_127 : vector<128x64xf32>
      %and3A_130 = arith.constant 64 : i32
      %and3A_131 = vector.broadcast %and3A_130 : i32 to vector<128x64xi32>
      %and3A_132 = arith.andi %add3A_18, %and3A_131 : vector<128x64xi32>
      %eq3A_133 = arith.constant 0 : i32
      %eq3A_134 = vector.broadcast %eq3A_133 : i32 to vector<128x64xi32>
      %eq3A_135 = arith.cmpi eq, %and3A_132, %eq3A_134 : vector<128x64xi32>
      %eq3A_136 = arith.xori %eq3A_135, %eq3A_126 : vector<128x64xi1>
      %eq3A_137 = arith.constant dense<true> : vector<128x64xi1>
      %eq3A_138 = arith.xori %eq3A_136, %eq3A_137 : vector<128x64xi1>
      %select_n3A_139 = arith.select %eq3A_138, %min3A_128, %max3A_129 : vector<128x64xi1>, vector<128x64xf32>
      %slice3A_140 = vector.extract_strided_slice %select_n3A_139 {offsets = [8, 0], sizes = [120, 64], strides = [1, 1]} : vector<128x64xf32> to vector<120x64xf32>
      %slice3A_141 = vector.extract_strided_slice %select_n3A_139 {offsets = [0, 0], sizes = [8, 64], strides = [1, 1]} : vector<128x64xf32> to vector<8x64xf32>
      %concatenate3A_142 = tpu.concatenate %slice3A_140, %slice3A_141 in 0 : vector<120x64xf32>, vector<8x64xf32> -> vector<128x64xf32>
      %slice3A_143 = vector.extract_strided_slice %select_n3A_139 {offsets = [120, 0], sizes = [8, 64], strides = [1, 1]} : vector<128x64xf32> to vector<8x64xf32>
      %slice3A_144 = vector.extract_strided_slice %select_n3A_139 {offsets = [0, 0], sizes = [120, 64], strides = [1, 1]} : vector<128x64xf32> to vector<120x64xf32>
      %concatenate3A_145 = tpu.concatenate %slice3A_143, %slice3A_144 in 0 : vector<8x64xf32>, vector<120x64xf32> -> vector<128x64xf32>
      %and3A_146 = arith.constant 8 : i32
      %and3A_147 = vector.broadcast %and3A_146 : i32 to vector<128x64xi32>
      %and3A_148 = arith.andi %iota3A_20, %and3A_147 : vector<128x64xi32>
      %eq3A_149 = arith.constant 0 : i32
      %eq3A_150 = vector.broadcast %eq3A_149 : i32 to vector<128x64xi32>
      %eq3A_151 = arith.cmpi eq, %and3A_148, %eq3A_150 : vector<128x64xi32>
      %select_n3A_152 = arith.select %eq3A_151, %concatenate3A_142, %concatenate3A_145 : vector<128x64xi1>, vector<128x64xf32>
      %min3A_153 = arith.minimumf %select_n3A_139, %select_n3A_152 : vector<128x64xf32>
      %max3A_154 = arith.maximumf %select_n3A_139, %select_n3A_152 : vector<128x64xf32>
      %and3A_155 = arith.constant 64 : i32
      %and3A_156 = vector.broadcast %and3A_155 : i32 to vector<128x64xi32>
      %and3A_157 = arith.andi %add3A_18, %and3A_156 : vector<128x64xi32>
      %eq3A_158 = arith.constant 0 : i32
      %eq3A_159 = vector.broadcast %eq3A_158 : i32 to vector<128x64xi32>
      %eq3A_160 = arith.cmpi eq, %and3A_157, %eq3A_159 : vector<128x64xi32>
      %eq3A_161 = arith.xori %eq3A_160, %eq3A_151 : vector<128x64xi1>
      %eq3A_162 = arith.constant dense<true> : vector<128x64xi1>
      %eq3A_163 = arith.xori %eq3A_161, %eq3A_162 : vector<128x64xi1>
      %select_n3A_164 = arith.select %eq3A_163, %min3A_153, %max3A_154 : vector<128x64xi1>, vector<128x64xf32>
      %slice3A_165 = vector.extract_strided_slice %select_n3A_164 {offsets = [4, 0], sizes = [124, 64], strides = [1, 1]} : vector<128x64xf32> to vector<124x64xf32>
      %slice3A_166 = vector.extract_strided_slice %select_n3A_164 {offsets = [0, 0], sizes = [4, 64], strides = [1, 1]} : vector<128x64xf32> to vector<4x64xf32>
      %concatenate3A_167 = tpu.concatenate %slice3A_165, %slice3A_166 in 0 : vector<124x64xf32>, vector<4x64xf32> -> vector<128x64xf32>
      %slice3A_168 = vector.extract_strided_slice %select_n3A_164 {offsets = [124, 0], sizes = [4, 64], strides = [1, 1]} : vector<128x64xf32> to vector<4x64xf32>
      %slice3A_169 = vector.extract_strided_slice %select_n3A_164 {offsets = [0, 0], sizes = [124, 64], strides = [1, 1]} : vector<128x64xf32> to vector<124x64xf32>
      %concatenate3A_170 = tpu.concatenate %slice3A_168, %slice3A_169 in 0 : vector<4x64xf32>, vector<124x64xf32> -> vector<128x64xf32>
      %and3A_171 = arith.constant 4 : i32
      %and3A_172 = vector.broadcast %and3A_171 : i32 to vector<128x64xi32>
      %and3A_173 = arith.andi %iota3A_20, %and3A_172 : vector<128x64xi32>
      %eq3A_174 = arith.constant 0 : i32
      %eq3A_175 = vector.broadcast %eq3A_174 : i32 to vector<128x64xi32>
      %eq3A_176 = arith.cmpi eq, %and3A_173, %eq3A_175 : vector<128x64xi32>
      %select_n3A_177 = arith.select %eq3A_176, %concatenate3A_167, %concatenate3A_170 : vector<128x64xi1>, vector<128x64xf32>
      %min3A_178 = arith.minimumf %select_n3A_164, %select_n3A_177 : vector<128x64xf32>
      %max3A_179 = arith.maximumf %select_n3A_164, %select_n3A_177 : vector<128x64xf32>
      %and3A_180 = arith.constant 64 : i32
      %and3A_181 = vector.broadcast %and3A_180 : i32 to vector<128x64xi32>
      %and3A_182 = arith.andi %add3A_18, %and3A_181 : vector<128x64xi32>
      %eq3A_183 = arith.constant 0 : i32
      %eq3A_184 = vector.broadcast %eq3A_183 : i32 to vector<128x64xi32>
      %eq3A_185 = arith.cmpi eq, %and3A_182, %eq3A_184 : vector<128x64xi32>
      %eq3A_186 = arith.xori %eq3A_185, %eq3A_176 : vector<128x64xi1>
      %eq3A_187 = arith.constant dense<true> : vector<128x64xi1>
      %eq3A_188 = arith.xori %eq3A_186, %eq3A_187 : vector<128x64xi1>
      %select_n3A_189 = arith.select %eq3A_188, %min3A_178, %max3A_179 : vector<128x64xi1>, vector<128x64xf32>
      %slice3A_190 = vector.extract_strided_slice %select_n3A_189 {offsets = [2, 0], sizes = [126, 64], strides = [1, 1]} : vector<128x64xf32> to vector<126x64xf32>
      %slice3A_191 = vector.extract_strided_slice %select_n3A_189 {offsets = [0, 0], sizes = [2, 64], strides = [1, 1]} : vector<128x64xf32> to vector<2x64xf32>
      %concatenate3A_192 = tpu.concatenate %slice3A_190, %slice3A_191 in 0 : vector<126x64xf32>, vector<2x64xf32> -> vector<128x64xf32>
      %slice3A_193 = vector.extract_strided_slice %select_n3A_189 {offsets = [126, 0], sizes = [2, 64], strides = [1, 1]} : vector<128x64xf32> to vector<2x64xf32>
      %slice3A_194 = vector.extract_strided_slice %select_n3A_189 {offsets = [0, 0], sizes = [126, 64], strides = [1, 1]} : vector<128x64xf32> to vector<126x64xf32>
      %concatenate3A_195 = tpu.concatenate %slice3A_193, %slice3A_194 in 0 : vector<2x64xf32>, vector<126x64xf32> -> vector<128x64xf32>
      %and3A_196 = arith.constant 2 : i32
      %and3A_197 = vector.broadcast %and3A_196 : i32 to vector<128x64xi32>
      %and3A_198 = arith.andi %iota3A_20, %and3A_197 : vector<128x64xi32>
      %eq3A_199 = arith.constant 0 : i32
      %eq3A_200 = vector.broadcast %eq3A_199 : i32 to vector<128x64xi32>
      %eq3A_201 = arith.cmpi eq, %and3A_198, %eq3A_200 : vector<128x64xi32>
      %select_n3A_202 = arith.select %eq3A_201, %concatenate3A_192, %concatenate3A_195 : vector<128x64xi1>, vector<128x64xf32>
      %min3A_203 = arith.minimumf %select_n3A_189, %select_n3A_202 : vector<128x64xf32>
      %max3A_204 = arith.maximumf %select_n3A_189, %select_n3A_202 : vector<128x64xf32>
      %and3A_205 = arith.constant 64 : i32
      %and3A_206 = vector.broadcast %and3A_205 : i32 to vector<128x64xi32>
      %and3A_207 = arith.andi %add3A_18, %and3A_206 : vector<128x64xi32>
      %eq3A_208 = arith.constant 0 : i32
      %eq3A_209 = vector.broadcast %eq3A_208 : i32 to vector<128x64xi32>
      %eq3A_210 = arith.cmpi eq, %and3A_207, %eq3A_209 : vector<128x64xi32>
      %eq3A_211 = arith.xori %eq3A_210, %eq3A_201 : vector<128x64xi1>
      %eq3A_212 = arith.constant dense<true> : vector<128x64xi1>
      %eq3A_213 = arith.xori %eq3A_211, %eq3A_212 : vector<128x64xi1>
      %select_n3A_214 = arith.select %eq3A_213, %min3A_203, %max3A_204 : vector<128x64xi1>, vector<128x64xf32>
      %slice3A_215 = vector.extract_strided_slice %select_n3A_214 {offsets = [1, 0], sizes = [127, 64], strides = [1, 1]} : vector<128x64xf32> to vector<127x64xf32>
      %slice3A_216 = vector.extract_strided_slice %select_n3A_214 {offsets = [0, 0], sizes = [1, 64], strides = [1, 1]} : vector<128x64xf32> to vector<1x64xf32>
      %concatenate3A_217 = tpu.concatenate %slice3A_215, %slice3A_216 in 0 : vector<127x64xf32>, vector<1x64xf32> -> vector<128x64xf32>
      %slice3A_218 = vector.extract_strided_slice %select_n3A_214 {offsets = [127, 0], sizes = [1, 64], strides = [1, 1]} : vector<128x64xf32> to vector<1x64xf32>
      %slice3A_219 = vector.extract_strided_slice %select_n3A_214 {offsets = [0, 0], sizes = [127, 64], strides = [1, 1]} : vector<128x64xf32> to vector<127x64xf32>
      %concatenate3A_220 = tpu.concatenate %slice3A_218, %slice3A_219 in 0 : vector<1x64xf32>, vector<127x64xf32> -> vector<128x64xf32>
      %and3A_221 = arith.constant 1 : i32
      %and3A_222 = vector.broadcast %and3A_221 : i32 to vector<128x64xi32>
      %and3A_223 = arith.andi %iota3A_20, %and3A_222 : vector<128x64xi32>
      %eq3A_224 = arith.constant 0 : i32
      %eq3A_225 = vector.broadcast %eq3A_224 : i32 to vector<128x64xi32>
      %eq3A_226 = arith.cmpi eq, %and3A_223, %eq3A_225 : vector<128x64xi32>
      %select_n3A_227 = arith.select %eq3A_226, %concatenate3A_217, %concatenate3A_220 : vector<128x64xi1>, vector<128x64xf32>
      %min3A_228 = arith.minimumf %select_n3A_214, %select_n3A_227 : vector<128x64xf32>
      %max3A_229 = arith.maximumf %select_n3A_214, %select_n3A_227 : vector<128x64xf32>
      %and3A_230 = arith.constant 64 : i32
      %and3A_231 = vector.broadcast %and3A_230 : i32 to vector<128x64xi32>
      %and3A_232 = arith.andi %add3A_18, %and3A_231 : vector<128x64xi32>
      %eq3A_233 = arith.constant 0 : i32
      %eq3A_234 = vector.broadcast %eq3A_233 : i32 to vector<128x64xi32>
      %eq3A_235 = arith.cmpi eq, %and3A_232, %eq3A_234 : vector<128x64xi32>
      %eq3A_236 = arith.xori %eq3A_235, %eq3A_226 : vector<128x64xi1>
      %eq3A_237 = arith.constant dense<true> : vector<128x64xi1>
      %eq3A_238 = arith.xori %eq3A_236, %eq3A_237 : vector<128x64xi1>
      %select_n3A_239 = arith.select %eq3A_238, %min3A_228, %max3A_229 : vector<128x64xi1>, vector<128x64xf32>
      %swap3A_240 = arith.constant 0 : index
      %swap3A_241 = arith.constant 0 : index
      %swap3A_242 = vector.load %arg6[%swap3A_240, %swap3A_241] : memref<128x64xf32, #tpu.memory_space<vmem>>, vector<128x64xf32>
      tpu.vector_store %arg6[%swap3A_240, %swap3A_241], %select_n3A_239 {strides = array<i32>} : memref<128x64xf32, #tpu.memory_space<vmem>>, vector<128x64xf32>,
    } else {
    }
    %eq3A_53 = arith.constant 6 : i32
    %eq3A_54 = arith.cmpi eq, %arg0, %eq3A_53 : i32
    %convert_element_type3A_55 = arith.extui %eq3A_54 : i1 to i32
    %cond3A_56 = arith.constant 0 : i32
    %cond3A_57 = arith.cmpi ne, %convert_element_type3A_55, %cond3A_56 : i32
    scf.if %cond3A_57 {
      %get3A_93 = arith.constant 0 : index
      %get3A_94 = arith.constant 0 : index
      %get3A_95 = vector.load %arg6[%get3A_93, %get3A_94] : memref<128x64xf32, #tpu.memory_space<vmem>>, vector<128x64xf32>
      %slice3A = vector.extract_strided_slice %get3A_95 {offsets = [64, 0], sizes = [64, 64], strides = [1, 1]} : vector<128x64xf32> to vector<64x64xf32>
      %slice3A_96 = vector.extract_strided_slice %get3A_95 {offsets = [0, 0], sizes = [64, 64], strides = [1, 1]} : vector<128x64xf32> to vector<64x64xf32>
      %concatenate3A = tpu.concatenate %slice3A, %slice3A_96 in 0 : vector<64x64xf32>, vector<64x64xf32> -> vector<128x64xf32>
      %slice3A_97 = vector.extract_strided_slice %get3A_95 {offsets = [64, 0], sizes = [64, 64], strides = [1, 1]} : vector<128x64xf32> to vector<64x64xf32>
      %slice3A_98 = vector.extract_strided_slice %get3A_95 {offsets = [0, 0], sizes = [64, 64], strides = [1, 1]} : vector<128x64xf32> to vector<64x64xf32>
      %concatenate3A_99 = tpu.concatenate %slice3A_97, %slice3A_98 in 0 : vector<64x64xf32>, vector<64x64xf32> -> vector<128x64xf32>
      %and3A = arith.constant 64 : i32
      %and3A_100 = vector.broadcast %and3A : i32 to vector<128x64xi32>
      %and3A_101 = arith.andi %iota3A_20, %and3A_100 : vector<128x64xi32>
      %eq3A_102 = arith.constant 0 : i32
      %eq3A_103 = vector.broadcast %eq3A_102 : i32 to vector<128x64xi32>
      %eq3A_104 = arith.cmpi eq, %and3A_101, %eq3A_103 : vector<128x64xi32>
      %select_n3A = arith.select %eq3A_104, %concatenate3A, %concatenate3A_99 : vector<128x64xi1>, vector<128x64xf32>
      %min3A = arith.minimumf %get3A_95, %select_n3A : vector<128x64xf32>
      %max3A = arith.maximumf %get3A_95, %select_n3A : vector<128x64xf32>
      %and3A_105 = arith.constant 128 : i32
      %and3A_106 = vector.broadcast %and3A_105 : i32 to vector<128x64xi32>
      %and3A_107 = arith.andi %add3A_18, %and3A_106 : vector<128x64xi32>
      %eq3A_108 = arith.constant 0 : i32
      %eq3A_109 = vector.broadcast %eq3A_108 : i32 to vector<128x64xi32>
      %eq3A_110 = arith.cmpi eq, %and3A_107, %eq3A_109 : vector<128x64xi32>
      %eq3A_111 = arith.xori %eq3A_110, %eq3A_104 : vector<128x64xi1>
      %eq3A_112 = arith.constant dense<true> : vector<128x64xi1>
      %eq3A_113 = arith.xori %eq3A_111, %eq3A_112 : vector<128x64xi1>
      %select_n3A_114 = arith.select %eq3A_113, %min3A, %max3A : vector<128x64xi1>, vector<128x64xf32>
      %slice3A_115 = vector.extract_strided_slice %select_n3A_114 {offsets = [32, 0], sizes = [96, 64], strides = [1, 1]} : vector<128x64xf32> to vector<96x64xf32>
      %slice3A_116 = vector.extract_strided_slice %select_n3A_114 {offsets = [0, 0], sizes = [32, 64], strides = [1, 1]} : vector<128x64xf32> to vector<32x64xf32>
      %concatenate3A_117 = tpu.concatenate %slice3A_115, %slice3A_116 in 0 : vector<96x64xf32>, vector<32x64xf32> -> vector<128x64xf32>
      %slice3A_118 = vector.extract_strided_slice %select_n3A_114 {offsets = [96, 0], sizes = [32, 64], strides = [1, 1]} : vector<128x64xf32> to vector<32x64xf32>
      %slice3A_119 = vector.extract_strided_slice %select_n3A_114 {offsets = [0, 0], sizes = [96, 64], strides = [1, 1]} : vector<128x64xf32> to vector<96x64xf32>
      %concatenate3A_120 = tpu.concatenate %slice3A_118, %slice3A_119 in 0 : vector<32x64xf32>, vector<96x64xf32> -> vector<128x64xf32>
      %and3A_121 = arith.constant 32 : i32
      %and3A_122 = vector.broadcast %and3A_121 : i32 to vector<128x64xi32>
      %and3A_123 = arith.andi %iota3A_20, %and3A_122 : vector<128x64xi32>
      %eq3A_124 = arith.constant 0 : i32
      %eq3A_125 = vector.broadcast %eq3A_124 : i32 to vector<128x64xi32>
      %eq3A_126 = arith.cmpi eq, %and3A_123, %eq3A_125 : vector<128x64xi32>
      %select_n3A_127 = arith.select %eq3A_126, %concatenate3A_117, %concatenate3A_120 : vector<128x64xi1>, vector<128x64xf32>
      %min3A_128 = arith.minimumf %select_n3A_114, %select_n3A_127 : vector<128x64xf32>
      %max3A_129 = arith.maximumf %select_n3A_114, %select_n3A_127 : vector<128x64xf32>
      %and3A_130 = arith.constant 128 : i32
      %and3A_131 = vector.broadcast %and3A_130 : i32 to vector<128x64xi32>
      %and3A_132 = arith.andi %add3A_18, %and3A_131 : vector<128x64xi32>
      %eq3A_133 = arith.constant 0 : i32
      %eq3A_134 = vector.broadcast %eq3A_133 : i32 to vector<128x64xi32>
      %eq3A_135 = arith.cmpi eq, %and3A_132, %eq3A_134 : vector<128x64xi32>
      %eq3A_136 = arith.xori %eq3A_135, %eq3A_126 : vector<128x64xi1>
      %eq3A_137 = arith.constant dense<true> : vector<128x64xi1>
      %eq3A_138 = arith.xori %eq3A_136, %eq3A_137 : vector<128x64xi1>
      %select_n3A_139 = arith.select %eq3A_138, %min3A_128, %max3A_129 : vector<128x64xi1>, vector<128x64xf32>
      %slice3A_140 = vector.extract_strided_slice %select_n3A_139 {offsets = [16, 0], sizes = [112, 64], strides = [1, 1]} : vector<128x64xf32> to vector<112x64xf32>
      %slice3A_141 = vector.extract_strided_slice %select_n3A_139 {offsets = [0, 0], sizes = [16, 64], strides = [1, 1]} : vector<128x64xf32> to vector<16x64xf32>
      %concatenate3A_142 = tpu.concatenate %slice3A_140, %slice3A_141 in 0 : vector<112x64xf32>, vector<16x64xf32> -> vector<128x64xf32>
      %slice3A_143 = vector.extract_strided_slice %select_n3A_139 {offsets = [112, 0], sizes = [16, 64], strides = [1, 1]} : vector<128x64xf32> to vector<16x64xf32>
      %slice3A_144 = vector.extract_strided_slice %select_n3A_139 {offsets = [0, 0], sizes = [112, 64], strides = [1, 1]} : vector<128x64xf32> to vector<112x64xf32>
      %concatenate3A_145 = tpu.concatenate %slice3A_143, %slice3A_144 in 0 : vector<16x64xf32>, vector<112x64xf32> -> vector<128x64xf32>
      %and3A_146 = arith.constant 16 : i32
      %and3A_147 = vector.broadcast %and3A_146 : i32 to vector<128x64xi32>
      %and3A_148 = arith.andi %iota3A_20, %and3A_147 : vector<128x64xi32>
      %eq3A_149 = arith.constant 0 : i32
      %eq3A_150 = vector.broadcast %eq3A_149 : i32 to vector<128x64xi32>
      %eq3A_151 = arith.cmpi eq, %and3A_148, %eq3A_150 : vector<128x64xi32>
      %select_n3A_152 = arith.select %eq3A_151, %concatenate3A_142, %concatenate3A_145 : vector<128x64xi1>, vector<128x64xf32>
      %min3A_153 = arith.minimumf %select_n3A_139, %select_n3A_152 : vector<128x64xf32>
      %max3A_154 = arith.maximumf %select_n3A_139, %select_n3A_152 : vector<128x64xf32>
      %and3A_155 = arith.constant 128 : i32
      %and3A_156 = vector.broadcast %and3A_155 : i32 to vector<128x64xi32>
      %and3A_157 = arith.andi %add3A_18, %and3A_156 : vector<128x64xi32>
      %eq3A_158 = arith.constant 0 : i32
      %eq3A_159 = vector.broadcast %eq3A_158 : i32 to vector<128x64xi32>
      %eq3A_160 = arith.cmpi eq, %and3A_157, %eq3A_159 : vector<128x64xi32>
      %eq3A_161 = arith.xori %eq3A_160, %eq3A_151 : vector<128x64xi1>
      %eq3A_162 = arith.constant dense<true> : vector<128x64xi1>
      %eq3A_163 = arith.xori %eq3A_161, %eq3A_162 : vector<128x64xi1>
      %select_n3A_164 = arith.select %eq3A_163, %min3A_153, %max3A_154 : vector<128x64xi1>, vector<128x64xf32>
      %slice3A_165 = vector.extract_strided_slice %select_n3A_164 {offsets = [8, 0], sizes = [120, 64], strides = [1, 1]} : vector<128x64xf32> to vector<120x64xf32>
      %slice3A_166 = vector.extract_strided_slice %select_n3A_164 {offsets = [0, 0], sizes = [8, 64], strides = [1, 1]} : vector<128x64xf32> to vector<8x64xf32>
      %concatenate3A_167 = tpu.concatenate %slice3A_165, %slice3A_166 in 0 : vector<120x64xf32>, vector<8x64xf32> -> vector<128x64xf32>
      %slice3A_168 = vector.extract_strided_slice %select_n3A_164 {offsets = [120, 0], sizes = [8, 64], strides = [1, 1]} : vector<128x64xf32> to vector<8x64xf32>
      %slice3A_169 = vector.extract_strided_slice %select_n3A_164 {offsets = [0, 0], sizes = [120, 64], strides = [1, 1]} : vector<128x64xf32> to vector<120x64xf32>
      %concatenate3A_170 = tpu.concatenate %slice3A_168, %slice3A_169 in 0 : vector<8x64xf32>, vector<120x64xf32> -> vector<128x64xf32>
      %and3A_171 = arith.constant 8 : i32
      %and3A_172 = vector.broadcast %and3A_171 : i32 to vector<128x64xi32>
      %and3A_173 = arith.andi %iota3A_20, %and3A_172 : vector<128x64xi32>
      %eq3A_174 = arith.constant 0 : i32
      %eq3A_175 = vector.broadcast %eq3A_174 : i32 to vector<128x64xi32>
      %eq3A_176 = arith.cmpi eq, %and3A_173, %eq3A_175 : vector<128x64xi32>
      %select_n3A_177 = arith.select %eq3A_176, %concatenate3A_167, %concatenate3A_170 : vector<128x64xi1>, vector<128x64xf32>
      %min3A_178 = arith.minimumf %select_n3A_164, %select_n3A_177 : vector<128x64xf32>
      %max3A_179 = arith.maximumf %select_n3A_164, %select_n3A_177 : vector<128x64xf32>
      %and3A_180 = arith.constant 128 : i32
      %and3A_181 = vector.broadcast %and3A_180 : i32 to vector<128x64xi32>
      %and3A_182 = arith.andi %add3A_18, %and3A_181 : vector<128x64xi32>
      %eq3A_183 = arith.constant 0 : i32
      %eq3A_184 = vector.broadcast %eq3A_183 : i32 to vector<128x64xi32>
      %eq3A_185 = arith.cmpi eq, %and3A_182, %eq3A_184 : vector<128x64xi32>
      %eq3A_186 = arith.xori %eq3A_185, %eq3A_176 : vector<128x64xi1>
      %eq3A_187 = arith.constant dense<true> : vector<128x64xi1>
      %eq3A_188 = arith.xori %eq3A_186, %eq3A_187 : vector<128x64xi1>
      %select_n3A_189 = arith.select %eq3A_188, %min3A_178, %max3A_179 : vector<128x64xi1>, vector<128x64xf32>
      %slice3A_190 = vector.extract_strided_slice %select_n3A_189 {offsets = [4, 0], sizes = [124, 64], strides = [1, 1]} : vector<128x64xf32> to vector<124x64xf32>
      %slice3A_191 = vector.extract_strided_slice %select_n3A_189 {offsets = [0, 0], sizes = [4, 64], strides = [1, 1]} : vector<128x64xf32> to vector<4x64xf32>
      %concatenate3A_192 = tpu.concatenate %slice3A_190, %slice3A_191 in 0 : vector<124x64xf32>, vector<4x64xf32> -> vector<128x64xf32>
      %slice3A_193 = vector.extract_strided_slice %select_n3A_189 {offsets = [124, 0], sizes = [4, 64], strides = [1, 1]} : vector<128x64xf32> to vector<4x64xf32>
      %slice3A_194 = vector.extract_strided_slice %select_n3A_189 {offsets = [0, 0], sizes = [124, 64], strides = [1, 1]} : vector<128x64xf32> to vector<124x64xf32>
      %concatenate3A_195 = tpu.concatenate %slice3A_193, %slice3A_194 in 0 : vector<4x64xf32>, vector<124x64xf32> -> vector<128x64xf32>
      %and3A_196 = arith.constant 4 : i32
      %and3A_197 = vector.broadcast %and3A_196 : i32 to vector<128x64xi32>
      %and3A_198 = arith.andi %iota3A_20, %and3A_197 : vector<128x64xi32>
      %eq3A_199 = arith.constant 0 : i32
      %eq3A_200 = vector.broadcast %eq3A_199 : i32 to vector<128x64xi32>
      %eq3A_201 = arith.cmpi eq, %and3A_198, %eq3A_200 : vector<128x64xi32>
      %select_n3A_202 = arith.select %eq3A_201, %concatenate3A_192, %concatenate3A_195 : vector<128x64xi1>, vector<128x64xf32>
      %min3A_203 = arith.minimumf %select_n3A_189, %select_n3A_202 : vector<128x64xf32>
      %max3A_204 = arith.maximumf %select_n3A_189, %select_n3A_202 : vector<128x64xf32>
      %and3A_205 = arith.constant 128 : i32
      %and3A_206 = vector.broadcast %and3A_205 : i32 to vector<128x64xi32>
      %and3A_207 = arith.andi %add3A_18, %and3A_206 : vector<128x64xi32>
      %eq3A_208 = arith.constant 0 : i32
      %eq3A_209 = vector.broadcast %eq3A_208 : i32 to vector<128x64xi32>
      %eq3A_210 = arith.cmpi eq, %and3A_207, %eq3A_209 : vector<128x64xi32>
      %eq3A_211 = arith.xori %eq3A_210, %eq3A_201 : vector<128x64xi1>
      %eq3A_212 = arith.constant dense<true> : vector<128x64xi1>
      %eq3A_213 = arith.xori %eq3A_211, %eq3A_212 : vector<128x64xi1>
      %select_n3A_214 = arith.select %eq3A_213, %min3A_203, %max3A_204 : vector<128x64xi1>, vector<128x64xf32>
      %slice3A_215 = vector.extract_strided_slice %select_n3A_214 {offsets = [2, 0], sizes = [126, 64], strides = [1, 1]} : vector<128x64xf32> to vector<126x64xf32>
      %slice3A_216 = vector.extract_strided_slice %select_n3A_214 {offsets = [0, 0], sizes = [2, 64], strides = [1, 1]} : vector<128x64xf32> to vector<2x64xf32>
      %concatenate3A_217 = tpu.concatenate %slice3A_215, %slice3A_216 in 0 : vector<126x64xf32>, vector<2x64xf32> -> vector<128x64xf32>
      %slice3A_218 = vector.extract_strided_slice %select_n3A_214 {offsets = [126, 0], sizes = [2, 64], strides = [1, 1]} : vector<128x64xf32> to vector<2x64xf32>
      %slice3A_219 = vector.extract_strided_slice %select_n3A_214 {offsets = [0, 0], sizes = [126, 64], strides = [1, 1]} : vector<128x64xf32> to vector<126x64xf32>
      %concatenate3A_220 = tpu.concatenate %slice3A_218, %slice3A_219 in 0 : vector<2x64xf32>, vector<126x64xf32> -> vector<128x64xf32>
      %and3A_221 = arith.constant 2 : i32
      %and3A_222 = vector.broadcast %and3A_221 : i32 to vector<128x64xi32>
      %and3A_223 = arith.andi %iota3A_20, %and3A_222 : vector<128x64xi32>
      %eq3A_224 = arith.constant 0 : i32
      %eq3A_225 = vector.broadcast %eq3A_224 : i32 to vector<128x64xi32>
      %eq3A_226 = arith.cmpi eq, %and3A_223, %eq3A_225 : vector<128x64xi32>
      %select_n3A_227 = arith.select %eq3A_226, %concatenate3A_217, %concatenate3A_220 : vector<128x64xi1>, vector<128x64xf32>
      %min3A_228 = arith.minimumf %select_n3A_214, %select_n3A_227 : vector<128x64xf32>
      %max3A_229 = arith.maximumf %select_n3A_214, %select_n3A_227 : vector<128x64xf32>
      %and3A_230 = arith.constant 128 : i32
      %and3A_231 = vector.broadcast %and3A_230 : i32 to vector<128x64xi32>
      %and3A_232 = arith.andi %add3A_18, %and3A_231 : vector<128x64xi32>
      %eq3A_233 = arith.constant 0 : i32
      %eq3A_234 = vector.broadcast %eq3A_233 : i32 to vector<128x64xi32>
      %eq3A_235 = arith.cmpi eq, %and3A_232, %eq3A_234 : vector<128x64xi32>
      %eq3A_236 = arith.xori %eq3A_235, %eq3A_226 : vector<128x64xi1>
      %eq3A_237 = arith.constant dense<true> : vector<128x64xi1>
      %eq3A_238 = arith.xori %eq3A_236, %eq3A_237 : vector<128x64xi1>
      %select_n3A_239 = arith.select %eq3A_238, %min3A_228, %max3A_229 : vector<128x64xi1>, vector<128x64xf32>
      %slice3A_240 = vector.extract_strided_slice %select_n3A_239 {offsets = [1, 0], sizes = [127, 64], strides = [1, 1]} : vector<128x64xf32> to vector<127x64xf32>
      %slice3A_241 = vector.extract_strided_slice %select_n3A_239 {offsets = [0, 0], sizes = [1, 64], strides = [1, 1]} : vector<128x64xf32> to vector<1x64xf32>
      %concatenate3A_242 = tpu.concatenate %slice3A_240, %slice3A_241 in 0 : vector<127x64xf32>, vector<1x64xf32> -> vector<128x64xf32>
      %slice3A_243 = vector.extract_strided_slice %select_n3A_239 {offsets = [127, 0], sizes = [1, 64], strides = [1, 1]} : vector<128x64xf32> to vector<1x64xf32>
      %slice3A_244 = vector.extract_strided_slice %select_n3A_239 {offsets = [0, 0], sizes = [127, 64], strides = [1, 1]} : vector<128x64xf32> to vector<127x64xf32>
      %concatenate3A_245 = tpu.concatenate %slice3A_243, %slice3A_244 in 0 : vector<1x64xf32>, vector<127x64xf32> -> vector<128x64xf32>
      %and3A_246 = arith.constant 1 : i32
      %and3A_247 = vector.broadcast %and3A_246 : i32 to vector<128x64xi32>
      %and3A_248 = arith.andi %iota3A_20, %and3A_247 : vector<128x64xi32>
      %eq3A_249 = arith.constant 0 : i32
      %eq3A_250 = vector.broadcast %eq3A_249 : i32 to vector<128x64xi32>
      %eq3A_251 = arith.cmpi eq, %and3A_248, %eq3A_250 : vector<128x64xi32>
      %select_n3A_252 = arith.select %eq3A_251, %concatenate3A_242, %concatenate3A_245 : vector<128x64xi1>, vector<128x64xf32>
      %min3A_253 = arith.minimumf %select_n3A_239, %select_n3A_252 : vector<128x64xf32>
      %max3A_254 = arith.maximumf %select_n3A_239, %select_n3A_252 : vector<128x64xf32>
      %and3A_255 = arith.constant 128 : i32
      %and3A_256 = vector.broadcast %and3A_255 : i32 to vector<128x64xi32>
      %and3A_257 = arith.andi %add3A_18, %and3A_256 : vector<128x64xi32>
      %eq3A_258 = arith.constant 0 : i32
      %eq3A_259 = vector.broadcast %eq3A_258 : i32 to vector<128x64xi32>
      %eq3A_260 = arith.cmpi eq, %and3A_257, %eq3A_259 : vector<128x64xi32>
      %eq3A_261 = arith.xori %eq3A_260, %eq3A_251 : vector<128x64xi1>
      %eq3A_262 = arith.constant dense<true> : vector<128x64xi1>
      %eq3A_263 = arith.xori %eq3A_261, %eq3A_262 : vector<128x64xi1>
      %select_n3A_264 = arith.select %eq3A_263, %min3A_253, %max3A_254 : vector<128x64xi1>, vector<128x64xf32>
      %swap3A_265 = arith.constant 0 : index
      %swap3A_266 = arith.constant 0 : index
      %swap3A_267 = vector.load %arg6[%swap3A_265, %swap3A_266] : memref<128x64xf32, #tpu.memory_space<vmem>>, vector<128x64xf32>
      tpu.vector_store %arg6[%swap3A_265, %swap3A_266], %select_n3A_264 {strides = array<i32>} : memref<128x64xf32, #tpu.memory_space<vmem>>, vector<128x64xf32>,
    } else {
    }
    %eq3A_58 = arith.constant 7 : i32
    %eq3A_59 = arith.cmpi eq, %arg0, %eq3A_58 : i32
    %convert_element_type3A_60 = arith.extui %eq3A_59 : i1 to i32
    %cond3A_61 = arith.constant 0 : i32
    %cond3A_62 = arith.cmpi ne, %convert_element_type3A_60, %cond3A_61 : i32
    scf.if %cond3A_62 {
      %get3A_93 = arith.constant 0 : index
      %get3A_94 = arith.constant 0 : index
      %get3A_95 = vector.load %arg6[%get3A_93, %get3A_94] : memref<128x64xf32, #tpu.memory_space<vmem>>, vector<128x64xf32>
      %transpose3A = tpu.transpose %get3A_95, [1, 0] : vector<128x64xf32> -> vector<64x128xf32>
      %slice3A = vector.extract_strided_slice %transpose3A {offsets = [1, 0], sizes = [63, 128], strides = [1, 1]} : vector<64x128xf32> to vector<63x128xf32>
      %slice3A_96 = vector.extract_strided_slice %transpose3A {offsets = [0, 0], sizes = [1, 128], strides = [1, 1]} : vector<64x128xf32> to vector<1x128xf32>
      %concatenate3A = tpu.concatenate %slice3A, %slice3A_96 in 0 : vector<63x128xf32>, vector<1x128xf32> -> vector<64x128xf32>
      %slice3A_97 = vector.extract_strided_slice %transpose3A {offsets = [63, 0], sizes = [1, 128], strides = [1, 1]} : vector<64x128xf32> to vector<1x128xf32>
      %slice3A_98 = vector.extract_strided_slice %transpose3A {offsets = [0, 0], sizes = [63, 128], strides = [1, 1]} : vector<64x128xf32> to vector<63x128xf32>
      %concatenate3A_99 = tpu.concatenate %slice3A_97, %slice3A_98 in 0 : vector<1x128xf32>, vector<63x128xf32> -> vector<64x128xf32>
      %and3A = arith.constant 1 : i32
      %and3A_100 = vector.broadcast %and3A : i32 to vector<64x128xi32>
      %and3A_101 = arith.andi %iota3A_19, %and3A_100 : vector<64x128xi32>
      %eq3A_102 = arith.constant 0 : i32
      %eq3A_103 = vector.broadcast %eq3A_102 : i32 to vector<64x128xi32>
      %eq3A_104 = arith.cmpi eq, %and3A_101, %eq3A_103 : vector<64x128xi32>
      %select_n3A = arith.select %eq3A_104, %concatenate3A, %concatenate3A_99 : vector<64x128xi1>, vector<64x128xf32>
      %min3A = arith.minimumf %transpose3A, %select_n3A : vector<64x128xf32>
      %max3A = arith.maximumf %transpose3A, %select_n3A : vector<64x128xf32>
      %and3A_105 = arith.constant 256 : i32
      %and3A_106 = vector.broadcast %and3A_105 : i32 to vector<64x128xi32>
      %and3A_107 = arith.andi %add3A, %and3A_106 : vector<64x128xi32>
      %eq3A_108 = arith.constant 0 : i32
      %eq3A_109 = vector.broadcast %eq3A_108 : i32 to vector<64x128xi32>
      %eq3A_110 = arith.cmpi eq, %and3A_107, %eq3A_109 : vector<64x128xi32>
      %eq3A_111 = arith.xori %eq3A_110, %eq3A_104 : vector<64x128xi1>
      %eq3A_112 = arith.constant dense<true> : vector<64x128xi1>
      %eq3A_113 = arith.xori %eq3A_111, %eq3A_112 : vector<64x128xi1>
      %select_n3A_114 = arith.select %eq3A_113, %min3A, %max3A : vector<64x128xi1>, vector<64x128xf32>
      %transpose3A_115 = tpu.transpose %select_n3A_114, [1, 0] : vector<64x128xf32> -> vector<128x64xf32>
      %swap3A_116 = arith.constant 0 : index
      %swap3A_117 = arith.constant 0 : index
      %swap3A_118 = vector.load %arg6[%swap3A_116, %swap3A_117] : memref<128x64xf32, #tpu.memory_space<vmem>>, vector<128x64xf32>
      tpu.vector_store %arg6[%swap3A_116, %swap3A_117], %transpose3A_115 {strides = array<i32>} : memref<128x64xf32, #tpu.memory_space<vmem>>, vector<128x64xf32>,
      %get3A_119 = arith.constant 0 : index
      %get3A_120 = arith.constant 0 : index
      %get3A_121 = vector.load %arg6[%get3A_119, %get3A_120] : memref<128x64xf32, #tpu.memory_space<vmem>>, vector<128x64xf32>
      %slice3A_122 = vector.extract_strided_slice %get3A_121 {offsets = [64, 0], sizes = [64, 64], strides = [1, 1]} : vector<128x64xf32> to vector<64x64xf32>
      %slice3A_123 = vector.extract_strided_slice %get3A_121 {offsets = [0, 0], sizes = [64, 64], strides = [1, 1]} : vector<128x64xf32> to vector<64x64xf32>
      %concatenate3A_124 = tpu.concatenate %slice3A_122, %slice3A_123 in 0 : vector<64x64xf32>, vector<64x64xf32> -> vector<128x64xf32>
      %slice3A_125 = vector.extract_strided_slice %get3A_121 {offsets = [64, 0], sizes = [64, 64], strides = [1, 1]} : vector<128x64xf32> to vector<64x64xf32>
      %slice3A_126 = vector.extract_strided_slice %get3A_121 {offsets = [0, 0], sizes = [64, 64], strides = [1, 1]} : vector<128x64xf32> to vector<64x64xf32>
      %concatenate3A_127 = tpu.concatenate %slice3A_125, %slice3A_126 in 0 : vector<64x64xf32>, vector<64x64xf32> -> vector<128x64xf32>
      %and3A_128 = arith.constant 64 : i32
      %and3A_129 = vector.broadcast %and3A_128 : i32 to vector<128x64xi32>
      %and3A_130 = arith.andi %iota3A_20, %and3A_129 : vector<128x64xi32>
      %eq3A_131 = arith.constant 0 : i32
      %eq3A_132 = vector.broadcast %eq3A_131 : i32 to vector<128x64xi32>
      %eq3A_133 = arith.cmpi eq, %and3A_130, %eq3A_132 : vector<128x64xi32>
      %select_n3A_134 = arith.select %eq3A_133, %concatenate3A_124, %concatenate3A_127 : vector<128x64xi1>, vector<128x64xf32>
      %min3A_135 = arith.minimumf %get3A_121, %select_n3A_134 : vector<128x64xf32>
      %max3A_136 = arith.maximumf %get3A_121, %select_n3A_134 : vector<128x64xf32>
      %and3A_137 = arith.constant 256 : i32
      %and3A_138 = vector.broadcast %and3A_137 : i32 to vector<128x64xi32>
      %and3A_139 = arith.andi %add3A_18, %and3A_138 : vector<128x64xi32>
      %eq3A_140 = arith.constant 0 : i32
      %eq3A_141 = vector.broadcast %eq3A_140 : i32 to vector<128x64xi32>
      %eq3A_142 = arith.cmpi eq, %and3A_139, %eq3A_141 : vector<128x64xi32>
      %eq3A_143 = arith.xori %eq3A_142, %eq3A_133 : vector<128x64xi1>
      %eq3A_144 = arith.constant dense<true> : vector<128x64xi1>
      %eq3A_145 = arith.xori %eq3A_143, %eq3A_144 : vector<128x64xi1>
      %select_n3A_146 = arith.select %eq3A_145, %min3A_135, %max3A_136 : vector<128x64xi1>, vector<128x64xf32>
      %slice3A_147 = vector.extract_strided_slice %select_n3A_146 {offsets = [32, 0], sizes = [96, 64], strides = [1, 1]} : vector<128x64xf32> to vector<96x64xf32>
      %slice3A_148 = vector.extract_strided_slice %select_n3A_146 {offsets = [0, 0], sizes = [32, 64], strides = [1, 1]} : vector<128x64xf32> to vector<32x64xf32>
      %concatenate3A_149 = tpu.concatenate %slice3A_147, %slice3A_148 in 0 : vector<96x64xf32>, vector<32x64xf32> -> vector<128x64xf32>
      %slice3A_150 = vector.extract_strided_slice %select_n3A_146 {offsets = [96, 0], sizes = [32, 64], strides = [1, 1]} : vector<128x64xf32> to vector<32x64xf32>
      %slice3A_151 = vector.extract_strided_slice %select_n3A_146 {offsets = [0, 0], sizes = [96, 64], strides = [1, 1]} : vector<128x64xf32> to vector<96x64xf32>
      %concatenate3A_152 = tpu.concatenate %slice3A_150, %slice3A_151 in 0 : vector<32x64xf32>, vector<96x64xf32> -> vector<128x64xf32>
      %and3A_153 = arith.constant 32 : i32
      %and3A_154 = vector.broadcast %and3A_153 : i32 to vector<128x64xi32>
      %and3A_155 = arith.andi %iota3A_20, %and3A_154 : vector<128x64xi32>
      %eq3A_156 = arith.constant 0 : i32
      %eq3A_157 = vector.broadcast %eq3A_156 : i32 to vector<128x64xi32>
      %eq3A_158 = arith.cmpi eq, %and3A_155, %eq3A_157 : vector<128x64xi32>
      %select_n3A_159 = arith.select %eq3A_158, %concatenate3A_149, %concatenate3A_152 : vector<128x64xi1>, vector<128x64xf32>
      %min3A_160 = arith.minimumf %select_n3A_146, %select_n3A_159 : vector<128x64xf32>
      %max3A_161 = arith.maximumf %select_n3A_146, %select_n3A_159 : vector<128x64xf32>
      %and3A_162 = arith.constant 256 : i32
      %and3A_163 = vector.broadcast %and3A_162 : i32 to vector<128x64xi32>
      %and3A_164 = arith.andi %add3A_18, %and3A_163 : vector<128x64xi32>
      %eq3A_165 = arith.constant 0 : i32
      %eq3A_166 = vector.broadcast %eq3A_165 : i32 to vector<128x64xi32>
      %eq3A_167 = arith.cmpi eq, %and3A_164, %eq3A_166 : vector<128x64xi32>
      %eq3A_168 = arith.xori %eq3A_167, %eq3A_158 : vector<128x64xi1>
      %eq3A_169 = arith.constant dense<true> : vector<128x64xi1>
      %eq3A_170 = arith.xori %eq3A_168, %eq3A_169 : vector<128x64xi1>
      %select_n3A_171 = arith.select %eq3A_170, %min3A_160, %max3A_161 : vector<128x64xi1>, vector<128x64xf32>
      %slice3A_172 = vector.extract_strided_slice %select_n3A_171 {offsets = [16, 0], sizes = [112, 64], strides = [1, 1]} : vector<128x64xf32> to vector<112x64xf32>
      %slice3A_173 = vector.extract_strided_slice %select_n3A_171 {offsets = [0, 0], sizes = [16, 64], strides = [1, 1]} : vector<128x64xf32> to vector<16x64xf32>
      %concatenate3A_174 = tpu.concatenate %slice3A_172, %slice3A_173 in 0 : vector<112x64xf32>, vector<16x64xf32> -> vector<128x64xf32>
      %slice3A_175 = vector.extract_strided_slice %select_n3A_171 {offsets = [112, 0], sizes = [16, 64], strides = [1, 1]} : vector<128x64xf32> to vector<16x64xf32>
      %slice3A_176 = vector.extract_strided_slice %select_n3A_171 {offsets = [0, 0], sizes = [112, 64], strides = [1, 1]} : vector<128x64xf32> to vector<112x64xf32>
      %concatenate3A_177 = tpu.concatenate %slice3A_175, %slice3A_176 in 0 : vector<16x64xf32>, vector<112x64xf32> -> vector<128x64xf32>
      %and3A_178 = arith.constant 16 : i32
      %and3A_179 = vector.broadcast %and3A_178 : i32 to vector<128x64xi32>
      %and3A_180 = arith.andi %iota3A_20, %and3A_179 : vector<128x64xi32>
      %eq3A_181 = arith.constant 0 : i32
      %eq3A_182 = vector.broadcast %eq3A_181 : i32 to vector<128x64xi32>
      %eq3A_183 = arith.cmpi eq, %and3A_180, %eq3A_182 : vector<128x64xi32>
      %select_n3A_184 = arith.select %eq3A_183, %concatenate3A_174, %concatenate3A_177 : vector<128x64xi1>, vector<128x64xf32>
      %min3A_185 = arith.minimumf %select_n3A_171, %select_n3A_184 : vector<128x64xf32>
      %max3A_186 = arith.maximumf %select_n3A_171, %select_n3A_184 : vector<128x64xf32>
      %and3A_187 = arith.constant 256 : i32
      %and3A_188 = vector.broadcast %and3A_187 : i32 to vector<128x64xi32>
      %and3A_189 = arith.andi %add3A_18, %and3A_188 : vector<128x64xi32>
      %eq3A_190 = arith.constant 0 : i32
      %eq3A_191 = vector.broadcast %eq3A_190 : i32 to vector<128x64xi32>
      %eq3A_192 = arith.cmpi eq, %and3A_189, %eq3A_191 : vector<128x64xi32>
      %eq3A_193 = arith.xori %eq3A_192, %eq3A_183 : vector<128x64xi1>
      %eq3A_194 = arith.constant dense<true> : vector<128x64xi1>
      %eq3A_195 = arith.xori %eq3A_193, %eq3A_194 : vector<128x64xi1>
      %select_n3A_196 = arith.select %eq3A_195, %min3A_185, %max3A_186 : vector<128x64xi1>, vector<128x64xf32>
      %slice3A_197 = vector.extract_strided_slice %select_n3A_196 {offsets = [8, 0], sizes = [120, 64], strides = [1, 1]} : vector<128x64xf32> to vector<120x64xf32>
      %slice3A_198 = vector.extract_strided_slice %select_n3A_196 {offsets = [0, 0], sizes = [8, 64], strides = [1, 1]} : vector<128x64xf32> to vector<8x64xf32>
      %concatenate3A_199 = tpu.concatenate %slice3A_197, %slice3A_198 in 0 : vector<120x64xf32>, vector<8x64xf32> -> vector<128x64xf32>
      %slice3A_200 = vector.extract_strided_slice %select_n3A_196 {offsets = [120, 0], sizes = [8, 64], strides = [1, 1]} : vector<128x64xf32> to vector<8x64xf32>
      %slice3A_201 = vector.extract_strided_slice %select_n3A_196 {offsets = [0, 0], sizes = [120, 64], strides = [1, 1]} : vector<128x64xf32> to vector<120x64xf32>
      %concatenate3A_202 = tpu.concatenate %slice3A_200, %slice3A_201 in 0 : vector<8x64xf32>, vector<120x64xf32> -> vector<128x64xf32>
      %and3A_203 = arith.constant 8 : i32
      %and3A_204 = vector.broadcast %and3A_203 : i32 to vector<128x64xi32>
      %and3A_205 = arith.andi %iota3A_20, %and3A_204 : vector<128x64xi32>
      %eq3A_206 = arith.constant 0 : i32
      %eq3A_207 = vector.broadcast %eq3A_206 : i32 to vector<128x64xi32>
      %eq3A_208 = arith.cmpi eq, %and3A_205, %eq3A_207 : vector<128x64xi32>
      %select_n3A_209 = arith.select %eq3A_208, %concatenate3A_199, %concatenate3A_202 : vector<128x64xi1>, vector<128x64xf32>
      %min3A_210 = arith.minimumf %select_n3A_196, %select_n3A_209 : vector<128x64xf32>
      %max3A_211 = arith.maximumf %select_n3A_196, %select_n3A_209 : vector<128x64xf32>
      %and3A_212 = arith.constant 256 : i32
      %and3A_213 = vector.broadcast %and3A_212 : i32 to vector<128x64xi32>
      %and3A_214 = arith.andi %add3A_18, %and3A_213 : vector<128x64xi32>
      %eq3A_215 = arith.constant 0 : i32
      %eq3A_216 = vector.broadcast %eq3A_215 : i32 to vector<128x64xi32>
      %eq3A_217 = arith.cmpi eq, %and3A_214, %eq3A_216 : vector<128x64xi32>
      %eq3A_218 = arith.xori %eq3A_217, %eq3A_208 : vector<128x64xi1>
      %eq3A_219 = arith.constant dense<true> : vector<128x64xi1>
      %eq3A_220 = arith.xori %eq3A_218, %eq3A_219 : vector<128x64xi1>
      %select_n3A_221 = arith.select %eq3A_220, %min3A_210, %max3A_211 : vector<128x64xi1>, vector<128x64xf32>
      %slice3A_222 = vector.extract_strided_slice %select_n3A_221 {offsets = [4, 0], sizes = [124, 64], strides = [1, 1]} : vector<128x64xf32> to vector<124x64xf32>
      %slice3A_223 = vector.extract_strided_slice %select_n3A_221 {offsets = [0, 0], sizes = [4, 64], strides = [1, 1]} : vector<128x64xf32> to vector<4x64xf32>
      %concatenate3A_224 = tpu.concatenate %slice3A_222, %slice3A_223 in 0 : vector<124x64xf32>, vector<4x64xf32> -> vector<128x64xf32>
      %slice3A_225 = vector.extract_strided_slice %select_n3A_221 {offsets = [124, 0], sizes = [4, 64], strides = [1, 1]} : vector<128x64xf32> to vector<4x64xf32>
      %slice3A_226 = vector.extract_strided_slice %select_n3A_221 {offsets = [0, 0], sizes = [124, 64], strides = [1, 1]} : vector<128x64xf32> to vector<124x64xf32>
      %concatenate3A_227 = tpu.concatenate %slice3A_225, %slice3A_226 in 0 : vector<4x64xf32>, vector<124x64xf32> -> vector<128x64xf32>
      %and3A_228 = arith.constant 4 : i32
      %and3A_229 = vector.broadcast %and3A_228 : i32 to vector<128x64xi32>
      %and3A_230 = arith.andi %iota3A_20, %and3A_229 : vector<128x64xi32>
      %eq3A_231 = arith.constant 0 : i32
      %eq3A_232 = vector.broadcast %eq3A_231 : i32 to vector<128x64xi32>
      %eq3A_233 = arith.cmpi eq, %and3A_230, %eq3A_232 : vector<128x64xi32>
      %select_n3A_234 = arith.select %eq3A_233, %concatenate3A_224, %concatenate3A_227 : vector<128x64xi1>, vector<128x64xf32>
      %min3A_235 = arith.minimumf %select_n3A_221, %select_n3A_234 : vector<128x64xf32>
      %max3A_236 = arith.maximumf %select_n3A_221, %select_n3A_234 : vector<128x64xf32>
      %and3A_237 = arith.constant 256 : i32
      %and3A_238 = vector.broadcast %and3A_237 : i32 to vector<128x64xi32>
      %and3A_239 = arith.andi %add3A_18, %and3A_238 : vector<128x64xi32>
      %eq3A_240 = arith.constant 0 : i32
      %eq3A_241 = vector.broadcast %eq3A_240 : i32 to vector<128x64xi32>
      %eq3A_242 = arith.cmpi eq, %and3A_239, %eq3A_241 : vector<128x64xi32>
      %eq3A_243 = arith.xori %eq3A_242, %eq3A_233 : vector<128x64xi1>
      %eq3A_244 = arith.constant dense<true> : vector<128x64xi1>
      %eq3A_245 = arith.xori %eq3A_243, %eq3A_244 : vector<128x64xi1>
      %select_n3A_246 = arith.select %eq3A_245, %min3A_235, %max3A_236 : vector<128x64xi1>, vector<128x64xf32>
      %slice3A_247 = vector.extract_strided_slice %select_n3A_246 {offsets = [2, 0], sizes = [126, 64], strides = [1, 1]} : vector<128x64xf32> to vector<126x64xf32>
      %slice3A_248 = vector.extract_strided_slice %select_n3A_246 {offsets = [0, 0], sizes = [2, 64], strides = [1, 1]} : vector<128x64xf32> to vector<2x64xf32>
      %concatenate3A_249 = tpu.concatenate %slice3A_247, %slice3A_248 in 0 : vector<126x64xf32>, vector<2x64xf32> -> vector<128x64xf32>
      %slice3A_250 = vector.extract_strided_slice %select_n3A_246 {offsets = [126, 0], sizes = [2, 64], strides = [1, 1]} : vector<128x64xf32> to vector<2x64xf32>
      %slice3A_251 = vector.extract_strided_slice %select_n3A_246 {offsets = [0, 0], sizes = [126, 64], strides = [1, 1]} : vector<128x64xf32> to vector<126x64xf32>
      %concatenate3A_252 = tpu.concatenate %slice3A_250, %slice3A_251 in 0 : vector<2x64xf32>, vector<126x64xf32> -> vector<128x64xf32>
      %and3A_253 = arith.constant 2 : i32
      %and3A_254 = vector.broadcast %and3A_253 : i32 to vector<128x64xi32>
      %and3A_255 = arith.andi %iota3A_20, %and3A_254 : vector<128x64xi32>
      %eq3A_256 = arith.constant 0 : i32
      %eq3A_257 = vector.broadcast %eq3A_256 : i32 to vector<128x64xi32>
      %eq3A_258 = arith.cmpi eq, %and3A_255, %eq3A_257 : vector<128x64xi32>
      %select_n3A_259 = arith.select %eq3A_258, %concatenate3A_249, %concatenate3A_252 : vector<128x64xi1>, vector<128x64xf32>
      %min3A_260 = arith.minimumf %select_n3A_246, %select_n3A_259 : vector<128x64xf32>
      %max3A_261 = arith.maximumf %select_n3A_246, %select_n3A_259 : vector<128x64xf32>
      %and3A_262 = arith.constant 256 : i32
      %and3A_263 = vector.broadcast %and3A_262 : i32 to vector<128x64xi32>
      %and3A_264 = arith.andi %add3A_18, %and3A_263 : vector<128x64xi32>
      %eq3A_265 = arith.constant 0 : i32
      %eq3A_266 = vector.broadcast %eq3A_265 : i32 to vector<128x64xi32>
      %eq3A_267 = arith.cmpi eq, %and3A_264, %eq3A_266 : vector<128x64xi32>
      %eq3A_268 = arith.xori %eq3A_267, %eq3A_258 : vector<128x64xi1>
      %eq3A_269 = arith.constant dense<true> : vector<128x64xi1>
      %eq3A_270 = arith.xori %eq3A_268, %eq3A_269 : vector<128x64xi1>
      %select_n3A_271 = arith.select %eq3A_270, %min3A_260, %max3A_261 : vector<128x64xi1>, vector<128x64xf32>
      %slice3A_272 = vector.extract_strided_slice %select_n3A_271 {offsets = [1, 0], sizes = [127, 64], strides = [1, 1]} : vector<128x64xf32> to vector<127x64xf32>
      %slice3A_273 = vector.extract_strided_slice %select_n3A_271 {offsets = [0, 0], sizes = [1, 64], strides = [1, 1]} : vector<128x64xf32> to vector<1x64xf32>
      %concatenate3A_274 = tpu.concatenate %slice3A_272, %slice3A_273 in 0 : vector<127x64xf32>, vector<1x64xf32> -> vector<128x64xf32>
      %slice3A_275 = vector.extract_strided_slice %select_n3A_271 {offsets = [127, 0], sizes = [1, 64], strides = [1, 1]} : vector<128x64xf32> to vector<1x64xf32>
      %slice3A_276 = vector.extract_strided_slice %select_n3A_271 {offsets = [0, 0], sizes = [127, 64], strides = [1, 1]} : vector<128x64xf32> to vector<127x64xf32>
      %concatenate3A_277 = tpu.concatenate %slice3A_275, %slice3A_276 in 0 : vector<1x64xf32>, vector<127x64xf32> -> vector<128x64xf32>
      %and3A_278 = arith.constant 1 : i32
      %and3A_279 = vector.broadcast %and3A_278 : i32 to vector<128x64xi32>
      %and3A_280 = arith.andi %iota3A_20, %and3A_279 : vector<128x64xi32>
      %eq3A_281 = arith.constant 0 : i32
      %eq3A_282 = vector.broadcast %eq3A_281 : i32 to vector<128x64xi32>
      %eq3A_283 = arith.cmpi eq, %and3A_280, %eq3A_282 : vector<128x64xi32>
      %select_n3A_284 = arith.select %eq3A_283, %concatenate3A_274, %concatenate3A_277 : vector<128x64xi1>, vector<128x64xf32>
      %min3A_285 = arith.minimumf %select_n3A_271, %select_n3A_284 : vector<128x64xf32>
      %max3A_286 = arith.maximumf %select_n3A_271, %select_n3A_284 : vector<128x64xf32>
      %and3A_287 = arith.constant 256 : i32
      %and3A_288 = vector.broadcast %and3A_287 : i32 to vector<128x64xi32>
      %and3A_289 = arith.andi %add3A_18, %and3A_288 : vector<128x64xi32>
      %eq3A_290 = arith.constant 0 : i32
      %eq3A_291 = vector.broadcast %eq3A_290 : i32 to vector<128x64xi32>
      %eq3A_292 = arith.cmpi eq, %and3A_289, %eq3A_291 : vector<128x64xi32>
      %eq3A_293 = arith.xori %eq3A_292, %eq3A_283 : vector<128x64xi1>
      %eq3A_294 = arith.constant dense<true> : vector<128x64xi1>
      %eq3A_295 = arith.xori %eq3A_293, %eq3A_294 : vector<128x64xi1>
      %select_n3A_296 = arith.select %eq3A_295, %min3A_285, %max3A_286 : vector<128x64xi1>, vector<128x64xf32>
      %swap3A_297 = arith.constant 0 : index
      %swap3A_298 = arith.constant 0 : index
      %swap3A_299 = vector.load %arg6[%swap3A_297, %swap3A_298] : memref<128x64xf32, #tpu.memory_space<vmem>>, vector<128x64xf32>
      tpu.vector_store %arg6[%swap3A_297, %swap3A_298], %select_n3A_296 {strides = array<i32>} : memref<128x64xf32, #tpu.memory_space<vmem>>, vector<128x64xf32>,
    } else {
    }
    %eq3A_63 = arith.constant 8 : i32
    %eq3A_64 = arith.cmpi eq, %arg0, %eq3A_63 : i32
    %convert_element_type3A_65 = arith.extui %eq3A_64 : i1 to i32
    %cond3A_66 = arith.constant 0 : i32
    %cond3A_67 = arith.cmpi ne, %convert_element_type3A_65, %cond3A_66 : i32
    scf.if %cond3A_67 {
      %get3A_93 = arith.constant 0 : index
      %get3A_94 = arith.constant 0 : index
      %get3A_95 = vector.load %arg6[%get3A_93, %get3A_94] : memref<128x64xf32, #tpu.memory_space<vmem>>, vector<128x64xf32>
      %transpose3A = tpu.transpose %get3A_95, [1, 0] : vector<128x64xf32> -> vector<64x128xf32>
      %slice3A = vector.extract_strided_slice %transpose3A {offsets = [2, 0], sizes = [62, 128], strides = [1, 1]} : vector<64x128xf32> to vector<62x128xf32>
      %slice3A_96 = vector.extract_strided_slice %transpose3A {offsets = [0, 0], sizes = [2, 128], strides = [1, 1]} : vector<64x128xf32> to vector<2x128xf32>
      %concatenate3A = tpu.concatenate %slice3A, %slice3A_96 in 0 : vector<62x128xf32>, vector<2x128xf32> -> vector<64x128xf32>
      %slice3A_97 = vector.extract_strided_slice %transpose3A {offsets = [62, 0], sizes = [2, 128], strides = [1, 1]} : vector<64x128xf32> to vector<2x128xf32>
      %slice3A_98 = vector.extract_strided_slice %transpose3A {offsets = [0, 0], sizes = [62, 128], strides = [1, 1]} : vector<64x128xf32> to vector<62x128xf32>
      %concatenate3A_99 = tpu.concatenate %slice3A_97, %slice3A_98 in 0 : vector<2x128xf32>, vector<62x128xf32> -> vector<64x128xf32>
      %and3A = arith.constant 2 : i32
      %and3A_100 = vector.broadcast %and3A : i32 to vector<64x128xi32>
      %and3A_101 = arith.andi %iota3A_19, %and3A_100 : vector<64x128xi32>
      %eq3A_102 = arith.constant 0 : i32
      %eq3A_103 = vector.broadcast %eq3A_102 : i32 to vector<64x128xi32>
      %eq3A_104 = arith.cmpi eq, %and3A_101, %eq3A_103 : vector<64x128xi32>
      %select_n3A = arith.select %eq3A_104, %concatenate3A, %concatenate3A_99 : vector<64x128xi1>, vector<64x128xf32>
      %min3A = arith.minimumf %transpose3A, %select_n3A : vector<64x128xf32>
      %max3A = arith.maximumf %transpose3A, %select_n3A : vector<64x128xf32>
      %and3A_105 = arith.constant 512 : i32
      %and3A_106 = vector.broadcast %and3A_105 : i32 to vector<64x128xi32>
      %and3A_107 = arith.andi %add3A, %and3A_106 : vector<64x128xi32>
      %eq3A_108 = arith.constant 0 : i32
      %eq3A_109 = vector.broadcast %eq3A_108 : i32 to vector<64x128xi32>
      %eq3A_110 = arith.cmpi eq, %and3A_107, %eq3A_109 : vector<64x128xi32>
      %eq3A_111 = arith.xori %eq3A_110, %eq3A_104 : vector<64x128xi1>
      %eq3A_112 = arith.constant dense<true> : vector<64x128xi1>
      %eq3A_113 = arith.xori %eq3A_111, %eq3A_112 : vector<64x128xi1>
      %select_n3A_114 = arith.select %eq3A_113, %min3A, %max3A : vector<64x128xi1>, vector<64x128xf32>
      %slice3A_115 = vector.extract_strided_slice %select_n3A_114 {offsets = [1, 0], sizes = [63, 128], strides = [1, 1]} : vector<64x128xf32> to vector<63x128xf32>
      %slice3A_116 = vector.extract_strided_slice %select_n3A_114 {offsets = [0, 0], sizes = [1, 128], strides = [1, 1]} : vector<64x128xf32> to vector<1x128xf32>
      %concatenate3A_117 = tpu.concatenate %slice3A_115, %slice3A_116 in 0 : vector<63x128xf32>, vector<1x128xf32> -> vector<64x128xf32>
      %slice3A_118 = vector.extract_strided_slice %select_n3A_114 {offsets = [63, 0], sizes = [1, 128], strides = [1, 1]} : vector<64x128xf32> to vector<1x128xf32>
      %slice3A_119 = vector.extract_strided_slice %select_n3A_114 {offsets = [0, 0], sizes = [63, 128], strides = [1, 1]} : vector<64x128xf32> to vector<63x128xf32>
      %concatenate3A_120 = tpu.concatenate %slice3A_118, %slice3A_119 in 0 : vector<1x128xf32>, vector<63x128xf32> -> vector<64x128xf32>
      %and3A_121 = arith.constant 1 : i32
      %and3A_122 = vector.broadcast %and3A_121 : i32 to vector<64x128xi32>
      %and3A_123 = arith.andi %iota3A_19, %and3A_122 : vector<64x128xi32>
      %eq3A_124 = arith.constant 0 : i32
      %eq3A_125 = vector.broadcast %eq3A_124 : i32 to vector<64x128xi32>
      %eq3A_126 = arith.cmpi eq, %and3A_123, %eq3A_125 : vector<64x128xi32>
      %select_n3A_127 = arith.select %eq3A_126, %concatenate3A_117, %concatenate3A_120 : vector<64x128xi1>, vector<64x128xf32>
      %min3A_128 = arith.minimumf %select_n3A_114, %select_n3A_127 : vector<64x128xf32>
      %max3A_129 = arith.maximumf %select_n3A_114, %select_n3A_127 : vector<64x128xf32>
      %and3A_130 = arith.constant 512 : i32
      %and3A_131 = vector.broadcast %and3A_130 : i32 to vector<64x128xi32>
      %and3A_132 = arith.andi %add3A, %and3A_131 : vector<64x128xi32>
      %eq3A_133 = arith.constant 0 : i32
      %eq3A_134 = vector.broadcast %eq3A_133 : i32 to vector<64x128xi32>
      %eq3A_135 = arith.cmpi eq, %and3A_132, %eq3A_134 : vector<64x128xi32>
      %eq3A_136 = arith.xori %eq3A_135, %eq3A_126 : vector<64x128xi1>
      %eq3A_137 = arith.constant dense<true> : vector<64x128xi1>
      %eq3A_138 = arith.xori %eq3A_136, %eq3A_137 : vector<64x128xi1>
      %select_n3A_139 = arith.select %eq3A_138, %min3A_128, %max3A_129 : vector<64x128xi1>, vector<64x128xf32>
      %transpose3A_140 = tpu.transpose %select_n3A_139, [1, 0] : vector<64x128xf32> -> vector<128x64xf32>
      %swap3A_141 = arith.constant 0 : index
      %swap3A_142 = arith.constant 0 : index
      %swap3A_143 = vector.load %arg6[%swap3A_141, %swap3A_142] : memref<128x64xf32, #tpu.memory_space<vmem>>, vector<128x64xf32>
      tpu.vector_store %arg6[%swap3A_141, %swap3A_142], %transpose3A_140 {strides = array<i32>} : memref<128x64xf32, #tpu.memory_space<vmem>>, vector<128x64xf32>,
      %get3A_144 = arith.constant 0 : index
      %get3A_145 = arith.constant 0 : index
      %get3A_146 = vector.load %arg6[%get3A_144, %get3A_145] : memref<128x64xf32, #tpu.memory_space<vmem>>, vector<128x64xf32>
      %slice3A_147 = vector.extract_strided_slice %get3A_146 {offsets = [64, 0], sizes = [64, 64], strides = [1, 1]} : vector<128x64xf32> to vector<64x64xf32>
      %slice3A_148 = vector.extract_strided_slice %get3A_146 {offsets = [0, 0], sizes = [64, 64], strides = [1, 1]} : vector<128x64xf32> to vector<64x64xf32>
      %concatenate3A_149 = tpu.concatenate %slice3A_147, %slice3A_148 in 0 : vector<64x64xf32>, vector<64x64xf32> -> vector<128x64xf32>
      %slice3A_150 = vector.extract_strided_slice %get3A_146 {offsets = [64, 0], sizes = [64, 64], strides = [1, 1]} : vector<128x64xf32> to vector<64x64xf32>
      %slice3A_151 = vector.extract_strided_slice %get3A_146 {offsets = [0, 0], sizes = [64, 64], strides = [1, 1]} : vector<128x64xf32> to vector<64x64xf32>
      %concatenate3A_152 = tpu.concatenate %slice3A_150, %slice3A_151 in 0 : vector<64x64xf32>, vector<64x64xf32> -> vector<128x64xf32>
      %and3A_153 = arith.constant 64 : i32
      %and3A_154 = vector.broadcast %and3A_153 : i32 to vector<128x64xi32>
      %and3A_155 = arith.andi %iota3A_20, %and3A_154 : vector<128x64xi32>
      %eq3A_156 = arith.constant 0 : i32
      %eq3A_157 = vector.broadcast %eq3A_156 : i32 to vector<128x64xi32>
      %eq3A_158 = arith.cmpi eq, %and3A_155, %eq3A_157 : vector<128x64xi32>
      %select_n3A_159 = arith.select %eq3A_158, %concatenate3A_149, %concatenate3A_152 : vector<128x64xi1>, vector<128x64xf32>
      %min3A_160 = arith.minimumf %get3A_146, %select_n3A_159 : vector<128x64xf32>
      %max3A_161 = arith.maximumf %get3A_146, %select_n3A_159 : vector<128x64xf32>
      %and3A_162 = arith.constant 512 : i32
      %and3A_163 = vector.broadcast %and3A_162 : i32 to vector<128x64xi32>
      %and3A_164 = arith.andi %add3A_18, %and3A_163 : vector<128x64xi32>
      %eq3A_165 = arith.constant 0 : i32
      %eq3A_166 = vector.broadcast %eq3A_165 : i32 to vector<128x64xi32>
      %eq3A_167 = arith.cmpi eq, %and3A_164, %eq3A_166 : vector<128x64xi32>
      %eq3A_168 = arith.xori %eq3A_167, %eq3A_158 : vector<128x64xi1>
      %eq3A_169 = arith.constant dense<true> : vector<128x64xi1>
      %eq3A_170 = arith.xori %eq3A_168, %eq3A_169 : vector<128x64xi1>
      %select_n3A_171 = arith.select %eq3A_170, %min3A_160, %max3A_161 : vector<128x64xi1>, vector<128x64xf32>
      %slice3A_172 = vector.extract_strided_slice %select_n3A_171 {offsets = [32, 0], sizes = [96, 64], strides = [1, 1]} : vector<128x64xf32> to vector<96x64xf32>
      %slice3A_173 = vector.extract_strided_slice %select_n3A_171 {offsets = [0, 0], sizes = [32, 64], strides = [1, 1]} : vector<128x64xf32> to vector<32x64xf32>
      %concatenate3A_174 = tpu.concatenate %slice3A_172, %slice3A_173 in 0 : vector<96x64xf32>, vector<32x64xf32> -> vector<128x64xf32>
      %slice3A_175 = vector.extract_strided_slice %select_n3A_171 {offsets = [96, 0], sizes = [32, 64], strides = [1, 1]} : vector<128x64xf32> to vector<32x64xf32>
      %slice3A_176 = vector.extract_strided_slice %select_n3A_171 {offsets = [0, 0], sizes = [96, 64], strides = [1, 1]} : vector<128x64xf32> to vector<96x64xf32>
      %concatenate3A_177 = tpu.concatenate %slice3A_175, %slice3A_176 in 0 : vector<32x64xf32>, vector<96x64xf32> -> vector<128x64xf32>
      %and3A_178 = arith.constant 32 : i32
      %and3A_179 = vector.broadcast %and3A_178 : i32 to vector<128x64xi32>
      %and3A_180 = arith.andi %iota3A_20, %and3A_179 : vector<128x64xi32>
      %eq3A_181 = arith.constant 0 : i32
      %eq3A_182 = vector.broadcast %eq3A_181 : i32 to vector<128x64xi32>
      %eq3A_183 = arith.cmpi eq, %and3A_180, %eq3A_182 : vector<128x64xi32>
      %select_n3A_184 = arith.select %eq3A_183, %concatenate3A_174, %concatenate3A_177 : vector<128x64xi1>, vector<128x64xf32>
      %min3A_185 = arith.minimumf %select_n3A_171, %select_n3A_184 : vector<128x64xf32>
      %max3A_186 = arith.maximumf %select_n3A_171, %select_n3A_184 : vector<128x64xf32>
      %and3A_187 = arith.constant 512 : i32
      %and3A_188 = vector.broadcast %and3A_187 : i32 to vector<128x64xi32>
      %and3A_189 = arith.andi %add3A_18, %and3A_188 : vector<128x64xi32>
      %eq3A_190 = arith.constant 0 : i32
      %eq3A_191 = vector.broadcast %eq3A_190 : i32 to vector<128x64xi32>
      %eq3A_192 = arith.cmpi eq, %and3A_189, %eq3A_191 : vector<128x64xi32>
      %eq3A_193 = arith.xori %eq3A_192, %eq3A_183 : vector<128x64xi1>
      %eq3A_194 = arith.constant dense<true> : vector<128x64xi1>
      %eq3A_195 = arith.xori %eq3A_193, %eq3A_194 : vector<128x64xi1>
      %select_n3A_196 = arith.select %eq3A_195, %min3A_185, %max3A_186 : vector<128x64xi1>, vector<128x64xf32>
      %slice3A_197 = vector.extract_strided_slice %select_n3A_196 {offsets = [16, 0], sizes = [112, 64], strides = [1, 1]} : vector<128x64xf32> to vector<112x64xf32>
      %slice3A_198 = vector.extract_strided_slice %select_n3A_196 {offsets = [0, 0], sizes = [16, 64], strides = [1, 1]} : vector<128x64xf32> to vector<16x64xf32>
      %concatenate3A_199 = tpu.concatenate %slice3A_197, %slice3A_198 in 0 : vector<112x64xf32>, vector<16x64xf32> -> vector<128x64xf32>
      %slice3A_200 = vector.extract_strided_slice %select_n3A_196 {offsets = [112, 0], sizes = [16, 64], strides = [1, 1]} : vector<128x64xf32> to vector<16x64xf32>
      %slice3A_201 = vector.extract_strided_slice %select_n3A_196 {offsets = [0, 0], sizes = [112, 64], strides = [1, 1]} : vector<128x64xf32> to vector<112x64xf32>
      %concatenate3A_202 = tpu.concatenate %slice3A_200, %slice3A_201 in 0 : vector<16x64xf32>, vector<112x64xf32> -> vector<128x64xf32>
      %and3A_203 = arith.constant 16 : i32
      %and3A_204 = vector.broadcast %and3A_203 : i32 to vector<128x64xi32>
      %and3A_205 = arith.andi %iota3A_20, %and3A_204 : vector<128x64xi32>
      %eq3A_206 = arith.constant 0 : i32
      %eq3A_207 = vector.broadcast %eq3A_206 : i32 to vector<128x64xi32>
      %eq3A_208 = arith.cmpi eq, %and3A_205, %eq3A_207 : vector<128x64xi32>
      %select_n3A_209 = arith.select %eq3A_208, %concatenate3A_199, %concatenate3A_202 : vector<128x64xi1>, vector<128x64xf32>
      %min3A_210 = arith.minimumf %select_n3A_196, %select_n3A_209 : vector<128x64xf32>
      %max3A_211 = arith.maximumf %select_n3A_196, %select_n3A_209 : vector<128x64xf32>
      %and3A_212 = arith.constant 512 : i32
      %and3A_213 = vector.broadcast %and3A_212 : i32 to vector<128x64xi32>
      %and3A_214 = arith.andi %add3A_18, %and3A_213 : vector<128x64xi32>
      %eq3A_215 = arith.constant 0 : i32
      %eq3A_216 = vector.broadcast %eq3A_215 : i32 to vector<128x64xi32>
      %eq3A_217 = arith.cmpi eq, %and3A_214, %eq3A_216 : vector<128x64xi32>
      %eq3A_218 = arith.xori %eq3A_217, %eq3A_208 : vector<128x64xi1>
      %eq3A_219 = arith.constant dense<true> : vector<128x64xi1>
      %eq3A_220 = arith.xori %eq3A_218, %eq3A_219 : vector<128x64xi1>
      %select_n3A_221 = arith.select %eq3A_220, %min3A_210, %max3A_211 : vector<128x64xi1>, vector<128x64xf32>
      %slice3A_222 = vector.extract_strided_slice %select_n3A_221 {offsets = [8, 0], sizes = [120, 64], strides = [1, 1]} : vector<128x64xf32> to vector<120x64xf32>
      %slice3A_223 = vector.extract_strided_slice %select_n3A_221 {offsets = [0, 0], sizes = [8, 64], strides = [1, 1]} : vector<128x64xf32> to vector<8x64xf32>
      %concatenate3A_224 = tpu.concatenate %slice3A_222, %slice3A_223 in 0 : vector<120x64xf32>, vector<8x64xf32> -> vector<128x64xf32>
      %slice3A_225 = vector.extract_strided_slice %select_n3A_221 {offsets = [120, 0], sizes = [8, 64], strides = [1, 1]} : vector<128x64xf32> to vector<8x64xf32>
      %slice3A_226 = vector.extract_strided_slice %select_n3A_221 {offsets = [0, 0], sizes = [120, 64], strides = [1, 1]} : vector<128x64xf32> to vector<120x64xf32>
      %concatenate3A_227 = tpu.concatenate %slice3A_225, %slice3A_226 in 0 : vector<8x64xf32>, vector<120x64xf32> -> vector<128x64xf32>
      %and3A_228 = arith.constant 8 : i32
      %and3A_229 = vector.broadcast %and3A_228 : i32 to vector<128x64xi32>
      %and3A_230 = arith.andi %iota3A_20, %and3A_229 : vector<128x64xi32>
      %eq3A_231 = arith.constant 0 : i32
      %eq3A_232 = vector.broadcast %eq3A_231 : i32 to vector<128x64xi32>
      %eq3A_233 = arith.cmpi eq, %and3A_230, %eq3A_232 : vector<128x64xi32>
      %select_n3A_234 = arith.select %eq3A_233, %concatenate3A_224, %concatenate3A_227 : vector<128x64xi1>, vector<128x64xf32>
      %min3A_235 = arith.minimumf %select_n3A_221, %select_n3A_234 : vector<128x64xf32>
      %max3A_236 = arith.maximumf %select_n3A_221, %select_n3A_234 : vector<128x64xf32>
      %and3A_237 = arith.constant 512 : i32
      %and3A_238 = vector.broadcast %and3A_237 : i32 to vector<128x64xi32>
      %and3A_239 = arith.andi %add3A_18, %and3A_238 : vector<128x64xi32>
      %eq3A_240 = arith.constant 0 : i32
      %eq3A_241 = vector.broadcast %eq3A_240 : i32 to vector<128x64xi32>
      %eq3A_242 = arith.cmpi eq, %and3A_239, %eq3A_241 : vector<128x64xi32>
      %eq3A_243 = arith.xori %eq3A_242, %eq3A_233 : vector<128x64xi1>
      %eq3A_244 = arith.constant dense<true> : vector<128x64xi1>
      %eq3A_245 = arith.xori %eq3A_243, %eq3A_244 : vector<128x64xi1>
      %select_n3A_246 = arith.select %eq3A_245, %min3A_235, %max3A_236 : vector<128x64xi1>, vector<128x64xf32>
      %slice3A_247 = vector.extract_strided_slice %select_n3A_246 {offsets = [4, 0], sizes = [124, 64], strides = [1, 1]} : vector<128x64xf32> to vector<124x64xf32>
      %slice3A_248 = vector.extract_strided_slice %select_n3A_246 {offsets = [0, 0], sizes = [4, 64], strides = [1, 1]} : vector<128x64xf32> to vector<4x64xf32>
      %concatenate3A_249 = tpu.concatenate %slice3A_247, %slice3A_248 in 0 : vector<124x64xf32>, vector<4x64xf32> -> vector<128x64xf32>
      %slice3A_250 = vector.extract_strided_slice %select_n3A_246 {offsets = [124, 0], sizes = [4, 64], strides = [1, 1]} : vector<128x64xf32> to vector<4x64xf32>
      %slice3A_251 = vector.extract_strided_slice %select_n3A_246 {offsets = [0, 0], sizes = [124, 64], strides = [1, 1]} : vector<128x64xf32> to vector<124x64xf32>
      %concatenate3A_252 = tpu.concatenate %slice3A_250, %slice3A_251 in 0 : vector<4x64xf32>, vector<124x64xf32> -> vector<128x64xf32>
      %and3A_253 = arith.constant 4 : i32
      %and3A_254 = vector.broadcast %and3A_253 : i32 to vector<128x64xi32>
      %and3A_255 = arith.andi %iota3A_20, %and3A_254 : vector<128x64xi32>
      %eq3A_256 = arith.constant 0 : i32
      %eq3A_257 = vector.broadcast %eq3A_256 : i32 to vector<128x64xi32>
      %eq3A_258 = arith.cmpi eq, %and3A_255, %eq3A_257 : vector<128x64xi32>
      %select_n3A_259 = arith.select %eq3A_258, %concatenate3A_249, %concatenate3A_252 : vector<128x64xi1>, vector<128x64xf32>
      %min3A_260 = arith.minimumf %select_n3A_246, %select_n3A_259 : vector<128x64xf32>
      %max3A_261 = arith.maximumf %select_n3A_246, %select_n3A_259 : vector<128x64xf32>
      %and3A_262 = arith.constant 512 : i32
      %and3A_263 = vector.broadcast %and3A_262 : i32 to vector<128x64xi32>
      %and3A_264 = arith.andi %add3A_18, %and3A_263 : vector<128x64xi32>
      %eq3A_265 = arith.constant 0 : i32
      %eq3A_266 = vector.broadcast %eq3A_265 : i32 to vector<128x64xi32>
      %eq3A_267 = arith.cmpi eq, %and3A_264, %eq3A_266 : vector<128x64xi32>
      %eq3A_268 = arith.xori %eq3A_267, %eq3A_258 : vector<128x64xi1>
      %eq3A_269 = arith.constant dense<true> : vector<128x64xi1>
      %eq3A_270 = arith.xori %eq3A_268, %eq3A_269 : vector<128x64xi1>
      %select_n3A_271 = arith.select %eq3A_270, %min3A_260, %max3A_261 : vector<128x64xi1>, vector<128x64xf32>
      %slice3A_272 = vector.extract_strided_slice %select_n3A_271 {offsets = [2, 0], sizes = [126, 64], strides = [1, 1]} : vector<128x64xf32> to vector<126x64xf32>
      %slice3A_273 = vector.extract_strided_slice %select_n3A_271 {offsets = [0, 0], sizes = [2, 64], strides = [1, 1]} : vector<128x64xf32> to vector<2x64xf32>
      %concatenate3A_274 = tpu.concatenate %slice3A_272, %slice3A_273 in 0 : vector<126x64xf32>, vector<2x64xf32> -> vector<128x64xf32>
      %slice3A_275 = vector.extract_strided_slice %select_n3A_271 {offsets = [126, 0], sizes = [2, 64], strides = [1, 1]} : vector<128x64xf32> to vector<2x64xf32>
      %slice3A_276 = vector.extract_strided_slice %select_n3A_271 {offsets = [0, 0], sizes = [126, 64], strides = [1, 1]} : vector<128x64xf32> to vector<126x64xf32>
      %concatenate3A_277 = tpu.concatenate %slice3A_275, %slice3A_276 in 0 : vector<2x64xf32>, vector<126x64xf32> -> vector<128x64xf32>
      %and3A_278 = arith.constant 2 : i32
      %and3A_279 = vector.broadcast %and3A_278 : i32 to vector<128x64xi32>
      %and3A_280 = arith.andi %iota3A_20, %and3A_279 : vector<128x64xi32>
      %eq3A_281 = arith.constant 0 : i32
      %eq3A_282 = vector.broadcast %eq3A_281 : i32 to vector<128x64xi32>
      %eq3A_283 = arith.cmpi eq, %and3A_280, %eq3A_282 : vector<128x64xi32>
      %select_n3A_284 = arith.select %eq3A_283, %concatenate3A_274, %concatenate3A_277 : vector<128x64xi1>, vector<128x64xf32>
      %min3A_285 = arith.minimumf %select_n3A_271, %select_n3A_284 : vector<128x64xf32>
      %max3A_286 = arith.maximumf %select_n3A_271, %select_n3A_284 : vector<128x64xf32>
      %and3A_287 = arith.constant 512 : i32
      %and3A_288 = vector.broadcast %and3A_287 : i32 to vector<128x64xi32>
      %and3A_289 = arith.andi %add3A_18, %and3A_288 : vector<128x64xi32>
      %eq3A_290 = arith.constant 0 : i32
      %eq3A_291 = vector.broadcast %eq3A_290 : i32 to vector<128x64xi32>
      %eq3A_292 = arith.cmpi eq, %and3A_289, %eq3A_291 : vector<128x64xi32>
      %eq3A_293 = arith.xori %eq3A_292, %eq3A_283 : vector<128x64xi1>
      %eq3A_294 = arith.constant dense<true> : vector<128x64xi1>
      %eq3A_295 = arith.xori %eq3A_293, %eq3A_294 : vector<128x64xi1>
      %select_n3A_296 = arith.select %eq3A_295, %min3A_285, %max3A_286 : vector<128x64xi1>, vector<128x64xf32>
      %slice3A_297 = vector.extract_strided_slice %select_n3A_296 {offsets = [1, 0], sizes = [127, 64], strides = [1, 1]} : vector<128x64xf32> to vector<127x64xf32>
      %slice3A_298 = vector.extract_strided_slice %select_n3A_296 {offsets = [0, 0], sizes = [1, 64], strides = [1, 1]} : vector<128x64xf32> to vector<1x64xf32>
      %concatenate3A_299 = tpu.concatenate %slice3A_297, %slice3A_298 in 0 : vector<127x64xf32>, vector<1x64xf32> -> vector<128x64xf32>
      %slice3A_300 = vector.extract_strided_slice %select_n3A_296 {offsets = [127, 0], sizes = [1, 64], strides = [1, 1]} : vector<128x64xf32> to vector<1x64xf32>
      %slice3A_301 = vector.extract_strided_slice %select_n3A_296 {offsets = [0, 0], sizes = [127, 64], strides = [1, 1]} : vector<128x64xf32> to vector<127x64xf32>
      %concatenate3A_302 = tpu.concatenate %slice3A_300, %slice3A_301 in 0 : vector<1x64xf32>, vector<127x64xf32> -> vector<128x64xf32>
      %and3A_303 = arith.constant 1 : i32
      %and3A_304 = vector.broadcast %and3A_303 : i32 to vector<128x64xi32>
      %and3A_305 = arith.andi %iota3A_20, %and3A_304 : vector<128x64xi32>
      %eq3A_306 = arith.constant 0 : i32
      %eq3A_307 = vector.broadcast %eq3A_306 : i32 to vector<128x64xi32>
      %eq3A_308 = arith.cmpi eq, %and3A_305, %eq3A_307 : vector<128x64xi32>
      %select_n3A_309 = arith.select %eq3A_308, %concatenate3A_299, %concatenate3A_302 : vector<128x64xi1>, vector<128x64xf32>
      %min3A_310 = arith.minimumf %select_n3A_296, %select_n3A_309 : vector<128x64xf32>
      %max3A_311 = arith.maximumf %select_n3A_296, %select_n3A_309 : vector<128x64xf32>
      %and3A_312 = arith.constant 512 : i32
      %and3A_313 = vector.broadcast %and3A_312 : i32 to vector<128x64xi32>
      %and3A_314 = arith.andi %add3A_18, %and3A_313 : vector<128x64xi32>
      %eq3A_315 = arith.constant 0 : i32
      %eq3A_316 = vector.broadcast %eq3A_315 : i32 to vector<128x64xi32>
      %eq3A_317 = arith.cmpi eq, %and3A_314, %eq3A_316 : vector<128x64xi32>
      %eq3A_318 = arith.xori %eq3A_317, %eq3A_308 : vector<128x64xi1>
      %eq3A_319 = arith.constant dense<true> : vector<128x64xi1>
      %eq3A_320 = arith.xori %eq3A_318, %eq3A_319 : vector<128x64xi1>
      %select_n3A_321 = arith.select %eq3A_320, %min3A_310, %max3A_311 : vector<128x64xi1>, vector<128x64xf32>
      %swap3A_322 = arith.constant 0 : index
      %swap3A_323 = arith.constant 0 : index
      %swap3A_324 = vector.load %arg6[%swap3A_322, %swap3A_323] : memref<128x64xf32, #tpu.memory_space<vmem>>, vector<128x64xf32>
      tpu.vector_store %arg6[%swap3A_322, %swap3A_323], %select_n3A_321 {strides = array<i32>} : memref<128x64xf32, #tpu.memory_space<vmem>>, vector<128x64xf32>,
    } else {
    }
    %eq3A_68 = arith.constant 9 : i32
    %eq3A_69 = arith.cmpi eq, %arg0, %eq3A_68 : i32
    %convert_element_type3A_70 = arith.extui %eq3A_69 : i1 to i32
    %cond3A_71 = arith.constant 0 : i32
    %cond3A_72 = arith.cmpi ne, %convert_element_type3A_70, %cond3A_71 : i32
    scf.if %cond3A_72 {
      %get3A_93 = arith.constant 0 : index
      %get3A_94 = arith.constant 0 : index
      %get3A_95 = vector.load %arg6[%get3A_93, %get3A_94] : memref<128x64xf32, #tpu.memory_space<vmem>>, vector<128x64xf32>
      %transpose3A = tpu.transpose %get3A_95, [1, 0] : vector<128x64xf32> -> vector<64x128xf32>
      %slice3A = vector.extract_strided_slice %transpose3A {offsets = [4, 0], sizes = [60, 128], strides = [1, 1]} : vector<64x128xf32> to vector<60x128xf32>
      %slice3A_96 = vector.extract_strided_slice %transpose3A {offsets = [0, 0], sizes = [4, 128], strides = [1, 1]} : vector<64x128xf32> to vector<4x128xf32>
      %concatenate3A = tpu.concatenate %slice3A, %slice3A_96 in 0 : vector<60x128xf32>, vector<4x128xf32> -> vector<64x128xf32>
      %slice3A_97 = vector.extract_strided_slice %transpose3A {offsets = [60, 0], sizes = [4, 128], strides = [1, 1]} : vector<64x128xf32> to vector<4x128xf32>
      %slice3A_98 = vector.extract_strided_slice %transpose3A {offsets = [0, 0], sizes = [60, 128], strides = [1, 1]} : vector<64x128xf32> to vector<60x128xf32>
      %concatenate3A_99 = tpu.concatenate %slice3A_97, %slice3A_98 in 0 : vector<4x128xf32>, vector<60x128xf32> -> vector<64x128xf32>
      %and3A = arith.constant 4 : i32
      %and3A_100 = vector.broadcast %and3A : i32 to vector<64x128xi32>
      %and3A_101 = arith.andi %iota3A_19, %and3A_100 : vector<64x128xi32>
      %eq3A_102 = arith.constant 0 : i32
      %eq3A_103 = vector.broadcast %eq3A_102 : i32 to vector<64x128xi32>
      %eq3A_104 = arith.cmpi eq, %and3A_101, %eq3A_103 : vector<64x128xi32>
      %select_n3A = arith.select %eq3A_104, %concatenate3A, %concatenate3A_99 : vector<64x128xi1>, vector<64x128xf32>
      %min3A = arith.minimumf %transpose3A, %select_n3A : vector<64x128xf32>
      %max3A = arith.maximumf %transpose3A, %select_n3A : vector<64x128xf32>
      %and3A_105 = arith.constant 1024 : i32
      %and3A_106 = vector.broadcast %and3A_105 : i32 to vector<64x128xi32>
      %and3A_107 = arith.andi %add3A, %and3A_106 : vector<64x128xi32>
      %eq3A_108 = arith.constant 0 : i32
      %eq3A_109 = vector.broadcast %eq3A_108 : i32 to vector<64x128xi32>
      %eq3A_110 = arith.cmpi eq, %and3A_107, %eq3A_109 : vector<64x128xi32>
      %eq3A_111 = arith.xori %eq3A_110, %eq3A_104 : vector<64x128xi1>
      %eq3A_112 = arith.constant dense<true> : vector<64x128xi1>
      %eq3A_113 = arith.xori %eq3A_111, %eq3A_112 : vector<64x128xi1>
      %select_n3A_114 = arith.select %eq3A_113, %min3A, %max3A : vector<64x128xi1>, vector<64x128xf32>
      %slice3A_115 = vector.extract_strided_slice %select_n3A_114 {offsets = [2, 0], sizes = [62, 128], strides = [1, 1]} : vector<64x128xf32> to vector<62x128xf32>
      %slice3A_116 = vector.extract_strided_slice %select_n3A_114 {offsets = [0, 0], sizes = [2, 128], strides = [1, 1]} : vector<64x128xf32> to vector<2x128xf32>
      %concatenate3A_117 = tpu.concatenate %slice3A_115, %slice3A_116 in 0 : vector<62x128xf32>, vector<2x128xf32> -> vector<64x128xf32>
      %slice3A_118 = vector.extract_strided_slice %select_n3A_114 {offsets = [62, 0], sizes = [2, 128], strides = [1, 1]} : vector<64x128xf32> to vector<2x128xf32>
      %slice3A_119 = vector.extract_strided_slice %select_n3A_114 {offsets = [0, 0], sizes = [62, 128], strides = [1, 1]} : vector<64x128xf32> to vector<62x128xf32>
      %concatenate3A_120 = tpu.concatenate %slice3A_118, %slice3A_119 in 0 : vector<2x128xf32>, vector<62x128xf32> -> vector<64x128xf32>
      %and3A_121 = arith.constant 2 : i32
      %and3A_122 = vector.broadcast %and3A_121 : i32 to vector<64x128xi32>
      %and3A_123 = arith.andi %iota3A_19, %and3A_122 : vector<64x128xi32>
      %eq3A_124 = arith.constant 0 : i32
      %eq3A_125 = vector.broadcast %eq3A_124 : i32 to vector<64x128xi32>
      %eq3A_126 = arith.cmpi eq, %and3A_123, %eq3A_125 : vector<64x128xi32>
      %select_n3A_127 = arith.select %eq3A_126, %concatenate3A_117, %concatenate3A_120 : vector<64x128xi1>, vector<64x128xf32>
      %min3A_128 = arith.minimumf %select_n3A_114, %select_n3A_127 : vector<64x128xf32>
      %max3A_129 = arith.maximumf %select_n3A_114, %select_n3A_127 : vector<64x128xf32>
      %and3A_130 = arith.constant 1024 : i32
      %and3A_131 = vector.broadcast %and3A_130 : i32 to vector<64x128xi32>
      %and3A_132 = arith.andi %add3A, %and3A_131 : vector<64x128xi32>
      %eq3A_133 = arith.constant 0 : i32
      %eq3A_134 = vector.broadcast %eq3A_133 : i32 to vector<64x128xi32>
      %eq3A_135 = arith.cmpi eq, %and3A_132, %eq3A_134 : vector<64x128xi32>
      %eq3A_136 = arith.xori %eq3A_135, %eq3A_126 : vector<64x128xi1>
      %eq3A_137 = arith.constant dense<true> : vector<64x128xi1>
      %eq3A_138 = arith.xori %eq3A_136, %eq3A_137 : vector<64x128xi1>
      %select_n3A_139 = arith.select %eq3A_138, %min3A_128, %max3A_129 : vector<64x128xi1>, vector<64x128xf32>
      %slice3A_140 = vector.extract_strided_slice %select_n3A_139 {offsets = [1, 0], sizes = [63, 128], strides = [1, 1]} : vector<64x128xf32> to vector<63x128xf32>
      %slice3A_141 = vector.extract_strided_slice %select_n3A_139 {offsets = [0, 0], sizes = [1, 128], strides = [1, 1]} : vector<64x128xf32> to vector<1x128xf32>
      %concatenate3A_142 = tpu.concatenate %slice3A_140, %slice3A_141 in 0 : vector<63x128xf32>, vector<1x128xf32> -> vector<64x128xf32>
      %slice3A_143 = vector.extract_strided_slice %select_n3A_139 {offsets = [63, 0], sizes = [1, 128], strides = [1, 1]} : vector<64x128xf32> to vector<1x128xf32>
      %slice3A_144 = vector.extract_strided_slice %select_n3A_139 {offsets = [0, 0], sizes = [63, 128], strides = [1, 1]} : vector<64x128xf32> to vector<63x128xf32>
      %concatenate3A_145 = tpu.concatenate %slice3A_143, %slice3A_144 in 0 : vector<1x128xf32>, vector<63x128xf32> -> vector<64x128xf32>
      %and3A_146 = arith.constant 1 : i32
      %and3A_147 = vector.broadcast %and3A_146 : i32 to vector<64x128xi32>
      %and3A_148 = arith.andi %iota3A_19, %and3A_147 : vector<64x128xi32>
      %eq3A_149 = arith.constant 0 : i32
      %eq3A_150 = vector.broadcast %eq3A_149 : i32 to vector<64x128xi32>
      %eq3A_151 = arith.cmpi eq, %and3A_148, %eq3A_150 : vector<64x128xi32>
      %select_n3A_152 = arith.select %eq3A_151, %concatenate3A_142, %concatenate3A_145 : vector<64x128xi1>, vector<64x128xf32>
      %min3A_153 = arith.minimumf %select_n3A_139, %select_n3A_152 : vector<64x128xf32>
      %max3A_154 = arith.maximumf %select_n3A_139, %select_n3A_152 : vector<64x128xf32>
      %and3A_155 = arith.constant 1024 : i32
      %and3A_156 = vector.broadcast %and3A_155 : i32 to vector<64x128xi32>
      %and3A_157 = arith.andi %add3A, %and3A_156 : vector<64x128xi32>
      %eq3A_158 = arith.constant 0 : i32
      %eq3A_159 = vector.broadcast %eq3A_158 : i32 to vector<64x128xi32>
      %eq3A_160 = arith.cmpi eq, %and3A_157, %eq3A_159 : vector<64x128xi32>
      %eq3A_161 = arith.xori %eq3A_160, %eq3A_151 : vector<64x128xi1>
      %eq3A_162 = arith.constant dense<true> : vector<64x128xi1>
      %eq3A_163 = arith.xori %eq3A_161, %eq3A_162 : vector<64x128xi1>
      %select_n3A_164 = arith.select %eq3A_163, %min3A_153, %max3A_154 : vector<64x128xi1>, vector<64x128xf32>
      %transpose3A_165 = tpu.transpose %select_n3A_164, [1, 0] : vector<64x128xf32> -> vector<128x64xf32>
      %swap3A_166 = arith.constant 0 : index
      %swap3A_167 = arith.constant 0 : index
      %swap3A_168 = vector.load %arg6[%swap3A_166, %swap3A_167] : memref<128x64xf32, #tpu.memory_space<vmem>>, vector<128x64xf32>
      tpu.vector_store %arg6[%swap3A_166, %swap3A_167], %transpose3A_165 {strides = array<i32>} : memref<128x64xf32, #tpu.memory_space<vmem>>, vector<128x64xf32>,
      %get3A_169 = arith.constant 0 : index
      %get3A_170 = arith.constant 0 : index
      %get3A_171 = vector.load %arg6[%get3A_169, %get3A_170] : memref<128x64xf32, #tpu.memory_space<vmem>>, vector<128x64xf32>
      %slice3A_172 = vector.extract_strided_slice %get3A_171 {offsets = [64, 0], sizes = [64, 64], strides = [1, 1]} : vector<128x64xf32> to vector<64x64xf32>
      %slice3A_173 = vector.extract_strided_slice %get3A_171 {offsets = [0, 0], sizes = [64, 64], strides = [1, 1]} : vector<128x64xf32> to vector<64x64xf32>
      %concatenate3A_174 = tpu.concatenate %slice3A_172, %slice3A_173 in 0 : vector<64x64xf32>, vector<64x64xf32> -> vector<128x64xf32>
      %slice3A_175 = vector.extract_strided_slice %get3A_171 {offsets = [64, 0], sizes = [64, 64], strides = [1, 1]} : vector<128x64xf32> to vector<64x64xf32>
      %slice3A_176 = vector.extract_strided_slice %get3A_171 {offsets = [0, 0], sizes = [64, 64], strides = [1, 1]} : vector<128x64xf32> to vector<64x64xf32>
      %concatenate3A_177 = tpu.concatenate %slice3A_175, %slice3A_176 in 0 : vector<64x64xf32>, vector<64x64xf32> -> vector<128x64xf32>
      %and3A_178 = arith.constant 64 : i32
      %and3A_179 = vector.broadcast %and3A_178 : i32 to vector<128x64xi32>
      %and3A_180 = arith.andi %iota3A_20, %and3A_179 : vector<128x64xi32>
      %eq3A_181 = arith.constant 0 : i32
      %eq3A_182 = vector.broadcast %eq3A_181 : i32 to vector<128x64xi32>
      %eq3A_183 = arith.cmpi eq, %and3A_180, %eq3A_182 : vector<128x64xi32>
      %select_n3A_184 = arith.select %eq3A_183, %concatenate3A_174, %concatenate3A_177 : vector<128x64xi1>, vector<128x64xf32>
      %min3A_185 = arith.minimumf %get3A_171, %select_n3A_184 : vector<128x64xf32>
      %max3A_186 = arith.maximumf %get3A_171, %select_n3A_184 : vector<128x64xf32>
      %and3A_187 = arith.constant 1024 : i32
      %and3A_188 = vector.broadcast %and3A_187 : i32 to vector<128x64xi32>
      %and3A_189 = arith.andi %add3A_18, %and3A_188 : vector<128x64xi32>
      %eq3A_190 = arith.constant 0 : i32
      %eq3A_191 = vector.broadcast %eq3A_190 : i32 to vector<128x64xi32>
      %eq3A_192 = arith.cmpi eq, %and3A_189, %eq3A_191 : vector<128x64xi32>
      %eq3A_193 = arith.xori %eq3A_192, %eq3A_183 : vector<128x64xi1>
      %eq3A_194 = arith.constant dense<true> : vector<128x64xi1>
      %eq3A_195 = arith.xori %eq3A_193, %eq3A_194 : vector<128x64xi1>
      %select_n3A_196 = arith.select %eq3A_195, %min3A_185, %max3A_186 : vector<128x64xi1>, vector<128x64xf32>
      %slice3A_197 = vector.extract_strided_slice %select_n3A_196 {offsets = [32, 0], sizes = [96, 64], strides = [1, 1]} : vector<128x64xf32> to vector<96x64xf32>
      %slice3A_198 = vector.extract_strided_slice %select_n3A_196 {offsets = [0, 0], sizes = [32, 64], strides = [1, 1]} : vector<128x64xf32> to vector<32x64xf32>
      %concatenate3A_199 = tpu.concatenate %slice3A_197, %slice3A_198 in 0 : vector<96x64xf32>, vector<32x64xf32> -> vector<128x64xf32>
      %slice3A_200 = vector.extract_strided_slice %select_n3A_196 {offsets = [96, 0], sizes = [32, 64], strides = [1, 1]} : vector<128x64xf32> to vector<32x64xf32>
      %slice3A_201 = vector.extract_strided_slice %select_n3A_196 {offsets = [0, 0], sizes = [96, 64], strides = [1, 1]} : vector<128x64xf32> to vector<96x64xf32>
      %concatenate3A_202 = tpu.concatenate %slice3A_200, %slice3A_201 in 0 : vector<32x64xf32>, vector<96x64xf32> -> vector<128x64xf32>
      %and3A_203 = arith.constant 32 : i32
      %and3A_204 = vector.broadcast %and3A_203 : i32 to vector<128x64xi32>
      %and3A_205 = arith.andi %iota3A_20, %and3A_204 : vector<128x64xi32>
      %eq3A_206 = arith.constant 0 : i32
      %eq3A_207 = vector.broadcast %eq3A_206 : i32 to vector<128x64xi32>
      %eq3A_208 = arith.cmpi eq, %and3A_205, %eq3A_207 : vector<128x64xi32>
      %select_n3A_209 = arith.select %eq3A_208, %concatenate3A_199, %concatenate3A_202 : vector<128x64xi1>, vector<128x64xf32>
      %min3A_210 = arith.minimumf %select_n3A_196, %select_n3A_209 : vector<128x64xf32>
      %max3A_211 = arith.maximumf %select_n3A_196, %select_n3A_209 : vector<128x64xf32>
      %and3A_212 = arith.constant 1024 : i32
      %and3A_213 = vector.broadcast %and3A_212 : i32 to vector<128x64xi32>
      %and3A_214 = arith.andi %add3A_18, %and3A_213 : vector<128x64xi32>
      %eq3A_215 = arith.constant 0 : i32
      %eq3A_216 = vector.broadcast %eq3A_215 : i32 to vector<128x64xi32>
      %eq3A_217 = arith.cmpi eq, %and3A_214, %eq3A_216 : vector<128x64xi32>
      %eq3A_218 = arith.xori %eq3A_217, %eq3A_208 : vector<128x64xi1>
      %eq3A_219 = arith.constant dense<true> : vector<128x64xi1>
      %eq3A_220 = arith.xori %eq3A_218, %eq3A_219 : vector<128x64xi1>
      %select_n3A_221 = arith.select %eq3A_220, %min3A_210, %max3A_211 : vector<128x64xi1>, vector<128x64xf32>
      %slice3A_222 = vector.extract_strided_slice %select_n3A_221 {offsets = [16, 0], sizes = [112, 64], strides = [1, 1]} : vector<128x64xf32> to vector<112x64xf32>
      %slice3A_223 = vector.extract_strided_slice %select_n3A_221 {offsets = [0, 0], sizes = [16, 64], strides = [1, 1]} : vector<128x64xf32> to vector<16x64xf32>
      %concatenate3A_224 = tpu.concatenate %slice3A_222, %slice3A_223 in 0 : vector<112x64xf32>, vector<16x64xf32> -> vector<128x64xf32>
      %slice3A_225 = vector.extract_strided_slice %select_n3A_221 {offsets = [112, 0], sizes = [16, 64], strides = [1, 1]} : vector<128x64xf32> to vector<16x64xf32>
      %slice3A_226 = vector.extract_strided_slice %select_n3A_221 {offsets = [0, 0], sizes = [112, 64], strides = [1, 1]} : vector<128x64xf32> to vector<112x64xf32>
      %concatenate3A_227 = tpu.concatenate %slice3A_225, %slice3A_226 in 0 : vector<16x64xf32>, vector<112x64xf32> -> vector<128x64xf32>
      %and3A_228 = arith.constant 16 : i32
      %and3A_229 = vector.broadcast %and3A_228 : i32 to vector<128x64xi32>
      %and3A_230 = arith.andi %iota3A_20, %and3A_229 : vector<128x64xi32>
      %eq3A_231 = arith.constant 0 : i32
      %eq3A_232 = vector.broadcast %eq3A_231 : i32 to vector<128x64xi32>
      %eq3A_233 = arith.cmpi eq, %and3A_230, %eq3A_232 : vector<128x64xi32>
      %select_n3A_234 = arith.select %eq3A_233, %concatenate3A_224, %concatenate3A_227 : vector<128x64xi1>, vector<128x64xf32>
      %min3A_235 = arith.minimumf %select_n3A_221, %select_n3A_234 : vector<128x64xf32>
      %max3A_236 = arith.maximumf %select_n3A_221, %select_n3A_234 : vector<128x64xf32>
      %and3A_237 = arith.constant 1024 : i32
      %and3A_238 = vector.broadcast %and3A_237 : i32 to vector<128x64xi32>
      %and3A_239 = arith.andi %add3A_18, %and3A_238 : vector<128x64xi32>
      %eq3A_240 = arith.constant 0 : i32
      %eq3A_241 = vector.broadcast %eq3A_240 : i32 to vector<128x64xi32>
      %eq3A_242 = arith.cmpi eq, %and3A_239, %eq3A_241 : vector<128x64xi32>
      %eq3A_243 = arith.xori %eq3A_242, %eq3A_233 : vector<128x64xi1>
      %eq3A_244 = arith.constant dense<true> : vector<128x64xi1>
      %eq3A_245 = arith.xori %eq3A_243, %eq3A_244 : vector<128x64xi1>
      %select_n3A_246 = arith.select %eq3A_245, %min3A_235, %max3A_236 : vector<128x64xi1>, vector<128x64xf32>
      %slice3A_247 = vector.extract_strided_slice %select_n3A_246 {offsets = [8, 0], sizes = [120, 64], strides = [1, 1]} : vector<128x64xf32> to vector<120x64xf32>
      %slice3A_248 = vector.extract_strided_slice %select_n3A_246 {offsets = [0, 0], sizes = [8, 64], strides = [1, 1]} : vector<128x64xf32> to vector<8x64xf32>
      %concatenate3A_249 = tpu.concatenate %slice3A_247, %slice3A_248 in 0 : vector<120x64xf32>, vector<8x64xf32> -> vector<128x64xf32>
      %slice3A_250 = vector.extract_strided_slice %select_n3A_246 {offsets = [120, 0], sizes = [8, 64], strides = [1, 1]} : vector<128x64xf32> to vector<8x64xf32>
      %slice3A_251 = vector.extract_strided_slice %select_n3A_246 {offsets = [0, 0], sizes = [120, 64], strides = [1, 1]} : vector<128x64xf32> to vector<120x64xf32>
      %concatenate3A_252 = tpu.concatenate %slice3A_250, %slice3A_251 in 0 : vector<8x64xf32>, vector<120x64xf32> -> vector<128x64xf32>
      %and3A_253 = arith.constant 8 : i32
      %and3A_254 = vector.broadcast %and3A_253 : i32 to vector<128x64xi32>
      %and3A_255 = arith.andi %iota3A_20, %and3A_254 : vector<128x64xi32>
      %eq3A_256 = arith.constant 0 : i32
      %eq3A_257 = vector.broadcast %eq3A_256 : i32 to vector<128x64xi32>
      %eq3A_258 = arith.cmpi eq, %and3A_255, %eq3A_257 : vector<128x64xi32>
      %select_n3A_259 = arith.select %eq3A_258, %concatenate3A_249, %concatenate3A_252 : vector<128x64xi1>, vector<128x64xf32>
      %min3A_260 = arith.minimumf %select_n3A_246, %select_n3A_259 : vector<128x64xf32>
      %max3A_261 = arith.maximumf %select_n3A_246, %select_n3A_259 : vector<128x64xf32>
      %and3A_262 = arith.constant 1024 : i32
      %and3A_263 = vector.broadcast %and3A_262 : i32 to vector<128x64xi32>
      %and3A_264 = arith.andi %add3A_18, %and3A_263 : vector<128x64xi32>
      %eq3A_265 = arith.constant 0 : i32
      %eq3A_266 = vector.broadcast %eq3A_265 : i32 to vector<128x64xi32>
      %eq3A_267 = arith.cmpi eq, %and3A_264, %eq3A_266 : vector<128x64xi32>
      %eq3A_268 = arith.xori %eq3A_267, %eq3A_258 : vector<128x64xi1>
      %eq3A_269 = arith.constant dense<true> : vector<128x64xi1>
      %eq3A_270 = arith.xori %eq3A_268, %eq3A_269 : vector<128x64xi1>
      %select_n3A_271 = arith.select %eq3A_270, %min3A_260, %max3A_261 : vector<128x64xi1>, vector<128x64xf32>
      %slice3A_272 = vector.extract_strided_slice %select_n3A_271 {offsets = [4, 0], sizes = [124, 64], strides = [1, 1]} : vector<128x64xf32> to vector<124x64xf32>
      %slice3A_273 = vector.extract_strided_slice %select_n3A_271 {offsets = [0, 0], sizes = [4, 64], strides = [1, 1]} : vector<128x64xf32> to vector<4x64xf32>
      %concatenate3A_274 = tpu.concatenate %slice3A_272, %slice3A_273 in 0 : vector<124x64xf32>, vector<4x64xf32> -> vector<128x64xf32>
      %slice3A_275 = vector.extract_strided_slice %select_n3A_271 {offsets = [124, 0], sizes = [4, 64], strides = [1, 1]} : vector<128x64xf32> to vector<4x64xf32>
      %slice3A_276 = vector.extract_strided_slice %select_n3A_271 {offsets = [0, 0], sizes = [124, 64], strides = [1, 1]} : vector<128x64xf32> to vector<124x64xf32>
      %concatenate3A_277 = tpu.concatenate %slice3A_275, %slice3A_276 in 0 : vector<4x64xf32>, vector<124x64xf32> -> vector<128x64xf32>
      %and3A_278 = arith.constant 4 : i32
      %and3A_279 = vector.broadcast %and3A_278 : i32 to vector<128x64xi32>
      %and3A_280 = arith.andi %iota3A_20, %and3A_279 : vector<128x64xi32>
      %eq3A_281 = arith.constant 0 : i32
      %eq3A_282 = vector.broadcast %eq3A_281 : i32 to vector<128x64xi32>
      %eq3A_283 = arith.cmpi eq, %and3A_280, %eq3A_282 : vector<128x64xi32>
      %select_n3A_284 = arith.select %eq3A_283, %concatenate3A_274, %concatenate3A_277 : vector<128x64xi1>, vector<128x64xf32>
      %min3A_285 = arith.minimumf %select_n3A_271, %select_n3A_284 : vector<128x64xf32>
      %max3A_286 = arith.maximumf %select_n3A_271, %select_n3A_284 : vector<128x64xf32>
      %and3A_287 = arith.constant 1024 : i32
      %and3A_288 = vector.broadcast %and3A_287 : i32 to vector<128x64xi32>
      %and3A_289 = arith.andi %add3A_18, %and3A_288 : vector<128x64xi32>
      %eq3A_290 = arith.constant 0 : i32
      %eq3A_291 = vector.broadcast %eq3A_290 : i32 to vector<128x64xi32>
      %eq3A_292 = arith.cmpi eq, %and3A_289, %eq3A_291 : vector<128x64xi32>
      %eq3A_293 = arith.xori %eq3A_292, %eq3A_283 : vector<128x64xi1>
      %eq3A_294 = arith.constant dense<true> : vector<128x64xi1>
      %eq3A_295 = arith.xori %eq3A_293, %eq3A_294 : vector<128x64xi1>
      %select_n3A_296 = arith.select %eq3A_295, %min3A_285, %max3A_286 : vector<128x64xi1>, vector<128x64xf32>
      %slice3A_297 = vector.extract_strided_slice %select_n3A_296 {offsets = [2, 0], sizes = [126, 64], strides = [1, 1]} : vector<128x64xf32> to vector<126x64xf32>
      %slice3A_298 = vector.extract_strided_slice %select_n3A_296 {offsets = [0, 0], sizes = [2, 64], strides = [1, 1]} : vector<128x64xf32> to vector<2x64xf32>
      %concatenate3A_299 = tpu.concatenate %slice3A_297, %slice3A_298 in 0 : vector<126x64xf32>, vector<2x64xf32> -> vector<128x64xf32>
      %slice3A_300 = vector.extract_strided_slice %select_n3A_296 {offsets = [126, 0], sizes = [2, 64], strides = [1, 1]} : vector<128x64xf32> to vector<2x64xf32>
      %slice3A_301 = vector.extract_strided_slice %select_n3A_296 {offsets = [0, 0], sizes = [126, 64], strides = [1, 1]} : vector<128x64xf32> to vector<126x64xf32>
      %concatenate3A_302 = tpu.concatenate %slice3A_300, %slice3A_301 in 0 : vector<2x64xf32>, vector<126x64xf32> -> vector<128x64xf32>
      %and3A_303 = arith.constant 2 : i32
      %and3A_304 = vector.broadcast %and3A_303 : i32 to vector<128x64xi32>
      %and3A_305 = arith.andi %iota3A_20, %and3A_304 : vector<128x64xi32>
      %eq3A_306 = arith.constant 0 : i32
      %eq3A_307 = vector.broadcast %eq3A_306 : i32 to vector<128x64xi32>
      %eq3A_308 = arith.cmpi eq, %and3A_305, %eq3A_307 : vector<128x64xi32>
      %select_n3A_309 = arith.select %eq3A_308, %concatenate3A_299, %concatenate3A_302 : vector<128x64xi1>, vector<128x64xf32>
      %min3A_310 = arith.minimumf %select_n3A_296, %select_n3A_309 : vector<128x64xf32>
      %max3A_311 = arith.maximumf %select_n3A_296, %select_n3A_309 : vector<128x64xf32>
      %and3A_312 = arith.constant 1024 : i32
      %and3A_313 = vector.broadcast %and3A_312 : i32 to vector<128x64xi32>
      %and3A_314 = arith.andi %add3A_18, %and3A_313 : vector<128x64xi32>
      %eq3A_315 = arith.constant 0 : i32
      %eq3A_316 = vector.broadcast %eq3A_315 : i32 to vector<128x64xi32>
      %eq3A_317 = arith.cmpi eq, %and3A_314, %eq3A_316 : vector<128x64xi32>
      %eq3A_318 = arith.xori %eq3A_317, %eq3A_308 : vector<128x64xi1>
      %eq3A_319 = arith.constant dense<true> : vector<128x64xi1>
      %eq3A_320 = arith.xori %eq3A_318, %eq3A_319 : vector<128x64xi1>
      %select_n3A_321 = arith.select %eq3A_320, %min3A_310, %max3A_311 : vector<128x64xi1>, vector<128x64xf32>
      %slice3A_322 = vector.extract_strided_slice %select_n3A_321 {offsets = [1, 0], sizes = [127, 64], strides = [1, 1]} : vector<128x64xf32> to vector<127x64xf32>
      %slice3A_323 = vector.extract_strided_slice %select_n3A_321 {offsets = [0, 0], sizes = [1, 64], strides = [1, 1]} : vector<128x64xf32> to vector<1x64xf32>
      %concatenate3A_324 = tpu.concatenate %slice3A_322, %slice3A_323 in 0 : vector<127x64xf32>, vector<1x64xf32> -> vector<128x64xf32>
      %slice3A_325 = vector.extract_strided_slice %select_n3A_321 {offsets = [127, 0], sizes = [1, 64], strides = [1, 1]} : vector<128x64xf32> to vector<1x64xf32>
      %slice3A_326 = vector.extract_strided_slice %select_n3A_321 {offsets = [0, 0], sizes = [127, 64], strides = [1, 1]} : vector<128x64xf32> to vector<127x64xf32>
      %concatenate3A_327 = tpu.concatenate %slice3A_325, %slice3A_326 in 0 : vector<1x64xf32>, vector<127x64xf32> -> vector<128x64xf32>
      %and3A_328 = arith.constant 1 : i32
      %and3A_329 = vector.broadcast %and3A_328 : i32 to vector<128x64xi32>
      %and3A_330 = arith.andi %iota3A_20, %and3A_329 : vector<128x64xi32>
      %eq3A_331 = arith.constant 0 : i32
      %eq3A_332 = vector.broadcast %eq3A_331 : i32 to vector<128x64xi32>
      %eq3A_333 = arith.cmpi eq, %and3A_330, %eq3A_332 : vector<128x64xi32>
      %select_n3A_334 = arith.select %eq3A_333, %concatenate3A_324, %concatenate3A_327 : vector<128x64xi1>, vector<128x64xf32>
      %min3A_335 = arith.minimumf %select_n3A_321, %select_n3A_334 : vector<128x64xf32>
      %max3A_336 = arith.maximumf %select_n3A_321, %select_n3A_334 : vector<128x64xf32>
      %and3A_337 = arith.constant 1024 : i32
      %and3A_338 = vector.broadcast %and3A_337 : i32 to vector<128x64xi32>
      %and3A_339 = arith.andi %add3A_18, %and3A_338 : vector<128x64xi32>
      %eq3A_340 = arith.constant 0 : i32
      %eq3A_341 = vector.broadcast %eq3A_340 : i32 to vector<128x64xi32>
      %eq3A_342 = arith.cmpi eq, %and3A_339, %eq3A_341 : vector<128x64xi32>
      %eq3A_343 = arith.xori %eq3A_342, %eq3A_333 : vector<128x64xi1>
      %eq3A_344 = arith.constant dense<true> : vector<128x64xi1>
      %eq3A_345 = arith.xori %eq3A_343, %eq3A_344 : vector<128x64xi1>
      %select_n3A_346 = arith.select %eq3A_345, %min3A_335, %max3A_336 : vector<128x64xi1>, vector<128x64xf32>
      %swap3A_347 = arith.constant 0 : index
      %swap3A_348 = arith.constant 0 : index
      %swap3A_349 = vector.load %arg6[%swap3A_347, %swap3A_348] : memref<128x64xf32, #tpu.memory_space<vmem>>, vector<128x64xf32>
      tpu.vector_store %arg6[%swap3A_347, %swap3A_348], %select_n3A_346 {strides = array<i32>} : memref<128x64xf32, #tpu.memory_space<vmem>>, vector<128x64xf32>,
    } else {
    }
    %eq3A_73 = arith.constant 10 : i32
    %eq3A_74 = arith.cmpi eq, %arg0, %eq3A_73 : i32
    %convert_element_type3A_75 = arith.extui %eq3A_74 : i1 to i32
    %cond3A_76 = arith.constant 0 : i32
    %cond3A_77 = arith.cmpi ne, %convert_element_type3A_75, %cond3A_76 : i32
    scf.if %cond3A_77 {
      %get3A_93 = arith.constant 0 : index
      %get3A_94 = arith.constant 0 : index
      %get3A_95 = vector.load %arg6[%get3A_93, %get3A_94] : memref<128x64xf32, #tpu.memory_space<vmem>>, vector<128x64xf32>
      %transpose3A = tpu.transpose %get3A_95, [1, 0] : vector<128x64xf32> -> vector<64x128xf32>
      %slice3A = vector.extract_strided_slice %transpose3A {offsets = [8, 0], sizes = [56, 128], strides = [1, 1]} : vector<64x128xf32> to vector<56x128xf32>
      %slice3A_96 = vector.extract_strided_slice %transpose3A {offsets = [0, 0], sizes = [8, 128], strides = [1, 1]} : vector<64x128xf32> to vector<8x128xf32>
      %concatenate3A = tpu.concatenate %slice3A, %slice3A_96 in 0 : vector<56x128xf32>, vector<8x128xf32> -> vector<64x128xf32>
      %slice3A_97 = vector.extract_strided_slice %transpose3A {offsets = [56, 0], sizes = [8, 128], strides = [1, 1]} : vector<64x128xf32> to vector<8x128xf32>
      %slice3A_98 = vector.extract_strided_slice %transpose3A {offsets = [0, 0], sizes = [56, 128], strides = [1, 1]} : vector<64x128xf32> to vector<56x128xf32>
      %concatenate3A_99 = tpu.concatenate %slice3A_97, %slice3A_98 in 0 : vector<8x128xf32>, vector<56x128xf32> -> vector<64x128xf32>
      %and3A = arith.constant 8 : i32
      %and3A_100 = vector.broadcast %and3A : i32 to vector<64x128xi32>
      %and3A_101 = arith.andi %iota3A_19, %and3A_100 : vector<64x128xi32>
      %eq3A_102 = arith.constant 0 : i32
      %eq3A_103 = vector.broadcast %eq3A_102 : i32 to vector<64x128xi32>
      %eq3A_104 = arith.cmpi eq, %and3A_101, %eq3A_103 : vector<64x128xi32>
      %select_n3A = arith.select %eq3A_104, %concatenate3A, %concatenate3A_99 : vector<64x128xi1>, vector<64x128xf32>
      %min3A = arith.minimumf %transpose3A, %select_n3A : vector<64x128xf32>
      %max3A = arith.maximumf %transpose3A, %select_n3A : vector<64x128xf32>
      %and3A_105 = arith.constant 2048 : i32
      %and3A_106 = vector.broadcast %and3A_105 : i32 to vector<64x128xi32>
      %and3A_107 = arith.andi %add3A, %and3A_106 : vector<64x128xi32>
      %eq3A_108 = arith.constant 0 : i32
      %eq3A_109 = vector.broadcast %eq3A_108 : i32 to vector<64x128xi32>
      %eq3A_110 = arith.cmpi eq, %and3A_107, %eq3A_109 : vector<64x128xi32>
      %eq3A_111 = arith.xori %eq3A_110, %eq3A_104 : vector<64x128xi1>
      %eq3A_112 = arith.constant dense<true> : vector<64x128xi1>
      %eq3A_113 = arith.xori %eq3A_111, %eq3A_112 : vector<64x128xi1>
      %select_n3A_114 = arith.select %eq3A_113, %min3A, %max3A : vector<64x128xi1>, vector<64x128xf32>
      %slice3A_115 = vector.extract_strided_slice %select_n3A_114 {offsets = [4, 0], sizes = [60, 128], strides = [1, 1]} : vector<64x128xf32> to vector<60x128xf32>
      %slice3A_116 = vector.extract_strided_slice %select_n3A_114 {offsets = [0, 0], sizes = [4, 128], strides = [1, 1]} : vector<64x128xf32> to vector<4x128xf32>
      %concatenate3A_117 = tpu.concatenate %slice3A_115, %slice3A_116 in 0 : vector<60x128xf32>, vector<4x128xf32> -> vector<64x128xf32>
      %slice3A_118 = vector.extract_strided_slice %select_n3A_114 {offsets = [60, 0], sizes = [4, 128], strides = [1, 1]} : vector<64x128xf32> to vector<4x128xf32>
      %slice3A_119 = vector.extract_strided_slice %select_n3A_114 {offsets = [0, 0], sizes = [60, 128], strides = [1, 1]} : vector<64x128xf32> to vector<60x128xf32>
      %concatenate3A_120 = tpu.concatenate %slice3A_118, %slice3A_119 in 0 : vector<4x128xf32>, vector<60x128xf32> -> vector<64x128xf32>
      %and3A_121 = arith.constant 4 : i32
      %and3A_122 = vector.broadcast %and3A_121 : i32 to vector<64x128xi32>
      %and3A_123 = arith.andi %iota3A_19, %and3A_122 : vector<64x128xi32>
      %eq3A_124 = arith.constant 0 : i32
      %eq3A_125 = vector.broadcast %eq3A_124 : i32 to vector<64x128xi32>
      %eq3A_126 = arith.cmpi eq, %and3A_123, %eq3A_125 : vector<64x128xi32>
      %select_n3A_127 = arith.select %eq3A_126, %concatenate3A_117, %concatenate3A_120 : vector<64x128xi1>, vector<64x128xf32>
      %min3A_128 = arith.minimumf %select_n3A_114, %select_n3A_127 : vector<64x128xf32>
      %max3A_129 = arith.maximumf %select_n3A_114, %select_n3A_127 : vector<64x128xf32>
      %and3A_130 = arith.constant 2048 : i32
      %and3A_131 = vector.broadcast %and3A_130 : i32 to vector<64x128xi32>
      %and3A_132 = arith.andi %add3A, %and3A_131 : vector<64x128xi32>
      %eq3A_133 = arith.constant 0 : i32
      %eq3A_134 = vector.broadcast %eq3A_133 : i32 to vector<64x128xi32>
      %eq3A_135 = arith.cmpi eq, %and3A_132, %eq3A_134 : vector<64x128xi32>
      %eq3A_136 = arith.xori %eq3A_135, %eq3A_126 : vector<64x128xi1>
      %eq3A_137 = arith.constant dense<true> : vector<64x128xi1>
      %eq3A_138 = arith.xori %eq3A_136, %eq3A_137 : vector<64x128xi1>
      %select_n3A_139 = arith.select %eq3A_138, %min3A_128, %max3A_129 : vector<64x128xi1>, vector<64x128xf32>
      %slice3A_140 = vector.extract_strided_slice %select_n3A_139 {offsets = [2, 0], sizes = [62, 128], strides = [1, 1]} : vector<64x128xf32> to vector<62x128xf32>
      %slice3A_141 = vector.extract_strided_slice %select_n3A_139 {offsets = [0, 0], sizes = [2, 128], strides = [1, 1]} : vector<64x128xf32> to vector<2x128xf32>
      %concatenate3A_142 = tpu.concatenate %slice3A_140, %slice3A_141 in 0 : vector<62x128xf32>, vector<2x128xf32> -> vector<64x128xf32>
      %slice3A_143 = vector.extract_strided_slice %select_n3A_139 {offsets = [62, 0], sizes = [2, 128], strides = [1, 1]} : vector<64x128xf32> to vector<2x128xf32>
      %slice3A_144 = vector.extract_strided_slice %select_n3A_139 {offsets = [0, 0], sizes = [62, 128], strides = [1, 1]} : vector<64x128xf32> to vector<62x128xf32>
      %concatenate3A_145 = tpu.concatenate %slice3A_143, %slice3A_144 in 0 : vector<2x128xf32>, vector<62x128xf32> -> vector<64x128xf32>
      %and3A_146 = arith.constant 2 : i32
      %and3A_147 = vector.broadcast %and3A_146 : i32 to vector<64x128xi32>
      %and3A_148 = arith.andi %iota3A_19, %and3A_147 : vector<64x128xi32>
      %eq3A_149 = arith.constant 0 : i32
      %eq3A_150 = vector.broadcast %eq3A_149 : i32 to vector<64x128xi32>
      %eq3A_151 = arith.cmpi eq, %and3A_148, %eq3A_150 : vector<64x128xi32>
      %select_n3A_152 = arith.select %eq3A_151, %concatenate3A_142, %concatenate3A_145 : vector<64x128xi1>, vector<64x128xf32>
      %min3A_153 = arith.minimumf %select_n3A_139, %select_n3A_152 : vector<64x128xf32>
      %max3A_154 = arith.maximumf %select_n3A_139, %select_n3A_152 : vector<64x128xf32>
      %and3A_155 = arith.constant 2048 : i32
      %and3A_156 = vector.broadcast %and3A_155 : i32 to vector<64x128xi32>
      %and3A_157 = arith.andi %add3A, %and3A_156 : vector<64x128xi32>
      %eq3A_158 = arith.constant 0 : i32
      %eq3A_159 = vector.broadcast %eq3A_158 : i32 to vector<64x128xi32>
      %eq3A_160 = arith.cmpi eq, %and3A_157, %eq3A_159 : vector<64x128xi32>
      %eq3A_161 = arith.xori %eq3A_160, %eq3A_151 : vector<64x128xi1>
      %eq3A_162 = arith.constant dense<true> : vector<64x128xi1>
      %eq3A_163 = arith.xori %eq3A_161, %eq3A_162 : vector<64x128xi1>
      %select_n3A_164 = arith.select %eq3A_163, %min3A_153, %max3A_154 : vector<64x128xi1>, vector<64x128xf32>
      %slice3A_165 = vector.extract_strided_slice %select_n3A_164 {offsets = [1, 0], sizes = [63, 128], strides = [1, 1]} : vector<64x128xf32> to vector<63x128xf32>
      %slice3A_166 = vector.extract_strided_slice %select_n3A_164 {offsets = [0, 0], sizes = [1, 128], strides = [1, 1]} : vector<64x128xf32> to vector<1x128xf32>
      %concatenate3A_167 = tpu.concatenate %slice3A_165, %slice3A_166 in 0 : vector<63x128xf32>, vector<1x128xf32> -> vector<64x128xf32>
      %slice3A_168 = vector.extract_strided_slice %select_n3A_164 {offsets = [63, 0], sizes = [1, 128], strides = [1, 1]} : vector<64x128xf32> to vector<1x128xf32>
      %slice3A_169 = vector.extract_strided_slice %select_n3A_164 {offsets = [0, 0], sizes = [63, 128], strides = [1, 1]} : vector<64x128xf32> to vector<63x128xf32>
      %concatenate3A_170 = tpu.concatenate %slice3A_168, %slice3A_169 in 0 : vector<1x128xf32>, vector<63x128xf32> -> vector<64x128xf32>
      %and3A_171 = arith.constant 1 : i32
      %and3A_172 = vector.broadcast %and3A_171 : i32 to vector<64x128xi32>
      %and3A_173 = arith.andi %iota3A_19, %and3A_172 : vector<64x128xi32>
      %eq3A_174 = arith.constant 0 : i32
      %eq3A_175 = vector.broadcast %eq3A_174 : i32 to vector<64x128xi32>
      %eq3A_176 = arith.cmpi eq, %and3A_173, %eq3A_175 : vector<64x128xi32>
      %select_n3A_177 = arith.select %eq3A_176, %concatenate3A_167, %concatenate3A_170 : vector<64x128xi1>, vector<64x128xf32>
      %min3A_178 = arith.minimumf %select_n3A_164, %select_n3A_177 : vector<64x128xf32>
      %max3A_179 = arith.maximumf %select_n3A_164, %select_n3A_177 : vector<64x128xf32>
      %and3A_180 = arith.constant 2048 : i32
      %and3A_181 = vector.broadcast %and3A_180 : i32 to vector<64x128xi32>
      %and3A_182 = arith.andi %add3A, %and3A_181 : vector<64x128xi32>
      %eq3A_183 = arith.constant 0 : i32
      %eq3A_184 = vector.broadcast %eq3A_183 : i32 to vector<64x128xi32>
      %eq3A_185 = arith.cmpi eq, %and3A_182, %eq3A_184 : vector<64x128xi32>
      %eq3A_186 = arith.xori %eq3A_185, %eq3A_176 : vector<64x128xi1>
      %eq3A_187 = arith.constant dense<true> : vector<64x128xi1>
      %eq3A_188 = arith.xori %eq3A_186, %eq3A_187 : vector<64x128xi1>
      %select_n3A_189 = arith.select %eq3A_188, %min3A_178, %max3A_179 : vector<64x128xi1>, vector<64x128xf32>
      %transpose3A_190 = tpu.transpose %select_n3A_189, [1, 0] : vector<64x128xf32> -> vector<128x64xf32>
      %swap3A_191 = arith.constant 0 : index
      %swap3A_192 = arith.constant 0 : index
      %swap3A_193 = vector.load %arg6[%swap3A_191, %swap3A_192] : memref<128x64xf32, #tpu.memory_space<vmem>>, vector<128x64xf32>
      tpu.vector_store %arg6[%swap3A_191, %swap3A_192], %transpose3A_190 {strides = array<i32>} : memref<128x64xf32, #tpu.memory_space<vmem>>, vector<128x64xf32>,
      %get3A_194 = arith.constant 0 : index
      %get3A_195 = arith.constant 0 : index
      %get3A_196 = vector.load %arg6[%get3A_194, %get3A_195] : memref<128x64xf32, #tpu.memory_space<vmem>>, vector<128x64xf32>
      %slice3A_197 = vector.extract_strided_slice %get3A_196 {offsets = [64, 0], sizes = [64, 64], strides = [1, 1]} : vector<128x64xf32> to vector<64x64xf32>
      %slice3A_198 = vector.extract_strided_slice %get3A_196 {offsets = [0, 0], sizes = [64, 64], strides = [1, 1]} : vector<128x64xf32> to vector<64x64xf32>
      %concatenate3A_199 = tpu.concatenate %slice3A_197, %slice3A_198 in 0 : vector<64x64xf32>, vector<64x64xf32> -> vector<128x64xf32>
      %slice3A_200 = vector.extract_strided_slice %get3A_196 {offsets = [64, 0], sizes = [64, 64], strides = [1, 1]} : vector<128x64xf32> to vector<64x64xf32>
      %slice3A_201 = vector.extract_strided_slice %get3A_196 {offsets = [0, 0], sizes = [64, 64], strides = [1, 1]} : vector<128x64xf32> to vector<64x64xf32>
      %concatenate3A_202 = tpu.concatenate %slice3A_200, %slice3A_201 in 0 : vector<64x64xf32>, vector<64x64xf32> -> vector<128x64xf32>
      %and3A_203 = arith.constant 64 : i32
      %and3A_204 = vector.broadcast %and3A_203 : i32 to vector<128x64xi32>
      %and3A_205 = arith.andi %iota3A_20, %and3A_204 : vector<128x64xi32>
      %eq3A_206 = arith.constant 0 : i32
      %eq3A_207 = vector.broadcast %eq3A_206 : i32 to vector<128x64xi32>
      %eq3A_208 = arith.cmpi eq, %and3A_205, %eq3A_207 : vector<128x64xi32>
      %select_n3A_209 = arith.select %eq3A_208, %concatenate3A_199, %concatenate3A_202 : vector<128x64xi1>, vector<128x64xf32>
      %min3A_210 = arith.minimumf %get3A_196, %select_n3A_209 : vector<128x64xf32>
      %max3A_211 = arith.maximumf %get3A_196, %select_n3A_209 : vector<128x64xf32>
      %and3A_212 = arith.constant 2048 : i32
      %and3A_213 = vector.broadcast %and3A_212 : i32 to vector<128x64xi32>
      %and3A_214 = arith.andi %add3A_18, %and3A_213 : vector<128x64xi32>
      %eq3A_215 = arith.constant 0 : i32
      %eq3A_216 = vector.broadcast %eq3A_215 : i32 to vector<128x64xi32>
      %eq3A_217 = arith.cmpi eq, %and3A_214, %eq3A_216 : vector<128x64xi32>
      %eq3A_218 = arith.xori %eq3A_217, %eq3A_208 : vector<128x64xi1>
      %eq3A_219 = arith.constant dense<true> : vector<128x64xi1>
      %eq3A_220 = arith.xori %eq3A_218, %eq3A_219 : vector<128x64xi1>
      %select_n3A_221 = arith.select %eq3A_220, %min3A_210, %max3A_211 : vector<128x64xi1>, vector<128x64xf32>
      %slice3A_222 = vector.extract_strided_slice %select_n3A_221 {offsets = [32, 0], sizes = [96, 64], strides = [1, 1]} : vector<128x64xf32> to vector<96x64xf32>
      %slice3A_223 = vector.extract_strided_slice %select_n3A_221 {offsets = [0, 0], sizes = [32, 64], strides = [1, 1]} : vector<128x64xf32> to vector<32x64xf32>
      %concatenate3A_224 = tpu.concatenate %slice3A_222, %slice3A_223 in 0 : vector<96x64xf32>, vector<32x64xf32> -> vector<128x64xf32>
      %slice3A_225 = vector.extract_strided_slice %select_n3A_221 {offsets = [96, 0], sizes = [32, 64], strides = [1, 1]} : vector<128x64xf32> to vector<32x64xf32>
      %slice3A_226 = vector.extract_strided_slice %select_n3A_221 {offsets = [0, 0], sizes = [96, 64], strides = [1, 1]} : vector<128x64xf32> to vector<96x64xf32>
      %concatenate3A_227 = tpu.concatenate %slice3A_225, %slice3A_226 in 0 : vector<32x64xf32>, vector<96x64xf32> -> vector<128x64xf32>
      %and3A_228 = arith.constant 32 : i32
      %and3A_229 = vector.broadcast %and3A_228 : i32 to vector<128x64xi32>
      %and3A_230 = arith.andi %iota3A_20, %and3A_229 : vector<128x64xi32>
      %eq3A_231 = arith.constant 0 : i32
      %eq3A_232 = vector.broadcast %eq3A_231 : i32 to vector<128x64xi32>
      %eq3A_233 = arith.cmpi eq, %and3A_230, %eq3A_232 : vector<128x64xi32>
      %select_n3A_234 = arith.select %eq3A_233, %concatenate3A_224, %concatenate3A_227 : vector<128x64xi1>, vector<128x64xf32>
      %min3A_235 = arith.minimumf %select_n3A_221, %select_n3A_234 : vector<128x64xf32>
      %max3A_236 = arith.maximumf %select_n3A_221, %select_n3A_234 : vector<128x64xf32>
      %and3A_237 = arith.constant 2048 : i32
      %and3A_238 = vector.broadcast %and3A_237 : i32 to vector<128x64xi32>
      %and3A_239 = arith.andi %add3A_18, %and3A_238 : vector<128x64xi32>
      %eq3A_240 = arith.constant 0 : i32
      %eq3A_241 = vector.broadcast %eq3A_240 : i32 to vector<128x64xi32>
      %eq3A_242 = arith.cmpi eq, %and3A_239, %eq3A_241 : vector<128x64xi32>
      %eq3A_243 = arith.xori %eq3A_242, %eq3A_233 : vector<128x64xi1>
      %eq3A_244 = arith.constant dense<true> : vector<128x64xi1>
      %eq3A_245 = arith.xori %eq3A_243, %eq3A_244 : vector<128x64xi1>
      %select_n3A_246 = arith.select %eq3A_245, %min3A_235, %max3A_236 : vector<128x64xi1>, vector<128x64xf32>
      %slice3A_247 = vector.extract_strided_slice %select_n3A_246 {offsets = [16, 0], sizes = [112, 64], strides = [1, 1]} : vector<128x64xf32> to vector<112x64xf32>
      %slice3A_248 = vector.extract_strided_slice %select_n3A_246 {offsets = [0, 0], sizes = [16, 64], strides = [1, 1]} : vector<128x64xf32> to vector<16x64xf32>
      %concatenate3A_249 = tpu.concatenate %slice3A_247, %slice3A_248 in 0 : vector<112x64xf32>, vector<16x64xf32> -> vector<128x64xf32>
      %slice3A_250 = vector.extract_strided_slice %select_n3A_246 {offsets = [112, 0], sizes = [16, 64], strides = [1, 1]} : vector<128x64xf32> to vector<16x64xf32>
      %slice3A_251 = vector.extract_strided_slice %select_n3A_246 {offsets = [0, 0], sizes = [112, 64], strides = [1, 1]} : vector<128x64xf32> to vector<112x64xf32>
      %concatenate3A_252 = tpu.concatenate %slice3A_250, %slice3A_251 in 0 : vector<16x64xf32>, vector<112x64xf32> -> vector<128x64xf32>
      %and3A_253 = arith.constant 16 : i32
      %and3A_254 = vector.broadcast %and3A_253 : i32 to vector<128x64xi32>
      %and3A_255 = arith.andi %iota3A_20, %and3A_254 : vector<128x64xi32>
      %eq3A_256 = arith.constant 0 : i32
      %eq3A_257 = vector.broadcast %eq3A_256 : i32 to vector<128x64xi32>
      %eq3A_258 = arith.cmpi eq, %and3A_255, %eq3A_257 : vector<128x64xi32>
      %select_n3A_259 = arith.select %eq3A_258, %concatenate3A_249, %concatenate3A_252 : vector<128x64xi1>, vector<128x64xf32>
      %min3A_260 = arith.minimumf %select_n3A_246, %select_n3A_259 : vector<128x64xf32>
      %max3A_261 = arith.maximumf %select_n3A_246, %select_n3A_259 : vector<128x64xf32>
      %and3A_262 = arith.constant 2048 : i32
      %and3A_263 = vector.broadcast %and3A_262 : i32 to vector<128x64xi32>
      %and3A_264 = arith.andi %add3A_18, %and3A_263 : vector<128x64xi32>
      %eq3A_265 = arith.constant 0 : i32
      %eq3A_266 = vector.broadcast %eq3A_265 : i32 to vector<128x64xi32>
      %eq3A_267 = arith.cmpi eq, %and3A_264, %eq3A_266 : vector<128x64xi32>
      %eq3A_268 = arith.xori %eq3A_267, %eq3A_258 : vector<128x64xi1>
      %eq3A_269 = arith.constant dense<true> : vector<128x64xi1>
      %eq3A_270 = arith.xori %eq3A_268, %eq3A_269 : vector<128x64xi1>
      %select_n3A_271 = arith.select %eq3A_270, %min3A_260, %max3A_261 : vector<128x64xi1>, vector<128x64xf32>
      %slice3A_272 = vector.extract_strided_slice %select_n3A_271 {offsets = [8, 0], sizes = [120, 64], strides = [1, 1]} : vector<128x64xf32> to vector<120x64xf32>
      %slice3A_273 = vector.extract_strided_slice %select_n3A_271 {offsets = [0, 0], sizes = [8, 64], strides = [1, 1]} : vector<128x64xf32> to vector<8x64xf32>
      %concatenate3A_274 = tpu.concatenate %slice3A_272, %slice3A_273 in 0 : vector<120x64xf32>, vector<8x64xf32> -> vector<128x64xf32>
      %slice3A_275 = vector.extract_strided_slice %select_n3A_271 {offsets = [120, 0], sizes = [8, 64], strides = [1, 1]} : vector<128x64xf32> to vector<8x64xf32>
      %slice3A_276 = vector.extract_strided_slice %select_n3A_271 {offsets = [0, 0], sizes = [120, 64], strides = [1, 1]} : vector<128x64xf32> to vector<120x64xf32>
      %concatenate3A_277 = tpu.concatenate %slice3A_275, %slice3A_276 in 0 : vector<8x64xf32>, vector<120x64xf32> -> vector<128x64xf32>
      %and3A_278 = arith.constant 8 : i32
      %and3A_279 = vector.broadcast %and3A_278 : i32 to vector<128x64xi32>
      %and3A_280 = arith.andi %iota3A_20, %and3A_279 : vector<128x64xi32>
      %eq3A_281 = arith.constant 0 : i32
      %eq3A_282 = vector.broadcast %eq3A_281 : i32 to vector<128x64xi32>
      %eq3A_283 = arith.cmpi eq, %and3A_280, %eq3A_282 : vector<128x64xi32>
      %select_n3A_284 = arith.select %eq3A_283, %concatenate3A_274, %concatenate3A_277 : vector<128x64xi1>, vector<128x64xf32>
      %min3A_285 = arith.minimumf %select_n3A_271, %select_n3A_284 : vector<128x64xf32>
      %max3A_286 = arith.maximumf %select_n3A_271, %select_n3A_284 : vector<128x64xf32>
      %and3A_287 = arith.constant 2048 : i32
      %and3A_288 = vector.broadcast %and3A_287 : i32 to vector<128x64xi32>
      %and3A_289 = arith.andi %add3A_18, %and3A_288 : vector<128x64xi32>
      %eq3A_290 = arith.constant 0 : i32
      %eq3A_291 = vector.broadcast %eq3A_290 : i32 to vector<128x64xi32>
      %eq3A_292 = arith.cmpi eq, %and3A_289, %eq3A_291 : vector<128x64xi32>
      %eq3A_293 = arith.xori %eq3A_292, %eq3A_283 : vector<128x64xi1>
      %eq3A_294 = arith.constant dense<true> : vector<128x64xi1>
      %eq3A_295 = arith.xori %eq3A_293, %eq3A_294 : vector<128x64xi1>
      %select_n3A_296 = arith.select %eq3A_295, %min3A_285, %max3A_286 : vector<128x64xi1>, vector<128x64xf32>
      %slice3A_297 = vector.extract_strided_slice %select_n3A_296 {offsets = [4, 0], sizes = [124, 64], strides = [1, 1]} : vector<128x64xf32> to vector<124x64xf32>
      %slice3A_298 = vector.extract_strided_slice %select_n3A_296 {offsets = [0, 0], sizes = [4, 64], strides = [1, 1]} : vector<128x64xf32> to vector<4x64xf32>
      %concatenate3A_299 = tpu.concatenate %slice3A_297, %slice3A_298 in 0 : vector<124x64xf32>, vector<4x64xf32> -> vector<128x64xf32>
      %slice3A_300 = vector.extract_strided_slice %select_n3A_296 {offsets = [124, 0], sizes = [4, 64], strides = [1, 1]} : vector<128x64xf32> to vector<4x64xf32>
      %slice3A_301 = vector.extract_strided_slice %select_n3A_296 {offsets = [0, 0], sizes = [124, 64], strides = [1, 1]} : vector<128x64xf32> to vector<124x64xf32>
      %concatenate3A_302 = tpu.concatenate %slice3A_300, %slice3A_301 in 0 : vector<4x64xf32>, vector<124x64xf32> -> vector<128x64xf32>
      %and3A_303 = arith.constant 4 : i32
      %and3A_304 = vector.broadcast %and3A_303 : i32 to vector<128x64xi32>
      %and3A_305 = arith.andi %iota3A_20, %and3A_304 : vector<128x64xi32>
      %eq3A_306 = arith.constant 0 : i32
      %eq3A_307 = vector.broadcast %eq3A_306 : i32 to vector<128x64xi32>
      %eq3A_308 = arith.cmpi eq, %and3A_305, %eq3A_307 : vector<128x64xi32>
      %select_n3A_309 = arith.select %eq3A_308, %concatenate3A_299, %concatenate3A_302 : vector<128x64xi1>, vector<128x64xf32>
      %min3A_310 = arith.minimumf %select_n3A_296, %select_n3A_309 : vector<128x64xf32>
      %max3A_311 = arith.maximumf %select_n3A_296, %select_n3A_309 : vector<128x64xf32>
      %and3A_312 = arith.constant 2048 : i32
      %and3A_313 = vector.broadcast %and3A_312 : i32 to vector<128x64xi32>
      %and3A_314 = arith.andi %add3A_18, %and3A_313 : vector<128x64xi32>
      %eq3A_315 = arith.constant 0 : i32
      %eq3A_316 = vector.broadcast %eq3A_315 : i32 to vector<128x64xi32>
      %eq3A_317 = arith.cmpi eq, %and3A_314, %eq3A_316 : vector<128x64xi32>
      %eq3A_318 = arith.xori %eq3A_317, %eq3A_308 : vector<128x64xi1>
      %eq3A_319 = arith.constant dense<true> : vector<128x64xi1>
      %eq3A_320 = arith.xori %eq3A_318, %eq3A_319 : vector<128x64xi1>
      %select_n3A_321 = arith.select %eq3A_320, %min3A_310, %max3A_311 : vector<128x64xi1>, vector<128x64xf32>
      %slice3A_322 = vector.extract_strided_slice %select_n3A_321 {offsets = [2, 0], sizes = [126, 64], strides = [1, 1]} : vector<128x64xf32> to vector<126x64xf32>
      %slice3A_323 = vector.extract_strided_slice %select_n3A_321 {offsets = [0, 0], sizes = [2, 64], strides = [1, 1]} : vector<128x64xf32> to vector<2x64xf32>
      %concatenate3A_324 = tpu.concatenate %slice3A_322, %slice3A_323 in 0 : vector<126x64xf32>, vector<2x64xf32> -> vector<128x64xf32>
      %slice3A_325 = vector.extract_strided_slice %select_n3A_321 {offsets = [126, 0], sizes = [2, 64], strides = [1, 1]} : vector<128x64xf32> to vector<2x64xf32>
      %slice3A_326 = vector.extract_strided_slice %select_n3A_321 {offsets = [0, 0], sizes = [126, 64], strides = [1, 1]} : vector<128x64xf32> to vector<126x64xf32>
      %concatenate3A_327 = tpu.concatenate %slice3A_325, %slice3A_326 in 0 : vector<2x64xf32>, vector<126x64xf32> -> vector<128x64xf32>
      %and3A_328 = arith.constant 2 : i32
      %and3A_329 = vector.broadcast %and3A_328 : i32 to vector<128x64xi32>
      %and3A_330 = arith.andi %iota3A_20, %and3A_329 : vector<128x64xi32>
      %eq3A_331 = arith.constant 0 : i32
      %eq3A_332 = vector.broadcast %eq3A_331 : i32 to vector<128x64xi32>
      %eq3A_333 = arith.cmpi eq, %and3A_330, %eq3A_332 : vector<128x64xi32>
      %select_n3A_334 = arith.select %eq3A_333, %concatenate3A_324, %concatenate3A_327 : vector<128x64xi1>, vector<128x64xf32>
      %min3A_335 = arith.minimumf %select_n3A_321, %select_n3A_334 : vector<128x64xf32>
      %max3A_336 = arith.maximumf %select_n3A_321, %select_n3A_334 : vector<128x64xf32>
      %and3A_337 = arith.constant 2048 : i32
      %and3A_338 = vector.broadcast %and3A_337 : i32 to vector<128x64xi32>
      %and3A_339 = arith.andi %add3A_18, %and3A_338 : vector<128x64xi32>
      %eq3A_340 = arith.constant 0 : i32
      %eq3A_341 = vector.broadcast %eq3A_340 : i32 to vector<128x64xi32>
      %eq3A_342 = arith.cmpi eq, %and3A_339, %eq3A_341 : vector<128x64xi32>
      %eq3A_343 = arith.xori %eq3A_342, %eq3A_333 : vector<128x64xi1>
      %eq3A_344 = arith.constant dense<true> : vector<128x64xi1>
      %eq3A_345 = arith.xori %eq3A_343, %eq3A_344 : vector<128x64xi1>
      %select_n3A_346 = arith.select %eq3A_345, %min3A_335, %max3A_336 : vector<128x64xi1>, vector<128x64xf32>
      %slice3A_347 = vector.extract_strided_slice %select_n3A_346 {offsets = [1, 0], sizes = [127, 64], strides = [1, 1]} : vector<128x64xf32> to vector<127x64xf32>
      %slice3A_348 = vector.extract_strided_slice %select_n3A_346 {offsets = [0, 0], sizes = [1, 64], strides = [1, 1]} : vector<128x64xf32> to vector<1x64xf32>
      %concatenate3A_349 = tpu.concatenate %slice3A_347, %slice3A_348 in 0 : vector<127x64xf32>, vector<1x64xf32> -> vector<128x64xf32>
      %slice3A_350 = vector.extract_strided_slice %select_n3A_346 {offsets = [127, 0], sizes = [1, 64], strides = [1, 1]} : vector<128x64xf32> to vector<1x64xf32>
      %slice3A_351 = vector.extract_strided_slice %select_n3A_346 {offsets = [0, 0], sizes = [127, 64], strides = [1, 1]} : vector<128x64xf32> to vector<127x64xf32>
      %concatenate3A_352 = tpu.concatenate %slice3A_350, %slice3A_351 in 0 : vector<1x64xf32>, vector<127x64xf32> -> vector<128x64xf32>
      %and3A_353 = arith.constant 1 : i32
      %and3A_354 = vector.broadcast %and3A_353 : i32 to vector<128x64xi32>
      %and3A_355 = arith.andi %iota3A_20, %and3A_354 : vector<128x64xi32>
      %eq3A_356 = arith.constant 0 : i32
      %eq3A_357 = vector.broadcast %eq3A_356 : i32 to vector<128x64xi32>
      %eq3A_358 = arith.cmpi eq, %and3A_355, %eq3A_357 : vector<128x64xi32>
      %select_n3A_359 = arith.select %eq3A_358, %concatenate3A_349, %concatenate3A_352 : vector<128x64xi1>, vector<128x64xf32>
      %min3A_360 = arith.minimumf %select_n3A_346, %select_n3A_359 : vector<128x64xf32>
      %max3A_361 = arith.maximumf %select_n3A_346, %select_n3A_359 : vector<128x64xf32>
      %and3A_362 = arith.constant 2048 : i32
      %and3A_363 = vector.broadcast %and3A_362 : i32 to vector<128x64xi32>
      %and3A_364 = arith.andi %add3A_18, %and3A_363 : vector<128x64xi32>
      %eq3A_365 = arith.constant 0 : i32
      %eq3A_366 = vector.broadcast %eq3A_365 : i32 to vector<128x64xi32>
      %eq3A_367 = arith.cmpi eq, %and3A_364, %eq3A_366 : vector<128x64xi32>
      %eq3A_368 = arith.xori %eq3A_367, %eq3A_358 : vector<128x64xi1>
      %eq3A_369 = arith.constant dense<true> : vector<128x64xi1>
      %eq3A_370 = arith.xori %eq3A_368, %eq3A_369 : vector<128x64xi1>
      %select_n3A_371 = arith.select %eq3A_370, %min3A_360, %max3A_361 : vector<128x64xi1>, vector<128x64xf32>
      %swap3A_372 = arith.constant 0 : index
      %swap3A_373 = arith.constant 0 : index
      %swap3A_374 = vector.load %arg6[%swap3A_372, %swap3A_373] : memref<128x64xf32, #tpu.memory_space<vmem>>, vector<128x64xf32>
      tpu.vector_store %arg6[%swap3A_372, %swap3A_373], %select_n3A_371 {strides = array<i32>} : memref<128x64xf32, #tpu.memory_space<vmem>>, vector<128x64xf32>,
    } else {
    }
    %eq3A_78 = arith.constant 11 : i32
    %eq3A_79 = arith.cmpi eq, %arg0, %eq3A_78 : i32
    %convert_element_type3A_80 = arith.extui %eq3A_79 : i1 to i32
    %cond3A_81 = arith.constant 0 : i32
    %cond3A_82 = arith.cmpi ne, %convert_element_type3A_80, %cond3A_81 : i32
    scf.if %cond3A_82 {
      %get3A_93 = arith.constant 0 : index
      %get3A_94 = arith.constant 0 : index
      %get3A_95 = vector.load %arg6[%get3A_93, %get3A_94] : memref<128x64xf32, #tpu.memory_space<vmem>>, vector<128x64xf32>
      %transpose3A = tpu.transpose %get3A_95, [1, 0] : vector<128x64xf32> -> vector<64x128xf32>
      %slice3A = vector.extract_strided_slice %transpose3A {offsets = [16, 0], sizes = [48, 128], strides = [1, 1]} : vector<64x128xf32> to vector<48x128xf32>
      %slice3A_96 = vector.extract_strided_slice %transpose3A {offsets = [0, 0], sizes = [16, 128], strides = [1, 1]} : vector<64x128xf32> to vector<16x128xf32>
      %concatenate3A = tpu.concatenate %slice3A, %slice3A_96 in 0 : vector<48x128xf32>, vector<16x128xf32> -> vector<64x128xf32>
      %slice3A_97 = vector.extract_strided_slice %transpose3A {offsets = [48, 0], sizes = [16, 128], strides = [1, 1]} : vector<64x128xf32> to vector<16x128xf32>
      %slice3A_98 = vector.extract_strided_slice %transpose3A {offsets = [0, 0], sizes = [48, 128], strides = [1, 1]} : vector<64x128xf32> to vector<48x128xf32>
      %concatenate3A_99 = tpu.concatenate %slice3A_97, %slice3A_98 in 0 : vector<16x128xf32>, vector<48x128xf32> -> vector<64x128xf32>
      %and3A = arith.constant 16 : i32
      %and3A_100 = vector.broadcast %and3A : i32 to vector<64x128xi32>
      %and3A_101 = arith.andi %iota3A_19, %and3A_100 : vector<64x128xi32>
      %eq3A_102 = arith.constant 0 : i32
      %eq3A_103 = vector.broadcast %eq3A_102 : i32 to vector<64x128xi32>
      %eq3A_104 = arith.cmpi eq, %and3A_101, %eq3A_103 : vector<64x128xi32>
      %select_n3A = arith.select %eq3A_104, %concatenate3A, %concatenate3A_99 : vector<64x128xi1>, vector<64x128xf32>
      %min3A = arith.minimumf %transpose3A, %select_n3A : vector<64x128xf32>
      %max3A = arith.maximumf %transpose3A, %select_n3A : vector<64x128xf32>
      %and3A_105 = arith.constant 4096 : i32
      %and3A_106 = vector.broadcast %and3A_105 : i32 to vector<64x128xi32>
      %and3A_107 = arith.andi %add3A, %and3A_106 : vector<64x128xi32>
      %eq3A_108 = arith.constant 0 : i32
      %eq3A_109 = vector.broadcast %eq3A_108 : i32 to vector<64x128xi32>
      %eq3A_110 = arith.cmpi eq, %and3A_107, %eq3A_109 : vector<64x128xi32>
      %eq3A_111 = arith.xori %eq3A_110, %eq3A_104 : vector<64x128xi1>
      %eq3A_112 = arith.constant dense<true> : vector<64x128xi1>
      %eq3A_113 = arith.xori %eq3A_111, %eq3A_112 : vector<64x128xi1>
      %select_n3A_114 = arith.select %eq3A_113, %min3A, %max3A : vector<64x128xi1>, vector<64x128xf32>
      %slice3A_115 = vector.extract_strided_slice %select_n3A_114 {offsets = [8, 0], sizes = [56, 128], strides = [1, 1]} : vector<64x128xf32> to vector<56x128xf32>
      %slice3A_116 = vector.extract_strided_slice %select_n3A_114 {offsets = [0, 0], sizes = [8, 128], strides = [1, 1]} : vector<64x128xf32> to vector<8x128xf32>
      %concatenate3A_117 = tpu.concatenate %slice3A_115, %slice3A_116 in 0 : vector<56x128xf32>, vector<8x128xf32> -> vector<64x128xf32>
      %slice3A_118 = vector.extract_strided_slice %select_n3A_114 {offsets = [56, 0], sizes = [8, 128], strides = [1, 1]} : vector<64x128xf32> to vector<8x128xf32>
      %slice3A_119 = vector.extract_strided_slice %select_n3A_114 {offsets = [0, 0], sizes = [56, 128], strides = [1, 1]} : vector<64x128xf32> to vector<56x128xf32>
      %concatenate3A_120 = tpu.concatenate %slice3A_118, %slice3A_119 in 0 : vector<8x128xf32>, vector<56x128xf32> -> vector<64x128xf32>
      %and3A_121 = arith.constant 8 : i32
      %and3A_122 = vector.broadcast %and3A_121 : i32 to vector<64x128xi32>
      %and3A_123 = arith.andi %iota3A_19, %and3A_122 : vector<64x128xi32>
      %eq3A_124 = arith.constant 0 : i32
      %eq3A_125 = vector.broadcast %eq3A_124 : i32 to vector<64x128xi32>
      %eq3A_126 = arith.cmpi eq, %and3A_123, %eq3A_125 : vector<64x128xi32>
      %select_n3A_127 = arith.select %eq3A_126, %concatenate3A_117, %concatenate3A_120 : vector<64x128xi1>, vector<64x128xf32>
      %min3A_128 = arith.minimumf %select_n3A_114, %select_n3A_127 : vector<64x128xf32>
      %max3A_129 = arith.maximumf %select_n3A_114, %select_n3A_127 : vector<64x128xf32>
      %and3A_130 = arith.constant 4096 : i32
      %and3A_131 = vector.broadcast %and3A_130 : i32 to vector<64x128xi32>
      %and3A_132 = arith.andi %add3A, %and3A_131 : vector<64x128xi32>
      %eq3A_133 = arith.constant 0 : i32
      %eq3A_134 = vector.broadcast %eq3A_133 : i32 to vector<64x128xi32>
      %eq3A_135 = arith.cmpi eq, %and3A_132, %eq3A_134 : vector<64x128xi32>
      %eq3A_136 = arith.xori %eq3A_135, %eq3A_126 : vector<64x128xi1>
      %eq3A_137 = arith.constant dense<true> : vector<64x128xi1>
      %eq3A_138 = arith.xori %eq3A_136, %eq3A_137 : vector<64x128xi1>
      %select_n3A_139 = arith.select %eq3A_138, %min3A_128, %max3A_129 : vector<64x128xi1>, vector<64x128xf32>
      %slice3A_140 = vector.extract_strided_slice %select_n3A_139 {offsets = [4, 0], sizes = [60, 128], strides = [1, 1]} : vector<64x128xf32> to vector<60x128xf32>
      %slice3A_141 = vector.extract_strided_slice %select_n3A_139 {offsets = [0, 0], sizes = [4, 128], strides = [1, 1]} : vector<64x128xf32> to vector<4x128xf32>
      %concatenate3A_142 = tpu.concatenate %slice3A_140, %slice3A_141 in 0 : vector<60x128xf32>, vector<4x128xf32> -> vector<64x128xf32>
      %slice3A_143 = vector.extract_strided_slice %select_n3A_139 {offsets = [60, 0], sizes = [4, 128], strides = [1, 1]} : vector<64x128xf32> to vector<4x128xf32>
      %slice3A_144 = vector.extract_strided_slice %select_n3A_139 {offsets = [0, 0], sizes = [60, 128], strides = [1, 1]} : vector<64x128xf32> to vector<60x128xf32>
      %concatenate3A_145 = tpu.concatenate %slice3A_143, %slice3A_144 in 0 : vector<4x128xf32>, vector<60x128xf32> -> vector<64x128xf32>
      %and3A_146 = arith.constant 4 : i32
      %and3A_147 = vector.broadcast %and3A_146 : i32 to vector<64x128xi32>
      %and3A_148 = arith.andi %iota3A_19, %and3A_147 : vector<64x128xi32>
      %eq3A_149 = arith.constant 0 : i32
      %eq3A_150 = vector.broadcast %eq3A_149 : i32 to vector<64x128xi32>
      %eq3A_151 = arith.cmpi eq, %and3A_148, %eq3A_150 : vector<64x128xi32>
      %select_n3A_152 = arith.select %eq3A_151, %concatenate3A_142, %concatenate3A_145 : vector<64x128xi1>, vector<64x128xf32>
      %min3A_153 = arith.minimumf %select_n3A_139, %select_n3A_152 : vector<64x128xf32>
      %max3A_154 = arith.maximumf %select_n3A_139, %select_n3A_152 : vector<64x128xf32>
      %and3A_155 = arith.constant 4096 : i32
      %and3A_156 = vector.broadcast %and3A_155 : i32 to vector<64x128xi32>
      %and3A_157 = arith.andi %add3A, %and3A_156 : vector<64x128xi32>
      %eq3A_158 = arith.constant 0 : i32
      %eq3A_159 = vector.broadcast %eq3A_158 : i32 to vector<64x128xi32>
      %eq3A_160 = arith.cmpi eq, %and3A_157, %eq3A_159 : vector<64x128xi32>
      %eq3A_161 = arith.xori %eq3A_160, %eq3A_151 : vector<64x128xi1>
      %eq3A_162 = arith.constant dense<true> : vector<64x128xi1>
      %eq3A_163 = arith.xori %eq3A_161, %eq3A_162 : vector<64x128xi1>
      %select_n3A_164 = arith.select %eq3A_163, %min3A_153, %max3A_154 : vector<64x128xi1>, vector<64x128xf32>
      %slice3A_165 = vector.extract_strided_slice %select_n3A_164 {offsets = [2, 0], sizes = [62, 128], strides = [1, 1]} : vector<64x128xf32> to vector<62x128xf32>
      %slice3A_166 = vector.extract_strided_slice %select_n3A_164 {offsets = [0, 0], sizes = [2, 128], strides = [1, 1]} : vector<64x128xf32> to vector<2x128xf32>
      %concatenate3A_167 = tpu.concatenate %slice3A_165, %slice3A_166 in 0 : vector<62x128xf32>, vector<2x128xf32> -> vector<64x128xf32>
      %slice3A_168 = vector.extract_strided_slice %select_n3A_164 {offsets = [62, 0], sizes = [2, 128], strides = [1, 1]} : vector<64x128xf32> to vector<2x128xf32>
      %slice3A_169 = vector.extract_strided_slice %select_n3A_164 {offsets = [0, 0], sizes = [62, 128], strides = [1, 1]} : vector<64x128xf32> to vector<62x128xf32>
      %concatenate3A_170 = tpu.concatenate %slice3A_168, %slice3A_169 in 0 : vector<2x128xf32>, vector<62x128xf32> -> vector<64x128xf32>
      %and3A_171 = arith.constant 2 : i32
      %and3A_172 = vector.broadcast %and3A_171 : i32 to vector<64x128xi32>
      %and3A_173 = arith.andi %iota3A_19, %and3A_172 : vector<64x128xi32>
      %eq3A_174 = arith.constant 0 : i32
      %eq3A_175 = vector.broadcast %eq3A_174 : i32 to vector<64x128xi32>
      %eq3A_176 = arith.cmpi eq, %and3A_173, %eq3A_175 : vector<64x128xi32>
      %select_n3A_177 = arith.select %eq3A_176, %concatenate3A_167, %concatenate3A_170 : vector<64x128xi1>, vector<64x128xf32>
      %min3A_178 = arith.minimumf %select_n3A_164, %select_n3A_177 : vector<64x128xf32>
      %max3A_179 = arith.maximumf %select_n3A_164, %select_n3A_177 : vector<64x128xf32>
      %and3A_180 = arith.constant 4096 : i32
      %and3A_181 = vector.broadcast %and3A_180 : i32 to vector<64x128xi32>
      %and3A_182 = arith.andi %add3A, %and3A_181 : vector<64x128xi32>
      %eq3A_183 = arith.constant 0 : i32
      %eq3A_184 = vector.broadcast %eq3A_183 : i32 to vector<64x128xi32>
      %eq3A_185 = arith.cmpi eq, %and3A_182, %eq3A_184 : vector<64x128xi32>
      %eq3A_186 = arith.xori %eq3A_185, %eq3A_176 : vector<64x128xi1>
      %eq3A_187 = arith.constant dense<true> : vector<64x128xi1>
      %eq3A_188 = arith.xori %eq3A_186, %eq3A_187 : vector<64x128xi1>
      %select_n3A_189 = arith.select %eq3A_188, %min3A_178, %max3A_179 : vector<64x128xi1>, vector<64x128xf32>
      %slice3A_190 = vector.extract_strided_slice %select_n3A_189 {offsets = [1, 0], sizes = [63, 128], strides = [1, 1]} : vector<64x128xf32> to vector<63x128xf32>
      %slice3A_191 = vector.extract_strided_slice %select_n3A_189 {offsets = [0, 0], sizes = [1, 128], strides = [1, 1]} : vector<64x128xf32> to vector<1x128xf32>
      %concatenate3A_192 = tpu.concatenate %slice3A_190, %slice3A_191 in 0 : vector<63x128xf32>, vector<1x128xf32> -> vector<64x128xf32>
      %slice3A_193 = vector.extract_strided_slice %select_n3A_189 {offsets = [63, 0], sizes = [1, 128], strides = [1, 1]} : vector<64x128xf32> to vector<1x128xf32>
      %slice3A_194 = vector.extract_strided_slice %select_n3A_189 {offsets = [0, 0], sizes = [63, 128], strides = [1, 1]} : vector<64x128xf32> to vector<63x128xf32>
      %concatenate3A_195 = tpu.concatenate %slice3A_193, %slice3A_194 in 0 : vector<1x128xf32>, vector<63x128xf32> -> vector<64x128xf32>
      %and3A_196 = arith.constant 1 : i32
      %and3A_197 = vector.broadcast %and3A_196 : i32 to vector<64x128xi32>
      %and3A_198 = arith.andi %iota3A_19, %and3A_197 : vector<64x128xi32>
      %eq3A_199 = arith.constant 0 : i32
      %eq3A_200 = vector.broadcast %eq3A_199 : i32 to vector<64x128xi32>
      %eq3A_201 = arith.cmpi eq, %and3A_198, %eq3A_200 : vector<64x128xi32>
      %select_n3A_202 = arith.select %eq3A_201, %concatenate3A_192, %concatenate3A_195 : vector<64x128xi1>, vector<64x128xf32>
      %min3A_203 = arith.minimumf %select_n3A_189, %select_n3A_202 : vector<64x128xf32>
      %max3A_204 = arith.maximumf %select_n3A_189, %select_n3A_202 : vector<64x128xf32>
      %and3A_205 = arith.constant 4096 : i32
      %and3A_206 = vector.broadcast %and3A_205 : i32 to vector<64x128xi32>
      %and3A_207 = arith.andi %add3A, %and3A_206 : vector<64x128xi32>
      %eq3A_208 = arith.constant 0 : i32
      %eq3A_209 = vector.broadcast %eq3A_208 : i32 to vector<64x128xi32>
      %eq3A_210 = arith.cmpi eq, %and3A_207, %eq3A_209 : vector<64x128xi32>
      %eq3A_211 = arith.xori %eq3A_210, %eq3A_201 : vector<64x128xi1>
      %eq3A_212 = arith.constant dense<true> : vector<64x128xi1>
      %eq3A_213 = arith.xori %eq3A_211, %eq3A_212 : vector<64x128xi1>
      %select_n3A_214 = arith.select %eq3A_213, %min3A_203, %max3A_204 : vector<64x128xi1>, vector<64x128xf32>
      %transpose3A_215 = tpu.transpose %select_n3A_214, [1, 0] : vector<64x128xf32> -> vector<128x64xf32>
      %swap3A_216 = arith.constant 0 : index
      %swap3A_217 = arith.constant 0 : index
      %swap3A_218 = vector.load %arg6[%swap3A_216, %swap3A_217] : memref<128x64xf32, #tpu.memory_space<vmem>>, vector<128x64xf32>
      tpu.vector_store %arg6[%swap3A_216, %swap3A_217], %transpose3A_215 {strides = array<i32>} : memref<128x64xf32, #tpu.memory_space<vmem>>, vector<128x64xf32>,
      %get3A_219 = arith.constant 0 : index
      %get3A_220 = arith.constant 0 : index
      %get3A_221 = vector.load %arg6[%get3A_219, %get3A_220] : memref<128x64xf32, #tpu.memory_space<vmem>>, vector<128x64xf32>
      %slice3A_222 = vector.extract_strided_slice %get3A_221 {offsets = [64, 0], sizes = [64, 64], strides = [1, 1]} : vector<128x64xf32> to vector<64x64xf32>
      %slice3A_223 = vector.extract_strided_slice %get3A_221 {offsets = [0, 0], sizes = [64, 64], strides = [1, 1]} : vector<128x64xf32> to vector<64x64xf32>
      %concatenate3A_224 = tpu.concatenate %slice3A_222, %slice3A_223 in 0 : vector<64x64xf32>, vector<64x64xf32> -> vector<128x64xf32>
      %slice3A_225 = vector.extract_strided_slice %get3A_221 {offsets = [64, 0], sizes = [64, 64], strides = [1, 1]} : vector<128x64xf32> to vector<64x64xf32>
      %slice3A_226 = vector.extract_strided_slice %get3A_221 {offsets = [0, 0], sizes = [64, 64], strides = [1, 1]} : vector<128x64xf32> to vector<64x64xf32>
      %concatenate3A_227 = tpu.concatenate %slice3A_225, %slice3A_226 in 0 : vector<64x64xf32>, vector<64x64xf32> -> vector<128x64xf32>
      %and3A_228 = arith.constant 64 : i32
      %and3A_229 = vector.broadcast %and3A_228 : i32 to vector<128x64xi32>
      %and3A_230 = arith.andi %iota3A_20, %and3A_229 : vector<128x64xi32>
      %eq3A_231 = arith.constant 0 : i32
      %eq3A_232 = vector.broadcast %eq3A_231 : i32 to vector<128x64xi32>
      %eq3A_233 = arith.cmpi eq, %and3A_230, %eq3A_232 : vector<128x64xi32>
      %select_n3A_234 = arith.select %eq3A_233, %concatenate3A_224, %concatenate3A_227 : vector<128x64xi1>, vector<128x64xf32>
      %min3A_235 = arith.minimumf %get3A_221, %select_n3A_234 : vector<128x64xf32>
      %max3A_236 = arith.maximumf %get3A_221, %select_n3A_234 : vector<128x64xf32>
      %and3A_237 = arith.constant 4096 : i32
      %and3A_238 = vector.broadcast %and3A_237 : i32 to vector<128x64xi32>
      %and3A_239 = arith.andi %add3A_18, %and3A_238 : vector<128x64xi32>
      %eq3A_240 = arith.constant 0 : i32
      %eq3A_241 = vector.broadcast %eq3A_240 : i32 to vector<128x64xi32>
      %eq3A_242 = arith.cmpi eq, %and3A_239, %eq3A_241 : vector<128x64xi32>
      %eq3A_243 = arith.xori %eq3A_242, %eq3A_233 : vector<128x64xi1>
      %eq3A_244 = arith.constant dense<true> : vector<128x64xi1>
      %eq3A_245 = arith.xori %eq3A_243, %eq3A_244 : vector<128x64xi1>
      %select_n3A_246 = arith.select %eq3A_245, %min3A_235, %max3A_236 : vector<128x64xi1>, vector<128x64xf32>
      %slice3A_247 = vector.extract_strided_slice %select_n3A_246 {offsets = [32, 0], sizes = [96, 64], strides = [1, 1]} : vector<128x64xf32> to vector<96x64xf32>
      %slice3A_248 = vector.extract_strided_slice %select_n3A_246 {offsets = [0, 0], sizes = [32, 64], strides = [1, 1]} : vector<128x64xf32> to vector<32x64xf32>
      %concatenate3A_249 = tpu.concatenate %slice3A_247, %slice3A_248 in 0 : vector<96x64xf32>, vector<32x64xf32> -> vector<128x64xf32>
      %slice3A_250 = vector.extract_strided_slice %select_n3A_246 {offsets = [96, 0], sizes = [32, 64], strides = [1, 1]} : vector<128x64xf32> to vector<32x64xf32>
      %slice3A_251 = vector.extract_strided_slice %select_n3A_246 {offsets = [0, 0], sizes = [96, 64], strides = [1, 1]} : vector<128x64xf32> to vector<96x64xf32>
      %concatenate3A_252 = tpu.concatenate %slice3A_250, %slice3A_251 in 0 : vector<32x64xf32>, vector<96x64xf32> -> vector<128x64xf32>
      %and3A_253 = arith.constant 32 : i32
      %and3A_254 = vector.broadcast %and3A_253 : i32 to vector<128x64xi32>
      %and3A_255 = arith.andi %iota3A_20, %and3A_254 : vector<128x64xi32>
      %eq3A_256 = arith.constant 0 : i32
      %eq3A_257 = vector.broadcast %eq3A_256 : i32 to vector<128x64xi32>
      %eq3A_258 = arith.cmpi eq, %and3A_255, %eq3A_257 : vector<128x64xi32>
      %select_n3A_259 = arith.select %eq3A_258, %concatenate3A_249, %concatenate3A_252 : vector<128x64xi1>, vector<128x64xf32>
      %min3A_260 = arith.minimumf %select_n3A_246, %select_n3A_259 : vector<128x64xf32>
      %max3A_261 = arith.maximumf %select_n3A_246, %select_n3A_259 : vector<128x64xf32>
      %and3A_262 = arith.constant 4096 : i32
      %and3A_263 = vector.broadcast %and3A_262 : i32 to vector<128x64xi32>
      %and3A_264 = arith.andi %add3A_18, %and3A_263 : vector<128x64xi32>
      %eq3A_265 = arith.constant 0 : i32
      %eq3A_266 = vector.broadcast %eq3A_265 : i32 to vector<128x64xi32>
      %eq3A_267 = arith.cmpi eq, %and3A_264, %eq3A_266 : vector<128x64xi32>
      %eq3A_268 = arith.xori %eq3A_267, %eq3A_258 : vector<128x64xi1>
      %eq3A_269 = arith.constant dense<true> : vector<128x64xi1>
      %eq3A_270 = arith.xori %eq3A_268, %eq3A_269 : vector<128x64xi1>
      %select_n3A_271 = arith.select %eq3A_270, %min3A_260, %max3A_261 : vector<128x64xi1>, vector<128x64xf32>
      %slice3A_272 = vector.extract_strided_slice %select_n3A_271 {offsets = [16, 0], sizes = [112, 64], strides = [1, 1]} : vector<128x64xf32> to vector<112x64xf32>
      %slice3A_273 = vector.extract_strided_slice %select_n3A_271 {offsets = [0, 0], sizes = [16, 64], strides = [1, 1]} : vector<128x64xf32> to vector<16x64xf32>
      %concatenate3A_274 = tpu.concatenate %slice3A_272, %slice3A_273 in 0 : vector<112x64xf32>, vector<16x64xf32> -> vector<128x64xf32>
      %slice3A_275 = vector.extract_strided_slice %select_n3A_271 {offsets = [112, 0], sizes = [16, 64], strides = [1, 1]} : vector<128x64xf32> to vector<16x64xf32>
      %slice3A_276 = vector.extract_strided_slice %select_n3A_271 {offsets = [0, 0], sizes = [112, 64], strides = [1, 1]} : vector<128x64xf32> to vector<112x64xf32>
      %concatenate3A_277 = tpu.concatenate %slice3A_275, %slice3A_276 in 0 : vector<16x64xf32>, vector<112x64xf32> -> vector<128x64xf32>
      %and3A_278 = arith.constant 16 : i32
      %and3A_279 = vector.broadcast %and3A_278 : i32 to vector<128x64xi32>
      %and3A_280 = arith.andi %iota3A_20, %and3A_279 : vector<128x64xi32>
      %eq3A_281 = arith.constant 0 : i32
      %eq3A_282 = vector.broadcast %eq3A_281 : i32 to vector<128x64xi32>
      %eq3A_283 = arith.cmpi eq, %and3A_280, %eq3A_282 : vector<128x64xi32>
      %select_n3A_284 = arith.select %eq3A_283, %concatenate3A_274, %concatenate3A_277 : vector<128x64xi1>, vector<128x64xf32>
      %min3A_285 = arith.minimumf %select_n3A_271, %select_n3A_284 : vector<128x64xf32>
      %max3A_286 = arith.maximumf %select_n3A_271, %select_n3A_284 : vector<128x64xf32>
      %and3A_287 = arith.constant 4096 : i32
      %and3A_288 = vector.broadcast %and3A_287 : i32 to vector<128x64xi32>
      %and3A_289 = arith.andi %add3A_18, %and3A_288 : vector<128x64xi32>
      %eq3A_290 = arith.constant 0 : i32
      %eq3A_291 = vector.broadcast %eq3A_290 : i32 to vector<128x64xi32>
      %eq3A_292 = arith.cmpi eq, %and3A_289, %eq3A_291 : vector<128x64xi32>
      %eq3A_293 = arith.xori %eq3A_292, %eq3A_283 : vector<128x64xi1>
      %eq3A_294 = arith.constant dense<true> : vector<128x64xi1>
      %eq3A_295 = arith.xori %eq3A_293, %eq3A_294 : vector<128x64xi1>
      %select_n3A_296 = arith.select %eq3A_295, %min3A_285, %max3A_286 : vector<128x64xi1>, vector<128x64xf32>
      %slice3A_297 = vector.extract_strided_slice %select_n3A_296 {offsets = [8, 0], sizes = [120, 64], strides = [1, 1]} : vector<128x64xf32> to vector<120x64xf32>
      %slice3A_298 = vector.extract_strided_slice %select_n3A_296 {offsets = [0, 0], sizes = [8, 64], strides = [1, 1]} : vector<128x64xf32> to vector<8x64xf32>
      %concatenate3A_299 = tpu.concatenate %slice3A_297, %slice3A_298 in 0 : vector<120x64xf32>, vector<8x64xf32> -> vector<128x64xf32>
      %slice3A_300 = vector.extract_strided_slice %select_n3A_296 {offsets = [120, 0], sizes = [8, 64], strides = [1, 1]} : vector<128x64xf32> to vector<8x64xf32>
      %slice3A_301 = vector.extract_strided_slice %select_n3A_296 {offsets = [0, 0], sizes = [120, 64], strides = [1, 1]} : vector<128x64xf32> to vector<120x64xf32>
      %concatenate3A_302 = tpu.concatenate %slice3A_300, %slice3A_301 in 0 : vector<8x64xf32>, vector<120x64xf32> -> vector<128x64xf32>
      %and3A_303 = arith.constant 8 : i32
      %and3A_304 = vector.broadcast %and3A_303 : i32 to vector<128x64xi32>
      %and3A_305 = arith.andi %iota3A_20, %and3A_304 : vector<128x64xi32>
      %eq3A_306 = arith.constant 0 : i32
      %eq3A_307 = vector.broadcast %eq3A_306 : i32 to vector<128x64xi32>
      %eq3A_308 = arith.cmpi eq, %and3A_305, %eq3A_307 : vector<128x64xi32>
      %select_n3A_309 = arith.select %eq3A_308, %concatenate3A_299, %concatenate3A_302 : vector<128x64xi1>, vector<128x64xf32>
      %min3A_310 = arith.minimumf %select_n3A_296, %select_n3A_309 : vector<128x64xf32>
      %max3A_311 = arith.maximumf %select_n3A_296, %select_n3A_309 : vector<128x64xf32>
      %and3A_312 = arith.constant 4096 : i32
      %and3A_313 = vector.broadcast %and3A_312 : i32 to vector<128x64xi32>
      %and3A_314 = arith.andi %add3A_18, %and3A_313 : vector<128x64xi32>
      %eq3A_315 = arith.constant 0 : i32
      %eq3A_316 = vector.broadcast %eq3A_315 : i32 to vector<128x64xi32>
      %eq3A_317 = arith.cmpi eq, %and3A_314, %eq3A_316 : vector<128x64xi32>
      %eq3A_318 = arith.xori %eq3A_317, %eq3A_308 : vector<128x64xi1>
      %eq3A_319 = arith.constant dense<true> : vector<128x64xi1>
      %eq3A_320 = arith.xori %eq3A_318, %eq3A_319 : vector<128x64xi1>
      %select_n3A_321 = arith.select %eq3A_320, %min3A_310, %max3A_311 : vector<128x64xi1>, vector<128x64xf32>
      %slice3A_322 = vector.extract_strided_slice %select_n3A_321 {offsets = [4, 0], sizes = [124, 64], strides = [1, 1]} : vector<128x64xf32> to vector<124x64xf32>
      %slice3A_323 = vector.extract_strided_slice %select_n3A_321 {offsets = [0, 0], sizes = [4, 64], strides = [1, 1]} : vector<128x64xf32> to vector<4x64xf32>
      %concatenate3A_324 = tpu.concatenate %slice3A_322, %slice3A_323 in 0 : vector<124x64xf32>, vector<4x64xf32> -> vector<128x64xf32>
      %slice3A_325 = vector.extract_strided_slice %select_n3A_321 {offsets = [124, 0], sizes = [4, 64], strides = [1, 1]} : vector<128x64xf32> to vector<4x64xf32>
      %slice3A_326 = vector.extract_strided_slice %select_n3A_321 {offsets = [0, 0], sizes = [124, 64], strides = [1, 1]} : vector<128x64xf32> to vector<124x64xf32>
      %concatenate3A_327 = tpu.concatenate %slice3A_325, %slice3A_326 in 0 : vector<4x64xf32>, vector<124x64xf32> -> vector<128x64xf32>
      %and3A_328 = arith.constant 4 : i32
      %and3A_329 = vector.broadcast %and3A_328 : i32 to vector<128x64xi32>
      %and3A_330 = arith.andi %iota3A_20, %and3A_329 : vector<128x64xi32>
      %eq3A_331 = arith.constant 0 : i32
      %eq3A_332 = vector.broadcast %eq3A_331 : i32 to vector<128x64xi32>
      %eq3A_333 = arith.cmpi eq, %and3A_330, %eq3A_332 : vector<128x64xi32>
      %select_n3A_334 = arith.select %eq3A_333, %concatenate3A_324, %concatenate3A_327 : vector<128x64xi1>, vector<128x64xf32>
      %min3A_335 = arith.minimumf %select_n3A_321, %select_n3A_334 : vector<128x64xf32>
      %max3A_336 = arith.maximumf %select_n3A_321, %select_n3A_334 : vector<128x64xf32>
      %and3A_337 = arith.constant 4096 : i32
      %and3A_338 = vector.broadcast %and3A_337 : i32 to vector<128x64xi32>
      %and3A_339 = arith.andi %add3A_18, %and3A_338 : vector<128x64xi32>
      %eq3A_340 = arith.constant 0 : i32
      %eq3A_341 = vector.broadcast %eq3A_340 : i32 to vector<128x64xi32>
      %eq3A_342 = arith.cmpi eq, %and3A_339, %eq3A_341 : vector<128x64xi32>
      %eq3A_343 = arith.xori %eq3A_342, %eq3A_333 : vector<128x64xi1>
      %eq3A_344 = arith.constant dense<true> : vector<128x64xi1>
      %eq3A_345 = arith.xori %eq3A_343, %eq3A_344 : vector<128x64xi1>
      %select_n3A_346 = arith.select %eq3A_345, %min3A_335, %max3A_336 : vector<128x64xi1>, vector<128x64xf32>
      %slice3A_347 = vector.extract_strided_slice %select_n3A_346 {offsets = [2, 0], sizes = [126, 64], strides = [1, 1]} : vector<128x64xf32> to vector<126x64xf32>
      %slice3A_348 = vector.extract_strided_slice %select_n3A_346 {offsets = [0, 0], sizes = [2, 64], strides = [1, 1]} : vector<128x64xf32> to vector<2x64xf32>
      %concatenate3A_349 = tpu.concatenate %slice3A_347, %slice3A_348 in 0 : vector<126x64xf32>, vector<2x64xf32> -> vector<128x64xf32>
      %slice3A_350 = vector.extract_strided_slice %select_n3A_346 {offsets = [126, 0], sizes = [2, 64], strides = [1, 1]} : vector<128x64xf32> to vector<2x64xf32>
      %slice3A_351 = vector.extract_strided_slice %select_n3A_346 {offsets = [0, 0], sizes = [126, 64], strides = [1, 1]} : vector<128x64xf32> to vector<126x64xf32>
      %concatenate3A_352 = tpu.concatenate %slice3A_350, %slice3A_351 in 0 : vector<2x64xf32>, vector<126x64xf32> -> vector<128x64xf32>
      %and3A_353 = arith.constant 2 : i32
      %and3A_354 = vector.broadcast %and3A_353 : i32 to vector<128x64xi32>
      %and3A_355 = arith.andi %iota3A_20, %and3A_354 : vector<128x64xi32>
      %eq3A_356 = arith.constant 0 : i32
      %eq3A_357 = vector.broadcast %eq3A_356 : i32 to vector<128x64xi32>
      %eq3A_358 = arith.cmpi eq, %and3A_355, %eq3A_357 : vector<128x64xi32>
      %select_n3A_359 = arith.select %eq3A_358, %concatenate3A_349, %concatenate3A_352 : vector<128x64xi1>, vector<128x64xf32>
      %min3A_360 = arith.minimumf %select_n3A_346, %select_n3A_359 : vector<128x64xf32>
      %max3A_361 = arith.maximumf %select_n3A_346, %select_n3A_359 : vector<128x64xf32>
      %and3A_362 = arith.constant 4096 : i32
      %and3A_363 = vector.broadcast %and3A_362 : i32 to vector<128x64xi32>
      %and3A_364 = arith.andi %add3A_18, %and3A_363 : vector<128x64xi32>
      %eq3A_365 = arith.constant 0 : i32
      %eq3A_366 = vector.broadcast %eq3A_365 : i32 to vector<128x64xi32>
      %eq3A_367 = arith.cmpi eq, %and3A_364, %eq3A_366 : vector<128x64xi32>
      %eq3A_368 = arith.xori %eq3A_367, %eq3A_358 : vector<128x64xi1>
      %eq3A_369 = arith.constant dense<true> : vector<128x64xi1>
      %eq3A_370 = arith.xori %eq3A_368, %eq3A_369 : vector<128x64xi1>
      %select_n3A_371 = arith.select %eq3A_370, %min3A_360, %max3A_361 : vector<128x64xi1>, vector<128x64xf32>
      %slice3A_372 = vector.extract_strided_slice %select_n3A_371 {offsets = [1, 0], sizes = [127, 64], strides = [1, 1]} : vector<128x64xf32> to vector<127x64xf32>
      %slice3A_373 = vector.extract_strided_slice %select_n3A_371 {offsets = [0, 0], sizes = [1, 64], strides = [1, 1]} : vector<128x64xf32> to vector<1x64xf32>
      %concatenate3A_374 = tpu.concatenate %slice3A_372, %slice3A_373 in 0 : vector<127x64xf32>, vector<1x64xf32> -> vector<128x64xf32>
      %slice3A_375 = vector.extract_strided_slice %select_n3A_371 {offsets = [127, 0], sizes = [1, 64], strides = [1, 1]} : vector<128x64xf32> to vector<1x64xf32>
      %slice3A_376 = vector.extract_strided_slice %select_n3A_371 {offsets = [0, 0], sizes = [127, 64], strides = [1, 1]} : vector<128x64xf32> to vector<127x64xf32>
      %concatenate3A_377 = tpu.concatenate %slice3A_375, %slice3A_376 in 0 : vector<1x64xf32>, vector<127x64xf32> -> vector<128x64xf32>
      %and3A_378 = arith.constant 1 : i32
      %and3A_379 = vector.broadcast %and3A_378 : i32 to vector<128x64xi32>
      %and3A_380 = arith.andi %iota3A_20, %and3A_379 : vector<128x64xi32>
      %eq3A_381 = arith.constant 0 : i32
      %eq3A_382 = vector.broadcast %eq3A_381 : i32 to vector<128x64xi32>
      %eq3A_383 = arith.cmpi eq, %and3A_380, %eq3A_382 : vector<128x64xi32>
      %select_n3A_384 = arith.select %eq3A_383, %concatenate3A_374, %concatenate3A_377 : vector<128x64xi1>, vector<128x64xf32>
      %min3A_385 = arith.minimumf %select_n3A_371, %select_n3A_384 : vector<128x64xf32>
      %max3A_386 = arith.maximumf %select_n3A_371, %select_n3A_384 : vector<128x64xf32>
      %and3A_387 = arith.constant 4096 : i32
      %and3A_388 = vector.broadcast %and3A_387 : i32 to vector<128x64xi32>
      %and3A_389 = arith.andi %add3A_18, %and3A_388 : vector<128x64xi32>
      %eq3A_390 = arith.constant 0 : i32
      %eq3A_391 = vector.broadcast %eq3A_390 : i32 to vector<128x64xi32>
      %eq3A_392 = arith.cmpi eq, %and3A_389, %eq3A_391 : vector<128x64xi32>
      %eq3A_393 = arith.xori %eq3A_392, %eq3A_383 : vector<128x64xi1>
      %eq3A_394 = arith.constant dense<true> : vector<128x64xi1>
      %eq3A_395 = arith.xori %eq3A_393, %eq3A_394 : vector<128x64xi1>
      %select_n3A_396 = arith.select %eq3A_395, %min3A_385, %max3A_386 : vector<128x64xi1>, vector<128x64xf32>
      %swap3A_397 = arith.constant 0 : index
      %swap3A_398 = arith.constant 0 : index
      %swap3A_399 = vector.load %arg6[%swap3A_397, %swap3A_398] : memref<128x64xf32, #tpu.memory_space<vmem>>, vector<128x64xf32>
      tpu.vector_store %arg6[%swap3A_397, %swap3A_398], %select_n3A_396 {strides = array<i32>} : memref<128x64xf32, #tpu.memory_space<vmem>>, vector<128x64xf32>,
    } else {
    }
    %eq3A_83 = arith.constant 12 : i32
    %eq3A_84 = arith.cmpi eq, %arg0, %eq3A_83 : i32
    %convert_element_type3A_85 = arith.extui %eq3A_84 : i1 to i32
    %cond3A_86 = arith.constant 0 : i32
    %cond3A_87 = arith.cmpi ne, %convert_element_type3A_85, %cond3A_86 : i32
    scf.if %cond3A_87 {
      %get3A_93 = arith.constant 0 : index
      %get3A_94 = arith.constant 0 : index
      %get3A_95 = vector.load %arg6[%get3A_93, %get3A_94] : memref<128x64xf32, #tpu.memory_space<vmem>>, vector<128x64xf32>
      %transpose3A = tpu.transpose %get3A_95, [1, 0] : vector<128x64xf32> -> vector<64x128xf32>
      %slice3A = vector.extract_strided_slice %transpose3A {offsets = [32, 0], sizes = [32, 128], strides = [1, 1]} : vector<64x128xf32> to vector<32x128xf32>
      %slice3A_96 = vector.extract_strided_slice %transpose3A {offsets = [0, 0], sizes = [32, 128], strides = [1, 1]} : vector<64x128xf32> to vector<32x128xf32>
      %concatenate3A = tpu.concatenate %slice3A, %slice3A_96 in 0 : vector<32x128xf32>, vector<32x128xf32> -> vector<64x128xf32>
      %slice3A_97 = vector.extract_strided_slice %transpose3A {offsets = [32, 0], sizes = [32, 128], strides = [1, 1]} : vector<64x128xf32> to vector<32x128xf32>
      %slice3A_98 = vector.extract_strided_slice %transpose3A {offsets = [0, 0], sizes = [32, 128], strides = [1, 1]} : vector<64x128xf32> to vector<32x128xf32>
      %concatenate3A_99 = tpu.concatenate %slice3A_97, %slice3A_98 in 0 : vector<32x128xf32>, vector<32x128xf32> -> vector<64x128xf32>
      %and3A = arith.constant 32 : i32
      %and3A_100 = vector.broadcast %and3A : i32 to vector<64x128xi32>
      %and3A_101 = arith.andi %iota3A_19, %and3A_100 : vector<64x128xi32>
      %eq3A_102 = arith.constant 0 : i32
      %eq3A_103 = vector.broadcast %eq3A_102 : i32 to vector<64x128xi32>
      %eq3A_104 = arith.cmpi eq, %and3A_101, %eq3A_103 : vector<64x128xi32>
      %select_n3A = arith.select %eq3A_104, %concatenate3A, %concatenate3A_99 : vector<64x128xi1>, vector<64x128xf32>
      %min3A = arith.minimumf %transpose3A, %select_n3A : vector<64x128xf32>
      %max3A = arith.maximumf %transpose3A, %select_n3A : vector<64x128xf32>
      %and3A_105 = arith.constant 8192 : i32
      %and3A_106 = vector.broadcast %and3A_105 : i32 to vector<64x128xi32>
      %and3A_107 = arith.andi %add3A, %and3A_106 : vector<64x128xi32>
      %eq3A_108 = arith.constant 0 : i32
      %eq3A_109 = vector.broadcast %eq3A_108 : i32 to vector<64x128xi32>
      %eq3A_110 = arith.cmpi eq, %and3A_107, %eq3A_109 : vector<64x128xi32>
      %eq3A_111 = arith.xori %eq3A_110, %eq3A_104 : vector<64x128xi1>
      %eq3A_112 = arith.constant dense<true> : vector<64x128xi1>
      %eq3A_113 = arith.xori %eq3A_111, %eq3A_112 : vector<64x128xi1>
      %select_n3A_114 = arith.select %eq3A_113, %min3A, %max3A : vector<64x128xi1>, vector<64x128xf32>
      %slice3A_115 = vector.extract_strided_slice %select_n3A_114 {offsets = [16, 0], sizes = [48, 128], strides = [1, 1]} : vector<64x128xf32> to vector<48x128xf32>
      %slice3A_116 = vector.extract_strided_slice %select_n3A_114 {offsets = [0, 0], sizes = [16, 128], strides = [1, 1]} : vector<64x128xf32> to vector<16x128xf32>
      %concatenate3A_117 = tpu.concatenate %slice3A_115, %slice3A_116 in 0 : vector<48x128xf32>, vector<16x128xf32> -> vector<64x128xf32>
      %slice3A_118 = vector.extract_strided_slice %select_n3A_114 {offsets = [48, 0], sizes = [16, 128], strides = [1, 1]} : vector<64x128xf32> to vector<16x128xf32>
      %slice3A_119 = vector.extract_strided_slice %select_n3A_114 {offsets = [0, 0], sizes = [48, 128], strides = [1, 1]} : vector<64x128xf32> to vector<48x128xf32>
      %concatenate3A_120 = tpu.concatenate %slice3A_118, %slice3A_119 in 0 : vector<16x128xf32>, vector<48x128xf32> -> vector<64x128xf32>
      %and3A_121 = arith.constant 16 : i32
      %and3A_122 = vector.broadcast %and3A_121 : i32 to vector<64x128xi32>
      %and3A_123 = arith.andi %iota3A_19, %and3A_122 : vector<64x128xi32>
      %eq3A_124 = arith.constant 0 : i32
      %eq3A_125 = vector.broadcast %eq3A_124 : i32 to vector<64x128xi32>
      %eq3A_126 = arith.cmpi eq, %and3A_123, %eq3A_125 : vector<64x128xi32>
      %select_n3A_127 = arith.select %eq3A_126, %concatenate3A_117, %concatenate3A_120 : vector<64x128xi1>, vector<64x128xf32>
      %min3A_128 = arith.minimumf %select_n3A_114, %select_n3A_127 : vector<64x128xf32>
      %max3A_129 = arith.maximumf %select_n3A_114, %select_n3A_127 : vector<64x128xf32>
      %and3A_130 = arith.constant 8192 : i32
      %and3A_131 = vector.broadcast %and3A_130 : i32 to vector<64x128xi32>
      %and3A_132 = arith.andi %add3A, %and3A_131 : vector<64x128xi32>
      %eq3A_133 = arith.constant 0 : i32
      %eq3A_134 = vector.broadcast %eq3A_133 : i32 to vector<64x128xi32>
      %eq3A_135 = arith.cmpi eq, %and3A_132, %eq3A_134 : vector<64x128xi32>
      %eq3A_136 = arith.xori %eq3A_135, %eq3A_126 : vector<64x128xi1>
      %eq3A_137 = arith.constant dense<true> : vector<64x128xi1>
      %eq3A_138 = arith.xori %eq3A_136, %eq3A_137 : vector<64x128xi1>
      %select_n3A_139 = arith.select %eq3A_138, %min3A_128, %max3A_129 : vector<64x128xi1>, vector<64x128xf32>
      %slice3A_140 = vector.extract_strided_slice %select_n3A_139 {offsets = [8, 0], sizes = [56, 128], strides = [1, 1]} : vector<64x128xf32> to vector<56x128xf32>
      %slice3A_141 = vector.extract_strided_slice %select_n3A_139 {offsets = [0, 0], sizes = [8, 128], strides = [1, 1]} : vector<64x128xf32> to vector<8x128xf32>
      %concatenate3A_142 = tpu.concatenate %slice3A_140, %slice3A_141 in 0 : vector<56x128xf32>, vector<8x128xf32> -> vector<64x128xf32>
      %slice3A_143 = vector.extract_strided_slice %select_n3A_139 {offsets = [56, 0], sizes = [8, 128], strides = [1, 1]} : vector<64x128xf32> to vector<8x128xf32>
      %slice3A_144 = vector.extract_strided_slice %select_n3A_139 {offsets = [0, 0], sizes = [56, 128], strides = [1, 1]} : vector<64x128xf32> to vector<56x128xf32>
      %concatenate3A_145 = tpu.concatenate %slice3A_143, %slice3A_144 in 0 : vector<8x128xf32>, vector<56x128xf32> -> vector<64x128xf32>
      %and3A_146 = arith.constant 8 : i32
      %and3A_147 = vector.broadcast %and3A_146 : i32 to vector<64x128xi32>
      %and3A_148 = arith.andi %iota3A_19, %and3A_147 : vector<64x128xi32>
      %eq3A_149 = arith.constant 0 : i32
      %eq3A_150 = vector.broadcast %eq3A_149 : i32 to vector<64x128xi32>
      %eq3A_151 = arith.cmpi eq, %and3A_148, %eq3A_150 : vector<64x128xi32>
      %select_n3A_152 = arith.select %eq3A_151, %concatenate3A_142, %concatenate3A_145 : vector<64x128xi1>, vector<64x128xf32>
      %min3A_153 = arith.minimumf %select_n3A_139, %select_n3A_152 : vector<64x128xf32>
      %max3A_154 = arith.maximumf %select_n3A_139, %select_n3A_152 : vector<64x128xf32>
      %and3A_155 = arith.constant 8192 : i32
      %and3A_156 = vector.broadcast %and3A_155 : i32 to vector<64x128xi32>
      %and3A_157 = arith.andi %add3A, %and3A_156 : vector<64x128xi32>
      %eq3A_158 = arith.constant 0 : i32
      %eq3A_159 = vector.broadcast %eq3A_158 : i32 to vector<64x128xi32>
      %eq3A_160 = arith.cmpi eq, %and3A_157, %eq3A_159 : vector<64x128xi32>
      %eq3A_161 = arith.xori %eq3A_160, %eq3A_151 : vector<64x128xi1>
      %eq3A_162 = arith.constant dense<true> : vector<64x128xi1>
      %eq3A_163 = arith.xori %eq3A_161, %eq3A_162 : vector<64x128xi1>
      %select_n3A_164 = arith.select %eq3A_163, %min3A_153, %max3A_154 : vector<64x128xi1>, vector<64x128xf32>
      %slice3A_165 = vector.extract_strided_slice %select_n3A_164 {offsets = [4, 0], sizes = [60, 128], strides = [1, 1]} : vector<64x128xf32> to vector<60x128xf32>
      %slice3A_166 = vector.extract_strided_slice %select_n3A_164 {offsets = [0, 0], sizes = [4, 128], strides = [1, 1]} : vector<64x128xf32> to vector<4x128xf32>
      %concatenate3A_167 = tpu.concatenate %slice3A_165, %slice3A_166 in 0 : vector<60x128xf32>, vector<4x128xf32> -> vector<64x128xf32>
      %slice3A_168 = vector.extract_strided_slice %select_n3A_164 {offsets = [60, 0], sizes = [4, 128], strides = [1, 1]} : vector<64x128xf32> to vector<4x128xf32>
      %slice3A_169 = vector.extract_strided_slice %select_n3A_164 {offsets = [0, 0], sizes = [60, 128], strides = [1, 1]} : vector<64x128xf32> to vector<60x128xf32>
      %concatenate3A_170 = tpu.concatenate %slice3A_168, %slice3A_169 in 0 : vector<4x128xf32>, vector<60x128xf32> -> vector<64x128xf32>
      %and3A_171 = arith.constant 4 : i32
      %and3A_172 = vector.broadcast %and3A_171 : i32 to vector<64x128xi32>
      %and3A_173 = arith.andi %iota3A_19, %and3A_172 : vector<64x128xi32>
      %eq3A_174 = arith.constant 0 : i32
      %eq3A_175 = vector.broadcast %eq3A_174 : i32 to vector<64x128xi32>
      %eq3A_176 = arith.cmpi eq, %and3A_173, %eq3A_175 : vector<64x128xi32>
      %select_n3A_177 = arith.select %eq3A_176, %concatenate3A_167, %concatenate3A_170 : vector<64x128xi1>, vector<64x128xf32>
      %min3A_178 = arith.minimumf %select_n3A_164, %select_n3A_177 : vector<64x128xf32>
      %max3A_179 = arith.maximumf %select_n3A_164, %select_n3A_177 : vector<64x128xf32>
      %and3A_180 = arith.constant 8192 : i32
      %and3A_181 = vector.broadcast %and3A_180 : i32 to vector<64x128xi32>
      %and3A_182 = arith.andi %add3A, %and3A_181 : vector<64x128xi32>
      %eq3A_183 = arith.constant 0 : i32
      %eq3A_184 = vector.broadcast %eq3A_183 : i32 to vector<64x128xi32>
      %eq3A_185 = arith.cmpi eq, %and3A_182, %eq3A_184 : vector<64x128xi32>
      %eq3A_186 = arith.xori %eq3A_185, %eq3A_176 : vector<64x128xi1>
      %eq3A_187 = arith.constant dense<true> : vector<64x128xi1>
      %eq3A_188 = arith.xori %eq3A_186, %eq3A_187 : vector<64x128xi1>
      %select_n3A_189 = arith.select %eq3A_188, %min3A_178, %max3A_179 : vector<64x128xi1>, vector<64x128xf32>
      %slice3A_190 = vector.extract_strided_slice %select_n3A_189 {offsets = [2, 0], sizes = [62, 128], strides = [1, 1]} : vector<64x128xf32> to vector<62x128xf32>
      %slice3A_191 = vector.extract_strided_slice %select_n3A_189 {offsets = [0, 0], sizes = [2, 128], strides = [1, 1]} : vector<64x128xf32> to vector<2x128xf32>
      %concatenate3A_192 = tpu.concatenate %slice3A_190, %slice3A_191 in 0 : vector<62x128xf32>, vector<2x128xf32> -> vector<64x128xf32>
      %slice3A_193 = vector.extract_strided_slice %select_n3A_189 {offsets = [62, 0], sizes = [2, 128], strides = [1, 1]} : vector<64x128xf32> to vector<2x128xf32>
      %slice3A_194 = vector.extract_strided_slice %select_n3A_189 {offsets = [0, 0], sizes = [62, 128], strides = [1, 1]} : vector<64x128xf32> to vector<62x128xf32>
      %concatenate3A_195 = tpu.concatenate %slice3A_193, %slice3A_194 in 0 : vector<2x128xf32>, vector<62x128xf32> -> vector<64x128xf32>
      %and3A_196 = arith.constant 2 : i32
      %and3A_197 = vector.broadcast %and3A_196 : i32 to vector<64x128xi32>
      %and3A_198 = arith.andi %iota3A_19, %and3A_197 : vector<64x128xi32>
      %eq3A_199 = arith.constant 0 : i32
      %eq3A_200 = vector.broadcast %eq3A_199 : i32 to vector<64x128xi32>
      %eq3A_201 = arith.cmpi eq, %and3A_198, %eq3A_200 : vector<64x128xi32>
      %select_n3A_202 = arith.select %eq3A_201, %concatenate3A_192, %concatenate3A_195 : vector<64x128xi1>, vector<64x128xf32>
      %min3A_203 = arith.minimumf %select_n3A_189, %select_n3A_202 : vector<64x128xf32>
      %max3A_204 = arith.maximumf %select_n3A_189, %select_n3A_202 : vector<64x128xf32>
      %and3A_205 = arith.constant 8192 : i32
      %and3A_206 = vector.broadcast %and3A_205 : i32 to vector<64x128xi32>
      %and3A_207 = arith.andi %add3A, %and3A_206 : vector<64x128xi32>
      %eq3A_208 = arith.constant 0 : i32
      %eq3A_209 = vector.broadcast %eq3A_208 : i32 to vector<64x128xi32>
      %eq3A_210 = arith.cmpi eq, %and3A_207, %eq3A_209 : vector<64x128xi32>
      %eq3A_211 = arith.xori %eq3A_210, %eq3A_201 : vector<64x128xi1>
      %eq3A_212 = arith.constant dense<true> : vector<64x128xi1>
      %eq3A_213 = arith.xori %eq3A_211, %eq3A_212 : vector<64x128xi1>
      %select_n3A_214 = arith.select %eq3A_213, %min3A_203, %max3A_204 : vector<64x128xi1>, vector<64x128xf32>
      %slice3A_215 = vector.extract_strided_slice %select_n3A_214 {offsets = [1, 0], sizes = [63, 128], strides = [1, 1]} : vector<64x128xf32> to vector<63x128xf32>
      %slice3A_216 = vector.extract_strided_slice %select_n3A_214 {offsets = [0, 0], sizes = [1, 128], strides = [1, 1]} : vector<64x128xf32> to vector<1x128xf32>
      %concatenate3A_217 = tpu.concatenate %slice3A_215, %slice3A_216 in 0 : vector<63x128xf32>, vector<1x128xf32> -> vector<64x128xf32>
      %slice3A_218 = vector.extract_strided_slice %select_n3A_214 {offsets = [63, 0], sizes = [1, 128], strides = [1, 1]} : vector<64x128xf32> to vector<1x128xf32>
      %slice3A_219 = vector.extract_strided_slice %select_n3A_214 {offsets = [0, 0], sizes = [63, 128], strides = [1, 1]} : vector<64x128xf32> to vector<63x128xf32>
      %concatenate3A_220 = tpu.concatenate %slice3A_218, %slice3A_219 in 0 : vector<1x128xf32>, vector<63x128xf32> -> vector<64x128xf32>
      %and3A_221 = arith.constant 1 : i32
      %and3A_222 = vector.broadcast %and3A_221 : i32 to vector<64x128xi32>
      %and3A_223 = arith.andi %iota3A_19, %and3A_222 : vector<64x128xi32>
      %eq3A_224 = arith.constant 0 : i32
      %eq3A_225 = vector.broadcast %eq3A_224 : i32 to vector<64x128xi32>
      %eq3A_226 = arith.cmpi eq, %and3A_223, %eq3A_225 : vector<64x128xi32>
      %select_n3A_227 = arith.select %eq3A_226, %concatenate3A_217, %concatenate3A_220 : vector<64x128xi1>, vector<64x128xf32>
      %min3A_228 = arith.minimumf %select_n3A_214, %select_n3A_227 : vector<64x128xf32>
      %max3A_229 = arith.maximumf %select_n3A_214, %select_n3A_227 : vector<64x128xf32>
      %and3A_230 = arith.constant 8192 : i32
      %and3A_231 = vector.broadcast %and3A_230 : i32 to vector<64x128xi32>
      %and3A_232 = arith.andi %add3A, %and3A_231 : vector<64x128xi32>
      %eq3A_233 = arith.constant 0 : i32
      %eq3A_234 = vector.broadcast %eq3A_233 : i32 to vector<64x128xi32>
      %eq3A_235 = arith.cmpi eq, %and3A_232, %eq3A_234 : vector<64x128xi32>
      %eq3A_236 = arith.xori %eq3A_235, %eq3A_226 : vector<64x128xi1>
      %eq3A_237 = arith.constant dense<true> : vector<64x128xi1>
      %eq3A_238 = arith.xori %eq3A_236, %eq3A_237 : vector<64x128xi1>
      %select_n3A_239 = arith.select %eq3A_238, %min3A_228, %max3A_229 : vector<64x128xi1>, vector<64x128xf32>
      %transpose3A_240 = tpu.transpose %select_n3A_239, [1, 0] : vector<64x128xf32> -> vector<128x64xf32>
      %swap3A_241 = arith.constant 0 : index
      %swap3A_242 = arith.constant 0 : index
      %swap3A_243 = vector.load %arg6[%swap3A_241, %swap3A_242] : memref<128x64xf32, #tpu.memory_space<vmem>>, vector<128x64xf32>
      tpu.vector_store %arg6[%swap3A_241, %swap3A_242], %transpose3A_240 {strides = array<i32>} : memref<128x64xf32, #tpu.memory_space<vmem>>, vector<128x64xf32>,
      %get3A_244 = arith.constant 0 : index
      %get3A_245 = arith.constant 0 : index
      %get3A_246 = vector.load %arg6[%get3A_244, %get3A_245] : memref<128x64xf32, #tpu.memory_space<vmem>>, vector<128x64xf32>
      %slice3A_247 = vector.extract_strided_slice %get3A_246 {offsets = [64, 0], sizes = [64, 64], strides = [1, 1]} : vector<128x64xf32> to vector<64x64xf32>
      %slice3A_248 = vector.extract_strided_slice %get3A_246 {offsets = [0, 0], sizes = [64, 64], strides = [1, 1]} : vector<128x64xf32> to vector<64x64xf32>
      %concatenate3A_249 = tpu.concatenate %slice3A_247, %slice3A_248 in 0 : vector<64x64xf32>, vector<64x64xf32> -> vector<128x64xf32>
      %slice3A_250 = vector.extract_strided_slice %get3A_246 {offsets = [64, 0], sizes = [64, 64], strides = [1, 1]} : vector<128x64xf32> to vector<64x64xf32>
      %slice3A_251 = vector.extract_strided_slice %get3A_246 {offsets = [0, 0], sizes = [64, 64], strides = [1, 1]} : vector<128x64xf32> to vector<64x64xf32>
      %concatenate3A_252 = tpu.concatenate %slice3A_250, %slice3A_251 in 0 : vector<64x64xf32>, vector<64x64xf32> -> vector<128x64xf32>
      %and3A_253 = arith.constant 64 : i32
      %and3A_254 = vector.broadcast %and3A_253 : i32 to vector<128x64xi32>
      %and3A_255 = arith.andi %iota3A_20, %and3A_254 : vector<128x64xi32>
      %eq3A_256 = arith.constant 0 : i32
      %eq3A_257 = vector.broadcast %eq3A_256 : i32 to vector<128x64xi32>
      %eq3A_258 = arith.cmpi eq, %and3A_255, %eq3A_257 : vector<128x64xi32>
      %select_n3A_259 = arith.select %eq3A_258, %concatenate3A_249, %concatenate3A_252 : vector<128x64xi1>, vector<128x64xf32>
      %min3A_260 = arith.minimumf %get3A_246, %select_n3A_259 : vector<128x64xf32>
      %max3A_261 = arith.maximumf %get3A_246, %select_n3A_259 : vector<128x64xf32>
      %and3A_262 = arith.constant 8192 : i32
      %and3A_263 = vector.broadcast %and3A_262 : i32 to vector<128x64xi32>
      %and3A_264 = arith.andi %add3A_18, %and3A_263 : vector<128x64xi32>
      %eq3A_265 = arith.constant 0 : i32
      %eq3A_266 = vector.broadcast %eq3A_265 : i32 to vector<128x64xi32>
      %eq3A_267 = arith.cmpi eq, %and3A_264, %eq3A_266 : vector<128x64xi32>
      %eq3A_268 = arith.xori %eq3A_267, %eq3A_258 : vector<128x64xi1>
      %eq3A_269 = arith.constant dense<true> : vector<128x64xi1>
      %eq3A_270 = arith.xori %eq3A_268, %eq3A_269 : vector<128x64xi1>
      %select_n3A_271 = arith.select %eq3A_270, %min3A_260, %max3A_261 : vector<128x64xi1>, vector<128x64xf32>
      %slice3A_272 = vector.extract_strided_slice %select_n3A_271 {offsets = [32, 0], sizes = [96, 64], strides = [1, 1]} : vector<128x64xf32> to vector<96x64xf32>
      %slice3A_273 = vector.extract_strided_slice %select_n3A_271 {offsets = [0, 0], sizes = [32, 64], strides = [1, 1]} : vector<128x64xf32> to vector<32x64xf32>
      %concatenate3A_274 = tpu.concatenate %slice3A_272, %slice3A_273 in 0 : vector<96x64xf32>, vector<32x64xf32> -> vector<128x64xf32>
      %slice3A_275 = vector.extract_strided_slice %select_n3A_271 {offsets = [96, 0], sizes = [32, 64], strides = [1, 1]} : vector<128x64xf32> to vector<32x64xf32>
      %slice3A_276 = vector.extract_strided_slice %select_n3A_271 {offsets = [0, 0], sizes = [96, 64], strides = [1, 1]} : vector<128x64xf32> to vector<96x64xf32>
      %concatenate3A_277 = tpu.concatenate %slice3A_275, %slice3A_276 in 0 : vector<32x64xf32>, vector<96x64xf32> -> vector<128x64xf32>
      %and3A_278 = arith.constant 32 : i32
      %and3A_279 = vector.broadcast %and3A_278 : i32 to vector<128x64xi32>
      %and3A_280 = arith.andi %iota3A_20, %and3A_279 : vector<128x64xi32>
      %eq3A_281 = arith.constant 0 : i32
      %eq3A_282 = vector.broadcast %eq3A_281 : i32 to vector<128x64xi32>
      %eq3A_283 = arith.cmpi eq, %and3A_280, %eq3A_282 : vector<128x64xi32>
      %select_n3A_284 = arith.select %eq3A_283, %concatenate3A_274, %concatenate3A_277 : vector<128x64xi1>, vector<128x64xf32>
      %min3A_285 = arith.minimumf %select_n3A_271, %select_n3A_284 : vector<128x64xf32>
      %max3A_286 = arith.maximumf %select_n3A_271, %select_n3A_284 : vector<128x64xf32>
      %and3A_287 = arith.constant 8192 : i32
      %and3A_288 = vector.broadcast %and3A_287 : i32 to vector<128x64xi32>
      %and3A_289 = arith.andi %add3A_18, %and3A_288 : vector<128x64xi32>
      %eq3A_290 = arith.constant 0 : i32
      %eq3A_291 = vector.broadcast %eq3A_290 : i32 to vector<128x64xi32>
      %eq3A_292 = arith.cmpi eq, %and3A_289, %eq3A_291 : vector<128x64xi32>
      %eq3A_293 = arith.xori %eq3A_292, %eq3A_283 : vector<128x64xi1>
      %eq3A_294 = arith.constant dense<true> : vector<128x64xi1>
      %eq3A_295 = arith.xori %eq3A_293, %eq3A_294 : vector<128x64xi1>
      %select_n3A_296 = arith.select %eq3A_295, %min3A_285, %max3A_286 : vector<128x64xi1>, vector<128x64xf32>
      %slice3A_297 = vector.extract_strided_slice %select_n3A_296 {offsets = [16, 0], sizes = [112, 64], strides = [1, 1]} : vector<128x64xf32> to vector<112x64xf32>
      %slice3A_298 = vector.extract_strided_slice %select_n3A_296 {offsets = [0, 0], sizes = [16, 64], strides = [1, 1]} : vector<128x64xf32> to vector<16x64xf32>
      %concatenate3A_299 = tpu.concatenate %slice3A_297, %slice3A_298 in 0 : vector<112x64xf32>, vector<16x64xf32> -> vector<128x64xf32>
      %slice3A_300 = vector.extract_strided_slice %select_n3A_296 {offsets = [112, 0], sizes = [16, 64], strides = [1, 1]} : vector<128x64xf32> to vector<16x64xf32>
      %slice3A_301 = vector.extract_strided_slice %select_n3A_296 {offsets = [0, 0], sizes = [112, 64], strides = [1, 1]} : vector<128x64xf32> to vector<112x64xf32>
      %concatenate3A_302 = tpu.concatenate %slice3A_300, %slice3A_301 in 0 : vector<16x64xf32>, vector<112x64xf32> -> vector<128x64xf32>
      %and3A_303 = arith.constant 16 : i32
      %and3A_304 = vector.broadcast %and3A_303 : i32 to vector<128x64xi32>
      %and3A_305 = arith.andi %iota3A_20, %and3A_304 : vector<128x64xi32>
      %eq3A_306 = arith.constant 0 : i32
      %eq3A_307 = vector.broadcast %eq3A_306 : i32 to vector<128x64xi32>
      %eq3A_308 = arith.cmpi eq, %and3A_305, %eq3A_307 : vector<128x64xi32>
      %select_n3A_309 = arith.select %eq3A_308, %concatenate3A_299, %concatenate3A_302 : vector<128x64xi1>, vector<128x64xf32>
      %min3A_310 = arith.minimumf %select_n3A_296, %select_n3A_309 : vector<128x64xf32>
      %max3A_311 = arith.maximumf %select_n3A_296, %select_n3A_309 : vector<128x64xf32>
      %and3A_312 = arith.constant 8192 : i32
      %and3A_313 = vector.broadcast %and3A_312 : i32 to vector<128x64xi32>
      %and3A_314 = arith.andi %add3A_18, %and3A_313 : vector<128x64xi32>
      %eq3A_315 = arith.constant 0 : i32
      %eq3A_316 = vector.broadcast %eq3A_315 : i32 to vector<128x64xi32>
      %eq3A_317 = arith.cmpi eq, %and3A_314, %eq3A_316 : vector<128x64xi32>
      %eq3A_318 = arith.xori %eq3A_317, %eq3A_308 : vector<128x64xi1>
      %eq3A_319 = arith.constant dense<true> : vector<128x64xi1>
      %eq3A_320 = arith.xori %eq3A_318, %eq3A_319 : vector<128x64xi1>
      %select_n3A_321 = arith.select %eq3A_320, %min3A_310, %max3A_311 : vector<128x64xi1>, vector<128x64xf32>
      %slice3A_322 = vector.extract_strided_slice %select_n3A_321 {offsets = [8, 0], sizes = [120, 64], strides = [1, 1]} : vector<128x64xf32> to vector<120x64xf32>
      %slice3A_323 = vector.extract_strided_slice %select_n3A_321 {offsets = [0, 0], sizes = [8, 64], strides = [1, 1]} : vector<128x64xf32> to vector<8x64xf32>
      %concatenate3A_324 = tpu.concatenate %slice3A_322, %slice3A_323 in 0 : vector<120x64xf32>, vector<8x64xf32> -> vector<128x64xf32>
      %slice3A_325 = vector.extract_strided_slice %select_n3A_321 {offsets = [120, 0], sizes = [8, 64], strides = [1, 1]} : vector<128x64xf32> to vector<8x64xf32>
      %slice3A_326 = vector.extract_strided_slice %select_n3A_321 {offsets = [0, 0], sizes = [120, 64], strides = [1, 1]} : vector<128x64xf32> to vector<120x64xf32>
      %concatenate3A_327 = tpu.concatenate %slice3A_325, %slice3A_326 in 0 : vector<8x64xf32>, vector<120x64xf32> -> vector<128x64xf32>
      %and3A_328 = arith.constant 8 : i32
      %and3A_329 = vector.broadcast %and3A_328 : i32 to vector<128x64xi32>
      %and3A_330 = arith.andi %iota3A_20, %and3A_329 : vector<128x64xi32>
      %eq3A_331 = arith.constant 0 : i32
      %eq3A_332 = vector.broadcast %eq3A_331 : i32 to vector<128x64xi32>
      %eq3A_333 = arith.cmpi eq, %and3A_330, %eq3A_332 : vector<128x64xi32>
      %select_n3A_334 = arith.select %eq3A_333, %concatenate3A_324, %concatenate3A_327 : vector<128x64xi1>, vector<128x64xf32>
      %min3A_335 = arith.minimumf %select_n3A_321, %select_n3A_334 : vector<128x64xf32>
      %max3A_336 = arith.maximumf %select_n3A_321, %select_n3A_334 : vector<128x64xf32>
      %and3A_337 = arith.constant 8192 : i32
      %and3A_338 = vector.broadcast %and3A_337 : i32 to vector<128x64xi32>
      %and3A_339 = arith.andi %add3A_18, %and3A_338 : vector<128x64xi32>
      %eq3A_340 = arith.constant 0 : i32
      %eq3A_341 = vector.broadcast %eq3A_340 : i32 to vector<128x64xi32>
      %eq3A_342 = arith.cmpi eq, %and3A_339, %eq3A_341 : vector<128x64xi32>
      %eq3A_343 = arith.xori %eq3A_342, %eq3A_333 : vector<128x64xi1>
      %eq3A_344 = arith.constant dense<true> : vector<128x64xi1>
      %eq3A_345 = arith.xori %eq3A_343, %eq3A_344 : vector<128x64xi1>
      %select_n3A_346 = arith.select %eq3A_345, %min3A_335, %max3A_336 : vector<128x64xi1>, vector<128x64xf32>
      %slice3A_347 = vector.extract_strided_slice %select_n3A_346 {offsets = [4, 0], sizes = [124, 64], strides = [1, 1]} : vector<128x64xf32> to vector<124x64xf32>
      %slice3A_348 = vector.extract_strided_slice %select_n3A_346 {offsets = [0, 0], sizes = [4, 64], strides = [1, 1]} : vector<128x64xf32> to vector<4x64xf32>
      %concatenate3A_349 = tpu.concatenate %slice3A_347, %slice3A_348 in 0 : vector<124x64xf32>, vector<4x64xf32> -> vector<128x64xf32>
      %slice3A_350 = vector.extract_strided_slice %select_n3A_346 {offsets = [124, 0], sizes = [4, 64], strides = [1, 1]} : vector<128x64xf32> to vector<4x64xf32>
      %slice3A_351 = vector.extract_strided_slice %select_n3A_346 {offsets = [0, 0], sizes = [124, 64], strides = [1, 1]} : vector<128x64xf32> to vector<124x64xf32>
      %concatenate3A_352 = tpu.concatenate %slice3A_350, %slice3A_351 in 0 : vector<4x64xf32>, vector<124x64xf32> -> vector<128x64xf32>
      %and3A_353 = arith.constant 4 : i32
      %and3A_354 = vector.broadcast %and3A_353 : i32 to vector<128x64xi32>
      %and3A_355 = arith.andi %iota3A_20, %and3A_354 : vector<128x64xi32>
      %eq3A_356 = arith.constant 0 : i32
      %eq3A_357 = vector.broadcast %eq3A_356 : i32 to vector<128x64xi32>
      %eq3A_358 = arith.cmpi eq, %and3A_355, %eq3A_357 : vector<128x64xi32>
      %select_n3A_359 = arith.select %eq3A_358, %concatenate3A_349, %concatenate3A_352 : vector<128x64xi1>, vector<128x64xf32>
      %min3A_360 = arith.minimumf %select_n3A_346, %select_n3A_359 : vector<128x64xf32>
      %max3A_361 = arith.maximumf %select_n3A_346, %select_n3A_359 : vector<128x64xf32>
      %and3A_362 = arith.constant 8192 : i32
      %and3A_363 = vector.broadcast %and3A_362 : i32 to vector<128x64xi32>
      %and3A_364 = arith.andi %add3A_18, %and3A_363 : vector<128x64xi32>
      %eq3A_365 = arith.constant 0 : i32
      %eq3A_366 = vector.broadcast %eq3A_365 : i32 to vector<128x64xi32>
      %eq3A_367 = arith.cmpi eq, %and3A_364, %eq3A_366 : vector<128x64xi32>
      %eq3A_368 = arith.xori %eq3A_367, %eq3A_358 : vector<128x64xi1>
      %eq3A_369 = arith.constant dense<true> : vector<128x64xi1>
      %eq3A_370 = arith.xori %eq3A_368, %eq3A_369 : vector<128x64xi1>
      %select_n3A_371 = arith.select %eq3A_370, %min3A_360, %max3A_361 : vector<128x64xi1>, vector<128x64xf32>
      %slice3A_372 = vector.extract_strided_slice %select_n3A_371 {offsets = [2, 0], sizes = [126, 64], strides = [1, 1]} : vector<128x64xf32> to vector<126x64xf32>
      %slice3A_373 = vector.extract_strided_slice %select_n3A_371 {offsets = [0, 0], sizes = [2, 64], strides = [1, 1]} : vector<128x64xf32> to vector<2x64xf32>
      %concatenate3A_374 = tpu.concatenate %slice3A_372, %slice3A_373 in 0 : vector<126x64xf32>, vector<2x64xf32> -> vector<128x64xf32>
      %slice3A_375 = vector.extract_strided_slice %select_n3A_371 {offsets = [126, 0], sizes = [2, 64], strides = [1, 1]} : vector<128x64xf32> to vector<2x64xf32>
      %slice3A_376 = vector.extract_strided_slice %select_n3A_371 {offsets = [0, 0], sizes = [126, 64], strides = [1, 1]} : vector<128x64xf32> to vector<126x64xf32>
      %concatenate3A_377 = tpu.concatenate %slice3A_375, %slice3A_376 in 0 : vector<2x64xf32>, vector<126x64xf32> -> vector<128x64xf32>
      %and3A_378 = arith.constant 2 : i32
      %and3A_379 = vector.broadcast %and3A_378 : i32 to vector<128x64xi32>
      %and3A_380 = arith.andi %iota3A_20, %and3A_379 : vector<128x64xi32>
      %eq3A_381 = arith.constant 0 : i32
      %eq3A_382 = vector.broadcast %eq3A_381 : i32 to vector<128x64xi32>
      %eq3A_383 = arith.cmpi eq, %and3A_380, %eq3A_382 : vector<128x64xi32>
      %select_n3A_384 = arith.select %eq3A_383, %concatenate3A_374, %concatenate3A_377 : vector<128x64xi1>, vector<128x64xf32>
      %min3A_385 = arith.minimumf %select_n3A_371, %select_n3A_384 : vector<128x64xf32>
      %max3A_386 = arith.maximumf %select_n3A_371, %select_n3A_384 : vector<128x64xf32>
      %and3A_387 = arith.constant 8192 : i32
      %and3A_388 = vector.broadcast %and3A_387 : i32 to vector<128x64xi32>
      %and3A_389 = arith.andi %add3A_18, %and3A_388 : vector<128x64xi32>
      %eq3A_390 = arith.constant 0 : i32
      %eq3A_391 = vector.broadcast %eq3A_390 : i32 to vector<128x64xi32>
      %eq3A_392 = arith.cmpi eq, %and3A_389, %eq3A_391 : vector<128x64xi32>
      %eq3A_393 = arith.xori %eq3A_392, %eq3A_383 : vector<128x64xi1>
      %eq3A_394 = arith.constant dense<true> : vector<128x64xi1>
      %eq3A_395 = arith.xori %eq3A_393, %eq3A_394 : vector<128x64xi1>
      %select_n3A_396 = arith.select %eq3A_395, %min3A_385, %max3A_386 : vector<128x64xi1>, vector<128x64xf32>
      %slice3A_397 = vector.extract_strided_slice %select_n3A_396 {offsets = [1, 0], sizes = [127, 64], strides = [1, 1]} : vector<128x64xf32> to vector<127x64xf32>
      %slice3A_398 = vector.extract_strided_slice %select_n3A_396 {offsets = [0, 0], sizes = [1, 64], strides = [1, 1]} : vector<128x64xf32> to vector<1x64xf32>
      %concatenate3A_399 = tpu.concatenate %slice3A_397, %slice3A_398 in 0 : vector<127x64xf32>, vector<1x64xf32> -> vector<128x64xf32>
      %slice3A_400 = vector.extract_strided_slice %select_n3A_396 {offsets = [127, 0], sizes = [1, 64], strides = [1, 1]} : vector<128x64xf32> to vector<1x64xf32>
      %slice3A_401 = vector.extract_strided_slice %select_n3A_396 {offsets = [0, 0], sizes = [127, 64], strides = [1, 1]} : vector<128x64xf32> to vector<127x64xf32>
      %concatenate3A_402 = tpu.concatenate %slice3A_400, %slice3A_401 in 0 : vector<1x64xf32>, vector<127x64xf32> -> vector<128x64xf32>
      %and3A_403 = arith.constant 1 : i32
      %and3A_404 = vector.broadcast %and3A_403 : i32 to vector<128x64xi32>
      %and3A_405 = arith.andi %iota3A_20, %and3A_404 : vector<128x64xi32>
      %eq3A_406 = arith.constant 0 : i32
      %eq3A_407 = vector.broadcast %eq3A_406 : i32 to vector<128x64xi32>
      %eq3A_408 = arith.cmpi eq, %and3A_405, %eq3A_407 : vector<128x64xi32>
      %select_n3A_409 = arith.select %eq3A_408, %concatenate3A_399, %concatenate3A_402 : vector<128x64xi1>, vector<128x64xf32>
      %min3A_410 = arith.minimumf %select_n3A_396, %select_n3A_409 : vector<128x64xf32>
      %max3A_411 = arith.maximumf %select_n3A_396, %select_n3A_409 : vector<128x64xf32>
      %and3A_412 = arith.constant 8192 : i32
      %and3A_413 = vector.broadcast %and3A_412 : i32 to vector<128x64xi32>
      %and3A_414 = arith.andi %add3A_18, %and3A_413 : vector<128x64xi32>
      %eq3A_415 = arith.constant 0 : i32
      %eq3A_416 = vector.broadcast %eq3A_415 : i32 to vector<128x64xi32>
      %eq3A_417 = arith.cmpi eq, %and3A_414, %eq3A_416 : vector<128x64xi32>
      %eq3A_418 = arith.xori %eq3A_417, %eq3A_408 : vector<128x64xi1>
      %eq3A_419 = arith.constant dense<true> : vector<128x64xi1>
      %eq3A_420 = arith.xori %eq3A_418, %eq3A_419 : vector<128x64xi1>
      %select_n3A_421 = arith.select %eq3A_420, %min3A_410, %max3A_411 : vector<128x64xi1>, vector<128x64xf32>
      %swap3A_422 = arith.constant 0 : index
      %swap3A_423 = arith.constant 0 : index
      %swap3A_424 = vector.load %arg6[%swap3A_422, %swap3A_423] : memref<128x64xf32, #tpu.memory_space<vmem>>, vector<128x64xf32>
      tpu.vector_store %arg6[%swap3A_422, %swap3A_423], %select_n3A_421 {strides = array<i32>} : memref<128x64xf32, #tpu.memory_space<vmem>>, vector<128x64xf32>,
    } else {
    }
    %eq3A_88 = arith.constant 13 : i32
    %eq3A_89 = arith.cmpi eq, %arg0, %eq3A_88 : i32
    %convert_element_type3A_90 = arith.extui %eq3A_89 : i1 to i32
    %cond3A_91 = arith.constant 0 : i32
    %cond3A_92 = arith.cmpi ne, %convert_element_type3A_90, %cond3A_91 : i32
    scf.if %cond3A_92 {
      %get3A_93 = arith.constant 0 : index
      %get3A_94 = arith.constant 0 : index
      %get3A_95 = vector.load %arg6[%get3A_93, %get3A_94] : memref<128x64xf32, #tpu.memory_space<vmem>>, vector<128x64xf32>
      %transpose3A = tpu.transpose %get3A_95, [1, 0] : vector<128x64xf32> -> vector<64x128xf32>
      %iota3A_96 = tpu.iota {dimensions = array<i32: 0>} : vector<128x128xi32>
      %iota3A_97 = tpu.iota {dimensions = array<i32: 1>} : vector<128x128xi32>
      %le3A = arith.cmpi sle, %iota3A_96, %iota3A_97 : vector<128x128xi32>
      %jit3A = arith.constant 1.000000e+00 : f32
      %jit3A_98 = arith.constant 0.000000e+00 : f32
      %broadcast_in_dim3A_99 = vector.broadcast %jit3A : f32 to vector<128x128xf32>
      %broadcast_in_dim3A_100 = vector.broadcast %jit3A_98 : f32 to vector<128x128xf32>
      %select_n3A = arith.select %le3A, %broadcast_in_dim3A_99, %broadcast_in_dim3A_100 : vector<128x128xi1>, vector<128x128xf32>
      %dot_general3A_101 = arith.constant dense<0.000000e+00> : vector<64x128xf32>
      %dot_general3A_102 = tpu.matmul %transpose3A, %select_n3A, %dot_general3A_101 {dimension_numbers = #tpu.dot_dimension_numbers<[1], [0], [0], [1], [0, 0, 1, 1], [], []>, transpose_lhs_hint = false} : vector<64x128xf32>, vector<128x128xf32>, vector<64x128xf32> -> vector<64x128xf32>
      %broadcast_in_dim3A_103 = arith.constant 1.000000e+00 : f32
      %broadcast_in_dim3A_104 = vector.broadcast %broadcast_in_dim3A_103 : f32 to vector<128xf32>
      %dot_general3A_105 = arith.constant dense<0.000000e+00> : vector<64xf32>
      %dot_general3A_106 = tpu.matmul %transpose3A, %broadcast_in_dim3A_104, %dot_general3A_105 {dimension_numbers = #tpu.dot_dimension_numbers<[1], [0], [0], [], [0, 0], [], []>, transpose_lhs_hint = false} : vector<64x128xf32>, vector<128xf32>, vector<64xf32> -> vector<64xf32>
      %iota3A_107 = tpu.iota {dimensions = array<i32: 0>} : vector<64x64xi32>
      %iota3A_108 = tpu.iota {dimensions = array<i32: 1>} : vector<64x64xi32>
      %lt3A = arith.cmpi slt, %iota3A_107, %iota3A_108 : vector<64x64xi32>
      %jit3A_109 = arith.constant 1.000000e+00 : f32
      %jit3A_110 = arith.constant 0.000000e+00 : f32
      %broadcast_in_dim3A_111 = vector.broadcast %jit3A_109 : f32 to vector<64x64xf32>
      %broadcast_in_dim3A_112 = vector.broadcast %jit3A_110 : f32 to vector<64x64xf32>
      %select_n3A_113 = arith.select %lt3A, %broadcast_in_dim3A_111, %broadcast_in_dim3A_112 : vector<64x64xi1>, vector<64x64xf32>
      %dot_general3A_114 = arith.constant dense<0.000000e+00> : vector<64xf32>
      %dot_general3A_115 = tpu.matmul %dot_general3A_106, %select_n3A_113, %dot_general3A_114 {dimension_numbers = #tpu.dot_dimension_numbers<[0], [0], [], [1], [1, 1], [], []>, transpose_lhs_hint = false} : vector<64xf32>, vector<64x64xf32>, vector<64xf32> -> vector<64xf32>
      %broadcast_in_dim3A_116 = vector.shape_cast %dot_general3A_115 : vector<64xf32> to vector<64x1xf32>
      %add3A_117 = vector.broadcast %broadcast_in_dim3A_116 : vector<64x1xf32> to vector<64x128xf32>
      %add3A_118 = arith.addf %dot_general3A_102, %add3A_117 : vector<64x128xf32>
      %get3A_119 = arith.constant 0 : index
      %get3A_120 = arith.constant 0 : index
      %get3A_121 = vector.load %arg2[%get3A_119, %get3A_120] : memref<64x128xf32, #tpu.memory_space<vmem>>, vector<64x128xf32>
      %gt3A = arith.cmpf ogt, %transpose3A, %get3A_121 : vector<64x128xf32>
      %convert_element_type3A_122 = arith.extui %gt3A : vector<64x128xi1> to vector<64x128xi32>
      %convert_element_type3A_123 = arith.sitofp %convert_element_type3A_122 : vector<64x128xi32> to vector<64x128xf32>
      %mul3A_124 = arith.constant 1.22070313E-4 : f32
      %mul3A_125 = vector.broadcast %mul3A_124 : f32 to vector<64x128xf32>
      %mul3A_126 = arith.mulf %add3A_118, %mul3A_125 : vector<64x128xf32>
      %sub3A = arith.subf %mul3A_126, %convert_element_type3A_123 : vector<64x128xf32>
      %integer_pow3A = arith.mulf %sub3A, %sub3A : vector<64x128xf32>
      %swap3A_127 = arith.constant 0 : index
      %swap3A_128 = arith.constant 0 : index
      %swap3A_129 = vector.load %arg5[%swap3A_127, %swap3A_128] : memref<64x128xf32, #tpu.memory_space<vmem>>, vector<64x128xf32>
      tpu.vector_store %arg5[%swap3A_127, %swap3A_128], %integer_pow3A {strides = array<i32>} : memref<64x128xf32, #tpu.memory_space<vmem>>, vector<64x128xf32>,
    } else {
    }
    return
  }
  func.func @transform_0(%arg0: i32) -> (i32, i32) {
    %c0_i32 = arith.constant 0 : i32
    %c0_i32_0 = arith.constant 0 : i32
    %c0_i32_1 = arith.constant 0 : i32
    return %c0_i32, %c0_i32_0 : i32, i32
  }
  func.func @transform_1(%arg0: i32) -> (i32, i32) {
    %c0_i32 = arith.constant 0 : i32
    %c0_i32_0 = arith.constant 0 : i32
    %c0_i32_1 = arith.constant 0 : i32
    return %c0_i32, %c0_i32_0 : i32, i32
  }
  func.func @transform_2(%arg0: i32) -> (i32, i32, i32) {
    %c0_i32 = arith.constant 0 : i32
    %c0_i32_0 = arith.constant 0 : i32
    %c0_i32_1 = arith.constant 0 : i32
    return %c0_i32, %arg0, %c0_i32_0 : i32, i32, i32
  }
  func.func @transform_3(%arg0: i32) -> (i32, i32) {
    %c0_i32 = arith.constant 0 : i32
    %c0_i32_0 = arith.constant 0 : i32
    %c0_i32_1 = arith.constant 0 : i32
    return %c0_i32, %c0_i32_0 : i32, i32
  }
  func.func @transform_4(%arg0: i32) -> (i32, i32) {
    %c0_i32 = arith.constant 0 : i32
    %c0_i32_0 = arith.constant 0 : i32
    %c0_i32_1 = arith.constant 0 : i32
    return %c0_i32, %c0_i32_0 : i32, i32
  }
}

</mosaic_0001>

<sc_bundles>
// kernel: kernel.5.cloned.1.call-start
scs
__scs_entry_jumppad:
0x0: {  	(pc) =	sbr.rel $0x88, $3  }
0x1: {  	(tag) =	ssettag $0x0;
	lr =	simm.s32 $0x1  }
0x2: {  	[smem:$0x3F9E] =	sst lr;
	_ =	strace $0xD0000000  }
0x3: {  	_ = 	snop  }
0x4: {  	_ = 	snop  }
0x5: {  	_ = 	snop  }
0x6: {  	_ = 	snop  }
0x7: {  	_ = 	snop  }
__scs_overlays_trampoline_lowered:
0x8: {  	[smem:$0x3FAD] =	sst s0  }
0x9: {  	[smem:$0x3FAE] =	sst s1  }
0xa: {  	[smem:$0x3FAF] =	sst s2  }
0xb: {  	[smem:$0x3FB0] =	sst s3  }
0xc: {  	[smem:$0x3FB1] =	sst s4  }
0xd: {  	[smem:$0x3FB2] =	sst s5  }
0xe: {  	[smem:$0x3FB3] =	sst s6  }
0xf: {  	[smem:$0x3FB4] =	sst s7  }
0x10: {  	[smem:$0x3FB5] =	sst s8  }
0x11: {  	[smem:$0x3FB6] =	sst s9;
	s0 =	simm.s32 @!p0 $0x0  }
0x12: {  	s1 =	sld [smem:$0x3F9C];
	s0 =	simm.s32 @p0 $0x1  }
0x13: {  	[smem:$0x3FB7] =	sst s0;
	s0 =	simm.s32 @!p1 $0x0  }
0x14: {  	s2 =	sld [smem:$0x3F9B];
	s0 =	simm.s32 @p1 $0x1  }
0x15: {  	[smem:$0x3FB8] =	sst s0;
	s0 =	simm.s32 @!p2 $0x0  }
0x16: {  	s3 =	sld [smem:$0x3FDB];
	s0 =	simm.s32 @p2 $0x1  }
0x17: {  	s4 =	simm.s32 $0x1BF5;
	[smem:$0x3FBA] =	sst s0  }
0x18: {  	s0 =	sld [smem:$0x3F9D];
	_ =	swait.ge [sflag:s4], $0x0  }
0x19: {  	s7 =	sld [smem:$0x3F9E]  }
0x1a: {  	s8 =	sadd.s32 $0xFFFFE003, lr  }
0x1b: {  	s9 =	sadd.s32 $0xFFFFFEF7, lr;
	s5 =	simm.s32 $0xFFFFFFFF;
	p2 =	slt.u32 s8, $0xFFFFF086  }
0x1c: {  	p1 =	slt.u32 s9, $0xF7A;
	s5 =	simm.s32 @!p2 $0x0  }
0x1d: {  	s5 =	simm.s32 @p1 $0x1;
	p0 =	seq.s32 s7, s2  }
0x1e: {  	s7 =	smul.u32 @!p0 $0xF7A, s2;
	p2 =	seq.s32 @!p0 s5, $0x0  }
0x1f: {  	s9 =	smul.u32 $0xF7A, s1;
	s8 =	simm.s32 @!p0 $0x1BF5;
	p2 =	por !p2, p0  }
0x20: {  	[sflag:s8] =	ssyncset.s32 @!p0 $0xFFFFF086;
	s6 =	sadd.s32 @!p0 s3, s7;
	s7 =	simm.s32 @!p0 $0x108  }
0x21: {  	s3 =	sadd.s32 s3, s9;
	s6 =	sadd.s32 @!p0 $0x88, s6;
	s7 =	simm.s32 @p2 $0x1082  }
0x22: {  	[simem:s7], [sflag:s8] =	dma.local @!p0 [hbm:s6], $0xF7A  }
0x23: {  	s9 =	sor.u32 $0xD0000000, s2;
	s6 =	simm.s32 $0x108;
	_ =	swait.ge @!p0 [sflag:s8], $0x0  }
0x24: {  	s3 =	sadd.s32 $0x88, s3;
	s6 =	simm.s32 @!p1 $0x1082;
	[sflag:s4] =	ssyncset.s32 $0xFFFFF086  }
0x25: {  	[simem:s6], [sflag:s4] =	dma.local [hbm:s3], $0xF7A  }
0x26: {  	[smem:$0x3F9E] =	sst s1;
	(tag) =	ssettag s2;
	_ =	strace s9  }
0x27: {  	s1 =	sld [smem:$0x3FAE]  }
0x28: {  	s2 =	sld [smem:$0x3FAF]  }
0x29: {  	s4 =	sld [smem:$0x3FB1]  }
0x2a: {  	p0 =	seq.s32 s5, $0x0;
	s5 =	sld [smem:$0x3FB2]  }
0x2b: {  	s6 =	sld [smem:$0x3FB3]  }
0x2c: {  	s7 =	sld [smem:$0x3FB4]  }
0x2d: {  	s3 =	simm.s32 $0x108;
	s8 =	sld [smem:$0x3FB5]  }
0x2e: {  	s3 =	simm.s32 @!p0 $0x1082;
	s9 =	sld [smem:$0x3FB6]  }
0x2f: {  	lr =	sadd.s32 s0, s3;
	s0 =	sld [smem:$0x3FAD]  }
0x30: {  	s3 =	sld [smem:$0x3FB0]  }
0x31: {  	[smem:$0x3FB9] =	sst s10  }
0x32: {  	s10 =	sld [smem:$0x3FB7];
	_ =	sdelay $0x3  }
0x33: {  	p0 =	seq.s32 s10, $0x1;
	s10 =	sld [smem:$0x3FB9];
	_ =	sdelay $0x3  }
0x34: {  	[smem:$0x3FB9] =	sst s10  }
0x35: {  	s10 =	sld [smem:$0x3FB8];
	_ =	sdelay $0x3  }
0x36: {  	p1 =	seq.s32 s10, $0x1;
	s10 =	sld [smem:$0x3FB9];
	_ =	sdelay $0x3  }
0x37: {  	[smem:$0x3FB9] =	sst s10  }
0x38: {  	s10 =	sld [smem:$0x3FBA]  }
0x39: {  	_ = 	snop;
	(pc) =	sbr.ind lr, $3  }
0x3a: {  	_ = 	snop  }
0x3b: {  	_ = 	snop  }
0x3c: {  	p2 =	seq.s32 s10, $0x1;
	s10 =	sld [smem:$0x3FB9]  }
0x3d: {  	_ =	shalt  }
0x3e: {  	_ =	shalt  }
0x3f: {  	_ =	shalt  }
0x40: {  	_ =	shalt  }
0x41: {  	_ =	shalt  }
0x42: {  	_ =	shalt  }
0x43: {  	_ =	shalt  }
0x44: {  	_ =	shalt  }
0x45: {  	_ =	shalt  }
0x46: {  	_ =	shalt  }
0x47: {  	_ =	shalt  }
0x48: {  	_ =	shalt  }
0x49: {  	_ =	shalt  }
0x4a: {  	_ =	shalt  }
0x4b: {  	_ =	shalt  }
0x4c: {  	_ =	shalt  }
0x4d: {  	_ =	shalt  }
0x4e: {  	_ =	shalt  }
0x4f: {  	_ =	shalt  }
0x50: {  	_ =	shalt  }
0x51: {  	_ =	shalt  }
0x52: {  	_ =	shalt  }
0x53: {  	_ =	shalt  }
0x54: {  	_ =	shalt  }
0x55: {  	_ =	shalt  }
0x56: {  	_ =	shalt  }
0x57: {  	_ =	shalt  }
0x58: {  	_ =	shalt  }
0x59: {  	_ =	shalt  }
0x5a: {  	_ =	shalt  }
0x5b: {  	_ =	shalt  }
0x5c: {  	_ =	shalt  }
0x5d: {  	_ =	shalt  }
0x5e: {  	_ =	shalt  }
0x5f: {  	_ =	shalt  }
0x60: {  	_ =	shalt  }
0x61: {  	_ =	shalt  }
0x62: {  	_ =	shalt  }
0x63: {  	_ =	shalt  }
0x64: {  	_ =	shalt  }
0x65: {  	_ =	shalt  }
0x66: {  	_ =	shalt  }
0x67: {  	_ =	shalt  }
0x68: {  	_ =	shalt  }
0x69: {  	_ =	shalt  }
0x6a: {  	_ =	shalt  }
0x6b: {  	_ =	shalt  }
0x6c: {  	_ =	shalt  }
0x6d: {  	_ =	shalt  }
0x6e: {  	_ =	shalt  }
0x6f: {  	_ =	shalt  }
0x70: {  	_ =	shalt  }
0x71: {  	_ =	shalt  }
0x72: {  	_ =	shalt  }
0x73: {  	_ =	shalt  }
0x74: {  	_ =	shalt  }
0x75: {  	_ =	shalt  }
0x76: {  	_ =	shalt  }
0x77: {  	_ =	shalt  }
0x78: {  	_ =	shalt  }
0x79: {  	_ =	shalt  }
0x7a: {  	_ =	shalt  }
0x7b: {  	_ =	shalt  }
0x7c: {  	_ =	shalt  }
0x7d: {  	_ =	shalt  }
0x7e: {  	_ =	shalt  }
0x7f: {  	_ =	shalt  }
0x80: {  	_ =	shalt  }
0x81: {  	_ =	shalt  }
0x82: {  	_ =	shalt  }
0x83: {  	_ =	shalt  }
0x84: {  	_ =	shalt  }
0x85: {  	_ =	shalt  }
0x86: {  	_ =	shalt  }
0x87: {  	_ =	shalt  }
.Lfunc_end0:
.L_simem_size_0:
called_computation_lowered:
.L_overlay_start_0:
0x88: {  	s2 =	sld [smem:$0x3FD9]  }
0x89: {  	s3 =	sld [smem:$0x3FFE];
	_ =	sdelay $0x1  }
0x8a: {  	s1 =	srdreg.scid  }
0x8b: {  	s0 =	sand.u32 $0x1, s1  }
0x8c: {  	s17 =	sshll.u32 s0, $0xA;
	s2 =	sadd.s32 s3, s2  }
0x8d: {  	s2 =	sadd.s32 s2, s17  }
0x8e: {  	[smem:$0x3FC5] =	sst s2  }
0x8f: {  	_ = 	snop  }
0x90: {  	s2 =	sld [smem:$0x3FC7];
	(tm) =	ssettm $0x1  }
0x91: {  	s18 =	sld [smem:$0x3FFB];
	_ =	sdelay $0x3  }
0x92: {  	_ =	strace s18  }
0x93: {  	s3 =	sld [smem:$0x3FFC];
	_ =	sdelay $0x3  }
0x94: {  	_ =	strace s3  }
0x95: {  	s3 =	sld [smem:$0x3FFD];
	_ =	sdelay $0x3  }
0x96: {  	_ =	strace s3  }
0x97: {  	_ =	strace $0x8FFFFFFF  }
0x98: {  	s19 =	sld [smem:$0x3FDB];
	_ =	sdelay $0x1  }
0x99: {  	s4 =	simm.s32 $_scs_section_size  }
0x9a: {  	s5 =	simm.s32 $_size__tile_overlayer_lowered;
	s6 =	simm.s32 $_tile_overlayer_lowered  }
0x9b: {  	s22 =	simm.s32 $0x1BFF;
	s21 =	sshll.u32 s6, $0x1;
	s3 =	sadd.s32 s4, s19  }
0x9c: {  	s7 =	simm.s32 $0x0;
	s20 =	sshll.u32 s5, $0x1;
	s5 =	sadd.s32 s21, s3  }
0x9d: {  	[timem:s7], [sflag:s22] =	dma.local [hbm:s5], s20  }
0x9e: {  	_ =	swait.ge [sflag:s22], s20  }
0x9f: {  	s4 =	ssub.s32 $0x0, s20;
	[sflag:s22] =	ssyncset.done $0x0  }
0xa0: {  	[sflag:s22] =	ssyncadd.s32 s4;
	_ =	sdelay $0x1  }
0xa1: {  	s23 =	simm.s32 $0x1B8B  }
0xa2: {  	_ =	swait.ge [sflag:s23], $0x1  }
0xa3: {  	[sflag:s23] =	ssyncset.done $0x0  }
0xa4: {  	s25 =	simm.s32 $0x1B8E;
	s24 =	sld [smem:$0x3FFE];
	[sflag:s23] =	ssyncadd.s32 $0xFFFFFFFF  }
0xa5: {  	s26 =	simm.s32 $execute0_lowered;
	[smem:$0x3FD2] =	sst s25  }
0xa6: {  	s5 =	sshll.u32 s26, $0x1;
	_ =	strace $0x80000046;
	[dreg:$0x1] =	wrdreg $0xFFFFFFFF  }
0xa7: {  	s28 =	simm.s32 $_size_execute0_lowered;
	s3 =	sadd.s32 s3, s5;
	[dreg:$0x0] =	wrdreg $0x0  }
0xa8: {  	s5 =	sshll.u32 s28, $0x1;
	[dreg:$0x2] =	wrdreg s3  }
0xa9: {  	[dreg:$0x3] =	wrdreg s5  }
0xaa: {  	[dreg:$0x4] =	wrdreg $0xC0  }
0xab: {  	_ =	task [dreg:s7], $0x5FFFF  }
0xac: {  	[dreg:$0x1] =	wrdreg $0xFFFFFFFF  }
0xad: {  	[dreg:$0x0] =	wrdreg $0x60  }
0xae: {  	[dreg:$0x2] =	wrdreg s2  }
0xaf: {  	[dreg:$0x3] =	wrdreg s24  }
0xb0: {  	[dreg:$0x4] =	wrdreg $0x9  }
0xb1: {  	_ =	task.clear_ibuf [dreg:s7], $0x5FFFF;
	_ =	strace $0x90000046  }
0xb2: {  	s29 =	simm.s32 $0x9;
	_ =	strace $0x80000048  }
0xb3: {  	_ =	swait.ge [sflag:s29], $0x1  }
0xb4: {  	[sflag:s29] =	ssyncadd.s32 $0xFFFFFFFF  }
0xb5: {  	_ =	strace $0x90000048  }
0xb6: {  	_ =	sfence  }
0xb7: {  	s30 =	sld [smem:$0x0];
	_ =	sdelay $0x2  }
0xb8: {  	s31 =	sshll.u32 s1, $0xD;
	s1 =	sshrl.u32 s1, $0x2  }
0xb9: {  	s3 =	sand.u32 $0x4000, s31;
	s1 =	sadd.s32 s1, s30  }
0xba: {  	s0 =	sor.u32 s3, s0;
	s1 =	sshll.u32 s1, $0x11  }
0xbb: {  	s0 =	sor.u32 s1, s0  }
0xbc: {  	s0 =	sadd.s32 $0x8F2B, s0  }
0xbd: {  	[sflag:s0] =	ssyncadd.remote.s32 $0x1  }
0xbe: {  	_ =	sfence.sel $0xFFFF  }
0xbf: {  	[dreg:$0x0] =	wrdreg $0xFFFFFFFF;
	(pc) =	sbr.abs _section_cstart, $3  }
0xc0: {  	[dreg:$0x1] =	wrdreg $0xFFFFFFFF  }
0xc1: {  	_ =	task.clear_ibuf [dreg:s7], $0x2FFFF;
	_ =	strace $0x9FFFFFFF  }
0xc2: {  	(tm) =	ssettm $0x7FFFFFFF  }
0xc3: {  	_ =	shalt  }
tec
execute0_lowered:
.L_overlay_start_1:
0x0: {  	(tag) =	ssettag $0x1  }
0x1: {  	s2 =	rddreg [dreg:$0x0]  }
0x2: {  	s5 =	rddreg [dreg:$0x1]  }
0x3: {  	s0 =	rddreg [dreg:$0x2]  }
0x4: {  	s4 =	srdreg.scid;
	s1 =	stileid.u32;
	s3 =	simm.s32 $0x0  }
0x5: {  	s9 =	simm.s32 $0x2;
	s10 =	simm.s32 $0x10000;
	s11 =	simm.s32 $0x3  }
0x6: {  	s12 =	simm.s32 $0x1;
	s4 =	sand.u32 $0x1, s4;
	s6 =	sshll.u32 s1, $0x1  }
0x7: {  	s13 =	simm.s32 $0x0;
	[smem:$0x7FF] =	sst s3;
	s6 =	sor.u32 s4, s6  }
0x8: {  	_ =	strace $0x80000047;
	s8 =	ssub.s32 $0x2, s4;
	s7 =	sshll.u32 s6, $0x10  }
0x9: {  	s6 =	sshll.u32 s6, $0x7;
	s31 =	sshrl.u32 s8, $0x1;
	s4 =	sor.u32 $0x600000, s7  }
0xa: {  	s30 =	sadd.s32 s6, s5;
	s8 =	ssub.s32 s8, s31;
	s5 =	sadd.s32 s2, s4  }
0xb: {  	s7 =	sadd.s32 $0xA00, s30;
	s8 =	smax.u32 s8, $0x1;
	s6 =	sadd.s32 $0x40, s5  }
.LBB2_1:
0xc: {  	s14 =	sadd.s32 $0x0, s5  }
0xd: {  	[tilespmem:s3], [sflag:$0x1] =	stream.linear.gather [hbm4b:s14+s3], $0x200, $0x38;
	[tilespmem:$0x10400] =	vst v63  }
0xe: {  	s16 =	simm.s32 $0x0;
	s14 =	simm.s32 $0x80  }
.LBB2_2:
0xf: {  	p0 =	sne.s32 s14, $0x1F80  }
.Ltmp0:
0x10: {  	_ = 	snop;
	(pc) =	sbr.rel @p0 .LBB2_2-.Ltmp0, $4  }
0x11: {  	_ = 	snop  }
0x12: {  	s17 =	sadd.s32 s14, s5;
	s16 =	sadd.s32 $0x400, s16  }
0x13: {  	s15 =	simm.s32 $0x0;
	s14 =	sadd.s32 $0x80, s14  }
0x14: {  	[tilespmem:s16], [sflag:$0x1] =	stream.linear.gather [hbm4b:s17+s15], $0x200, $0x38;
	[tilespmem:$0x10400] =	vst v63  }
.LBB2_3:
0x15: {  	s16 =	sand.u32 $0x1, s15  }
0x16: {  	p0 =	seq.s32 s16, $0x0  }
.Ltmp1:
0x17: {  	_ = 	snop;
	(pc) =	sbr.rel @p0 .LBB2_8-.Ltmp1, $1  }
0x18: {  	_ =	sdelay $0x3  }
0x19: {  	p0 =	seq.s32 s15, $0xF  }
.Ltmp2:
0x1a: {  	_ = 	snop;
	(pc) =	sbr.rel @p0 .LBB2_11-.Ltmp2, $4  }
0x1b: {  	_ = 	snop  }
0x1c: {  	_ =	swait.ge [sflag:s9], $0x8000  }
0x1d: {  	[sflag:s9] =	ssyncset.done $0x0  }
0x1e: {  	s14 =	simm.s32 $0x10;
	[sflag:s9] =	ssyncadd.s32 $0xFFFF8000  }
0x1f: {  	s14 =	sadd.s32 $0x1, s15  }
0x20: {  	s17 =	sshll.u32 s14, $0xC  }
0x21: {  	s17 =	sadd.s32 s4, s17  }
0x22: {  	s17 =	sand.u32 $0xFFFE000, s17  }
0x23: {  	s18 =	simm.s32 $0x0;
	s17 =	sadd.s32 s2, s17  }
0x24: {  	s19 =	simm.s32 $0x80;
	s20 =	simm.s32 $0x400;
	s21 =	sadd.s32 $0x0, s17  }
.LBB2_6:
0x25: {  	[tilespmem:s18], [sflag:$0x1] =	stream.linear.gather [hbm4b:s21+s3], $0x200, $0x38;
	[tilespmem:$0x10400] =	vst v63  }
0x26: {  	s21 =	smov.u32 s19;
	s18 =	smov.u32 s20;
	p0 =	seq.s32 s19, $0x1F80  }
.Ltmp3:
0x27: {  	s19 =	sadd.s32 $0x80, s19;
	(pc) =	sbr.rel @!p0 .LBB2_6-.Ltmp3, $2  }
0x28: {  	_ =	sdelay $0x2  }
0x29: {  	s20 =	sadd.s32 $0x400, s20;
	s21 =	sadd.s32 s21, s17  }
.Ltmp4:
0x2a: {  	(pc) =	sbr.rel .LBB2_11-.Ltmp4, $2  }
0x2b: {  	_ =	sdelay $0x2  }
0x2c: {  	[tilespmem:s18], [sflag:$0x1] =	stream.linear.gather [hbm4b:s21+s3], $0x200, $0x38;
	[tilespmem:$0x10400] =	vst v63  }
.LBB2_8:
0x2d: {  	_ =	swait.ge [sflag:s12], $0x8000;
	s14 =	sshll.u32 s15, $0xC;
	s17 =	simm.s32 $0x200  }
0x2e: {  	s18 =	simm.s32 $0x80;
	[sflag:s12] =	ssyncset.done $0x0;
	s14 =	sadd.s32 s14, s6  }
0x2f: {  	s19 =	simm.s32 $0x600;
	[sflag:s12] =	ssyncadd.s32 $0xFFFF8000;
	s20 =	sadd.s32 $0x0, s14  }
.LBB2_9:
0x30: {  	[tilespmem:s17], [sflag:$0x2] =	stream.linear.gather [hbm4b:s20+s3], $0x200, $0x38;
	[tilespmem:$0x10400] =	vst v63  }
0x31: {  	s20 =	smov.u32 s18;
	s17 =	smov.u32 s19;
	p0 =	sne.s32 s18, $0x1F80  }
.Ltmp5:
0x32: {  	s18 =	sadd.s32 $0x80, s18;
	(pc) =	sbr.rel @p0 .LBB2_9-.Ltmp5, $2  }
0x33: {  	_ =	sdelay $0x2  }
0x34: {  	s19 =	sadd.s32 $0x400, s19;
	s20 =	sadd.s32 s20, s14  }
0x35: {  	[tilespmem:s17], [sflag:$0x2] =	stream.linear.gather [hbm4b:s20+s3], $0x200, $0x38;
	[tilespmem:$0x10400] =	vst v63  }
0x36: {  	s14 =	sor.u32 $0x1, s15  }
.LBB2_11:
0x37: {  	s16 =	sshll.u32 s16, $0x9  }
0x38: {  	s17 =	sor.u32 $0x470, s16  }
0x39: {  	v0 =	vmov s17;
	_ =	sdelay $0x3  }
0x3a: {  	s17 =	simm.s32 $0x0  }
0x3b: {  	v3 =	vld.idx.msk [tilespmem:v0+s17+$0xFFFFFF90 ss:$0x1], $0xffff  }
0x3c: {  	v4 =	vld.idx.msk [tilespmem:v0+s17+$0xFFFFFFA0 ss:$0x1], $0xffff  }
0x3d: {  	v5 =	vld.idx.msk [tilespmem:v0+s17+$0xFFFFFFB0 ss:$0x1], $0xffff  }
0x3e: {  	v6 =	vld.idx.msk [tilespmem:v0+s17+$0xFFFFFFC0 ss:$0x1], $0xffff  }
0x3f: {  	v2 =	vld.idx.msk [tilespmem:v0+s17+$0xFFFFFFD0 ss:$0x1], $0xffff  }
0x40: {  	v1 =	vld.idx.msk [tilespmem:v0+s17+$0xFFFFFFE0 ss:$0x1], $0xffff  }
0x41: {  	v19 =	vld.idx.msk [tilespmem:v0+s17+$0xFFFFFB90 ss:$0x1], $0xffff  }
0x42: {  	v21 =	vld.idx.msk [tilespmem:v0+s17+$0xFFFFFBA0 ss:$0x1], $0xffff  }
0x43: {  	v20 =	vld.idx.msk [tilespmem:v0+s17+$0xFFFFFBB0 ss:$0x1], $0xffff  }
0x44: {  	v18 =	vld.idx.msk [tilespmem:v0+s17+$0xFFFFFBC0 ss:$0x1], $0xffff  }
0x45: {  	v11 =	vimm.f32 $0.0e+00;
	v13 =	vimm.f32 $0.0e+00;
	v16 =	vld.idx.msk [tilespmem:v0+s17+$0xFFFFFBD0 ss:$0x1], $0xffff  }
0x46: {  	v14 =	vimm.f32 $0.0e+00;
	v12 =	vimm.f32 $0.0e+00;
	v9 =	vimm.f32 $0.0e+00;
	v17 =	vld.idx.msk [tilespmem:v0+s17+$0xFFFFFBE0 ss:$0x1], $0xffff  }
0x47: {  	s18 =	simm.s32 $0x2000;
	v10 =	vimm.f32 $0.0e+00;
	v8 =	vimm.f32 $0.0e+00;
	v7 =	vimm.f32 $0.0e+00;
	v15 =	vld.idx.msk [tilespmem:v0+s17+$0xFFFFFBF0 ss:$0x1], $0xffff  }
.LBB2_12:
0x48: {  	p0 =	sne.s32 s18, $0x3E000;
	v22 =	vld.idx.msk [tilespmem:v0+s17+$0xFFFFFC00 ss:$0x1], $0xffff  }
0x49: {  	v11 =	vadd.f32 v19, v11;
	v13 =	vadd.f32 v21, v13;
	v19 =	vld.idx.msk [tilespmem:v0+s17+$0xFFFFFFF0 ss:$0x1], $0xffff  }
0x4a: {  	v14 =	vadd.f32 v20, v14;
	v12 =	vadd.f32 v18, v12;
	v18 =	vld.idx.msk [tilespmem:v0+s17+$0x0 ss:$0x1], $0xffff;
	s17 =	sshra.s32 s18, $0x2  }
0x4b: {  	v11 =	vadd.f32 v3, v11;
	v13 =	vadd.f32 v4, v13;
	v3 =	vld.idx.msk [tilespmem:v0+s17+$0xFFFFFF90 ss:$0x1], $0xffff  }
0x4c: {  	v14 =	vadd.f32 v5, v14;
	v12 =	vadd.f32 v6, v12;
	v4 =	vld.idx.msk [tilespmem:v0+s17+$0xFFFFFFA0 ss:$0x1], $0xffff  }
0x4d: {  	v9 =	vadd.f32 v16, v9;
	v10 =	vadd.f32 v17, v10;
	v5 =	vld.idx.msk [tilespmem:v0+s17+$0xFFFFFFB0 ss:$0x1], $0xffff  }
0x4e: {  	v8 =	vadd.f32 v15, v8;
	v7 =	vadd.f32 v22, v7;
	v6 =	vld.idx.msk [tilespmem:v0+s17+$0xFFFFFFC0 ss:$0x1], $0xffff  }
0x4f: {  	v9 =	vadd.f32 v2, v9;
	v10 =	vadd.f32 v1, v10;
	v2 =	vld.idx.msk [tilespmem:v0+s17+$0xFFFFFFD0 ss:$0x1], $0xffff  }
0x50: {  	v8 =	vadd.f32 v19, v8;
	v7 =	vadd.f32 v18, v7;
	v1 =	vld.idx.msk [tilespmem:v0+s17+$0xFFFFFFE0 ss:$0x1], $0xffff  }
0x51: {  	v19 =	vld.idx.msk [tilespmem:v0+s17+$0xFFFFFB90 ss:$0x1], $0xffff  }
0x52: {  	v21 =	vld.idx.msk [tilespmem:v0+s17+$0xFFFFFBA0 ss:$0x1], $0xffff  }
.Ltmp6:
0x53: {  	v20 =	vld.idx.msk [tilespmem:v0+s17+$0xFFFFFBB0 ss:$0x1], $0xffff;
	(pc) =	sbr.rel @p0 .LBB2_12-.Ltmp6, $4  }
0x54: {  	v18 =	vld.idx.msk [tilespmem:v0+s17+$0xFFFFFBC0 ss:$0x1], $0xffff  }
0x55: {  	v16 =	vld.idx.msk [tilespmem:v0+s17+$0xFFFFFBD0 ss:$0x1], $0xffff  }
0x56: {  	v17 =	vld.idx.msk [tilespmem:v0+s17+$0xFFFFFBE0 ss:$0x1], $0xffff  }
0x57: {  	s18 =	sadd.s32 $0x2000, s18;
	v15 =	vld.idx.msk [tilespmem:v0+s17+$0xFFFFFBF0 ss:$0x1], $0xffff  }
0x58: {  	v11 =	vadd.f32 v19, v11;
	v13 =	vadd.f32 v21, v13  }
0x59: {  	v14 =	vadd.f32 v20, v14  }
0x5a: {  	v3 =	vadd.f32 v3, v11;
	v4 =	vadd.f32 v4, v13  }
0x5b: {  	v11 =	vadd.f32 v18, v12  }
0x5c: {  	v5 =	vadd.f32 v5, v14;
	v3 =	vadd.f32 v4, v3  }
0x5d: {  	v9 =	vadd.f32 v16, v9  }
0x5e: {  	v4 =	vadd.f32 v6, v11;
	v6 =	vld.idx.msk [tilespmem:v0+s17+$0xFFFFFC00 ss:$0x1], $0xffff;
	v3 =	vadd.f32 v5, v3  }
0x5f: {  	v10 =	vadd.f32 v17, v10;
	v5 =	vld.idx.msk [tilespmem:v0+s17+$0xFFFFFFF0 ss:$0x1], $0xffff  }
0x60: {  	v2 =	vadd.f32 v2, v9;
	v3 =	vadd.f32 v4, v3  }
0x61: {  	v1 =	vadd.f32 v1, v10;
	v0 =	vld.idx.msk [tilespmem:v0+s17+$0x0 ss:$0x1], $0xffff  }
0x62: {  	v4 =	vadd.f32 v15, v8;
	v2 =	vadd.f32 v2, v3  }
0x63: {  	v3 =	vadd.f32 v6, v7  }
0x64: {  	v4 =	vadd.f32 v5, v4;
	v1 =	vadd.f32 v1, v2  }
0x65: {  	s31 =	sor.u32 $0x4F0, s16  }
0x66: {  	v2 =	vadd.f32 v0, v3;
	v0 =	vmov s31;
	v1 =	vadd.f32 v4, v1;
	_ =	sdelay $0x1  }
0x67: {  	s15 =	sshll.u32 s15, $0x6;
	v1 =	vadd.f32 v2, v1  }
0x68: {  	s15 =	sand.u32 $0x3FFFFFC0, s15  }
0x69: {  	s17 =	simm.s32 $0x0;
	[tilespmem:s15+$0x10000] =	vst v1  }
0x6a: {  	v3 =	vld.idx.msk [tilespmem:v0+s17+$0xFFFFFF90 ss:$0x1], $0xffff  }
0x6b: {  	v4 =	vld.idx.msk [tilespmem:v0+s17+$0xFFFFFFA0 ss:$0x1], $0xffff  }
0x6c: {  	v5 =	vld.idx.msk [tilespmem:v0+s17+$0xFFFFFFB0 ss:$0x1], $0xffff  }
0x6d: {  	v6 =	vld.idx.msk [tilespmem:v0+s17+$0xFFFFFFC0 ss:$0x1], $0xffff  }
0x6e: {  	v2 =	vld.idx.msk [tilespmem:v0+s17+$0xFFFFFFD0 ss:$0x1], $0xffff  }
0x6f: {  	v1 =	vld.idx.msk [tilespmem:v0+s17+$0xFFFFFFE0 ss:$0x1], $0xffff  }
0x70: {  	v19 =	vld.idx.msk [tilespmem:v0+s17+$0xFFFFFB90 ss:$0x1], $0xffff  }
0x71: {  	v21 =	vld.idx.msk [tilespmem:v0+s17+$0xFFFFFBA0 ss:$0x1], $0xffff  }
0x72: {  	v20 =	vld.idx.msk [tilespmem:v0+s17+$0xFFFFFBB0 ss:$0x1], $0xffff  }
0x73: {  	v18 =	vld.idx.msk [tilespmem:v0+s17+$0xFFFFFBC0 ss:$0x1], $0xffff  }
0x74: {  	v13 =	vimm.f32 $0.0e+00;
	v14 =	vimm.f32 $0.0e+00;
	v16 =	vld.idx.msk [tilespmem:v0+s17+$0xFFFFFBD0 ss:$0x1], $0xffff  }
0x75: {  	v12 =	vimm.f32 $0.0e+00;
	v11 =	vimm.f32 $0.0e+00;
	v9 =	vimm.f32 $0.0e+00;
	v17 =	vld.idx.msk [tilespmem:v0+s17+$0xFFFFFBE0 ss:$0x1], $0xffff  }
0x76: {  	s18 =	simm.s32 $0x2000;
	v10 =	vimm.f32 $0.0e+00;
	v8 =	vimm.f32 $0.0e+00;
	v7 =	vimm.f32 $0.0e+00;
	v15 =	vld.idx.msk [tilespmem:v0+s17+$0xFFFFFBF0 ss:$0x1], $0xffff  }
.LBB2_14:
0x77: {  	p0 =	sne.s32 s18, $0x3E000;
	v22 =	vld.idx.msk [tilespmem:v0+s17+$0xFFFFFC00 ss:$0x1], $0xffff  }
0x78: {  	v11 =	vadd.f32 v19, v11;
	v13 =	vadd.f32 v21, v13;
	v19 =	vld.idx.msk [tilespmem:v0+s17+$0xFFFFFFF0 ss:$0x1], $0xffff  }
0x79: {  	v14 =	vadd.f32 v20, v14;
	v12 =	vadd.f32 v18, v12;
	v18 =	vld.idx.msk [tilespmem:v0+s17+$0x0 ss:$0x1], $0xffff;
	s17 =	sshra.s32 s18, $0x2  }
0x7a: {  	v11 =	vadd.f32 v3, v11;
	v13 =	vadd.f32 v4, v13;
	v3 =	vld.idx.msk [tilespmem:v0+s17+$0xFFFFFF90 ss:$0x1], $0xffff  }
0x7b: {  	v14 =	vadd.f32 v5, v14;
	v12 =	vadd.f32 v6, v12;
	v4 =	vld.idx.msk [tilespmem:v0+s17+$0xFFFFFFA0 ss:$0x1], $0xffff  }
0x7c: {  	v9 =	vadd.f32 v16, v9;
	v10 =	vadd.f32 v17, v10;
	v5 =	vld.idx.msk [tilespmem:v0+s17+$0xFFFFFFB0 ss:$0x1], $0xffff  }
0x7d: {  	v8 =	vadd.f32 v15, v8;
	v7 =	vadd.f32 v22, v7;
	v6 =	vld.idx.msk [tilespmem:v0+s17+$0xFFFFFFC0 ss:$0x1], $0xffff  }
0x7e: {  	v9 =	vadd.f32 v2, v9;
	v10 =	vadd.f32 v1, v10;
	v2 =	vld.idx.msk [tilespmem:v0+s17+$0xFFFFFFD0 ss:$0x1], $0xffff  }
0x7f: {  	v8 =	vadd.f32 v19, v8;
	v7 =	vadd.f32 v18, v7;
	v1 =	vld.idx.msk [tilespmem:v0+s17+$0xFFFFFFE0 ss:$0x1], $0xffff  }
0x80: {  	v19 =	vld.idx.msk [tilespmem:v0+s17+$0xFFFFFB90 ss:$0x1], $0xffff  }
0x81: {  	v21 =	vld.idx.msk [tilespmem:v0+s17+$0xFFFFFBA0 ss:$0x1], $0xffff  }
.Ltmp7:
0x82: {  	v20 =	vld.idx.msk [tilespmem:v0+s17+$0xFFFFFBB0 ss:$0x1], $0xffff;
	(pc) =	sbr.rel @p0 .LBB2_14-.Ltmp7, $4  }
0x83: {  	v18 =	vld.idx.msk [tilespmem:v0+s17+$0xFFFFFBC0 ss:$0x1], $0xffff  }
0x84: {  	v16 =	vld.idx.msk [tilespmem:v0+s17+$0xFFFFFBD0 ss:$0x1], $0xffff  }
0x85: {  	v17 =	vld.idx.msk [tilespmem:v0+s17+$0xFFFFFBE0 ss:$0x1], $0xffff  }
0x86: {  	s18 =	sadd.s32 $0x2000, s18;
	v15 =	vld.idx.msk [tilespmem:v0+s17+$0xFFFFFBF0 ss:$0x1], $0xffff  }
0x87: {  	v11 =	vadd.f32 v19, v11;
	v13 =	vadd.f32 v21, v13  }
0x88: {  	v14 =	vadd.f32 v20, v14  }
0x89: {  	v3 =	vadd.f32 v3, v11;
	v4 =	vadd.f32 v4, v13  }
0x8a: {  	v11 =	vadd.f32 v18, v12  }
0x8b: {  	v5 =	vadd.f32 v5, v14;
	v3 =	vadd.f32 v4, v3  }
0x8c: {  	v9 =	vadd.f32 v16, v9  }
0x8d: {  	v4 =	vadd.f32 v6, v11;
	v6 =	vld.idx.msk [tilespmem:v0+s17+$0xFFFFFC00 ss:$0x1], $0xffff;
	v3 =	vadd.f32 v5, v3  }
0x8e: {  	v10 =	vadd.f32 v17, v10;
	v5 =	vld.idx.msk [tilespmem:v0+s17+$0xFFFFFFF0 ss:$0x1], $0xffff  }
0x8f: {  	v2 =	vadd.f32 v2, v9;
	v3 =	vadd.f32 v4, v3  }
0x90: {  	v1 =	vadd.f32 v1, v10;
	v0 =	vld.idx.msk [tilespmem:v0+s17+$0x0 ss:$0x1], $0xffff  }
0x91: {  	v4 =	vadd.f32 v15, v8;
	v2 =	vadd.f32 v2, v3  }
0x92: {  	v3 =	vadd.f32 v6, v7  }
0x93: {  	v4 =	vadd.f32 v5, v4;
	v1 =	vadd.f32 v1, v2  }
0x94: {  	s31 =	sor.u32 $0x570, s16  }
0x95: {  	v2 =	vadd.f32 v0, v3;
	v0 =	vmov s31;
	v1 =	vadd.f32 v4, v1;
	_ =	sdelay $0x1  }
0x96: {  	v1 =	vadd.f32 v2, v1;
	_ =	sdelay $0x1  }
0x97: {  	s17 =	simm.s32 $0x0;
	[tilespmem:s15+$0x10010] =	vst v1  }
0x98: {  	v3 =	vld.idx.msk [tilespmem:v0+s17+$0xFFFFFF90 ss:$0x1], $0xffff  }
0x99: {  	v4 =	vld.idx.msk [tilespmem:v0+s17+$0xFFFFFFA0 ss:$0x1], $0xffff  }
0x9a: {  	v5 =	vld.idx.msk [tilespmem:v0+s17+$0xFFFFFFB0 ss:$0x1], $0xffff  }
0x9b: {  	v6 =	vld.idx.msk [tilespmem:v0+s17+$0xFFFFFFC0 ss:$0x1], $0xffff  }
0x9c: {  	v2 =	vld.idx.msk [tilespmem:v0+s17+$0xFFFFFFD0 ss:$0x1], $0xffff  }
0x9d: {  	v1 =	vld.idx.msk [tilespmem:v0+s17+$0xFFFFFFE0 ss:$0x1], $0xffff  }
0x9e: {  	v19 =	vld.idx.msk [tilespmem:v0+s17+$0xFFFFFB90 ss:$0x1], $0xffff  }
0x9f: {  	v21 =	vld.idx.msk [tilespmem:v0+s17+$0xFFFFFBA0 ss:$0x1], $0xffff  }
0xa0: {  	v20 =	vld.idx.msk [tilespmem:v0+s17+$0xFFFFFBB0 ss:$0x1], $0xffff  }
0xa1: {  	v18 =	vld.idx.msk [tilespmem:v0+s17+$0xFFFFFBC0 ss:$0x1], $0xffff  }
0xa2: {  	v13 =	vimm.f32 $0.0e+00;
	v14 =	vimm.f32 $0.0e+00;
	v16 =	vld.idx.msk [tilespmem:v0+s17+$0xFFFFFBD0 ss:$0x1], $0xffff  }
0xa3: {  	v12 =	vimm.f32 $0.0e+00;
	v11 =	vimm.f32 $0.0e+00;
	v9 =	vimm.f32 $0.0e+00;
	v17 =	vld.idx.msk [tilespmem:v0+s17+$0xFFFFFBE0 ss:$0x1], $0xffff  }
0xa4: {  	s18 =	simm.s32 $0x2000;
	v10 =	vimm.f32 $0.0e+00;
	v8 =	vimm.f32 $0.0e+00;
	v7 =	vimm.f32 $0.0e+00;
	v15 =	vld.idx.msk [tilespmem:v0+s17+$0xFFFFFBF0 ss:$0x1], $0xffff  }
.LBB2_16:
0xa5: {  	p0 =	sne.s32 s18, $0x3E000;
	v22 =	vld.idx.msk [tilespmem:v0+s17+$0xFFFFFC00 ss:$0x1], $0xffff  }
0xa6: {  	v11 =	vadd.f32 v19, v11;
	v13 =	vadd.f32 v21, v13;
	v19 =	vld.idx.msk [tilespmem:v0+s17+$0xFFFFFFF0 ss:$0x1], $0xffff  }
0xa7: {  	v14 =	vadd.f32 v20, v14;
	v12 =	vadd.f32 v18, v12;
	v18 =	vld.idx.msk [tilespmem:v0+s17+$0x0 ss:$0x1], $0xffff;
	s17 =	sshra.s32 s18, $0x2  }
0xa8: {  	v11 =	vadd.f32 v3, v11;
	v13 =	vadd.f32 v4, v13;
	v3 =	vld.idx.msk [tilespmem:v0+s17+$0xFFFFFF90 ss:$0x1], $0xffff  }
0xa9: {  	v14 =	vadd.f32 v5, v14;
	v12 =	vadd.f32 v6, v12;
	v4 =	vld.idx.msk [tilespmem:v0+s17+$0xFFFFFFA0 ss:$0x1], $0xffff  }
0xaa: {  	v9 =	vadd.f32 v16, v9;
	v10 =	vadd.f32 v17, v10;
	v5 =	vld.idx.msk [tilespmem:v0+s17+$0xFFFFFFB0 ss:$0x1], $0xffff  }
0xab: {  	v8 =	vadd.f32 v15, v8;
	v7 =	vadd.f32 v22, v7;
	v6 =	vld.idx.msk [tilespmem:v0+s17+$0xFFFFFFC0 ss:$0x1], $0xffff  }
0xac: {  	v9 =	vadd.f32 v2, v9;
	v10 =	vadd.f32 v1, v10;
	v2 =	vld.idx.msk [tilespmem:v0+s17+$0xFFFFFFD0 ss:$0x1], $0xffff  }
0xad: {  	v8 =	vadd.f32 v19, v8;
	v7 =	vadd.f32 v18, v7;
	v1 =	vld.idx.msk [tilespmem:v0+s17+$0xFFFFFFE0 ss:$0x1], $0xffff  }
0xae: {  	v19 =	vld.idx.msk [tilespmem:v0+s17+$0xFFFFFB90 ss:$0x1], $0xffff  }
0xaf: {  	v21 =	vld.idx.msk [tilespmem:v0+s17+$0xFFFFFBA0 ss:$0x1], $0xffff  }
.Ltmp8:
0xb0: {  	v20 =	vld.idx.msk [tilespmem:v0+s17+$0xFFFFFBB0 ss:$0x1], $0xffff;
	(pc) =	sbr.rel @p0 .LBB2_16-.Ltmp8, $4  }
0xb1: {  	v18 =	vld.idx.msk [tilespmem:v0+s17+$0xFFFFFBC0 ss:$0x1], $0xffff  }
0xb2: {  	v16 =	vld.idx.msk [tilespmem:v0+s17+$0xFFFFFBD0 ss:$0x1], $0xffff  }
0xb3: {  	v17 =	vld.idx.msk [tilespmem:v0+s17+$0xFFFFFBE0 ss:$0x1], $0xffff  }
0xb4: {  	s18 =	sadd.s32 $0x2000, s18;
	v15 =	vld.idx.msk [tilespmem:v0+s17+$0xFFFFFBF0 ss:$0x1], $0xffff  }
0xb5: {  	v11 =	vadd.f32 v19, v11;
	v13 =	vadd.f32 v21, v13  }
0xb6: {  	v14 =	vadd.f32 v20, v14  }
0xb7: {  	v3 =	vadd.f32 v3, v11;
	v4 =	vadd.f32 v4, v13  }
0xb8: {  	v11 =	vadd.f32 v18, v12  }
0xb9: {  	v5 =	vadd.f32 v5, v14;
	v3 =	vadd.f32 v4, v3  }
0xba: {  	v9 =	vadd.f32 v16, v9  }
0xbb: {  	v4 =	vadd.f32 v6, v11;
	v6 =	vld.idx.msk [tilespmem:v0+s17+$0xFFFFFC00 ss:$0x1], $0xffff;
	v3 =	vadd.f32 v5, v3  }
0xbc: {  	v10 =	vadd.f32 v17, v10;
	v5 =	vld.idx.msk [tilespmem:v0+s17+$0xFFFFFFF0 ss:$0x1], $0xffff  }
0xbd: {  	v2 =	vadd.f32 v2, v9;
	v3 =	vadd.f32 v4, v3  }
0xbe: {  	v1 =	vadd.f32 v1, v10;
	v0 =	vld.idx.msk [tilespmem:v0+s17+$0x0 ss:$0x1], $0xffff  }
0xbf: {  	v4 =	vadd.f32 v15, v8;
	v2 =	vadd.f32 v2, v3  }
0xc0: {  	v3 =	vadd.f32 v6, v7  }
0xc1: {  	v4 =	vadd.f32 v5, v4;
	v1 =	vadd.f32 v1, v2  }
0xc2: {  	s16 =	sor.u32 $0x5F0, s16  }
0xc3: {  	v2 =	vadd.f32 v0, v3;
	v0 =	vmov s16;
	v1 =	vadd.f32 v4, v1;
	_ =	sdelay $0x1  }
0xc4: {  	v1 =	vadd.f32 v2, v1;
	_ =	sdelay $0x1  }
0xc5: {  	s16 =	simm.s32 $0x0;
	[tilespmem:s15+$0x10020] =	vst v1  }
0xc6: {  	v3 =	vld.idx.msk [tilespmem:v0+s16+$0xFFFFFF90 ss:$0x1], $0xffff  }
0xc7: {  	v4 =	vld.idx.msk [tilespmem:v0+s16+$0xFFFFFFA0 ss:$0x1], $0xffff  }
0xc8: {  	v5 =	vld.idx.msk [tilespmem:v0+s16+$0xFFFFFFB0 ss:$0x1], $0xffff  }
0xc9: {  	v6 =	vld.idx.msk [tilespmem:v0+s16+$0xFFFFFFC0 ss:$0x1], $0xffff  }
0xca: {  	v2 =	vld.idx.msk [tilespmem:v0+s16+$0xFFFFFFD0 ss:$0x1], $0xffff  }
0xcb: {  	v1 =	vld.idx.msk [tilespmem:v0+s16+$0xFFFFFFE0 ss:$0x1], $0xffff  }
0xcc: {  	v19 =	vld.idx.msk [tilespmem:v0+s16+$0xFFFFFB90 ss:$0x1], $0xffff  }
0xcd: {  	v21 =	vld.idx.msk [tilespmem:v0+s16+$0xFFFFFBA0 ss:$0x1], $0xffff  }
0xce: {  	v20 =	vld.idx.msk [tilespmem:v0+s16+$0xFFFFFBB0 ss:$0x1], $0xffff  }
0xcf: {  	v18 =	vld.idx.msk [tilespmem:v0+s16+$0xFFFFFBC0 ss:$0x1], $0xffff  }
0xd0: {  	v13 =	vimm.f32 $0.0e+00;
	v14 =	vimm.f32 $0.0e+00;
	v16 =	vld.idx.msk [tilespmem:v0+s16+$0xFFFFFBD0 ss:$0x1], $0xffff  }
0xd1: {  	v12 =	vimm.f32 $0.0e+00;
	v11 =	vimm.f32 $0.0e+00;
	v9 =	vimm.f32 $0.0e+00;
	v17 =	vld.idx.msk [tilespmem:v0+s16+$0xFFFFFBE0 ss:$0x1], $0xffff  }
0xd2: {  	v10 =	vimm.f32 $0.0e+00;
	s17 =	simm.s32 $0x2000;
	v8 =	vimm.f32 $0.0e+00;
	v7 =	vimm.f32 $0.0e+00;
	v15 =	vld.idx.msk [tilespmem:v0+s16+$0xFFFFFBF0 ss:$0x1], $0xffff  }
.LBB2_18:
0xd3: {  	p0 =	sne.s32 s17, $0x3E000;
	v22 =	vld.idx.msk [tilespmem:v0+s16+$0xFFFFFC00 ss:$0x1], $0xffff  }
0xd4: {  	v11 =	vadd.f32 v19, v11;
	v13 =	vadd.f32 v21, v13;
	v19 =	vld.idx.msk [tilespmem:v0+s16+$0xFFFFFFF0 ss:$0x1], $0xffff  }
0xd5: {  	v14 =	vadd.f32 v20, v14;
	v12 =	vadd.f32 v18, v12;
	v18 =	vld.idx.msk [tilespmem:v0+s16+$0x0 ss:$0x1], $0xffff;
	s16 =	sshra.s32 s17, $0x2  }
0xd6: {  	v11 =	vadd.f32 v3, v11;
	v13 =	vadd.f32 v4, v13;
	v3 =	vld.idx.msk [tilespmem:v0+s16+$0xFFFFFF90 ss:$0x1], $0xffff  }
0xd7: {  	v14 =	vadd.f32 v5, v14;
	v12 =	vadd.f32 v6, v12;
	v4 =	vld.idx.msk [tilespmem:v0+s16+$0xFFFFFFA0 ss:$0x1], $0xffff  }
0xd8: {  	v9 =	vadd.f32 v16, v9;
	v10 =	vadd.f32 v17, v10;
	v5 =	vld.idx.msk [tilespmem:v0+s16+$0xFFFFFFB0 ss:$0x1], $0xffff  }
0xd9: {  	v8 =	vadd.f32 v15, v8;
	v7 =	vadd.f32 v22, v7;
	v6 =	vld.idx.msk [tilespmem:v0+s16+$0xFFFFFFC0 ss:$0x1], $0xffff  }
0xda: {  	v9 =	vadd.f32 v2, v9;
	v10 =	vadd.f32 v1, v10;
	v2 =	vld.idx.msk [tilespmem:v0+s16+$0xFFFFFFD0 ss:$0x1], $0xffff  }
0xdb: {  	v8 =	vadd.f32 v19, v8;
	v7 =	vadd.f32 v18, v7;
	v1 =	vld.idx.msk [tilespmem:v0+s16+$0xFFFFFFE0 ss:$0x1], $0xffff  }
0xdc: {  	v19 =	vld.idx.msk [tilespmem:v0+s16+$0xFFFFFB90 ss:$0x1], $0xffff  }
0xdd: {  	v21 =	vld.idx.msk [tilespmem:v0+s16+$0xFFFFFBA0 ss:$0x1], $0xffff  }
.Ltmp9:
0xde: {  	v20 =	vld.idx.msk [tilespmem:v0+s16+$0xFFFFFBB0 ss:$0x1], $0xffff;
	(pc) =	sbr.rel @p0 .LBB2_18-.Ltmp9, $4  }
0xdf: {  	v18 =	vld.idx.msk [tilespmem:v0+s16+$0xFFFFFBC0 ss:$0x1], $0xffff  }
0xe0: {  	v16 =	vld.idx.msk [tilespmem:v0+s16+$0xFFFFFBD0 ss:$0x1], $0xffff  }
0xe1: {  	v17 =	vld.idx.msk [tilespmem:v0+s16+$0xFFFFFBE0 ss:$0x1], $0xffff  }
0xe2: {  	s17 =	sadd.s32 $0x2000, s17;
	v15 =	vld.idx.msk [tilespmem:v0+s16+$0xFFFFFBF0 ss:$0x1], $0xffff  }
0xe3: {  	v11 =	vadd.f32 v19, v11;
	v13 =	vadd.f32 v21, v13  }
0xe4: {  	v14 =	vadd.f32 v20, v14  }
0xe5: {  	v3 =	vadd.f32 v3, v11;
	v4 =	vadd.f32 v4, v13  }
0xe6: {  	v57 =	vadd.f32 v18, v12  }
0xe7: {  	v5 =	vadd.f32 v5, v14;
	v3 =	vadd.f32 v4, v3  }
0xe8: {  	v9 =	vadd.f32 v16, v9  }
0xe9: {  	v59 =	vld.idx.msk [tilespmem:v0+s16+$0xFFFFFC00 ss:$0x1], $0xffff;
	v58 =	vadd.f32 v6, v57;
	v3 =	vadd.f32 v5, v3  }
0xea: {  	v60 =	vld.idx.msk [tilespmem:v0+s16+$0xFFFFFFF0 ss:$0x1], $0xffff;
	v10 =	vadd.f32 v17, v10  }
0xeb: {  	v2 =	vadd.f32 v2, v9;
	v3 =	vadd.f32 v58, v3  }
0xec: {  	v61 =	vld.idx.msk [tilespmem:v0+s16+$0x0 ss:$0x1], $0xffff;
	v62 =	vadd.f32 v15, v8  }
0xed: {  	v1 =	vadd.f32 v1, v10;
	v2 =	vadd.f32 v2, v3  }
0xee: {  	v63 =	vadd.f32 v59, v7  }
0xef: {  	v4 =	vadd.f32 v60, v62;
	v1 =	vadd.f32 v1, v2  }
0xf0: {  	p0 =	slt.u32 s14, $0x10  }
.Ltmp10:
0xf1: {  	v0 =	vadd.f32 v61, v63;
	v1 =	vadd.f32 v4, v1;
	(pc) =	sbr.rel @p0 .LBB2_3-.Ltmp10, $3  }
0xf2: {  	_ = 	snop  }
0xf3: {  	v0 =	vadd.f32 v0, v1;
	_ =	sdelay $0x1  }
0xf4: {  	[tilespmem:s15+$0x10030] =	vst v0;
	s15 =	smov.u32 s14  }
0xf5: {  	s13 =	sadd.s32 $0x1, s13  }
0xf6: {  	p0 =	sne.s32 s13, s8  }
.Ltmp11:
0xf7: {  	_ = 	snop;
	(pc) =	sbr.rel @p0 .LBB2_1-.Ltmp11, $4  }
0xf8: {  	[hbm4b:s7+s3] =	stream.linear.scatter [tilespmem:s10], [sflag:$0x3], $0x400, $0x38;
	[tilespmem:$0x10400] =	vst v63  }
0xf9: {  	_ =	swait.ge [sflag:s11], $0x400  }
0xfa: {  	[sflag:s11] =	ssyncset.done $0x0  }
0xfb: {  	[sflag:s11] =	ssyncadd.s32 $0xFFFFFC00  }
0xfc: {  	_ =	sfence.sel $0x180000  }
0xfd: {  	[bflag:$0x0] =	sbarrier.arrive $0xFFFF  }
0xfe: {  	p0 =	sne.s32 s1, $0x0;
	_ =	strace $0x90000047  }
0xff: {  	s0 =	sadd.s32 @!p0 $0x100000, s0;
	[bflag:$0x2] =	sbarrier.arrive $0xFFFF  }
0x100: {  	[sflag:s0] =	ssyncadd.tile.s32 @!p0 $0x1;
	_ =	shalt  }
.Lfunc_end2:
_tile_overlayer_lowered:
.L_overlay_start_2:
0x101: {  	(tag) =	ssettag $0x2  }
0x102: {  	s0 =	rddreg [dreg:$0x0];
	s2 =	stileid.u32  }
0x103: {  	s1 =	rddreg [dreg:$0x1];
	p0 =	sne.s32 s2, $0x0  }
0x104: {  	s3 =	rddreg [dreg:$0x2];
	[bflag:$0x3] =	sbarrier.arrive $0xFFFF;
	s2 =	simm.s32 @!p0 $0x1C03  }
0x105: {  	[timem:s3], [sflag:s2] =	dma.local @!p0 [hbm:s0], s1  }
0x106: {  	s0 =	simm.s32 @!p0 $0x3  }
0x107: {  	_ =	swait.ge @!p0 [sflag:s0], s1  }
0x108: {  	s1 =	ssub.s32 @!p0 $0x0, s1;
	[sflag:s0] =	ssyncset.done @!p0 $0x0  }
0x109: {  	[sflag:s0] =	ssyncadd.s32 @!p0 s1  }
0x10a: {  	[bflag:$0x3] =	sbarrier.arrive $0xFFFF  }
0x10b: {  	_ =	shalt  }

</sc_bundles>
